<compile_context>
chip_gen: v7x
topology: tpu7x:2x2x1
jax: 0.10.2.dev20260603
libtpu: 0.0.44.dev20260713+nightly
codegen_flags: <defaults>
</compile_context>

<pallas_src>
import functools
import numpy as np
import jax
import jax.numpy as jnp
from jax import lax
from jax.experimental import pallas as pl
from jax.experimental.pallas import tpu as pltpu
from jax.experimental.pallas import tpu_sc as plsc

FEAT_STRIDE = 16
_SCALES = np.array([8.0, 16.0, 32.0])
_RATIOS = np.array([0.5, 1.0, 2.0])


def _gen_anchors_np():
    base = np.array([1, 1, 16, 16], dtype=np.float64) - 1
    w = base[2] - base[0] + 1
    h = base[3] - base[1] + 1
    x_ctr = base[0] + 0.5 * (w - 1)
    y_ctr = base[1] + 0.5 * (h - 1)
    size = w * h
    size_ratios = size / _RATIOS
    ws0 = np.round(np.sqrt(size_ratios))
    hs0 = np.round(ws0 * _RATIOS)
    ratio_anchors = np.hstack((
        x_ctr - 0.5 * (ws0[:, None] - 1), y_ctr - 0.5 * (hs0[:, None] - 1),
        x_ctr + 0.5 * (ws0[:, None] - 1), y_ctr + 0.5 * (hs0[:, None] - 1)))
    outs = []
    for i in range(ratio_anchors.shape[0]):
        a = ratio_anchors[i]
        aw = a[2] - a[0] + 1
        ah = a[3] - a[1] + 1
        ax = a[0] + 0.5 * (aw - 1)
        ay = a[1] + 0.5 * (ah - 1)
        ws = aw * _SCALES
        hs = ah * _SCALES
        outs.append(np.hstack((
            ax - 0.5 * (ws[:, None] - 1), ay - 0.5 * (hs[:, None] - 1),
            ax + 0.5 * (ws[:, None] - 1), ay + 0.5 * (hs[:, None] - 1))))
    return np.vstack(outs)


_FEAT_H, _FEAT_W = 75, 120
_A = 9
_N_TRUE = _FEAT_H * _FEAT_W * _A
_NW = 32
_B, _KGT, _R = 4, 50, 5
_KP = 64
_NG = _B * _KP
_GPW = _NG // _NW
_NRPN = _B * 2 * _A * _FEAT_H * _FEAT_W

_A0 = _gen_anchors_np()
_CX1 = [float(np.float32(_A0[a, 0])) for a in range(_A)]
_CY1 = [float(np.float32(_A0[a, 1])) for a in range(_A)]
_CX2P = [float(np.float32(_A0[a, 2] + 1.0)) for a in range(_A)]
_CY2P = [float(np.float32(_A0[a, 3] + 1.0)) for a in range(_A)]
_CAREA = [float(np.float32((_A0[a, 2] - _A0[a, 0] + 1.0) *
                           (_A0[a, 3] - _A0[a, 1] + 1.0))) for a in range(_A)]
_CKLO = [int(np.ceil(-_A0[a, 0] / 16.0)) for a in range(_A)]
_RKLO = [int(np.ceil(-_A0[a, 1] / 16.0)) for a in range(_A)]

_REAL = [b * _KP + k for b in range(_B) for k in range(_KGT)]
_PADS = [b * _KP + k for b in range(_B) for k in range(_KGT, _KP)]
_SCHED = [[] for _ in range(_NW)]
for _i, _s in enumerate(_REAL):
    _SCHED[_i % _NW].append(_s)
_pit = iter(_PADS)
for _wl in _SCHED:
    while len(_wl) < _GPW:
        _wl.append(next(_pit))
_PERM = np.array([s for wl in _SCHED for s in wl], dtype=np.int64)
_INVPERM = np.empty(_NG, dtype=np.int64)
_INVPERM[_PERM] = np.arange(_NG)


def _run(gtb, lim, rpnflat, cc2, sv16, sp16, boff, gtflat):
    mesh = plsc.VectorSubcoreMesh(core_axis_name="c", subcore_axis_name="s")

    @functools.partial(
        pl.kernel,
        out_type=jax.ShapeDtypeStruct((_NG * 5,), jnp.float32),
        mesh=mesh,
        scratch_types=[
            pltpu.VMEM((5, _GPW, 16), jnp.float32),
            pltpu.VMEM((32,), jnp.float32),
            pltpu.VMEM((5, 16), jnp.float32),
            pltpu.VMEM((5, 16), jnp.float32),
            pltpu.VMEM((5, 16), jnp.float32),
            pltpu.VMEM((16,), jnp.int32),
            pltpu.VMEM((80,), jnp.float32),
            pltpu.VMEM((16,), jnp.float32),
            pltpu.VMEM((_GPW * 5,), jnp.float32),
            pltpu.SemaphoreType.DMA,
        ],
        compiler_params=pltpu.CompilerParams(use_tc_tiling_on_sc=False,
                                             needs_layout_passes=False),
    )
    def k(gtb_h, lim_h, rpn_h, cc_h, sv_h, sp_h, boff_h, gtf_h, out_h,
          gt_v, lim_v, ccv, svv, spv, bv, gtv, pbuf, obuf, sem):
        wid = lax.axis_index("s") * 2 + lax.axis_index("c")
        sbase = wid * _GPW
        pltpu.sync_copy(gtb_h.at[:, pl.ds(sbase, _GPW), :], gt_v)
        pltpu.sync_copy(lim_h, lim_v)
        for r in range(5):
            pltpu.sync_copy(cc_h.at[r, pl.ds(sbase, 16)], ccv.at[r])
        pltpu.sync_copy(sv_h, svv)
        pltpu.sync_copy(sp_h, spv)
        pltpu.sync_copy(boff_h.at[pl.ds(sbase, 16)], bv)
        pltpu.sync_copy(gtf_h.at[pl.ds(sbase * 5, _GPW * 5)], gtv.at[pl.ds(0, _GPW * 5)])

        wp_s = lax.reduce_max(lim_v[pl.ds(0, 16)], (0,))
        hp_s = lax.reduce_max(lim_v[pl.ds(16, 16)], (0,))
        inv16s = jnp.float32(0.0625)
        ckhi_l = [((wp_s - jnp.float32(_CX2P[a] + 1.0)) * inv16s)
                  .astype(jnp.int32) for a in range(_A)]
        rkhi_l = [((hp_s - jnp.float32(_CY2P[a] + 1.0)) * inv16s)
                  .astype(jnp.int32) for a in range(_A)]
        iota_i = lax.iota(jnp.int32, 16)
        iota_f = iota_i.astype(jnp.float32)
        i16f = iota_f * jnp.float32(16.0)
        i9 = iota_i * 9
        zerov = jnp.zeros((16,), jnp.float32)
        imaxv = jnp.full((16,), jnp.int32(2**31 - 1), jnp.int32)
        f16 = jnp.float32(16.0)
        inv16 = jnp.float32(0.0625)

        def per_gt(t, argacc):
            g1 = gt_v[0, t, :]
            g2 = gt_v[1, t, :]
            g3 = gt_v[2, t, :]
            g4 = gt_v[3, t, :]
            g5 = gt_v[4, t, :]
            sx1 = lax.reduce_max(g1, (0,))
            sy1 = lax.reduce_max(g2, (0,))
            sx2p = lax.reduce_max(g3, (0,))
            sy2p = lax.reduce_max(g4, (0,))

            best = jnp.full((16,), -1.0, jnp.float32)
            barg = jnp.zeros((16,), jnp.int32)
            for a in range(_A):
                cx1 = jnp.float32(_CX1[a])
                cy1 = jnp.float32(_CY1[a])
                cx2p = jnp.float32(_CX2P[a])
                cy2p = jnp.float32(_CY2P[a])
                dxw = jnp.full((16,), jnp.float32(_CX2P[a] - _CX1[a]),
                               jnp.float32)
                areag5 = jnp.full((16,), jnp.float32(_CAREA[a]),
                                  jnp.float32) + g5
                wlo = jnp.maximum(((sx1 - cx2p) * inv16).astype(jnp.int32),
                                  _CKLO[a])
                whi = jnp.minimum(
                    ((sx2p - cx1) * inv16).astype(jnp.int32) + 1, ckhi_l[a])
                hlo = jnp.maximum(((sy1 - cy2p) * inv16).astype(jnp.int32),
                                  _RKLO[a])
                hhi = jnp.minimum(
                    ((sy2p - cy1) * inv16).astype(jnp.int32) + 1, rkhi_l[a])
                ncol = lax.shift_right_logical(jnp.maximum(whi - wlo, 0), 4) + 1
                whiv = jax.lax.broadcast(whi, (16,))

                def chunk_body(j, carry2):
                    col0 = wlo + j * 16
                    c0f = col0.astype(jnp.float32)
                    x1v = jax.lax.broadcast(c0f * f16 + cx1, (16,)) + i16f
                    x2pv = x1v + dxw
                    iw = jnp.minimum(x2pv, g3) - jnp.maximum(x1v, g1)
                    iwc = jnp.maximum(iw, zerov)
                    coliv = jax.lax.broadcast(col0, (16,)) + iota_i
                    iwm = jnp.where(coliv <= whiv, iwc, zerov)
                    ci9v = coliv * 9 + a

                    def row_body(h, carry3):
                        bb, ba = carry3
                        hf = h.astype(jnp.float32)
                        ay1 = hf * f16 + cy1
                        ay2p = hf * f16 + cy2p
                        ihs = jnp.maximum(
                            jnp.minimum(ay2p, sy2p) - jnp.maximum(ay1, sy1),
                            jnp.float32(0.0))
                        inter = iwm * jax.lax.broadcast(ihs, (16,))
                        ua = areag5 - inter
                        v = inter / ua
                        idxv = ci9v + jax.lax.broadcast(h * 1080, (16,))
                        gtm = v > bb
                        upd = gtm | ((v == bb) & (idxv < ba))
                        bb = jnp.where(gtm, v, bb)
                        ba = jnp.where(upd, idxv, ba)
                        return bb, ba

                    return lax.fori_loop(hlo, hhi + 1, row_body, carry2)

                best, barg = lax.fori_loop(0, ncol, chunk_body,
                                           (best, barg))

            m = lax.reduce_max(best, (0,))
            eq = best == jax.lax.broadcast(m, (16,))
            cand = jnp.where(eq, barg, imaxv)
            mi = lax.reduce_min(cand, (0,))
            argacc = jnp.where(iota_i == jax.lax.broadcast(t, (16,)),
                               jax.lax.broadcast(mi, (16,)), argacc)
            return argacc

        argacc = lax.fori_loop(0, _GPW, per_gt, jnp.zeros((16,), jnp.int32))

        gidx = jnp.minimum(argacc + bv[...], jnp.int32(_NRPN - 1))
        pltpu.async_copy(rpn_h.at[gidx], pbuf, sem).wait()
        p = pbuf[...]
        one = jnp.ones((16,), jnp.float32)
        aprod = jnp.ones((16,), jnp.float32)
        bprod = jnp.ones((16,), jnp.float32)
        for r in range(5):
            ccr = ccv[r, :]
            s = svv[r, :]
            sp = spv[r, :]
            hit = ccr == one
            aprod = aprod * jnp.where(hit, s, one - s)
            bprod = bprod * jnp.where(hit, one - sp, sp)
        ap = aprod * p
        bq = bprod * (one - p)
        mu = ap / ((ap + bq) + jnp.float32(1e-12))
        bg = mu < jnp.float32(0.5)
        lanemask = iota_i < _GPW
        for c in range(5):
            idxc = iota_i * 5 + c
            gvals = plsc.load_gather(gtv, [idxc], mask=lanemask)
            plsc.store_scatter(obuf, [idxc], jnp.where(bg, zerov, gvals),
                               mask=lanemask)
        pltpu.sync_copy(obuf, out_h.at[pl.ds(sbase * 5, _GPW * 5)])

    return k(gtb, lim, rpnflat, cc2, sv16, sp16, boff, gtflat)


def kernel(rpn_cls_prob, gt_boxes, num_boxes, im_info, crowdsourced_classes,
           alpha_con):
    del num_boxes
    gtp = jnp.pad(gt_boxes, ((0, 0), (0, _KP - _KGT), (0, 0)))
    gtp = gtp.at[:, _KGT:, 0:2].set(1.0e6)
    gtp = gtp.at[:, _KGT:, 2:4].set(1.0e6 + 19.0)
    gtp = gtp.reshape(_NG, 5)[_PERM]
    gx1 = gtp[:, 0]
    gy1 = gtp[:, 1]
    gx2p = gtp[:, 2] + 1.0
    gy2p = gtp[:, 3] + 1.0
    garea = (gtp[:, 2] - gtp[:, 0] + 1.0) * \
            (gtp[:, 3] - gtp[:, 1] + 1.0)
    gtb = jnp.stack([gx1, gy1, gx2p, gy2p, garea])
    gtb = jnp.broadcast_to(gtb[:, :, None], (5, _NG, 16))
    gtb = jnp.asarray(gtb, jnp.float32)

    wp = im_info[0, 1] + 1.0
    hp = im_info[0, 0] + 1.0
    lim = jnp.concatenate([jnp.full((16,), wp, jnp.float32),
                           jnp.full((16,), hp, jnp.float32)])

    rpnflat = rpn_cls_prob.reshape(-1)
    ccp = jnp.pad(crowdsourced_classes, ((0, 0), (0, _KP - _KGT), (0, 0)))
    cc2 = jnp.transpose(ccp, (2, 0, 1)).reshape(_R, _NG)[:, _PERM]
    cc2 = jnp.pad(cc2, ((0, 0), (0, 16)))
    asum = jnp.sum(alpha_con, axis=2, keepdims=True)
    alpha = alpha_con / asum
    sens = alpha[:, 1, 1]
    spec = alpha[:, 0, 0]
    sv16 = jnp.broadcast_to(sens[:, None], (_R, 16))
    sp16 = jnp.broadcast_to(spec[:, None], (_R, 16))
    boff = jnp.repeat(
        jnp.arange(_B, dtype=jnp.int32) * (2 * _A * _FEAT_H * _FEAT_W) +
        jnp.int32(_A * _FEAT_H * _FEAT_W), _KP)[_PERM]
    boff = jnp.pad(boff, (0, 16))
    gtflat = gtp.reshape(-1)

    outflat = _run(gtb, lim, rpnflat, cc2, sv16, sp16, boff, gtflat)
    out = outflat.reshape(_NG, 5)[_INVPERM]
    return out.reshape(_B, _KP, 5)[:, :_KGT, :]

# --- scband reference (transcript-rebuilt; emitter-appended) ---
"""Pipeline reference for scband-rpnaggregation-layer-85461259255961 (READ-ONLY COPY).

The authoritative reference and input builder live on the scoring server;
editing this copy changes nothing except your own understanding.
"""

import jax, jax.numpy as jnp
import numpy as np

FEAT_STRIDE = 16
SCALES = np.array([8.0, 16.0, 32.0])
RATIOS = np.array([0.5, 1.0, 2.0])


def _whctrs(anchor):
    w = anchor[2] - anchor[0] + 1
    h = anchor[3] - anchor[1] + 1
    x_ctr = anchor[0] + 0.5 * (w - 1)
    y_ctr = anchor[1] + 0.5 * (h - 1)
    return w, h, x_ctr, y_ctr


def _mkanchors(ws, hs, x_ctr, y_ctr):
    ws = ws[:, None]
    hs = hs[:, None]
    return np.hstack((x_ctr - 0.5 * (ws - 1), y_ctr - 0.5 * (hs - 1), x_ctr + 0.5 * (ws - 1), y_ctr + 0.5 * (hs - 1)))


def _ratio_enum(anchor, ratios):
    w, h, x_ctr, y_ctr = _whctrs(anchor)
    size = w * h
    size_ratios = size / ratios
    ws = np.round(np.sqrt(size_ratios))
    hs = np.round(ws * ratios)
    return _mkanchors(ws, hs, x_ctr, y_ctr)


def _scale_enum(anchor, scales):
    w, h, x_ctr, y_ctr = _whctrs(anchor)
    ws = w * scales
    hs = h * scales
    return _mkanchors(ws, hs, x_ctr, y_ctr)


def generate_anchors(base_size=16, ratios=RATIOS, scales=SCALES):
    base_anchor = np.array([1, 1, base_size, base_size], dtype=np.float64) - 1
    ratio_anchors = _ratio_enum(base_anchor, ratios)
    return np.vstack([_scale_enum(ratio_anchors[i, :], scales) for i in range(ratio_anchors.shape[0])])


def bbox_overlaps_batch(anchors, gt_boxes):
    # anchors: (N, 4); gt_boxes: (b, K, 5) -> overlaps (b, N, K)
    gt = gt_boxes[:, :, :4]
    gt_x = gt[:, :, 2] - gt[:, :, 0] + 1
    gt_y = gt[:, :, 3] - gt[:, :, 1] + 1
    gt_area = (gt_x * gt_y)[:, None, :]
    an_x = anchors[:, 2] - anchors[:, 0] + 1
    an_y = anchors[:, 3] - anchors[:, 1] + 1
    an_area = (an_x * an_y)[None, :, None]
    gt_zero = ((gt_x == 1) & (gt_y == 1))[:, None, :]
    an_zero = ((an_x == 1) & (an_y == 1))[None, :, None]
    b_ = anchors[None, :, None, :]
    q_ = gt[:, None, :, :]
    iw = jnp.minimum(b_[..., 2], q_[..., 2]) - jnp.maximum(b_[..., 0], q_[..., 0]) + 1
    iw = jnp.maximum(iw, 0.0)
    ih = jnp.minimum(b_[..., 3], q_[..., 3]) - jnp.maximum(b_[..., 1], q_[..., 1]) + 1
    ih = jnp.maximum(ih, 0.0)
    inter = iw * ih
    ua = an_area + gt_area - inter
    overlaps = inter / ua
    overlaps = jnp.where(jnp.broadcast_to(gt_zero, overlaps.shape), 0.0, overlaps)
    overlaps = jnp.where(jnp.broadcast_to(an_zero, overlaps.shape), -1.0, overlaps)
    return overlaps


def get_alpha(alpha_con):
    return alpha_con / jnp.sum(alpha_con, axis=2, keepdims=True)


def get_sensitivity(alpha):
    return alpha[:, 1, 1]


def get_specificity(alpha):
    return alpha[:, 0, 0]


def get_a(sens, cc):
    s = sens[None, None, :]
    return jnp.prod(jnp.power(s, cc) * jnp.power(1.0 - s, 1.0 - cc), axis=2)


def get_b(spec, cc):
    s = spec[None, None, :]
    return jnp.prod(jnp.power(1.0 - s, cc) * jnp.power(s, 1.0 - cc), axis=2)


def binary_get_mu(a, b, p):
    return a * p / (a * p + b * (1.0 - p) + 1e-12)


def setup_inputs(seed: int = 0):
    key = jax.random.key(seed)
    ks = jax.random.split(key, 8)
    b, Kgt, R = 4, 50, 5
    H_img, W_img = 1200.0, 1920.0
    feat_h, feat_w = 75, 120
    A = 9
    rpn_cls_prob = jax.random.uniform(ks[0], (b, 2 * A, feat_h, feat_w), dtype=jnp.float32)
    x1 = jax.random.uniform(ks[1], (b, Kgt), dtype=jnp.float32) * (W_img - 260.0)
    y1 = jax.random.uniform(ks[2], (b, Kgt), dtype=jnp.float32) * (H_img - 260.0)
    w = jax.random.uniform(ks[3], (b, Kgt), dtype=jnp.float32) * 220.0 + 20.0
    h = jax.random.uniform(ks[4], (b, Kgt), dtype=jnp.float32) * 220.0 + 20.0
    cls = jnp.ones((b, Kgt), dtype=jnp.float32)
    gt_boxes = jnp.stack([x1, y1, x1 + w, y1 + h, cls], axis=2)
    num_boxes = jnp.full((b,), Kgt, dtype=jnp.int32)
    im_info = jnp.tile(jnp.array([[H_img, W_img, 1.0]], dtype=jnp.float32), (b, 1))
    crowdsourced_classes = (jax.random.uniform(ks[5], (b, Kgt, R)) < 0.8).astype(jnp.float32)
    alpha_con = jax.random.uniform(ks[6], (R, 2, 2), dtype=jnp.float32) * 5.0 + 1.0
    return {"rpn_cls_prob": rpn_cls_prob, "gt_boxes": gt_boxes, "num_boxes": num_boxes, "im_info": im_info, "crowdsourced_classes": crowdsourced_classes, "alpha_con": alpha_con}


def reference(rpn_cls_prob, gt_boxes, num_boxes, im_info, crowdsourced_classes, alpha_con):
    batch_size = gt_boxes.shape[0]
    feat_height, feat_width = rpn_cls_prob.shape[2], rpn_cls_prob.shape[3]
    shift_x = np.arange(0, feat_width) * FEAT_STRIDE
    shift_y = np.arange(0, feat_height) * FEAT_STRIDE
    sx, sy = np.meshgrid(shift_x, shift_y)
    shifts = jnp.asarray(np.vstack((sx.ravel(), sy.ravel(), sx.ravel(), sy.ravel())).transpose(), dtype=jnp.float32)
    anchors0 = jnp.asarray(generate_anchors(scales=SCALES, ratios=RATIOS), dtype=jnp.float32)
    A = anchors0.shape[0]
    K = shifts.shape[0]
    all_anchors = (anchors0[None, :, :] + shifts[:, None, :]).reshape(K * A, 4)
    keep = (all_anchors[:, 0] >= 0) & (all_anchors[:, 1] >= 0) & (all_anchors[:, 2] < im_info[0, 1]) & (all_anchors[:, 3] < im_info[0, 0])
    overlaps = bbox_overlaps_batch(all_anchors, gt_boxes)
    overlaps = jnp.where(keep[None, :, None], overlaps, -jnp.inf)
    arggt_max_overlaps = jnp.argmax(overlaps, axis=1)
    index = arggt_max_overlaps
    probs1 = rpn_cls_prob.reshape(batch_size, 2, -1)[:, 1, :]
    gt_boxes_cls = jnp.take_along_axis(probs1, index, axis=1)
    alpha = get_alpha(alpha_con)
    sensitivity = get_sensitivity(alpha)
    specificity = get_specificity(alpha)
    a = get_a(sensitivity, crowdsourced_classes)
    b = get_b(specificity, crowdsourced_classes)
    mu = binary_get_mu(a, b, gt_boxes_cls)
    bg_mask = mu < 0.5
    # update_alpha_con_rpn: in-place side effect in original (counts of annotator
    # responses on background boxes); does not affect returned gt_boxes.
    bgf = bg_mask.astype(jnp.float32)
    pos = jnp.einsum('bk,bkr->r', bgf, crowdsourced_classes)
    neg = jnp.einsum('bk,bkr->r', bgf, 1.0 - crowdsourced_classes)
    _ = alpha_con.at[:, 0, 1].add(pos).at[:, 0, 0].add(neg)
    gt_out = jnp.where(bg_mask[:, :, None], 0.0, gt_boxes)
    return gt_out

if __name__ == "__main__":
    import jax
    _d = setup_inputs()
    print(jax.jit(kernel)(*tuple(_d.values())))

</pallas_src>

<mosaic_0001>
#map = affine_map<(d0, d1) -> (0, 0, 0)>
#map1 = affine_map<(d0, d1) -> (0)>
#map2 = affine_map<(d0, d1) -> (0, 0)>
module attributes {stable_mosaic.version = 14 : i64} {
  func.func @k(%arg0: i32, %arg1: i32, %arg2: memref<5x256x16xf32, #tpu.memory_space<hbm>>, %arg3: memref<32xf32, #tpu.memory_space<hbm>>, %arg4: memref<648000xf32, #tpu.memory_space<hbm>>, %arg5: memref<5x272xf32, #tpu.memory_space<hbm>>, %arg6: memref<5x16xf32, #tpu.memory_space<hbm>>, %arg7: memref<5x16xf32, #tpu.memory_space<hbm>>, %arg8: memref<272xi32, #tpu.memory_space<hbm>>, %arg9: memref<1280xf32, #tpu.memory_space<hbm>>, %arg10: memref<1280xf32, #tpu.memory_space<hbm>>, %arg11: memref<5x8x16xf32, #tpu.memory_space<vmem>>, %arg12: memref<32xf32, #tpu.memory_space<vmem>>, %arg13: memref<5x16xf32, #tpu.memory_space<vmem>>, %arg14: memref<5x16xf32, #tpu.memory_space<vmem>>, %arg15: memref<5x16xf32, #tpu.memory_space<vmem>>, %arg16: memref<16xi32, #tpu.memory_space<vmem>>, %arg17: memref<80xf32, #tpu.memory_space<vmem>>, %arg18: memref<16xf32, #tpu.memory_space<vmem>>, %arg19: memref<40xf32, #tpu.memory_space<vmem>>, %arg20: memref<!tpu.dma_semaphore, #tpu.memory_space<semaphore_mem>>) attributes {dimension_semantics = [#tpu.dimension_semantics<core_parallel>, #tpu.dimension_semantics<subcore_parallel>], iteration_bounds = array<i64: 2, 16>, scalar_prefetch = 0 : i64, scratch_operands = 10 : i64, tpu.core_type = #tpu.core_type<sc_vector_subcore>, window_params = [{transform_indices = #map}, {transform_indices = #map1}, {transform_indices = #map1}, {transform_indices = #map2}, {transform_indices = #map2}, {transform_indices = #map2}, {transform_indices = #map1}, {transform_indices = #map1}, {transform_indices = #map1}]} {
    %mul3A = arith.constant 2 : i32
    %mul3A_0 = arith.muli %arg1, %mul3A : i32
    %add3A = arith.addi %mul3A_0, %arg0 : i32
    %mul3A_1 = arith.constant 8 : i32
    %mul3A_2 = arith.muli %add3A, %mul3A_1 : i32
    "tpu.region"() ({
      %run_scoped3A_292 = tpu.sem_alloc : memref<!tpu.dma_semaphore, #tpu.memory_space<semaphore_mem>>
      %dma_start3A_293 = arith.constant 0 : i32
      %dma_start3A_294 = arith.constant 0 : i32
      %dma_start3A_295 = tpu.memref_slice %arg2[%dma_start3A_293, %mul3A_2, %dma_start3A_294] : memref<5x256x16xf32, #tpu.memory_space<hbm>> -> memref<5x8x16xf32, #tpu.memory_space<hbm>>
      %dma_start3A_296 = arith.constant 0 : i32
      %dma_start3A_297 = arith.constant 0 : i32
      %dma_start3A_298 = tpu.memref_slice %arg2[%dma_start3A_296, %mul3A_2, %dma_start3A_297] : memref<5x256x16xf32, #tpu.memory_space<hbm>> -> memref<5x8x16xf32, #tpu.memory_space<hbm>>
      tpu.enqueue_dma source(%dma_start3A_298 : memref<5x8x16xf32, #tpu.memory_space<hbm>>) target(%arg11 : memref<5x8x16xf32, #tpu.memory_space<vmem>>) target_semaphore(%run_scoped3A_292 : memref<!tpu.dma_semaphore, #tpu.memory_space<semaphore_mem>>)
      %dma_wait3A_299 = arith.constant 0 : i32
      %dma_wait3A_300 = arith.constant 0 : i32
      %dma_wait3A_301 = tpu.memref_slice %arg2[%dma_wait3A_299, %mul3A_2, %dma_wait3A_300] : memref<5x256x16xf32, #tpu.memory_space<hbm>> -> memref<5x8x16xf32, #tpu.memory_space<hbm>>
      %dma_wait3A_302 = arith.constant 0 : i32
      %dma_wait3A_303 = arith.constant 0 : i32
      %dma_wait3A_304 = tpu.memref_slice %arg2[%dma_wait3A_302, %mul3A_2, %dma_wait3A_303] : memref<5x256x16xf32, #tpu.memory_space<hbm>> -> memref<5x8x16xf32, #tpu.memory_space<hbm>>
      tpu.wait_dma2 semaphore(%run_scoped3A_292 : memref<!tpu.dma_semaphore, #tpu.memory_space<semaphore_mem>>) src(%dma_wait3A_304 : memref<5x8x16xf32, #tpu.memory_space<hbm>>) dst(%arg11 : memref<5x8x16xf32, #tpu.memory_space<vmem>>)
      tpu.yield
    }) : () -> ()
    "tpu.region"() ({
      %run_scoped3A_292 = tpu.sem_alloc : memref<!tpu.dma_semaphore, #tpu.memory_space<semaphore_mem>>
      tpu.enqueue_dma source(%arg3 : memref<32xf32, #tpu.memory_space<hbm>>) target(%arg12 : memref<32xf32, #tpu.memory_space<vmem>>) target_semaphore(%run_scoped3A_292 : memref<!tpu.dma_semaphore, #tpu.memory_space<semaphore_mem>>)
      tpu.wait_dma2 semaphore(%run_scoped3A_292 : memref<!tpu.dma_semaphore, #tpu.memory_space<semaphore_mem>>) src(%arg3 : memref<32xf32, #tpu.memory_space<hbm>>) dst(%arg12 : memref<32xf32, #tpu.memory_space<vmem>>)
      tpu.yield
    }) : () -> ()
    %run_scoped3A = arith.constant 0 : i32
    %run_scoped3A_3 = arith.constant 0 : i32
    "tpu.region"() ({
      %run_scoped3A_292 = tpu.sem_alloc : memref<!tpu.dma_semaphore, #tpu.memory_space<semaphore_mem>>
      %dma_start3A_293 = arith.constant 0 : i32
      %dma_start3A_294 = tpu.memref_slice %arg13[%run_scoped3A_3, %dma_start3A_293] : memref<5x16xf32, #tpu.memory_space<vmem>> -> memref<1x16xf32, #tpu.memory_space<vmem>>
      %dma_start3A_295 = tpu.memref_squeeze %dma_start3A_294 : memref<1x16xf32, #tpu.memory_space<vmem>> -> memref<16xf32, #tpu.memory_space<vmem>>
      %dma_start3A_296 = tpu.memref_slice %arg5[%run_scoped3A, %mul3A_2] : memref<5x272xf32, #tpu.memory_space<hbm>> -> memref<1x16xf32, #tpu.memory_space<hbm>>
      %dma_start3A_297 = tpu.memref_squeeze %dma_start3A_296 : memref<1x16xf32, #tpu.memory_space<hbm>> -> memref<16xf32, #tpu.memory_space<hbm>>
      %dma_start3A_298 = arith.constant 0 : i32
      %dma_start3A_299 = tpu.memref_slice %arg13[%run_scoped3A_3, %dma_start3A_298] : memref<5x16xf32, #tpu.memory_space<vmem>> -> memref<1x16xf32, #tpu.memory_space<vmem>>
      %dma_start3A_300 = tpu.memref_squeeze %dma_start3A_299 : memref<1x16xf32, #tpu.memory_space<vmem>> -> memref<16xf32, #tpu.memory_space<vmem>>
      %dma_start3A_301 = tpu.memref_slice %arg5[%run_scoped3A, %mul3A_2] : memref<5x272xf32, #tpu.memory_space<hbm>> -> memref<1x16xf32, #tpu.memory_space<hbm>>
      %dma_start3A_302 = tpu.memref_squeeze %dma_start3A_301 : memref<1x16xf32, #tpu.memory_space<hbm>> -> memref<16xf32, #tpu.memory_space<hbm>>
      tpu.enqueue_dma source(%dma_start3A_302 : memref<16xf32, #tpu.memory_space<hbm>>) target(%dma_start3A_300 : memref<16xf32, #tpu.memory_space<vmem>>) target_semaphore(%run_scoped3A_292 : memref<!tpu.dma_semaphore, #tpu.memory_space<semaphore_mem>>)
      %dma_wait3A_303 = arith.constant 0 : i32
      %dma_wait3A_304 = tpu.memref_slice %arg13[%run_scoped3A_3, %dma_wait3A_303] : memref<5x16xf32, #tpu.memory_space<vmem>> -> memref<1x16xf32, #tpu.memory_space<vmem>>
      %dma_wait3A_305 = tpu.memref_squeeze %dma_wait3A_304 : memref<1x16xf32, #tpu.memory_space<vmem>> -> memref<16xf32, #tpu.memory_space<vmem>>
      %dma_wait3A_306 = tpu.memref_slice %arg5[%run_scoped3A, %mul3A_2] : memref<5x272xf32, #tpu.memory_space<hbm>> -> memref<1x16xf32, #tpu.memory_space<hbm>>
      %dma_wait3A_307 = tpu.memref_squeeze %dma_wait3A_306 : memref<1x16xf32, #tpu.memory_space<hbm>> -> memref<16xf32, #tpu.memory_space<hbm>>
      %dma_wait3A_308 = arith.constant 0 : i32
      %dma_wait3A_309 = tpu.memref_slice %arg13[%run_scoped3A_3, %dma_wait3A_308] : memref<5x16xf32, #tpu.memory_space<vmem>> -> memref<1x16xf32, #tpu.memory_space<vmem>>
      %dma_wait3A_310 = tpu.memref_squeeze %dma_wait3A_309 : memref<1x16xf32, #tpu.memory_space<vmem>> -> memref<16xf32, #tpu.memory_space<vmem>>
      %dma_wait3A_311 = tpu.memref_slice %arg5[%run_scoped3A, %mul3A_2] : memref<5x272xf32, #tpu.memory_space<hbm>> -> memref<1x16xf32, #tpu.memory_space<hbm>>
      %dma_wait3A_312 = tpu.memref_squeeze %dma_wait3A_311 : memref<1x16xf32, #tpu.memory_space<hbm>> -> memref<16xf32, #tpu.memory_space<hbm>>
      tpu.wait_dma2 semaphore(%run_scoped3A_292 : memref<!tpu.dma_semaphore, #tpu.memory_space<semaphore_mem>>) src(%dma_wait3A_312 : memref<16xf32, #tpu.memory_space<hbm>>) dst(%dma_wait3A_310 : memref<16xf32, #tpu.memory_space<vmem>>)
      tpu.yield
    }) : () -> ()
    %run_scoped3A_4 = arith.constant 1 : i32
    %run_scoped3A_5 = arith.constant 1 : i32
    "tpu.region"() ({
      %run_scoped3A_292 = tpu.sem_alloc : memref<!tpu.dma_semaphore, #tpu.memory_space<semaphore_mem>>
      %dma_start3A_293 = arith.constant 0 : i32
      %dma_start3A_294 = tpu.memref_slice %arg13[%run_scoped3A_5, %dma_start3A_293] : memref<5x16xf32, #tpu.memory_space<vmem>> -> memref<1x16xf32, #tpu.memory_space<vmem>>
      %dma_start3A_295 = tpu.memref_squeeze %dma_start3A_294 : memref<1x16xf32, #tpu.memory_space<vmem>> -> memref<16xf32, #tpu.memory_space<vmem>>
      %dma_start3A_296 = tpu.memref_slice %arg5[%run_scoped3A_4, %mul3A_2] : memref<5x272xf32, #tpu.memory_space<hbm>> -> memref<1x16xf32, #tpu.memory_space<hbm>>
      %dma_start3A_297 = tpu.memref_squeeze %dma_start3A_296 : memref<1x16xf32, #tpu.memory_space<hbm>> -> memref<16xf32, #tpu.memory_space<hbm>>
      %dma_start3A_298 = arith.constant 0 : i32
      %dma_start3A_299 = tpu.memref_slice %arg13[%run_scoped3A_5, %dma_start3A_298] : memref<5x16xf32, #tpu.memory_space<vmem>> -> memref<1x16xf32, #tpu.memory_space<vmem>>
      %dma_start3A_300 = tpu.memref_squeeze %dma_start3A_299 : memref<1x16xf32, #tpu.memory_space<vmem>> -> memref<16xf32, #tpu.memory_space<vmem>>
      %dma_start3A_301 = tpu.memref_slice %arg5[%run_scoped3A_4, %mul3A_2] : memref<5x272xf32, #tpu.memory_space<hbm>> -> memref<1x16xf32, #tpu.memory_space<hbm>>
      %dma_start3A_302 = tpu.memref_squeeze %dma_start3A_301 : memref<1x16xf32, #tpu.memory_space<hbm>> -> memref<16xf32, #tpu.memory_space<hbm>>
      tpu.enqueue_dma source(%dma_start3A_302 : memref<16xf32, #tpu.memory_space<hbm>>) target(%dma_start3A_300 : memref<16xf32, #tpu.memory_space<vmem>>) target_semaphore(%run_scoped3A_292 : memref<!tpu.dma_semaphore, #tpu.memory_space<semaphore_mem>>)
      %dma_wait3A_303 = arith.constant 0 : i32
      %dma_wait3A_304 = tpu.memref_slice %arg13[%run_scoped3A_5, %dma_wait3A_303] : memref<5x16xf32, #tpu.memory_space<vmem>> -> memref<1x16xf32, #tpu.memory_space<vmem>>
      %dma_wait3A_305 = tpu.memref_squeeze %dma_wait3A_304 : memref<1x16xf32, #tpu.memory_space<vmem>> -> memref<16xf32, #tpu.memory_space<vmem>>
      %dma_wait3A_306 = tpu.memref_slice %arg5[%run_scoped3A_4, %mul3A_2] : memref<5x272xf32, #tpu.memory_space<hbm>> -> memref<1x16xf32, #tpu.memory_space<hbm>>
      %dma_wait3A_307 = tpu.memref_squeeze %dma_wait3A_306 : memref<1x16xf32, #tpu.memory_space<hbm>> -> memref<16xf32, #tpu.memory_space<hbm>>
      %dma_wait3A_308 = arith.constant 0 : i32
      %dma_wait3A_309 = tpu.memref_slice %arg13[%run_scoped3A_5, %dma_wait3A_308] : memref<5x16xf32, #tpu.memory_space<vmem>> -> memref<1x16xf32, #tpu.memory_space<vmem>>
      %dma_wait3A_310 = tpu.memref_squeeze %dma_wait3A_309 : memref<1x16xf32, #tpu.memory_space<vmem>> -> memref<16xf32, #tpu.memory_space<vmem>>
      %dma_wait3A_311 = tpu.memref_slice %arg5[%run_scoped3A_4, %mul3A_2] : memref<5x272xf32, #tpu.memory_space<hbm>> -> memref<1x16xf32, #tpu.memory_space<hbm>>
      %dma_wait3A_312 = tpu.memref_squeeze %dma_wait3A_311 : memref<1x16xf32, #tpu.memory_space<hbm>> -> memref<16xf32, #tpu.memory_space<hbm>>
      tpu.wait_dma2 semaphore(%run_scoped3A_292 : memref<!tpu.dma_semaphore, #tpu.memory_space<semaphore_mem>>) src(%dma_wait3A_312 : memref<16xf32, #tpu.memory_space<hbm>>) dst(%dma_wait3A_310 : memref<16xf32, #tpu.memory_space<vmem>>)
      tpu.yield
    }) : () -> ()
    %run_scoped3A_6 = arith.constant 2 : i32
    %run_scoped3A_7 = arith.constant 2 : i32
    "tpu.region"() ({
      %run_scoped3A_292 = tpu.sem_alloc : memref<!tpu.dma_semaphore, #tpu.memory_space<semaphore_mem>>
      %dma_start3A_293 = arith.constant 0 : i32
      %dma_start3A_294 = tpu.memref_slice %arg13[%run_scoped3A_7, %dma_start3A_293] : memref<5x16xf32, #tpu.memory_space<vmem>> -> memref<1x16xf32, #tpu.memory_space<vmem>>
      %dma_start3A_295 = tpu.memref_squeeze %dma_start3A_294 : memref<1x16xf32, #tpu.memory_space<vmem>> -> memref<16xf32, #tpu.memory_space<vmem>>
      %dma_start3A_296 = tpu.memref_slice %arg5[%run_scoped3A_6, %mul3A_2] : memref<5x272xf32, #tpu.memory_space<hbm>> -> memref<1x16xf32, #tpu.memory_space<hbm>>
      %dma_start3A_297 = tpu.memref_squeeze %dma_start3A_296 : memref<1x16xf32, #tpu.memory_space<hbm>> -> memref<16xf32, #tpu.memory_space<hbm>>
      %dma_start3A_298 = arith.constant 0 : i32
      %dma_start3A_299 = tpu.memref_slice %arg13[%run_scoped3A_7, %dma_start3A_298] : memref<5x16xf32, #tpu.memory_space<vmem>> -> memref<1x16xf32, #tpu.memory_space<vmem>>
      %dma_start3A_300 = tpu.memref_squeeze %dma_start3A_299 : memref<1x16xf32, #tpu.memory_space<vmem>> -> memref<16xf32, #tpu.memory_space<vmem>>
      %dma_start3A_301 = tpu.memref_slice %arg5[%run_scoped3A_6, %mul3A_2] : memref<5x272xf32, #tpu.memory_space<hbm>> -> memref<1x16xf32, #tpu.memory_space<hbm>>
      %dma_start3A_302 = tpu.memref_squeeze %dma_start3A_301 : memref<1x16xf32, #tpu.memory_space<hbm>> -> memref<16xf32, #tpu.memory_space<hbm>>
      tpu.enqueue_dma source(%dma_start3A_302 : memref<16xf32, #tpu.memory_space<hbm>>) target(%dma_start3A_300 : memref<16xf32, #tpu.memory_space<vmem>>) target_semaphore(%run_scoped3A_292 : memref<!tpu.dma_semaphore, #tpu.memory_space<semaphore_mem>>)
      %dma_wait3A_303 = arith.constant 0 : i32
      %dma_wait3A_304 = tpu.memref_slice %arg13[%run_scoped3A_7, %dma_wait3A_303] : memref<5x16xf32, #tpu.memory_space<vmem>> -> memref<1x16xf32, #tpu.memory_space<vmem>>
      %dma_wait3A_305 = tpu.memref_squeeze %dma_wait3A_304 : memref<1x16xf32, #tpu.memory_space<vmem>> -> memref<16xf32, #tpu.memory_space<vmem>>
      %dma_wait3A_306 = tpu.memref_slice %arg5[%run_scoped3A_6, %mul3A_2] : memref<5x272xf32, #tpu.memory_space<hbm>> -> memref<1x16xf32, #tpu.memory_space<hbm>>
      %dma_wait3A_307 = tpu.memref_squeeze %dma_wait3A_306 : memref<1x16xf32, #tpu.memory_space<hbm>> -> memref<16xf32, #tpu.memory_space<hbm>>
      %dma_wait3A_308 = arith.constant 0 : i32
      %dma_wait3A_309 = tpu.memref_slice %arg13[%run_scoped3A_7, %dma_wait3A_308] : memref<5x16xf32, #tpu.memory_space<vmem>> -> memref<1x16xf32, #tpu.memory_space<vmem>>
      %dma_wait3A_310 = tpu.memref_squeeze %dma_wait3A_309 : memref<1x16xf32, #tpu.memory_space<vmem>> -> memref<16xf32, #tpu.memory_space<vmem>>
      %dma_wait3A_311 = tpu.memref_slice %arg5[%run_scoped3A_6, %mul3A_2] : memref<5x272xf32, #tpu.memory_space<hbm>> -> memref<1x16xf32, #tpu.memory_space<hbm>>
      %dma_wait3A_312 = tpu.memref_squeeze %dma_wait3A_311 : memref<1x16xf32, #tpu.memory_space<hbm>> -> memref<16xf32, #tpu.memory_space<hbm>>
      tpu.wait_dma2 semaphore(%run_scoped3A_292 : memref<!tpu.dma_semaphore, #tpu.memory_space<semaphore_mem>>) src(%dma_wait3A_312 : memref<16xf32, #tpu.memory_space<hbm>>) dst(%dma_wait3A_310 : memref<16xf32, #tpu.memory_space<vmem>>)
      tpu.yield
    }) : () -> ()
    %run_scoped3A_8 = arith.constant 3 : i32
    %run_scoped3A_9 = arith.constant 3 : i32
    "tpu.region"() ({
      %run_scoped3A_292 = tpu.sem_alloc : memref<!tpu.dma_semaphore, #tpu.memory_space<semaphore_mem>>
      %dma_start3A_293 = arith.constant 0 : i32
      %dma_start3A_294 = tpu.memref_slice %arg13[%run_scoped3A_9, %dma_start3A_293] : memref<5x16xf32, #tpu.memory_space<vmem>> -> memref<1x16xf32, #tpu.memory_space<vmem>>
      %dma_start3A_295 = tpu.memref_squeeze %dma_start3A_294 : memref<1x16xf32, #tpu.memory_space<vmem>> -> memref<16xf32, #tpu.memory_space<vmem>>
      %dma_start3A_296 = tpu.memref_slice %arg5[%run_scoped3A_8, %mul3A_2] : memref<5x272xf32, #tpu.memory_space<hbm>> -> memref<1x16xf32, #tpu.memory_space<hbm>>
      %dma_start3A_297 = tpu.memref_squeeze %dma_start3A_296 : memref<1x16xf32, #tpu.memory_space<hbm>> -> memref<16xf32, #tpu.memory_space<hbm>>
      %dma_start3A_298 = arith.constant 0 : i32
      %dma_start3A_299 = tpu.memref_slice %arg13[%run_scoped3A_9, %dma_start3A_298] : memref<5x16xf32, #tpu.memory_space<vmem>> -> memref<1x16xf32, #tpu.memory_space<vmem>>
      %dma_start3A_300 = tpu.memref_squeeze %dma_start3A_299 : memref<1x16xf32, #tpu.memory_space<vmem>> -> memref<16xf32, #tpu.memory_space<vmem>>
      %dma_start3A_301 = tpu.memref_slice %arg5[%run_scoped3A_8, %mul3A_2] : memref<5x272xf32, #tpu.memory_space<hbm>> -> memref<1x16xf32, #tpu.memory_space<hbm>>
      %dma_start3A_302 = tpu.memref_squeeze %dma_start3A_301 : memref<1x16xf32, #tpu.memory_space<hbm>> -> memref<16xf32, #tpu.memory_space<hbm>>
      tpu.enqueue_dma source(%dma_start3A_302 : memref<16xf32, #tpu.memory_space<hbm>>) target(%dma_start3A_300 : memref<16xf32, #tpu.memory_space<vmem>>) target_semaphore(%run_scoped3A_292 : memref<!tpu.dma_semaphore, #tpu.memory_space<semaphore_mem>>)
      %dma_wait3A_303 = arith.constant 0 : i32
      %dma_wait3A_304 = tpu.memref_slice %arg13[%run_scoped3A_9, %dma_wait3A_303] : memref<5x16xf32, #tpu.memory_space<vmem>> -> memref<1x16xf32, #tpu.memory_space<vmem>>
      %dma_wait3A_305 = tpu.memref_squeeze %dma_wait3A_304 : memref<1x16xf32, #tpu.memory_space<vmem>> -> memref<16xf32, #tpu.memory_space<vmem>>
      %dma_wait3A_306 = tpu.memref_slice %arg5[%run_scoped3A_8, %mul3A_2] : memref<5x272xf32, #tpu.memory_space<hbm>> -> memref<1x16xf32, #tpu.memory_space<hbm>>
      %dma_wait3A_307 = tpu.memref_squeeze %dma_wait3A_306 : memref<1x16xf32, #tpu.memory_space<hbm>> -> memref<16xf32, #tpu.memory_space<hbm>>
      %dma_wait3A_308 = arith.constant 0 : i32
      %dma_wait3A_309 = tpu.memref_slice %arg13[%run_scoped3A_9, %dma_wait3A_308] : memref<5x16xf32, #tpu.memory_space<vmem>> -> memref<1x16xf32, #tpu.memory_space<vmem>>
      %dma_wait3A_310 = tpu.memref_squeeze %dma_wait3A_309 : memref<1x16xf32, #tpu.memory_space<vmem>> -> memref<16xf32, #tpu.memory_space<vmem>>
      %dma_wait3A_311 = tpu.memref_slice %arg5[%run_scoped3A_8, %mul3A_2] : memref<5x272xf32, #tpu.memory_space<hbm>> -> memref<1x16xf32, #tpu.memory_space<hbm>>
      %dma_wait3A_312 = tpu.memref_squeeze %dma_wait3A_311 : memref<1x16xf32, #tpu.memory_space<hbm>> -> memref<16xf32, #tpu.memory_space<hbm>>
      tpu.wait_dma2 semaphore(%run_scoped3A_292 : memref<!tpu.dma_semaphore, #tpu.memory_space<semaphore_mem>>) src(%dma_wait3A_312 : memref<16xf32, #tpu.memory_space<hbm>>) dst(%dma_wait3A_310 : memref<16xf32, #tpu.memory_space<vmem>>)
      tpu.yield
    }) : () -> ()
    %run_scoped3A_10 = arith.constant 4 : i32
    %run_scoped3A_11 = arith.constant 4 : i32
    "tpu.region"() ({
      %run_scoped3A_292 = tpu.sem_alloc : memref<!tpu.dma_semaphore, #tpu.memory_space<semaphore_mem>>
      %dma_start3A_293 = arith.constant 0 : i32
      %dma_start3A_294 = tpu.memref_slice %arg13[%run_scoped3A_11, %dma_start3A_293] : memref<5x16xf32, #tpu.memory_space<vmem>> -> memref<1x16xf32, #tpu.memory_space<vmem>>
      %dma_start3A_295 = tpu.memref_squeeze %dma_start3A_294 : memref<1x16xf32, #tpu.memory_space<vmem>> -> memref<16xf32, #tpu.memory_space<vmem>>
      %dma_start3A_296 = tpu.memref_slice %arg5[%run_scoped3A_10, %mul3A_2] : memref<5x272xf32, #tpu.memory_space<hbm>> -> memref<1x16xf32, #tpu.memory_space<hbm>>
      %dma_start3A_297 = tpu.memref_squeeze %dma_start3A_296 : memref<1x16xf32, #tpu.memory_space<hbm>> -> memref<16xf32, #tpu.memory_space<hbm>>
      %dma_start3A_298 = arith.constant 0 : i32
      %dma_start3A_299 = tpu.memref_slice %arg13[%run_scoped3A_11, %dma_start3A_298] : memref<5x16xf32, #tpu.memory_space<vmem>> -> memref<1x16xf32, #tpu.memory_space<vmem>>
      %dma_start3A_300 = tpu.memref_squeeze %dma_start3A_299 : memref<1x16xf32, #tpu.memory_space<vmem>> -> memref<16xf32, #tpu.memory_space<vmem>>
      %dma_start3A_301 = tpu.memref_slice %arg5[%run_scoped3A_10, %mul3A_2] : memref<5x272xf32, #tpu.memory_space<hbm>> -> memref<1x16xf32, #tpu.memory_space<hbm>>
      %dma_start3A_302 = tpu.memref_squeeze %dma_start3A_301 : memref<1x16xf32, #tpu.memory_space<hbm>> -> memref<16xf32, #tpu.memory_space<hbm>>
      tpu.enqueue_dma source(%dma_start3A_302 : memref<16xf32, #tpu.memory_space<hbm>>) target(%dma_start3A_300 : memref<16xf32, #tpu.memory_space<vmem>>) target_semaphore(%run_scoped3A_292 : memref<!tpu.dma_semaphore, #tpu.memory_space<semaphore_mem>>)
      %dma_wait3A_303 = arith.constant 0 : i32
      %dma_wait3A_304 = tpu.memref_slice %arg13[%run_scoped3A_11, %dma_wait3A_303] : memref<5x16xf32, #tpu.memory_space<vmem>> -> memref<1x16xf32, #tpu.memory_space<vmem>>
      %dma_wait3A_305 = tpu.memref_squeeze %dma_wait3A_304 : memref<1x16xf32, #tpu.memory_space<vmem>> -> memref<16xf32, #tpu.memory_space<vmem>>
      %dma_wait3A_306 = tpu.memref_slice %arg5[%run_scoped3A_10, %mul3A_2] : memref<5x272xf32, #tpu.memory_space<hbm>> -> memref<1x16xf32, #tpu.memory_space<hbm>>
      %dma_wait3A_307 = tpu.memref_squeeze %dma_wait3A_306 : memref<1x16xf32, #tpu.memory_space<hbm>> -> memref<16xf32, #tpu.memory_space<hbm>>
      %dma_wait3A_308 = arith.constant 0 : i32
      %dma_wait3A_309 = tpu.memref_slice %arg13[%run_scoped3A_11, %dma_wait3A_308] : memref<5x16xf32, #tpu.memory_space<vmem>> -> memref<1x16xf32, #tpu.memory_space<vmem>>
      %dma_wait3A_310 = tpu.memref_squeeze %dma_wait3A_309 : memref<1x16xf32, #tpu.memory_space<vmem>> -> memref<16xf32, #tpu.memory_space<vmem>>
      %dma_wait3A_311 = tpu.memref_slice %arg5[%run_scoped3A_10, %mul3A_2] : memref<5x272xf32, #tpu.memory_space<hbm>> -> memref<1x16xf32, #tpu.memory_space<hbm>>
      %dma_wait3A_312 = tpu.memref_squeeze %dma_wait3A_311 : memref<1x16xf32, #tpu.memory_space<hbm>> -> memref<16xf32, #tpu.memory_space<hbm>>
      tpu.wait_dma2 semaphore(%run_scoped3A_292 : memref<!tpu.dma_semaphore, #tpu.memory_space<semaphore_mem>>) src(%dma_wait3A_312 : memref<16xf32, #tpu.memory_space<hbm>>) dst(%dma_wait3A_310 : memref<16xf32, #tpu.memory_space<vmem>>)
      tpu.yield
    }) : () -> ()
    "tpu.region"() ({
      %run_scoped3A_292 = tpu.sem_alloc : memref<!tpu.dma_semaphore, #tpu.memory_space<semaphore_mem>>
      tpu.enqueue_dma source(%arg6 : memref<5x16xf32, #tpu.memory_space<hbm>>) target(%arg14 : memref<5x16xf32, #tpu.memory_space<vmem>>) target_semaphore(%run_scoped3A_292 : memref<!tpu.dma_semaphore, #tpu.memory_space<semaphore_mem>>)
      tpu.wait_dma2 semaphore(%run_scoped3A_292 : memref<!tpu.dma_semaphore, #tpu.memory_space<semaphore_mem>>) src(%arg6 : memref<5x16xf32, #tpu.memory_space<hbm>>) dst(%arg14 : memref<5x16xf32, #tpu.memory_space<vmem>>)
      tpu.yield
    }) : () -> ()
    "tpu.region"() ({
      %run_scoped3A_292 = tpu.sem_alloc : memref<!tpu.dma_semaphore, #tpu.memory_space<semaphore_mem>>
      tpu.enqueue_dma source(%arg7 : memref<5x16xf32, #tpu.memory_space<hbm>>) target(%arg15 : memref<5x16xf32, #tpu.memory_space<vmem>>) target_semaphore(%run_scoped3A_292 : memref<!tpu.dma_semaphore, #tpu.memory_space<semaphore_mem>>)
      tpu.wait_dma2 semaphore(%run_scoped3A_292 : memref<!tpu.dma_semaphore, #tpu.memory_space<semaphore_mem>>) src(%arg7 : memref<5x16xf32, #tpu.memory_space<hbm>>) dst(%arg15 : memref<5x16xf32, #tpu.memory_space<vmem>>)
      tpu.yield
    }) : () -> ()
    "tpu.region"() ({
      %run_scoped3A_292 = tpu.sem_alloc : memref<!tpu.dma_semaphore, #tpu.memory_space<semaphore_mem>>
      %dma_start3A_293 = tpu.memref_slice %arg8[%mul3A_2] : memref<272xi32, #tpu.memory_space<hbm>> -> memref<16xi32, #tpu.memory_space<hbm>>
      %dma_start3A_294 = tpu.memref_slice %arg8[%mul3A_2] : memref<272xi32, #tpu.memory_space<hbm>> -> memref<16xi32, #tpu.memory_space<hbm>>
      tpu.enqueue_dma source(%dma_start3A_294 : memref<16xi32, #tpu.memory_space<hbm>>) target(%arg16 : memref<16xi32, #tpu.memory_space<vmem>>) target_semaphore(%run_scoped3A_292 : memref<!tpu.dma_semaphore, #tpu.memory_space<semaphore_mem>>)
      %dma_wait3A_295 = tpu.memref_slice %arg8[%mul3A_2] : memref<272xi32, #tpu.memory_space<hbm>> -> memref<16xi32, #tpu.memory_space<hbm>>
      %dma_wait3A_296 = tpu.memref_slice %arg8[%mul3A_2] : memref<272xi32, #tpu.memory_space<hbm>> -> memref<16xi32, #tpu.memory_space<hbm>>
      tpu.wait_dma2 semaphore(%run_scoped3A_292 : memref<!tpu.dma_semaphore, #tpu.memory_space<semaphore_mem>>) src(%dma_wait3A_296 : memref<16xi32, #tpu.memory_space<hbm>>) dst(%arg16 : memref<16xi32, #tpu.memory_space<vmem>>)
      tpu.yield
    }) : () -> ()
    %mul3A_12 = arith.constant 5 : i32
    %mul3A_13 = arith.muli %mul3A_2, %mul3A_12 : i32
    "tpu.region"() ({
      %run_scoped3A_292 = tpu.sem_alloc : memref<!tpu.dma_semaphore, #tpu.memory_space<semaphore_mem>>
      %dma_start3A_293 = arith.constant 0 : i32
      %dma_start3A_294 = tpu.memref_slice %arg17[%dma_start3A_293] : memref<80xf32, #tpu.memory_space<vmem>> -> memref<40xf32, #tpu.memory_space<vmem>>
      %dma_start3A_295 = tpu.memref_slice %arg9[%mul3A_13] : memref<1280xf32, #tpu.memory_space<hbm>> -> memref<40xf32, #tpu.memory_space<hbm>>
      %dma_start3A_296 = arith.constant 0 : i32
      %dma_start3A_297 = tpu.memref_slice %arg17[%dma_start3A_296] : memref<80xf32, #tpu.memory_space<vmem>> -> memref<40xf32, #tpu.memory_space<vmem>>
      %dma_start3A_298 = tpu.memref_slice %arg9[%mul3A_13] : memref<1280xf32, #tpu.memory_space<hbm>> -> memref<40xf32, #tpu.memory_space<hbm>>
      tpu.enqueue_dma source(%dma_start3A_298 : memref<40xf32, #tpu.memory_space<hbm>>) target(%dma_start3A_297 : memref<40xf32, #tpu.memory_space<vmem>>) target_semaphore(%run_scoped3A_292 : memref<!tpu.dma_semaphore, #tpu.memory_space<semaphore_mem>>)
      %dma_wait3A_299 = arith.constant 0 : i32
      %dma_wait3A_300 = tpu.memref_slice %arg17[%dma_wait3A_299] : memref<80xf32, #tpu.memory_space<vmem>> -> memref<40xf32, #tpu.memory_space<vmem>>
      %dma_wait3A_301 = tpu.memref_slice %arg9[%mul3A_13] : memref<1280xf32, #tpu.memory_space<hbm>> -> memref<40xf32, #tpu.memory_space<hbm>>
      %dma_wait3A_302 = arith.constant 0 : i32
      %dma_wait3A_303 = tpu.memref_slice %arg17[%dma_wait3A_302] : memref<80xf32, #tpu.memory_space<vmem>> -> memref<40xf32, #tpu.memory_space<vmem>>
      %dma_wait3A_304 = tpu.memref_slice %arg9[%mul3A_13] : memref<1280xf32, #tpu.memory_space<hbm>> -> memref<40xf32, #tpu.memory_space<hbm>>
      tpu.wait_dma2 semaphore(%run_scoped3A_292 : memref<!tpu.dma_semaphore, #tpu.memory_space<semaphore_mem>>) src(%dma_wait3A_304 : memref<40xf32, #tpu.memory_space<hbm>>) dst(%dma_wait3A_303 : memref<40xf32, #tpu.memory_space<vmem>>)
      tpu.yield
    }) : () -> ()
    %get3A = arith.constant 0 : index
    %get3A_14 = tpu.vector_load %arg12[%get3A] {strides = array<i32>} : memref<32xf32, #tpu.memory_space<vmem>>, vector<16xf32>,
    %reduce_max3A = arith.constant true
    %reduce_max3A_15 = vector.broadcast %reduce_max3A : i1 to vector<16xi1>
    %reduce_max3A_16 = tpu.scan <max>, %get3A_14 masked %reduce_max3A_15 : vector<16xf32>, vector<16xi1> -> vector<16xf32>
    %reduce_max3A_17 = vector.extract %reduce_max3A_16[15] : f32 from vector<16xf32>
    %get3A_18 = arith.constant 16 : index
    %get3A_19 = tpu.vector_load %arg12[%get3A_18] {strides = array<i32>} : memref<32xf32, #tpu.memory_space<vmem>>, vector<16xf32>,
    %reduce_max3A_20 = arith.constant true
    %reduce_max3A_21 = vector.broadcast %reduce_max3A_20 : i1 to vector<16xi1>
    %reduce_max3A_22 = tpu.scan <max>, %get3A_19 masked %reduce_max3A_21 : vector<16xf32>, vector<16xi1> -> vector<16xf32>
    %reduce_max3A_23 = vector.extract %reduce_max3A_22[15] : f32 from vector<16xf32>
    %sub3A = arith.constant 1.010000e+02 : f32
    %sub3A_24 = arith.subf %reduce_max3A_17, %sub3A : f32
    %mul3A_25 = arith.constant 6.250000e-02 : f32
    %mul3A_26 = arith.mulf %sub3A_24, %mul3A_25 : f32
    %convert_element_type3A = arith.fptosi %mul3A_26 : f32 to i32
    %sub3A_27 = arith.constant 1.930000e+02 : f32
    %sub3A_28 = arith.subf %reduce_max3A_17, %sub3A_27 : f32
    %mul3A_29 = arith.constant 6.250000e-02 : f32
    %mul3A_30 = arith.mulf %sub3A_28, %mul3A_29 : f32
    %convert_element_type3A_31 = arith.fptosi %mul3A_30 : f32 to i32
    %sub3A_32 = arith.constant 3.770000e+02 : f32
    %sub3A_33 = arith.subf %reduce_max3A_17, %sub3A_32 : f32
    %mul3A_34 = arith.constant 6.250000e-02 : f32
    %mul3A_35 = arith.mulf %sub3A_33, %mul3A_34 : f32
    %convert_element_type3A_36 = arith.fptosi %mul3A_35 : f32 to i32
    %sub3A_37 = arith.constant 7.300000e+01 : f32
    %sub3A_38 = arith.subf %reduce_max3A_17, %sub3A_37 : f32
    %mul3A_39 = arith.constant 6.250000e-02 : f32
    %mul3A_40 = arith.mulf %sub3A_38, %mul3A_39 : f32
    %convert_element_type3A_41 = arith.fptosi %mul3A_40 : f32 to i32
    %sub3A_42 = arith.constant 1.370000e+02 : f32
    %sub3A_43 = arith.subf %reduce_max3A_17, %sub3A_42 : f32
    %mul3A_44 = arith.constant 6.250000e-02 : f32
    %mul3A_45 = arith.mulf %sub3A_43, %mul3A_44 : f32
    %convert_element_type3A_46 = arith.fptosi %mul3A_45 : f32 to i32
    %sub3A_47 = arith.constant 2.650000e+02 : f32
    %sub3A_48 = arith.subf %reduce_max3A_17, %sub3A_47 : f32
    %mul3A_49 = arith.constant 6.250000e-02 : f32
    %mul3A_50 = arith.mulf %sub3A_48, %mul3A_49 : f32
    %convert_element_type3A_51 = arith.fptosi %mul3A_50 : f32 to i32
    %sub3A_52 = arith.constant 5.300000e+01 : f32
    %sub3A_53 = arith.subf %reduce_max3A_17, %sub3A_52 : f32
    %mul3A_54 = arith.constant 6.250000e-02 : f32
    %mul3A_55 = arith.mulf %sub3A_53, %mul3A_54 : f32
    %convert_element_type3A_56 = arith.fptosi %mul3A_55 : f32 to i32
    %sub3A_57 = arith.constant 9.700000e+01 : f32
    %sub3A_58 = arith.subf %reduce_max3A_17, %sub3A_57 : f32
    %mul3A_59 = arith.constant 6.250000e-02 : f32
    %mul3A_60 = arith.mulf %sub3A_58, %mul3A_59 : f32
    %convert_element_type3A_61 = arith.fptosi %mul3A_60 : f32 to i32
    %sub3A_62 = arith.constant 1.850000e+02 : f32
    %sub3A_63 = arith.subf %reduce_max3A_17, %sub3A_62 : f32
    %mul3A_64 = arith.constant 6.250000e-02 : f32
    %mul3A_65 = arith.mulf %sub3A_63, %mul3A_64 : f32
    %convert_element_type3A_66 = arith.fptosi %mul3A_65 : f32 to i32
    %sub3A_67 = arith.constant 5.700000e+01 : f32
    %sub3A_68 = arith.subf %reduce_max3A_23, %sub3A_67 : f32
    %mul3A_69 = arith.constant 6.250000e-02 : f32
    %mul3A_70 = arith.mulf %sub3A_68, %mul3A_69 : f32
    %convert_element_type3A_71 = arith.fptosi %mul3A_70 : f32 to i32
    %sub3A_72 = arith.constant 1.050000e+02 : f32
    %sub3A_73 = arith.subf %reduce_max3A_23, %sub3A_72 : f32
    %mul3A_74 = arith.constant 6.250000e-02 : f32
    %mul3A_75 = arith.mulf %sub3A_73, %mul3A_74 : f32
    %convert_element_type3A_76 = arith.fptosi %mul3A_75 : f32 to i32
    %sub3A_77 = arith.constant 2.010000e+02 : f32
    %sub3A_78 = arith.subf %reduce_max3A_23, %sub3A_77 : f32
    %mul3A_79 = arith.constant 6.250000e-02 : f32
    %mul3A_80 = arith.mulf %sub3A_78, %mul3A_79 : f32
    %convert_element_type3A_81 = arith.fptosi %mul3A_80 : f32 to i32
    %sub3A_82 = arith.constant 7.300000e+01 : f32
    %sub3A_83 = arith.subf %reduce_max3A_23, %sub3A_82 : f32
    %mul3A_84 = arith.constant 6.250000e-02 : f32
    %mul3A_85 = arith.mulf %sub3A_83, %mul3A_84 : f32
    %convert_element_type3A_86 = arith.fptosi %mul3A_85 : f32 to i32
    %sub3A_87 = arith.constant 1.370000e+02 : f32
    %sub3A_88 = arith.subf %reduce_max3A_23, %sub3A_87 : f32
    %mul3A_89 = arith.constant 6.250000e-02 : f32
    %mul3A_90 = arith.mulf %sub3A_88, %mul3A_89 : f32
    %convert_element_type3A_91 = arith.fptosi %mul3A_90 : f32 to i32
    %sub3A_92 = arith.constant 2.650000e+02 : f32
    %sub3A_93 = arith.subf %reduce_max3A_23, %sub3A_92 : f32
    %mul3A_94 = arith.constant 6.250000e-02 : f32
    %mul3A_95 = arith.mulf %sub3A_93, %mul3A_94 : f32
    %convert_element_type3A_96 = arith.fptosi %mul3A_95 : f32 to i32
    %sub3A_97 = arith.constant 9.700000e+01 : f32
    %sub3A_98 = arith.subf %reduce_max3A_23, %sub3A_97 : f32
    %mul3A_99 = arith.constant 6.250000e-02 : f32
    %mul3A_100 = arith.mulf %sub3A_98, %mul3A_99 : f32
    %convert_element_type3A_101 = arith.fptosi %mul3A_100 : f32 to i32
    %sub3A_102 = arith.constant 1.850000e+02 : f32
    %sub3A_103 = arith.subf %reduce_max3A_23, %sub3A_102 : f32
    %mul3A_104 = arith.constant 6.250000e-02 : f32
    %mul3A_105 = arith.mulf %sub3A_103, %mul3A_104 : f32
    %convert_element_type3A_106 = arith.fptosi %mul3A_105 : f32 to i32
    %sub3A_107 = arith.constant 3.610000e+02 : f32
    %sub3A_108 = arith.subf %reduce_max3A_23, %sub3A_107 : f32
    %mul3A_109 = arith.constant 6.250000e-02 : f32
    %mul3A_110 = arith.mulf %sub3A_108, %mul3A_109 : f32
    %convert_element_type3A_111 = arith.fptosi %mul3A_110 : f32 to i32
    %iota3A = tpu.iota {dimensions = array<i32: 0>} : vector<16xi32>
    %convert_element_type3A_112 = arith.sitofp %iota3A : vector<16xi32> to vector<16xf32>
    %mul3A_113 = arith.constant 1.600000e+01 : f32
    %mul3A_114 = vector.broadcast %mul3A_113 : f32 to vector<16xf32>
    %mul3A_115 = arith.mulf %convert_element_type3A_112, %mul3A_114 : vector<16xf32>
    %mul3A_116 = arith.constant 9 : i32
    %mul3A_117 = vector.broadcast %mul3A_116 : i32 to vector<16xi32>
    %mul3A_118 = arith.muli %iota3A, %mul3A_117 : vector<16xi32>
    %broadcast_in_dim3A = arith.constant 0.000000e+00 : f32
    %broadcast_in_dim3A_119 = vector.broadcast %broadcast_in_dim3A : f32 to vector<16xf32>
    %broadcast_in_dim3A_120 = arith.constant 2147483647 : i32
    %broadcast_in_dim3A_121 = vector.broadcast %broadcast_in_dim3A_120 : i32 to vector<16xi32>
    %broadcast_in_dim3A_122 = arith.constant 0 : i32
    %broadcast_in_dim3A_123 = vector.broadcast %broadcast_in_dim3A_122 : i32 to vector<16xi32>
    %scan3A = arith.constant 6.250000e-02 : f32
    %scan3A_124 = arith.constant 1.600000e+01 : f32
    %scan3A_125 = arith.constant 0 : i32
    %scan3A_126 = arith.constant 8 : i32
    %scan3A_127 = arith.addi %scan3A_125, %scan3A_126 : i32
    %scan3A_128 = arith.constant 1 : i32
    %scan3A_129 = scf.for %scan3A_292 = %scan3A_125 to %scan3A_127 step %scan3A_128 iter_args(%scan3A_293 = %broadcast_in_dim3A_123) -> (vector<16xi32>)  : i32 {
      %get3A_294 = arith.constant 0 : i32
      %get3A_295 = arith.index_cast %get3A_294 : i32 to index
      %get3A_296 = arith.index_cast %scan3A_292 : i32 to index
      %get3A_297 = arith.constant 0 : index
      %get3A_298 = tpu.vector_load %arg11[%get3A_295, %get3A_296, %get3A_297] {strides = array<i32>} : memref<5x8x16xf32, #tpu.memory_space<vmem>>, vector<16xf32>,
      %get3A_299 = arith.constant 1 : i32
      %get3A_300 = arith.index_cast %get3A_299 : i32 to index
      %get3A_301 = arith.index_cast %scan3A_292 : i32 to index
      %get3A_302 = arith.constant 0 : index
      %get3A_303 = tpu.vector_load %arg11[%get3A_300, %get3A_301, %get3A_302] {strides = array<i32>} : memref<5x8x16xf32, #tpu.memory_space<vmem>>, vector<16xf32>,
      %get3A_304 = arith.constant 2 : i32
      %get3A_305 = arith.index_cast %get3A_304 : i32 to index
      %get3A_306 = arith.index_cast %scan3A_292 : i32 to index
      %get3A_307 = arith.constant 0 : index
      %get3A_308 = tpu.vector_load %arg11[%get3A_305, %get3A_306, %get3A_307] {strides = array<i32>} : memref<5x8x16xf32, #tpu.memory_space<vmem>>, vector<16xf32>,
      %get3A_309 = arith.constant 3 : i32
      %get3A_310 = arith.index_cast %get3A_309 : i32 to index
      %get3A_311 = arith.index_cast %scan3A_292 : i32 to index
      %get3A_312 = arith.constant 0 : index
      %get3A_313 = tpu.vector_load %arg11[%get3A_310, %get3A_311, %get3A_312] {strides = array<i32>} : memref<5x8x16xf32, #tpu.memory_space<vmem>>, vector<16xf32>,
      %get3A_314 = arith.constant 4 : i32
      %get3A_315 = arith.index_cast %get3A_314 : i32 to index
      %get3A_316 = arith.index_cast %scan3A_292 : i32 to index
      %get3A_317 = arith.constant 0 : index
      %get3A_318 = tpu.vector_load %arg11[%get3A_315, %get3A_316, %get3A_317] {strides = array<i32>} : memref<5x8x16xf32, #tpu.memory_space<vmem>>, vector<16xf32>,
      %reduce_max3A_319 = arith.constant true
      %reduce_max3A_320 = vector.broadcast %reduce_max3A_319 : i1 to vector<16xi1>
      %reduce_max3A_321 = tpu.scan <max>, %get3A_298 masked %reduce_max3A_320 : vector<16xf32>, vector<16xi1> -> vector<16xf32>
      %reduce_max3A_322 = vector.extract %reduce_max3A_321[15] : f32 from vector<16xf32>
      %reduce_max3A_323 = arith.constant true
      %reduce_max3A_324 = vector.broadcast %reduce_max3A_323 : i1 to vector<16xi1>
      %reduce_max3A_325 = tpu.scan <max>, %get3A_303 masked %reduce_max3A_324 : vector<16xf32>, vector<16xi1> -> vector<16xf32>
      %reduce_max3A_326 = vector.extract %reduce_max3A_325[15] : f32 from vector<16xf32>
      %reduce_max3A_327 = arith.constant true
      %reduce_max3A_328 = vector.broadcast %reduce_max3A_327 : i1 to vector<16xi1>
      %reduce_max3A_329 = tpu.scan <max>, %get3A_308 masked %reduce_max3A_328 : vector<16xf32>, vector<16xi1> -> vector<16xf32>
      %reduce_max3A_330 = vector.extract %reduce_max3A_329[15] : f32 from vector<16xf32>
      %reduce_max3A_331 = arith.constant true
      %reduce_max3A_332 = vector.broadcast %reduce_max3A_331 : i1 to vector<16xi1>
      %reduce_max3A_333 = tpu.scan <max>, %get3A_313 masked %reduce_max3A_332 : vector<16xf32>, vector<16xi1> -> vector<16xf32>
      %reduce_max3A_334 = vector.extract %reduce_max3A_333[15] : f32 from vector<16xf32>
      %broadcast_in_dim3A_335 = arith.constant -1.000000e+00 : f32
      %broadcast_in_dim3A_336 = vector.broadcast %broadcast_in_dim3A_335 : f32 to vector<16xf32>
      %broadcast_in_dim3A_337 = arith.constant 0 : i32
      %broadcast_in_dim3A_338 = vector.broadcast %broadcast_in_dim3A_337 : i32 to vector<16xi32>
      %broadcast_in_dim3A_339 = arith.constant 1.840000e+02 : f32
      %broadcast_in_dim3A_340 = vector.broadcast %broadcast_in_dim3A_339 : f32 to vector<16xf32>
      %broadcast_in_dim3A_341 = arith.constant 1.766400e+04 : f32
      %broadcast_in_dim3A_342 = vector.broadcast %broadcast_in_dim3A_341 : f32 to vector<16xf32>
      %add3A_343 = arith.addf %broadcast_in_dim3A_342, %get3A_318 : vector<16xf32>
      %sub3A_344 = arith.constant 1.000000e+02 : f32
      %sub3A_345 = arith.subf %reduce_max3A_322, %sub3A_344 : f32
      %mul3A_346 = arith.mulf %sub3A_345, %scan3A : f32
      %convert_element_type3A_347 = arith.fptosi %mul3A_346 : f32 to i32
      %max3A = arith.constant 6 : i32
      %max3A_348 = arith.maxsi %convert_element_type3A_347, %max3A : i32
      %sub3A_349 = arith.constant -8.400000e+01 : f32
      %sub3A_350 = arith.subf %reduce_max3A_330, %sub3A_349 : f32
      %mul3A_351 = arith.mulf %sub3A_350, %scan3A : f32
      %convert_element_type3A_352 = arith.fptosi %mul3A_351 : f32 to i32
      %add3A_353 = arith.constant 1 : i32
      %add3A_354 = arith.addi %convert_element_type3A_352, %add3A_353 : i32
      %min3A_355 = arith.minsi %add3A_354, %convert_element_type3A : i32
      %sub3A_356 = arith.constant 5.600000e+01 : f32
      %sub3A_357 = arith.subf %reduce_max3A_326, %sub3A_356 : f32
      %mul3A_358 = arith.mulf %sub3A_357, %scan3A : f32
      %convert_element_type3A_359 = arith.fptosi %mul3A_358 : f32 to i32
      %max3A_360 = arith.constant 3 : i32
      %max3A_361 = arith.maxsi %convert_element_type3A_359, %max3A_360 : i32
      %sub3A_362 = arith.constant -4.000000e+01 : f32
      %sub3A_363 = arith.subf %reduce_max3A_334, %sub3A_362 : f32
      %mul3A_364 = arith.mulf %sub3A_363, %scan3A : f32
      %convert_element_type3A_365 = arith.fptosi %mul3A_364 : f32 to i32
      %add3A_366 = arith.constant 1 : i32
      %add3A_367 = arith.addi %convert_element_type3A_365, %add3A_366 : i32
      %min3A_368 = arith.minsi %add3A_367, %convert_element_type3A_71 : i32
      %sub3A_369 = arith.subi %min3A_355, %max3A_348 : i32
      %max3A_370 = arith.constant 0 : i32
      %max3A_371 = arith.maxsi %sub3A_369, %max3A_370 : i32
      %shift_right_logical3A = arith.constant 4 : i32
      %shift_right_logical3A_372 = arith.shrui %max3A_371, %shift_right_logical3A : i32
      %add3A_373 = arith.constant 1 : i32
      %add3A_374 = arith.addi %shift_right_logical3A_372, %add3A_373 : i32
      %broadcast_in_dim3A_375 = vector.broadcast %min3A_355 : i32 to vector<16xi32>
      %while3A = arith.constant -8.400000e+01 : f32
      %while3A_376 = arith.constant -4.000000e+01 : f32
      %while3A_377 = arith.constant 5.600000e+01 : f32
      %while3A_378 = arith.constant 0 : i32
      %while3A_379 = arith.subi %add3A_374, %while3A_378 : i32
      %while3A_380 = arith.addi %while3A_378, %while3A_379 : i32
      %while3A_381 = arith.constant 1 : i32
      %while3A_382 = arith.divsi %while3A_379, %while3A_381 : i32
      %while3A_383 = arith.muli %while3A_382, %while3A_381 : i32
      %while3A_384 = arith.addi %while3A_378, %while3A_383 : i32
      %while3A_385 = arith.constant 1 : i32
      %while3A_386:2 = scf.for %while3A_831 = %while3A_378 to %while3A_384 step %while3A_385 iter_args(%while3A_832 = %broadcast_in_dim3A_336, %while3A_833 = %broadcast_in_dim3A_338) -> (vector<16xf32>, vector<16xi32>)  : i32 {
        %mul3A_834 = arith.constant 16 : i32
        %mul3A_835 = arith.muli %while3A_831, %mul3A_834 : i32
        %add3A_836 = arith.addi %max3A_348, %mul3A_835 : i32
        %convert_element_type3A_837 = arith.sitofp %add3A_836 : i32 to f32
        %mul3A_838 = arith.mulf %convert_element_type3A_837, %scan3A_124 : f32
        %add3A_839 = arith.addf %mul3A_838, %while3A : f32
        %broadcast_in_dim3A_840 = vector.broadcast %add3A_839 : f32 to vector<16xf32>
        %add3A_841 = arith.addf %broadcast_in_dim3A_840, %mul3A_115 : vector<16xf32>
        %add3A_842 = arith.addf %add3A_841, %broadcast_in_dim3A_340 : vector<16xf32>
        %min3A_843 = arith.minimumf %add3A_842, %get3A_308 : vector<16xf32>
        %max3A_844 = arith.maximumf %add3A_841, %get3A_298 : vector<16xf32>
        %sub3A_845 = arith.subf %min3A_843, %max3A_844 : vector<16xf32>
        %max3A_846 = arith.maximumf %sub3A_845, %broadcast_in_dim3A_119 : vector<16xf32>
        %broadcast_in_dim3A_847 = vector.broadcast %add3A_836 : i32 to vector<16xi32>
        %add3A_848 = arith.addi %broadcast_in_dim3A_847, %iota3A : vector<16xi32>
        %le3A = arith.cmpi sle, %add3A_848, %broadcast_in_dim3A_375 : vector<16xi32>
        %select_n3A_849 = arith.select %le3A, %max3A_846, %broadcast_in_dim3A_119 : vector<16xi1>, vector<16xf32>
        %mul3A_850 = arith.constant 9 : i32
        %mul3A_851 = vector.broadcast %mul3A_850 : i32 to vector<16xi32>
        %mul3A_852 = arith.muli %add3A_848, %mul3A_851 : vector<16xi32>
        %add3A_853 = arith.constant 0 : i32
        %add3A_854 = vector.broadcast %add3A_853 : i32 to vector<16xi32>
        %add3A_855 = arith.addi %mul3A_852, %add3A_854 : vector<16xi32>
        %add3A_856 = arith.constant 1 : i32
        %add3A_857 = arith.addi %min3A_368, %add3A_856 : i32
        %while3A_858 = arith.subi %add3A_857, %max3A_361 : i32
        %while3A_859 = arith.addi %max3A_361, %while3A_858 : i32
        %while3A_860 = arith.constant 1 : i32
        %while3A_861 = arith.divsi %while3A_858, %while3A_860 : i32
        %while3A_862 = arith.muli %while3A_861, %while3A_860 : i32
        %while3A_863 = arith.addi %max3A_361, %while3A_862 : i32
        %while3A_864 = arith.constant 1 : i32
        %while3A_865:2 = scf.for %while3A_868 = %max3A_361 to %while3A_863 step %while3A_864 iter_args(%while3A_869 = %while3A_832, %while3A_870 = %while3A_833) -> (vector<16xf32>, vector<16xi32>)  : i32 {
          %convert_element_type3A_871 = arith.sitofp %while3A_868 : i32 to f32
          %mul3A_872 = arith.mulf %convert_element_type3A_871, %scan3A_124 : f32
          %add3A_873 = arith.addf %mul3A_872, %while3A_376 : f32
          %mul3A_874 = arith.mulf %convert_element_type3A_871, %scan3A_124 : f32
          %add3A_875 = arith.addf %mul3A_874, %while3A_377 : f32
          %min3A_876 = arith.minimumf %add3A_875, %reduce_max3A_334 : f32
          %max3A_877 = arith.maximumf %add3A_873, %reduce_max3A_326 : f32
          %sub3A_878 = arith.subf %min3A_876, %max3A_877 : f32
          %max3A_879 = arith.constant 0.000000e+00 : f32
          %max3A_880 = arith.maximumf %sub3A_878, %max3A_879 : f32
          %broadcast_in_dim3A_881 = vector.broadcast %max3A_880 : f32 to vector<16xf32>
          %mul3A_882 = arith.mulf %select_n3A_849, %broadcast_in_dim3A_881 : vector<16xf32>
          %sub3A_883 = arith.subf %add3A_343, %mul3A_882 : vector<16xf32>
          %div3A_884 = arith.divf %mul3A_882, %sub3A_883 : vector<16xf32>
          %mul3A_885 = arith.constant 1080 : i32
          %mul3A_886 = arith.muli %while3A_868, %mul3A_885 : i32
          %broadcast_in_dim3A_887 = vector.broadcast %mul3A_886 : i32 to vector<16xi32>
          %add3A_888 = arith.addi %add3A_855, %broadcast_in_dim3A_887 : vector<16xi32>
          %gt3A = arith.cmpf ogt, %div3A_884, %while3A_869 : vector<16xf32>
          %eq3A_889 = arith.cmpf oeq, %div3A_884, %while3A_869 : vector<16xf32>
          %lt3A_890 = arith.cmpi slt, %add3A_888, %while3A_870 : vector<16xi32>
          %and3A = arith.andi %eq3A_889, %lt3A_890 : vector<16xi1>
          %or3A = arith.ori %gt3A, %and3A : vector<16xi1>
          %select_n3A_891 = arith.select %gt3A, %div3A_884, %while3A_869 : vector<16xi1>, vector<16xf32>
          %select_n3A_892 = arith.select %or3A, %add3A_888, %while3A_870 : vector<16xi1>, vector<16xi32>
          scf.yield %select_n3A_891, %select_n3A_892 : vector<16xf32>, vector<16xi32>
        }
        %while3A_866 = arith.constant 1 : i32
        %while3A_867:2 = scf.for %while3A_868 = %while3A_863 to %while3A_859 step %while3A_866 iter_args(%while3A_869 = %while3A_865#0, %while3A_870 = %while3A_865#1) -> (vector<16xf32>, vector<16xi32>)  : i32 {
          %convert_element_type3A_871 = arith.sitofp %while3A_868 : i32 to f32
          %mul3A_872 = arith.mulf %convert_element_type3A_871, %scan3A_124 : f32
          %add3A_873 = arith.addf %mul3A_872, %while3A_376 : f32
          %mul3A_874 = arith.mulf %convert_element_type3A_871, %scan3A_124 : f32
          %add3A_875 = arith.addf %mul3A_874, %while3A_377 : f32
          %min3A_876 = arith.minimumf %add3A_875, %reduce_max3A_334 : f32
          %max3A_877 = arith.maximumf %add3A_873, %reduce_max3A_326 : f32
          %sub3A_878 = arith.subf %min3A_876, %max3A_877 : f32
          %max3A_879 = arith.constant 0.000000e+00 : f32
          %max3A_880 = arith.maximumf %sub3A_878, %max3A_879 : f32
          %broadcast_in_dim3A_881 = vector.broadcast %max3A_880 : f32 to vector<16xf32>
          %mul3A_882 = arith.mulf %select_n3A_849, %broadcast_in_dim3A_881 : vector<16xf32>
          %sub3A_883 = arith.subf %add3A_343, %mul3A_882 : vector<16xf32>
          %div3A_884 = arith.divf %mul3A_882, %sub3A_883 : vector<16xf32>
          %mul3A_885 = arith.constant 1080 : i32
          %mul3A_886 = arith.muli %while3A_868, %mul3A_885 : i32
          %broadcast_in_dim3A_887 = vector.broadcast %mul3A_886 : i32 to vector<16xi32>
          %add3A_888 = arith.addi %add3A_855, %broadcast_in_dim3A_887 : vector<16xi32>
          %gt3A = arith.cmpf ogt, %div3A_884, %while3A_869 : vector<16xf32>
          %eq3A_889 = arith.cmpf oeq, %div3A_884, %while3A_869 : vector<16xf32>
          %lt3A_890 = arith.cmpi slt, %add3A_888, %while3A_870 : vector<16xi32>
          %and3A = arith.andi %eq3A_889, %lt3A_890 : vector<16xi1>
          %or3A = arith.ori %gt3A, %and3A : vector<16xi1>
          %select_n3A_891 = arith.select %gt3A, %div3A_884, %while3A_869 : vector<16xi1>, vector<16xf32>
          %select_n3A_892 = arith.select %or3A, %add3A_888, %while3A_870 : vector<16xi1>, vector<16xi32>
          scf.yield %select_n3A_891, %select_n3A_892 : vector<16xf32>, vector<16xi32>
        }
        scf.yield %while3A_867#0, %while3A_867#1 : vector<16xf32>, vector<16xi32>
      }
      %while3A_387 = arith.constant 1 : i32
      %while3A_388:2 = scf.for %while3A_831 = %while3A_384 to %while3A_380 step %while3A_387 iter_args(%while3A_832 = %while3A_386#0, %while3A_833 = %while3A_386#1) -> (vector<16xf32>, vector<16xi32>)  : i32 {
        %mul3A_834 = arith.constant 16 : i32
        %mul3A_835 = arith.muli %while3A_831, %mul3A_834 : i32
        %add3A_836 = arith.addi %max3A_348, %mul3A_835 : i32
        %convert_element_type3A_837 = arith.sitofp %add3A_836 : i32 to f32
        %mul3A_838 = arith.mulf %convert_element_type3A_837, %scan3A_124 : f32
        %add3A_839 = arith.addf %mul3A_838, %while3A : f32
        %broadcast_in_dim3A_840 = vector.broadcast %add3A_839 : f32 to vector<16xf32>
        %add3A_841 = arith.addf %broadcast_in_dim3A_840, %mul3A_115 : vector<16xf32>
        %add3A_842 = arith.addf %add3A_841, %broadcast_in_dim3A_340 : vector<16xf32>
        %min3A_843 = arith.minimumf %add3A_842, %get3A_308 : vector<16xf32>
        %max3A_844 = arith.maximumf %add3A_841, %get3A_298 : vector<16xf32>
        %sub3A_845 = arith.subf %min3A_843, %max3A_844 : vector<16xf32>
        %max3A_846 = arith.maximumf %sub3A_845, %broadcast_in_dim3A_119 : vector<16xf32>
        %broadcast_in_dim3A_847 = vector.broadcast %add3A_836 : i32 to vector<16xi32>
        %add3A_848 = arith.addi %broadcast_in_dim3A_847, %iota3A : vector<16xi32>
        %le3A = arith.cmpi sle, %add3A_848, %broadcast_in_dim3A_375 : vector<16xi32>
        %select_n3A_849 = arith.select %le3A, %max3A_846, %broadcast_in_dim3A_119 : vector<16xi1>, vector<16xf32>
        %mul3A_850 = arith.constant 9 : i32
        %mul3A_851 = vector.broadcast %mul3A_850 : i32 to vector<16xi32>
        %mul3A_852 = arith.muli %add3A_848, %mul3A_851 : vector<16xi32>
        %add3A_853 = arith.constant 0 : i32
        %add3A_854 = vector.broadcast %add3A_853 : i32 to vector<16xi32>
        %add3A_855 = arith.addi %mul3A_852, %add3A_854 : vector<16xi32>
        %add3A_856 = arith.constant 1 : i32
        %add3A_857 = arith.addi %min3A_368, %add3A_856 : i32
        %while3A_858 = arith.subi %add3A_857, %max3A_361 : i32
        %while3A_859 = arith.addi %max3A_361, %while3A_858 : i32
        %while3A_860 = arith.constant 1 : i32
        %while3A_861 = arith.divsi %while3A_858, %while3A_860 : i32
        %while3A_862 = arith.muli %while3A_861, %while3A_860 : i32
        %while3A_863 = arith.addi %max3A_361, %while3A_862 : i32
        %while3A_864 = arith.constant 1 : i32
        %while3A_865:2 = scf.for %while3A_868 = %max3A_361 to %while3A_863 step %while3A_864 iter_args(%while3A_869 = %while3A_832, %while3A_870 = %while3A_833) -> (vector<16xf32>, vector<16xi32>)  : i32 {
          %convert_element_type3A_871 = arith.sitofp %while3A_868 : i32 to f32
          %mul3A_872 = arith.mulf %convert_element_type3A_871, %scan3A_124 : f32
          %add3A_873 = arith.addf %mul3A_872, %while3A_376 : f32
          %mul3A_874 = arith.mulf %convert_element_type3A_871, %scan3A_124 : f32
          %add3A_875 = arith.addf %mul3A_874, %while3A_377 : f32
          %min3A_876 = arith.minimumf %add3A_875, %reduce_max3A_334 : f32
          %max3A_877 = arith.maximumf %add3A_873, %reduce_max3A_326 : f32
          %sub3A_878 = arith.subf %min3A_876, %max3A_877 : f32
          %max3A_879 = arith.constant 0.000000e+00 : f32
          %max3A_880 = arith.maximumf %sub3A_878, %max3A_879 : f32
          %broadcast_in_dim3A_881 = vector.broadcast %max3A_880 : f32 to vector<16xf32>
          %mul3A_882 = arith.mulf %select_n3A_849, %broadcast_in_dim3A_881 : vector<16xf32>
          %sub3A_883 = arith.subf %add3A_343, %mul3A_882 : vector<16xf32>
          %div3A_884 = arith.divf %mul3A_882, %sub3A_883 : vector<16xf32>
          %mul3A_885 = arith.constant 1080 : i32
          %mul3A_886 = arith.muli %while3A_868, %mul3A_885 : i32
          %broadcast_in_dim3A_887 = vector.broadcast %mul3A_886 : i32 to vector<16xi32>
          %add3A_888 = arith.addi %add3A_855, %broadcast_in_dim3A_887 : vector<16xi32>
          %gt3A = arith.cmpf ogt, %div3A_884, %while3A_869 : vector<16xf32>
          %eq3A_889 = arith.cmpf oeq, %div3A_884, %while3A_869 : vector<16xf32>
          %lt3A_890 = arith.cmpi slt, %add3A_888, %while3A_870 : vector<16xi32>
          %and3A = arith.andi %eq3A_889, %lt3A_890 : vector<16xi1>
          %or3A = arith.ori %gt3A, %and3A : vector<16xi1>
          %select_n3A_891 = arith.select %gt3A, %div3A_884, %while3A_869 : vector<16xi1>, vector<16xf32>
          %select_n3A_892 = arith.select %or3A, %add3A_888, %while3A_870 : vector<16xi1>, vector<16xi32>
          scf.yield %select_n3A_891, %select_n3A_892 : vector<16xf32>, vector<16xi32>
        }
        %while3A_866 = arith.constant 1 : i32
        %while3A_867:2 = scf.for %while3A_868 = %while3A_863 to %while3A_859 step %while3A_866 iter_args(%while3A_869 = %while3A_865#0, %while3A_870 = %while3A_865#1) -> (vector<16xf32>, vector<16xi32>)  : i32 {
          %convert_element_type3A_871 = arith.sitofp %while3A_868 : i32 to f32
          %mul3A_872 = arith.mulf %convert_element_type3A_871, %scan3A_124 : f32
          %add3A_873 = arith.addf %mul3A_872, %while3A_376 : f32
          %mul3A_874 = arith.mulf %convert_element_type3A_871, %scan3A_124 : f32
          %add3A_875 = arith.addf %mul3A_874, %while3A_377 : f32
          %min3A_876 = arith.minimumf %add3A_875, %reduce_max3A_334 : f32
          %max3A_877 = arith.maximumf %add3A_873, %reduce_max3A_326 : f32
          %sub3A_878 = arith.subf %min3A_876, %max3A_877 : f32
          %max3A_879 = arith.constant 0.000000e+00 : f32
          %max3A_880 = arith.maximumf %sub3A_878, %max3A_879 : f32
          %broadcast_in_dim3A_881 = vector.broadcast %max3A_880 : f32 to vector<16xf32>
          %mul3A_882 = arith.mulf %select_n3A_849, %broadcast_in_dim3A_881 : vector<16xf32>
          %sub3A_883 = arith.subf %add3A_343, %mul3A_882 : vector<16xf32>
          %div3A_884 = arith.divf %mul3A_882, %sub3A_883 : vector<16xf32>
          %mul3A_885 = arith.constant 1080 : i32
          %mul3A_886 = arith.muli %while3A_868, %mul3A_885 : i32
          %broadcast_in_dim3A_887 = vector.broadcast %mul3A_886 : i32 to vector<16xi32>
          %add3A_888 = arith.addi %add3A_855, %broadcast_in_dim3A_887 : vector<16xi32>
          %gt3A = arith.cmpf ogt, %div3A_884, %while3A_869 : vector<16xf32>
          %eq3A_889 = arith.cmpf oeq, %div3A_884, %while3A_869 : vector<16xf32>
          %lt3A_890 = arith.cmpi slt, %add3A_888, %while3A_870 : vector<16xi32>
          %and3A = arith.andi %eq3A_889, %lt3A_890 : vector<16xi1>
          %or3A = arith.ori %gt3A, %and3A : vector<16xi1>
          %select_n3A_891 = arith.select %gt3A, %div3A_884, %while3A_869 : vector<16xi1>, vector<16xf32>
          %select_n3A_892 = arith.select %or3A, %add3A_888, %while3A_870 : vector<16xi1>, vector<16xi32>
          scf.yield %select_n3A_891, %select_n3A_892 : vector<16xf32>, vector<16xi32>
        }
        scf.yield %while3A_867#0, %while3A_867#1 : vector<16xf32>, vector<16xi32>
      }
      %broadcast_in_dim3A_389 = arith.constant 3.680000e+02 : f32
      %broadcast_in_dim3A_390 = vector.broadcast %broadcast_in_dim3A_389 : f32 to vector<16xf32>
      %broadcast_in_dim3A_391 = arith.constant 7.065600e+04 : f32
      %broadcast_in_dim3A_392 = vector.broadcast %broadcast_in_dim3A_391 : f32 to vector<16xf32>
      %add3A_393 = arith.addf %broadcast_in_dim3A_392, %get3A_318 : vector<16xf32>
      %sub3A_394 = arith.constant 1.920000e+02 : f32
      %sub3A_395 = arith.subf %reduce_max3A_322, %sub3A_394 : f32
      %mul3A_396 = arith.mulf %sub3A_395, %scan3A : f32
      %convert_element_type3A_397 = arith.fptosi %mul3A_396 : f32 to i32
      %max3A_398 = arith.constant 11 : i32
      %max3A_399 = arith.maxsi %convert_element_type3A_397, %max3A_398 : i32
      %sub3A_400 = arith.constant -1.760000e+02 : f32
      %sub3A_401 = arith.subf %reduce_max3A_330, %sub3A_400 : f32
      %mul3A_402 = arith.mulf %sub3A_401, %scan3A : f32
      %convert_element_type3A_403 = arith.fptosi %mul3A_402 : f32 to i32
      %add3A_404 = arith.constant 1 : i32
      %add3A_405 = arith.addi %convert_element_type3A_403, %add3A_404 : i32
      %min3A_406 = arith.minsi %add3A_405, %convert_element_type3A_31 : i32
      %sub3A_407 = arith.constant 1.040000e+02 : f32
      %sub3A_408 = arith.subf %reduce_max3A_326, %sub3A_407 : f32
      %mul3A_409 = arith.mulf %sub3A_408, %scan3A : f32
      %convert_element_type3A_410 = arith.fptosi %mul3A_409 : f32 to i32
      %max3A_411 = arith.constant 6 : i32
      %max3A_412 = arith.maxsi %convert_element_type3A_410, %max3A_411 : i32
      %sub3A_413 = arith.constant -8.800000e+01 : f32
      %sub3A_414 = arith.subf %reduce_max3A_334, %sub3A_413 : f32
      %mul3A_415 = arith.mulf %sub3A_414, %scan3A : f32
      %convert_element_type3A_416 = arith.fptosi %mul3A_415 : f32 to i32
      %add3A_417 = arith.constant 1 : i32
      %add3A_418 = arith.addi %convert_element_type3A_416, %add3A_417 : i32
      %min3A_419 = arith.minsi %add3A_418, %convert_element_type3A_76 : i32
      %sub3A_420 = arith.subi %min3A_406, %max3A_399 : i32
      %max3A_421 = arith.constant 0 : i32
      %max3A_422 = arith.maxsi %sub3A_420, %max3A_421 : i32
      %shift_right_logical3A_423 = arith.constant 4 : i32
      %shift_right_logical3A_424 = arith.shrui %max3A_422, %shift_right_logical3A_423 : i32
      %add3A_425 = arith.constant 1 : i32
      %add3A_426 = arith.addi %shift_right_logical3A_424, %add3A_425 : i32
      %broadcast_in_dim3A_427 = vector.broadcast %min3A_406 : i32 to vector<16xi32>
      %while3A_428 = arith.constant -1.760000e+02 : f32
      %while3A_429 = arith.constant -8.800000e+01 : f32
      %while3A_430 = arith.constant 1.040000e+02 : f32
      %while3A_431 = arith.constant 0 : i32
      %while3A_432 = arith.subi %add3A_426, %while3A_431 : i32
      %while3A_433 = arith.addi %while3A_431, %while3A_432 : i32
      %while3A_434 = arith.constant 1 : i32
      %while3A_435 = arith.divsi %while3A_432, %while3A_434 : i32
      %while3A_436 = arith.muli %while3A_435, %while3A_434 : i32
      %while3A_437 = arith.addi %while3A_431, %while3A_436 : i32
      %while3A_438 = arith.constant 1 : i32
      %while3A_439:2 = scf.for %while3A_831 = %while3A_431 to %while3A_437 step %while3A_438 iter_args(%while3A_832 = %while3A_388#0, %while3A_833 = %while3A_388#1) -> (vector<16xf32>, vector<16xi32>)  : i32 {
        %mul3A_834 = arith.constant 16 : i32
        %mul3A_835 = arith.muli %while3A_831, %mul3A_834 : i32
        %add3A_836 = arith.addi %max3A_399, %mul3A_835 : i32
        %convert_element_type3A_837 = arith.sitofp %add3A_836 : i32 to f32
        %mul3A_838 = arith.mulf %convert_element_type3A_837, %scan3A_124 : f32
        %add3A_839 = arith.addf %mul3A_838, %while3A_428 : f32
        %broadcast_in_dim3A_840 = vector.broadcast %add3A_839 : f32 to vector<16xf32>
        %add3A_841 = arith.addf %broadcast_in_dim3A_840, %mul3A_115 : vector<16xf32>
        %add3A_842 = arith.addf %add3A_841, %broadcast_in_dim3A_390 : vector<16xf32>
        %min3A_843 = arith.minimumf %add3A_842, %get3A_308 : vector<16xf32>
        %max3A_844 = arith.maximumf %add3A_841, %get3A_298 : vector<16xf32>
        %sub3A_845 = arith.subf %min3A_843, %max3A_844 : vector<16xf32>
        %max3A_846 = arith.maximumf %sub3A_845, %broadcast_in_dim3A_119 : vector<16xf32>
        %broadcast_in_dim3A_847 = vector.broadcast %add3A_836 : i32 to vector<16xi32>
        %add3A_848 = arith.addi %broadcast_in_dim3A_847, %iota3A : vector<16xi32>
        %le3A = arith.cmpi sle, %add3A_848, %broadcast_in_dim3A_427 : vector<16xi32>
        %select_n3A_849 = arith.select %le3A, %max3A_846, %broadcast_in_dim3A_119 : vector<16xi1>, vector<16xf32>
        %mul3A_850 = arith.constant 9 : i32
        %mul3A_851 = vector.broadcast %mul3A_850 : i32 to vector<16xi32>
        %mul3A_852 = arith.muli %add3A_848, %mul3A_851 : vector<16xi32>
        %add3A_853 = arith.constant 1 : i32
        %add3A_854 = vector.broadcast %add3A_853 : i32 to vector<16xi32>
        %add3A_855 = arith.addi %mul3A_852, %add3A_854 : vector<16xi32>
        %add3A_856 = arith.constant 1 : i32
        %add3A_857 = arith.addi %min3A_419, %add3A_856 : i32
        %while3A_858 = arith.subi %add3A_857, %max3A_412 : i32
        %while3A_859 = arith.addi %max3A_412, %while3A_858 : i32
        %while3A_860 = arith.constant 1 : i32
        %while3A_861 = arith.divsi %while3A_858, %while3A_860 : i32
        %while3A_862 = arith.muli %while3A_861, %while3A_860 : i32
        %while3A_863 = arith.addi %max3A_412, %while3A_862 : i32
        %while3A_864 = arith.constant 1 : i32
        %while3A_865:2 = scf.for %while3A_868 = %max3A_412 to %while3A_863 step %while3A_864 iter_args(%while3A_869 = %while3A_832, %while3A_870 = %while3A_833) -> (vector<16xf32>, vector<16xi32>)  : i32 {
          %convert_element_type3A_871 = arith.sitofp %while3A_868 : i32 to f32
          %mul3A_872 = arith.mulf %convert_element_type3A_871, %scan3A_124 : f32
          %add3A_873 = arith.addf %mul3A_872, %while3A_429 : f32
          %mul3A_874 = arith.mulf %convert_element_type3A_871, %scan3A_124 : f32
          %add3A_875 = arith.addf %mul3A_874, %while3A_430 : f32
          %min3A_876 = arith.minimumf %add3A_875, %reduce_max3A_334 : f32
          %max3A_877 = arith.maximumf %add3A_873, %reduce_max3A_326 : f32
          %sub3A_878 = arith.subf %min3A_876, %max3A_877 : f32
          %max3A_879 = arith.constant 0.000000e+00 : f32
          %max3A_880 = arith.maximumf %sub3A_878, %max3A_879 : f32
          %broadcast_in_dim3A_881 = vector.broadcast %max3A_880 : f32 to vector<16xf32>
          %mul3A_882 = arith.mulf %select_n3A_849, %broadcast_in_dim3A_881 : vector<16xf32>
          %sub3A_883 = arith.subf %add3A_393, %mul3A_882 : vector<16xf32>
          %div3A_884 = arith.divf %mul3A_882, %sub3A_883 : vector<16xf32>
          %mul3A_885 = arith.constant 1080 : i32
          %mul3A_886 = arith.muli %while3A_868, %mul3A_885 : i32
          %broadcast_in_dim3A_887 = vector.broadcast %mul3A_886 : i32 to vector<16xi32>
          %add3A_888 = arith.addi %add3A_855, %broadcast_in_dim3A_887 : vector<16xi32>
          %gt3A = arith.cmpf ogt, %div3A_884, %while3A_869 : vector<16xf32>
          %eq3A_889 = arith.cmpf oeq, %div3A_884, %while3A_869 : vector<16xf32>
          %lt3A_890 = arith.cmpi slt, %add3A_888, %while3A_870 : vector<16xi32>
          %and3A = arith.andi %eq3A_889, %lt3A_890 : vector<16xi1>
          %or3A = arith.ori %gt3A, %and3A : vector<16xi1>
          %select_n3A_891 = arith.select %gt3A, %div3A_884, %while3A_869 : vector<16xi1>, vector<16xf32>
          %select_n3A_892 = arith.select %or3A, %add3A_888, %while3A_870 : vector<16xi1>, vector<16xi32>
          scf.yield %select_n3A_891, %select_n3A_892 : vector<16xf32>, vector<16xi32>
        }
        %while3A_866 = arith.constant 1 : i32
        %while3A_867:2 = scf.for %while3A_868 = %while3A_863 to %while3A_859 step %while3A_866 iter_args(%while3A_869 = %while3A_865#0, %while3A_870 = %while3A_865#1) -> (vector<16xf32>, vector<16xi32>)  : i32 {
          %convert_element_type3A_871 = arith.sitofp %while3A_868 : i32 to f32
          %mul3A_872 = arith.mulf %convert_element_type3A_871, %scan3A_124 : f32
          %add3A_873 = arith.addf %mul3A_872, %while3A_429 : f32
          %mul3A_874 = arith.mulf %convert_element_type3A_871, %scan3A_124 : f32
          %add3A_875 = arith.addf %mul3A_874, %while3A_430 : f32
          %min3A_876 = arith.minimumf %add3A_875, %reduce_max3A_334 : f32
          %max3A_877 = arith.maximumf %add3A_873, %reduce_max3A_326 : f32
          %sub3A_878 = arith.subf %min3A_876, %max3A_877 : f32
          %max3A_879 = arith.constant 0.000000e+00 : f32
          %max3A_880 = arith.maximumf %sub3A_878, %max3A_879 : f32
          %broadcast_in_dim3A_881 = vector.broadcast %max3A_880 : f32 to vector<16xf32>
          %mul3A_882 = arith.mulf %select_n3A_849, %broadcast_in_dim3A_881 : vector<16xf32>
          %sub3A_883 = arith.subf %add3A_393, %mul3A_882 : vector<16xf32>
          %div3A_884 = arith.divf %mul3A_882, %sub3A_883 : vector<16xf32>
          %mul3A_885 = arith.constant 1080 : i32
          %mul3A_886 = arith.muli %while3A_868, %mul3A_885 : i32
          %broadcast_in_dim3A_887 = vector.broadcast %mul3A_886 : i32 to vector<16xi32>
          %add3A_888 = arith.addi %add3A_855, %broadcast_in_dim3A_887 : vector<16xi32>
          %gt3A = arith.cmpf ogt, %div3A_884, %while3A_869 : vector<16xf32>
          %eq3A_889 = arith.cmpf oeq, %div3A_884, %while3A_869 : vector<16xf32>
          %lt3A_890 = arith.cmpi slt, %add3A_888, %while3A_870 : vector<16xi32>
          %and3A = arith.andi %eq3A_889, %lt3A_890 : vector<16xi1>
          %or3A = arith.ori %gt3A, %and3A : vector<16xi1>
          %select_n3A_891 = arith.select %gt3A, %div3A_884, %while3A_869 : vector<16xi1>, vector<16xf32>
          %select_n3A_892 = arith.select %or3A, %add3A_888, %while3A_870 : vector<16xi1>, vector<16xi32>
          scf.yield %select_n3A_891, %select_n3A_892 : vector<16xf32>, vector<16xi32>
        }
        scf.yield %while3A_867#0, %while3A_867#1 : vector<16xf32>, vector<16xi32>
      }
      %while3A_440 = arith.constant 1 : i32
      %while3A_441:2 = scf.for %while3A_831 = %while3A_437 to %while3A_433 step %while3A_440 iter_args(%while3A_832 = %while3A_439#0, %while3A_833 = %while3A_439#1) -> (vector<16xf32>, vector<16xi32>)  : i32 {
        %mul3A_834 = arith.constant 16 : i32
        %mul3A_835 = arith.muli %while3A_831, %mul3A_834 : i32
        %add3A_836 = arith.addi %max3A_399, %mul3A_835 : i32
        %convert_element_type3A_837 = arith.sitofp %add3A_836 : i32 to f32
        %mul3A_838 = arith.mulf %convert_element_type3A_837, %scan3A_124 : f32
        %add3A_839 = arith.addf %mul3A_838, %while3A_428 : f32
        %broadcast_in_dim3A_840 = vector.broadcast %add3A_839 : f32 to vector<16xf32>
        %add3A_841 = arith.addf %broadcast_in_dim3A_840, %mul3A_115 : vector<16xf32>
        %add3A_842 = arith.addf %add3A_841, %broadcast_in_dim3A_390 : vector<16xf32>
        %min3A_843 = arith.minimumf %add3A_842, %get3A_308 : vector<16xf32>
        %max3A_844 = arith.maximumf %add3A_841, %get3A_298 : vector<16xf32>
        %sub3A_845 = arith.subf %min3A_843, %max3A_844 : vector<16xf32>
        %max3A_846 = arith.maximumf %sub3A_845, %broadcast_in_dim3A_119 : vector<16xf32>
        %broadcast_in_dim3A_847 = vector.broadcast %add3A_836 : i32 to vector<16xi32>
        %add3A_848 = arith.addi %broadcast_in_dim3A_847, %iota3A : vector<16xi32>
        %le3A = arith.cmpi sle, %add3A_848, %broadcast_in_dim3A_427 : vector<16xi32>
        %select_n3A_849 = arith.select %le3A, %max3A_846, %broadcast_in_dim3A_119 : vector<16xi1>, vector<16xf32>
        %mul3A_850 = arith.constant 9 : i32
        %mul3A_851 = vector.broadcast %mul3A_850 : i32 to vector<16xi32>
        %mul3A_852 = arith.muli %add3A_848, %mul3A_851 : vector<16xi32>
        %add3A_853 = arith.constant 1 : i32
        %add3A_854 = vector.broadcast %add3A_853 : i32 to vector<16xi32>
        %add3A_855 = arith.addi %mul3A_852, %add3A_854 : vector<16xi32>
        %add3A_856 = arith.constant 1 : i32
        %add3A_857 = arith.addi %min3A_419, %add3A_856 : i32
        %while3A_858 = arith.subi %add3A_857, %max3A_412 : i32
        %while3A_859 = arith.addi %max3A_412, %while3A_858 : i32
        %while3A_860 = arith.constant 1 : i32
        %while3A_861 = arith.divsi %while3A_858, %while3A_860 : i32
        %while3A_862 = arith.muli %while3A_861, %while3A_860 : i32
        %while3A_863 = arith.addi %max3A_412, %while3A_862 : i32
        %while3A_864 = arith.constant 1 : i32
        %while3A_865:2 = scf.for %while3A_868 = %max3A_412 to %while3A_863 step %while3A_864 iter_args(%while3A_869 = %while3A_832, %while3A_870 = %while3A_833) -> (vector<16xf32>, vector<16xi32>)  : i32 {
          %convert_element_type3A_871 = arith.sitofp %while3A_868 : i32 to f32
          %mul3A_872 = arith.mulf %convert_element_type3A_871, %scan3A_124 : f32
          %add3A_873 = arith.addf %mul3A_872, %while3A_429 : f32
          %mul3A_874 = arith.mulf %convert_element_type3A_871, %scan3A_124 : f32
          %add3A_875 = arith.addf %mul3A_874, %while3A_430 : f32
          %min3A_876 = arith.minimumf %add3A_875, %reduce_max3A_334 : f32
          %max3A_877 = arith.maximumf %add3A_873, %reduce_max3A_326 : f32
          %sub3A_878 = arith.subf %min3A_876, %max3A_877 : f32
          %max3A_879 = arith.constant 0.000000e+00 : f32
          %max3A_880 = arith.maximumf %sub3A_878, %max3A_879 : f32
          %broadcast_in_dim3A_881 = vector.broadcast %max3A_880 : f32 to vector<16xf32>
          %mul3A_882 = arith.mulf %select_n3A_849, %broadcast_in_dim3A_881 : vector<16xf32>
          %sub3A_883 = arith.subf %add3A_393, %mul3A_882 : vector<16xf32>
          %div3A_884 = arith.divf %mul3A_882, %sub3A_883 : vector<16xf32>
          %mul3A_885 = arith.constant 1080 : i32
          %mul3A_886 = arith.muli %while3A_868, %mul3A_885 : i32
          %broadcast_in_dim3A_887 = vector.broadcast %mul3A_886 : i32 to vector<16xi32>
          %add3A_888 = arith.addi %add3A_855, %broadcast_in_dim3A_887 : vector<16xi32>
          %gt3A = arith.cmpf ogt, %div3A_884, %while3A_869 : vector<16xf32>
          %eq3A_889 = arith.cmpf oeq, %div3A_884, %while3A_869 : vector<16xf32>
          %lt3A_890 = arith.cmpi slt, %add3A_888, %while3A_870 : vector<16xi32>
          %and3A = arith.andi %eq3A_889, %lt3A_890 : vector<16xi1>
          %or3A = arith.ori %gt3A, %and3A : vector<16xi1>
          %select_n3A_891 = arith.select %gt3A, %div3A_884, %while3A_869 : vector<16xi1>, vector<16xf32>
          %select_n3A_892 = arith.select %or3A, %add3A_888, %while3A_870 : vector<16xi1>, vector<16xi32>
          scf.yield %select_n3A_891, %select_n3A_892 : vector<16xf32>, vector<16xi32>
        }
        %while3A_866 = arith.constant 1 : i32
        %while3A_867:2 = scf.for %while3A_868 = %while3A_863 to %while3A_859 step %while3A_866 iter_args(%while3A_869 = %while3A_865#0, %while3A_870 = %while3A_865#1) -> (vector<16xf32>, vector<16xi32>)  : i32 {
          %convert_element_type3A_871 = arith.sitofp %while3A_868 : i32 to f32
          %mul3A_872 = arith.mulf %convert_element_type3A_871, %scan3A_124 : f32
          %add3A_873 = arith.addf %mul3A_872, %while3A_429 : f32
          %mul3A_874 = arith.mulf %convert_element_type3A_871, %scan3A_124 : f32
          %add3A_875 = arith.addf %mul3A_874, %while3A_430 : f32
          %min3A_876 = arith.minimumf %add3A_875, %reduce_max3A_334 : f32
          %max3A_877 = arith.maximumf %add3A_873, %reduce_max3A_326 : f32
          %sub3A_878 = arith.subf %min3A_876, %max3A_877 : f32
          %max3A_879 = arith.constant 0.000000e+00 : f32
          %max3A_880 = arith.maximumf %sub3A_878, %max3A_879 : f32
          %broadcast_in_dim3A_881 = vector.broadcast %max3A_880 : f32 to vector<16xf32>
          %mul3A_882 = arith.mulf %select_n3A_849, %broadcast_in_dim3A_881 : vector<16xf32>
          %sub3A_883 = arith.subf %add3A_393, %mul3A_882 : vector<16xf32>
          %div3A_884 = arith.divf %mul3A_882, %sub3A_883 : vector<16xf32>
          %mul3A_885 = arith.constant 1080 : i32
          %mul3A_886 = arith.muli %while3A_868, %mul3A_885 : i32
          %broadcast_in_dim3A_887 = vector.broadcast %mul3A_886 : i32 to vector<16xi32>
          %add3A_888 = arith.addi %add3A_855, %broadcast_in_dim3A_887 : vector<16xi32>
          %gt3A = arith.cmpf ogt, %div3A_884, %while3A_869 : vector<16xf32>
          %eq3A_889 = arith.cmpf oeq, %div3A_884, %while3A_869 : vector<16xf32>
          %lt3A_890 = arith.cmpi slt, %add3A_888, %while3A_870 : vector<16xi32>
          %and3A = arith.andi %eq3A_889, %lt3A_890 : vector<16xi1>
          %or3A = arith.ori %gt3A, %and3A : vector<16xi1>
          %select_n3A_891 = arith.select %gt3A, %div3A_884, %while3A_869 : vector<16xi1>, vector<16xf32>
          %select_n3A_892 = arith.select %or3A, %add3A_888, %while3A_870 : vector<16xi1>, vector<16xi32>
          scf.yield %select_n3A_891, %select_n3A_892 : vector<16xf32>, vector<16xi32>
        }
        scf.yield %while3A_867#0, %while3A_867#1 : vector<16xf32>, vector<16xi32>
      }
      %broadcast_in_dim3A_442 = arith.constant 7.360000e+02 : f32
      %broadcast_in_dim3A_443 = vector.broadcast %broadcast_in_dim3A_442 : f32 to vector<16xf32>
      %broadcast_in_dim3A_444 = arith.constant 2.826240e+05 : f32
      %broadcast_in_dim3A_445 = vector.broadcast %broadcast_in_dim3A_444 : f32 to vector<16xf32>
      %add3A_446 = arith.addf %broadcast_in_dim3A_445, %get3A_318 : vector<16xf32>
      %sub3A_447 = arith.constant 3.760000e+02 : f32
      %sub3A_448 = arith.subf %reduce_max3A_322, %sub3A_447 : f32
      %mul3A_449 = arith.mulf %sub3A_448, %scan3A : f32
      %convert_element_type3A_450 = arith.fptosi %mul3A_449 : f32 to i32
      %max3A_451 = arith.constant 23 : i32
      %max3A_452 = arith.maxsi %convert_element_type3A_450, %max3A_451 : i32
      %sub3A_453 = arith.constant -3.600000e+02 : f32
      %sub3A_454 = arith.subf %reduce_max3A_330, %sub3A_453 : f32
      %mul3A_455 = arith.mulf %sub3A_454, %scan3A : f32
      %convert_element_type3A_456 = arith.fptosi %mul3A_455 : f32 to i32
      %add3A_457 = arith.constant 1 : i32
      %add3A_458 = arith.addi %convert_element_type3A_456, %add3A_457 : i32
      %min3A_459 = arith.minsi %add3A_458, %convert_element_type3A_36 : i32
      %sub3A_460 = arith.constant 2.000000e+02 : f32
      %sub3A_461 = arith.subf %reduce_max3A_326, %sub3A_460 : f32
      %mul3A_462 = arith.mulf %sub3A_461, %scan3A : f32
      %convert_element_type3A_463 = arith.fptosi %mul3A_462 : f32 to i32
      %max3A_464 = arith.constant 12 : i32
      %max3A_465 = arith.maxsi %convert_element_type3A_463, %max3A_464 : i32
      %sub3A_466 = arith.constant -1.840000e+02 : f32
      %sub3A_467 = arith.subf %reduce_max3A_334, %sub3A_466 : f32
      %mul3A_468 = arith.mulf %sub3A_467, %scan3A : f32
      %convert_element_type3A_469 = arith.fptosi %mul3A_468 : f32 to i32
      %add3A_470 = arith.constant 1 : i32
      %add3A_471 = arith.addi %convert_element_type3A_469, %add3A_470 : i32
      %min3A_472 = arith.minsi %add3A_471, %convert_element_type3A_81 : i32
      %sub3A_473 = arith.subi %min3A_459, %max3A_452 : i32
      %max3A_474 = arith.constant 0 : i32
      %max3A_475 = arith.maxsi %sub3A_473, %max3A_474 : i32
      %shift_right_logical3A_476 = arith.constant 4 : i32
      %shift_right_logical3A_477 = arith.shrui %max3A_475, %shift_right_logical3A_476 : i32
      %add3A_478 = arith.constant 1 : i32
      %add3A_479 = arith.addi %shift_right_logical3A_477, %add3A_478 : i32
      %broadcast_in_dim3A_480 = vector.broadcast %min3A_459 : i32 to vector<16xi32>
      %while3A_481 = arith.constant -3.600000e+02 : f32
      %while3A_482 = arith.constant -1.840000e+02 : f32
      %while3A_483 = arith.constant 2.000000e+02 : f32
      %while3A_484 = arith.constant 0 : i32
      %while3A_485 = arith.subi %add3A_479, %while3A_484 : i32
      %while3A_486 = arith.addi %while3A_484, %while3A_485 : i32
      %while3A_487 = arith.constant 1 : i32
      %while3A_488 = arith.divsi %while3A_485, %while3A_487 : i32
      %while3A_489 = arith.muli %while3A_488, %while3A_487 : i32
      %while3A_490 = arith.addi %while3A_484, %while3A_489 : i32
      %while3A_491 = arith.constant 1 : i32
      %while3A_492:2 = scf.for %while3A_831 = %while3A_484 to %while3A_490 step %while3A_491 iter_args(%while3A_832 = %while3A_441#0, %while3A_833 = %while3A_441#1) -> (vector<16xf32>, vector<16xi32>)  : i32 {
        %mul3A_834 = arith.constant 16 : i32
        %mul3A_835 = arith.muli %while3A_831, %mul3A_834 : i32
        %add3A_836 = arith.addi %max3A_452, %mul3A_835 : i32
        %convert_element_type3A_837 = arith.sitofp %add3A_836 : i32 to f32
        %mul3A_838 = arith.mulf %convert_element_type3A_837, %scan3A_124 : f32
        %add3A_839 = arith.addf %mul3A_838, %while3A_481 : f32
        %broadcast_in_dim3A_840 = vector.broadcast %add3A_839 : f32 to vector<16xf32>
        %add3A_841 = arith.addf %broadcast_in_dim3A_840, %mul3A_115 : vector<16xf32>
        %add3A_842 = arith.addf %add3A_841, %broadcast_in_dim3A_443 : vector<16xf32>
        %min3A_843 = arith.minimumf %add3A_842, %get3A_308 : vector<16xf32>
        %max3A_844 = arith.maximumf %add3A_841, %get3A_298 : vector<16xf32>
        %sub3A_845 = arith.subf %min3A_843, %max3A_844 : vector<16xf32>
        %max3A_846 = arith.maximumf %sub3A_845, %broadcast_in_dim3A_119 : vector<16xf32>
        %broadcast_in_dim3A_847 = vector.broadcast %add3A_836 : i32 to vector<16xi32>
        %add3A_848 = arith.addi %broadcast_in_dim3A_847, %iota3A : vector<16xi32>
        %le3A = arith.cmpi sle, %add3A_848, %broadcast_in_dim3A_480 : vector<16xi32>
        %select_n3A_849 = arith.select %le3A, %max3A_846, %broadcast_in_dim3A_119 : vector<16xi1>, vector<16xf32>
        %mul3A_850 = arith.constant 9 : i32
        %mul3A_851 = vector.broadcast %mul3A_850 : i32 to vector<16xi32>
        %mul3A_852 = arith.muli %add3A_848, %mul3A_851 : vector<16xi32>
        %add3A_853 = arith.constant 2 : i32
        %add3A_854 = vector.broadcast %add3A_853 : i32 to vector<16xi32>
        %add3A_855 = arith.addi %mul3A_852, %add3A_854 : vector<16xi32>
        %add3A_856 = arith.constant 1 : i32
        %add3A_857 = arith.addi %min3A_472, %add3A_856 : i32
        %while3A_858 = arith.subi %add3A_857, %max3A_465 : i32
        %while3A_859 = arith.addi %max3A_465, %while3A_858 : i32
        %while3A_860 = arith.constant 1 : i32
        %while3A_861 = arith.divsi %while3A_858, %while3A_860 : i32
        %while3A_862 = arith.muli %while3A_861, %while3A_860 : i32
        %while3A_863 = arith.addi %max3A_465, %while3A_862 : i32
        %while3A_864 = arith.constant 1 : i32
        %while3A_865:2 = scf.for %while3A_868 = %max3A_465 to %while3A_863 step %while3A_864 iter_args(%while3A_869 = %while3A_832, %while3A_870 = %while3A_833) -> (vector<16xf32>, vector<16xi32>)  : i32 {
          %convert_element_type3A_871 = arith.sitofp %while3A_868 : i32 to f32
          %mul3A_872 = arith.mulf %convert_element_type3A_871, %scan3A_124 : f32
          %add3A_873 = arith.addf %mul3A_872, %while3A_482 : f32
          %mul3A_874 = arith.mulf %convert_element_type3A_871, %scan3A_124 : f32
          %add3A_875 = arith.addf %mul3A_874, %while3A_483 : f32
          %min3A_876 = arith.minimumf %add3A_875, %reduce_max3A_334 : f32
          %max3A_877 = arith.maximumf %add3A_873, %reduce_max3A_326 : f32
          %sub3A_878 = arith.subf %min3A_876, %max3A_877 : f32
          %max3A_879 = arith.constant 0.000000e+00 : f32
          %max3A_880 = arith.maximumf %sub3A_878, %max3A_879 : f32
          %broadcast_in_dim3A_881 = vector.broadcast %max3A_880 : f32 to vector<16xf32>
          %mul3A_882 = arith.mulf %select_n3A_849, %broadcast_in_dim3A_881 : vector<16xf32>
          %sub3A_883 = arith.subf %add3A_446, %mul3A_882 : vector<16xf32>
          %div3A_884 = arith.divf %mul3A_882, %sub3A_883 : vector<16xf32>
          %mul3A_885 = arith.constant 1080 : i32
          %mul3A_886 = arith.muli %while3A_868, %mul3A_885 : i32
          %broadcast_in_dim3A_887 = vector.broadcast %mul3A_886 : i32 to vector<16xi32>
          %add3A_888 = arith.addi %add3A_855, %broadcast_in_dim3A_887 : vector<16xi32>
          %gt3A = arith.cmpf ogt, %div3A_884, %while3A_869 : vector<16xf32>
          %eq3A_889 = arith.cmpf oeq, %div3A_884, %while3A_869 : vector<16xf32>
          %lt3A_890 = arith.cmpi slt, %add3A_888, %while3A_870 : vector<16xi32>
          %and3A = arith.andi %eq3A_889, %lt3A_890 : vector<16xi1>
          %or3A = arith.ori %gt3A, %and3A : vector<16xi1>
          %select_n3A_891 = arith.select %gt3A, %div3A_884, %while3A_869 : vector<16xi1>, vector<16xf32>
          %select_n3A_892 = arith.select %or3A, %add3A_888, %while3A_870 : vector<16xi1>, vector<16xi32>
          scf.yield %select_n3A_891, %select_n3A_892 : vector<16xf32>, vector<16xi32>
        }
        %while3A_866 = arith.constant 1 : i32
        %while3A_867:2 = scf.for %while3A_868 = %while3A_863 to %while3A_859 step %while3A_866 iter_args(%while3A_869 = %while3A_865#0, %while3A_870 = %while3A_865#1) -> (vector<16xf32>, vector<16xi32>)  : i32 {
          %convert_element_type3A_871 = arith.sitofp %while3A_868 : i32 to f32
          %mul3A_872 = arith.mulf %convert_element_type3A_871, %scan3A_124 : f32
          %add3A_873 = arith.addf %mul3A_872, %while3A_482 : f32
          %mul3A_874 = arith.mulf %convert_element_type3A_871, %scan3A_124 : f32
          %add3A_875 = arith.addf %mul3A_874, %while3A_483 : f32
          %min3A_876 = arith.minimumf %add3A_875, %reduce_max3A_334 : f32
          %max3A_877 = arith.maximumf %add3A_873, %reduce_max3A_326 : f32
          %sub3A_878 = arith.subf %min3A_876, %max3A_877 : f32
          %max3A_879 = arith.constant 0.000000e+00 : f32
          %max3A_880 = arith.maximumf %sub3A_878, %max3A_879 : f32
          %broadcast_in_dim3A_881 = vector.broadcast %max3A_880 : f32 to vector<16xf32>
          %mul3A_882 = arith.mulf %select_n3A_849, %broadcast_in_dim3A_881 : vector<16xf32>
          %sub3A_883 = arith.subf %add3A_446, %mul3A_882 : vector<16xf32>
          %div3A_884 = arith.divf %mul3A_882, %sub3A_883 : vector<16xf32>
          %mul3A_885 = arith.constant 1080 : i32
          %mul3A_886 = arith.muli %while3A_868, %mul3A_885 : i32
          %broadcast_in_dim3A_887 = vector.broadcast %mul3A_886 : i32 to vector<16xi32>
          %add3A_888 = arith.addi %add3A_855, %broadcast_in_dim3A_887 : vector<16xi32>
          %gt3A = arith.cmpf ogt, %div3A_884, %while3A_869 : vector<16xf32>
          %eq3A_889 = arith.cmpf oeq, %div3A_884, %while3A_869 : vector<16xf32>
          %lt3A_890 = arith.cmpi slt, %add3A_888, %while3A_870 : vector<16xi32>
          %and3A = arith.andi %eq3A_889, %lt3A_890 : vector<16xi1>
          %or3A = arith.ori %gt3A, %and3A : vector<16xi1>
          %select_n3A_891 = arith.select %gt3A, %div3A_884, %while3A_869 : vector<16xi1>, vector<16xf32>
          %select_n3A_892 = arith.select %or3A, %add3A_888, %while3A_870 : vector<16xi1>, vector<16xi32>
          scf.yield %select_n3A_891, %select_n3A_892 : vector<16xf32>, vector<16xi32>
        }
        scf.yield %while3A_867#0, %while3A_867#1 : vector<16xf32>, vector<16xi32>
      }
      %while3A_493 = arith.constant 1 : i32
      %while3A_494:2 = scf.for %while3A_831 = %while3A_490 to %while3A_486 step %while3A_493 iter_args(%while3A_832 = %while3A_492#0, %while3A_833 = %while3A_492#1) -> (vector<16xf32>, vector<16xi32>)  : i32 {
        %mul3A_834 = arith.constant 16 : i32
        %mul3A_835 = arith.muli %while3A_831, %mul3A_834 : i32
        %add3A_836 = arith.addi %max3A_452, %mul3A_835 : i32
        %convert_element_type3A_837 = arith.sitofp %add3A_836 : i32 to f32
        %mul3A_838 = arith.mulf %convert_element_type3A_837, %scan3A_124 : f32
        %add3A_839 = arith.addf %mul3A_838, %while3A_481 : f32
        %broadcast_in_dim3A_840 = vector.broadcast %add3A_839 : f32 to vector<16xf32>
        %add3A_841 = arith.addf %broadcast_in_dim3A_840, %mul3A_115 : vector<16xf32>
        %add3A_842 = arith.addf %add3A_841, %broadcast_in_dim3A_443 : vector<16xf32>
        %min3A_843 = arith.minimumf %add3A_842, %get3A_308 : vector<16xf32>
        %max3A_844 = arith.maximumf %add3A_841, %get3A_298 : vector<16xf32>
        %sub3A_845 = arith.subf %min3A_843, %max3A_844 : vector<16xf32>
        %max3A_846 = arith.maximumf %sub3A_845, %broadcast_in_dim3A_119 : vector<16xf32>
        %broadcast_in_dim3A_847 = vector.broadcast %add3A_836 : i32 to vector<16xi32>
        %add3A_848 = arith.addi %broadcast_in_dim3A_847, %iota3A : vector<16xi32>
        %le3A = arith.cmpi sle, %add3A_848, %broadcast_in_dim3A_480 : vector<16xi32>
        %select_n3A_849 = arith.select %le3A, %max3A_846, %broadcast_in_dim3A_119 : vector<16xi1>, vector<16xf32>
        %mul3A_850 = arith.constant 9 : i32
        %mul3A_851 = vector.broadcast %mul3A_850 : i32 to vector<16xi32>
        %mul3A_852 = arith.muli %add3A_848, %mul3A_851 : vector<16xi32>
        %add3A_853 = arith.constant 2 : i32
        %add3A_854 = vector.broadcast %add3A_853 : i32 to vector<16xi32>
        %add3A_855 = arith.addi %mul3A_852, %add3A_854 : vector<16xi32>
        %add3A_856 = arith.constant 1 : i32
        %add3A_857 = arith.addi %min3A_472, %add3A_856 : i32
        %while3A_858 = arith.subi %add3A_857, %max3A_465 : i32
        %while3A_859 = arith.addi %max3A_465, %while3A_858 : i32
        %while3A_860 = arith.constant 1 : i32
        %while3A_861 = arith.divsi %while3A_858, %while3A_860 : i32
        %while3A_862 = arith.muli %while3A_861, %while3A_860 : i32
        %while3A_863 = arith.addi %max3A_465, %while3A_862 : i32
        %while3A_864 = arith.constant 1 : i32
        %while3A_865:2 = scf.for %while3A_868 = %max3A_465 to %while3A_863 step %while3A_864 iter_args(%while3A_869 = %while3A_832, %while3A_870 = %while3A_833) -> (vector<16xf32>, vector<16xi32>)  : i32 {
          %convert_element_type3A_871 = arith.sitofp %while3A_868 : i32 to f32
          %mul3A_872 = arith.mulf %convert_element_type3A_871, %scan3A_124 : f32
          %add3A_873 = arith.addf %mul3A_872, %while3A_482 : f32
          %mul3A_874 = arith.mulf %convert_element_type3A_871, %scan3A_124 : f32
          %add3A_875 = arith.addf %mul3A_874, %while3A_483 : f32
          %min3A_876 = arith.minimumf %add3A_875, %reduce_max3A_334 : f32
          %max3A_877 = arith.maximumf %add3A_873, %reduce_max3A_326 : f32
          %sub3A_878 = arith.subf %min3A_876, %max3A_877 : f32
          %max3A_879 = arith.constant 0.000000e+00 : f32
          %max3A_880 = arith.maximumf %sub3A_878, %max3A_879 : f32
          %broadcast_in_dim3A_881 = vector.broadcast %max3A_880 : f32 to vector<16xf32>
          %mul3A_882 = arith.mulf %select_n3A_849, %broadcast_in_dim3A_881 : vector<16xf32>
          %sub3A_883 = arith.subf %add3A_446, %mul3A_882 : vector<16xf32>
          %div3A_884 = arith.divf %mul3A_882, %sub3A_883 : vector<16xf32>
          %mul3A_885 = arith.constant 1080 : i32
          %mul3A_886 = arith.muli %while3A_868, %mul3A_885 : i32
          %broadcast_in_dim3A_887 = vector.broadcast %mul3A_886 : i32 to vector<16xi32>
          %add3A_888 = arith.addi %add3A_855, %broadcast_in_dim3A_887 : vector<16xi32>
          %gt3A = arith.cmpf ogt, %div3A_884, %while3A_869 : vector<16xf32>
          %eq3A_889 = arith.cmpf oeq, %div3A_884, %while3A_869 : vector<16xf32>
          %lt3A_890 = arith.cmpi slt, %add3A_888, %while3A_870 : vector<16xi32>
          %and3A = arith.andi %eq3A_889, %lt3A_890 : vector<16xi1>
          %or3A = arith.ori %gt3A, %and3A : vector<16xi1>
          %select_n3A_891 = arith.select %gt3A, %div3A_884, %while3A_869 : vector<16xi1>, vector<16xf32>
          %select_n3A_892 = arith.select %or3A, %add3A_888, %while3A_870 : vector<16xi1>, vector<16xi32>
          scf.yield %select_n3A_891, %select_n3A_892 : vector<16xf32>, vector<16xi32>
        }
        %while3A_866 = arith.constant 1 : i32
        %while3A_867:2 = scf.for %while3A_868 = %while3A_863 to %while3A_859 step %while3A_866 iter_args(%while3A_869 = %while3A_865#0, %while3A_870 = %while3A_865#1) -> (vector<16xf32>, vector<16xi32>)  : i32 {
          %convert_element_type3A_871 = arith.sitofp %while3A_868 : i32 to f32
          %mul3A_872 = arith.mulf %convert_element_type3A_871, %scan3A_124 : f32
          %add3A_873 = arith.addf %mul3A_872, %while3A_482 : f32
          %mul3A_874 = arith.mulf %convert_element_type3A_871, %scan3A_124 : f32
          %add3A_875 = arith.addf %mul3A_874, %while3A_483 : f32
          %min3A_876 = arith.minimumf %add3A_875, %reduce_max3A_334 : f32
          %max3A_877 = arith.maximumf %add3A_873, %reduce_max3A_326 : f32
          %sub3A_878 = arith.subf %min3A_876, %max3A_877 : f32
          %max3A_879 = arith.constant 0.000000e+00 : f32
          %max3A_880 = arith.maximumf %sub3A_878, %max3A_879 : f32
          %broadcast_in_dim3A_881 = vector.broadcast %max3A_880 : f32 to vector<16xf32>
          %mul3A_882 = arith.mulf %select_n3A_849, %broadcast_in_dim3A_881 : vector<16xf32>
          %sub3A_883 = arith.subf %add3A_446, %mul3A_882 : vector<16xf32>
          %div3A_884 = arith.divf %mul3A_882, %sub3A_883 : vector<16xf32>
          %mul3A_885 = arith.constant 1080 : i32
          %mul3A_886 = arith.muli %while3A_868, %mul3A_885 : i32
          %broadcast_in_dim3A_887 = vector.broadcast %mul3A_886 : i32 to vector<16xi32>
          %add3A_888 = arith.addi %add3A_855, %broadcast_in_dim3A_887 : vector<16xi32>
          %gt3A = arith.cmpf ogt, %div3A_884, %while3A_869 : vector<16xf32>
          %eq3A_889 = arith.cmpf oeq, %div3A_884, %while3A_869 : vector<16xf32>
          %lt3A_890 = arith.cmpi slt, %add3A_888, %while3A_870 : vector<16xi32>
          %and3A = arith.andi %eq3A_889, %lt3A_890 : vector<16xi1>
          %or3A = arith.ori %gt3A, %and3A : vector<16xi1>
          %select_n3A_891 = arith.select %gt3A, %div3A_884, %while3A_869 : vector<16xi1>, vector<16xf32>
          %select_n3A_892 = arith.select %or3A, %add3A_888, %while3A_870 : vector<16xi1>, vector<16xi32>
          scf.yield %select_n3A_891, %select_n3A_892 : vector<16xf32>, vector<16xi32>
        }
        scf.yield %while3A_867#0, %while3A_867#1 : vector<16xf32>, vector<16xi32>
      }
      %broadcast_in_dim3A_495 = arith.constant 1.280000e+02 : f32
      %broadcast_in_dim3A_496 = vector.broadcast %broadcast_in_dim3A_495 : f32 to vector<16xf32>
      %broadcast_in_dim3A_497 = arith.constant 1.638400e+04 : f32
      %broadcast_in_dim3A_498 = vector.broadcast %broadcast_in_dim3A_497 : f32 to vector<16xf32>
      %add3A_499 = arith.addf %broadcast_in_dim3A_498, %get3A_318 : vector<16xf32>
      %sub3A_500 = arith.constant 7.200000e+01 : f32
      %sub3A_501 = arith.subf %reduce_max3A_322, %sub3A_500 : f32
      %mul3A_502 = arith.mulf %sub3A_501, %scan3A : f32
      %convert_element_type3A_503 = arith.fptosi %mul3A_502 : f32 to i32
      %max3A_504 = arith.constant 4 : i32
      %max3A_505 = arith.maxsi %convert_element_type3A_503, %max3A_504 : i32
      %sub3A_506 = arith.constant -5.600000e+01 : f32
      %sub3A_507 = arith.subf %reduce_max3A_330, %sub3A_506 : f32
      %mul3A_508 = arith.mulf %sub3A_507, %scan3A : f32
      %convert_element_type3A_509 = arith.fptosi %mul3A_508 : f32 to i32
      %add3A_510 = arith.constant 1 : i32
      %add3A_511 = arith.addi %convert_element_type3A_509, %add3A_510 : i32
      %min3A_512 = arith.minsi %add3A_511, %convert_element_type3A_41 : i32
      %sub3A_513 = arith.constant 7.200000e+01 : f32
      %sub3A_514 = arith.subf %reduce_max3A_326, %sub3A_513 : f32
      %mul3A_515 = arith.mulf %sub3A_514, %scan3A : f32
      %convert_element_type3A_516 = arith.fptosi %mul3A_515 : f32 to i32
      %max3A_517 = arith.constant 4 : i32
      %max3A_518 = arith.maxsi %convert_element_type3A_516, %max3A_517 : i32
      %sub3A_519 = arith.constant -5.600000e+01 : f32
      %sub3A_520 = arith.subf %reduce_max3A_334, %sub3A_519 : f32
      %mul3A_521 = arith.mulf %sub3A_520, %scan3A : f32
      %convert_element_type3A_522 = arith.fptosi %mul3A_521 : f32 to i32
      %add3A_523 = arith.constant 1 : i32
      %add3A_524 = arith.addi %convert_element_type3A_522, %add3A_523 : i32
      %min3A_525 = arith.minsi %add3A_524, %convert_element_type3A_86 : i32
      %sub3A_526 = arith.subi %min3A_512, %max3A_505 : i32
      %max3A_527 = arith.constant 0 : i32
      %max3A_528 = arith.maxsi %sub3A_526, %max3A_527 : i32
      %shift_right_logical3A_529 = arith.constant 4 : i32
      %shift_right_logical3A_530 = arith.shrui %max3A_528, %shift_right_logical3A_529 : i32
      %add3A_531 = arith.constant 1 : i32
      %add3A_532 = arith.addi %shift_right_logical3A_530, %add3A_531 : i32
      %broadcast_in_dim3A_533 = vector.broadcast %min3A_512 : i32 to vector<16xi32>
      %while3A_534 = arith.constant -5.600000e+01 : f32
      %while3A_535 = arith.constant -5.600000e+01 : f32
      %while3A_536 = arith.constant 7.200000e+01 : f32
      %while3A_537 = arith.constant 0 : i32
      %while3A_538 = arith.subi %add3A_532, %while3A_537 : i32
      %while3A_539 = arith.addi %while3A_537, %while3A_538 : i32
      %while3A_540 = arith.constant 1 : i32
      %while3A_541 = arith.divsi %while3A_538, %while3A_540 : i32
      %while3A_542 = arith.muli %while3A_541, %while3A_540 : i32
      %while3A_543 = arith.addi %while3A_537, %while3A_542 : i32
      %while3A_544 = arith.constant 1 : i32
      %while3A_545:2 = scf.for %while3A_831 = %while3A_537 to %while3A_543 step %while3A_544 iter_args(%while3A_832 = %while3A_494#0, %while3A_833 = %while3A_494#1) -> (vector<16xf32>, vector<16xi32>)  : i32 {
        %mul3A_834 = arith.constant 16 : i32
        %mul3A_835 = arith.muli %while3A_831, %mul3A_834 : i32
        %add3A_836 = arith.addi %max3A_505, %mul3A_835 : i32
        %convert_element_type3A_837 = arith.sitofp %add3A_836 : i32 to f32
        %mul3A_838 = arith.mulf %convert_element_type3A_837, %scan3A_124 : f32
        %add3A_839 = arith.addf %mul3A_838, %while3A_534 : f32
        %broadcast_in_dim3A_840 = vector.broadcast %add3A_839 : f32 to vector<16xf32>
        %add3A_841 = arith.addf %broadcast_in_dim3A_840, %mul3A_115 : vector<16xf32>
        %add3A_842 = arith.addf %add3A_841, %broadcast_in_dim3A_496 : vector<16xf32>
        %min3A_843 = arith.minimumf %add3A_842, %get3A_308 : vector<16xf32>
        %max3A_844 = arith.maximumf %add3A_841, %get3A_298 : vector<16xf32>
        %sub3A_845 = arith.subf %min3A_843, %max3A_844 : vector<16xf32>
        %max3A_846 = arith.maximumf %sub3A_845, %broadcast_in_dim3A_119 : vector<16xf32>
        %broadcast_in_dim3A_847 = vector.broadcast %add3A_836 : i32 to vector<16xi32>
        %add3A_848 = arith.addi %broadcast_in_dim3A_847, %iota3A : vector<16xi32>
        %le3A = arith.cmpi sle, %add3A_848, %broadcast_in_dim3A_533 : vector<16xi32>
        %select_n3A_849 = arith.select %le3A, %max3A_846, %broadcast_in_dim3A_119 : vector<16xi1>, vector<16xf32>
        %mul3A_850 = arith.constant 9 : i32
        %mul3A_851 = vector.broadcast %mul3A_850 : i32 to vector<16xi32>
        %mul3A_852 = arith.muli %add3A_848, %mul3A_851 : vector<16xi32>
        %add3A_853 = arith.constant 3 : i32
        %add3A_854 = vector.broadcast %add3A_853 : i32 to vector<16xi32>
        %add3A_855 = arith.addi %mul3A_852, %add3A_854 : vector<16xi32>
        %add3A_856 = arith.constant 1 : i32
        %add3A_857 = arith.addi %min3A_525, %add3A_856 : i32
        %while3A_858 = arith.subi %add3A_857, %max3A_518 : i32
        %while3A_859 = arith.addi %max3A_518, %while3A_858 : i32
        %while3A_860 = arith.constant 1 : i32
        %while3A_861 = arith.divsi %while3A_858, %while3A_860 : i32
        %while3A_862 = arith.muli %while3A_861, %while3A_860 : i32
        %while3A_863 = arith.addi %max3A_518, %while3A_862 : i32
        %while3A_864 = arith.constant 1 : i32
        %while3A_865:2 = scf.for %while3A_868 = %max3A_518 to %while3A_863 step %while3A_864 iter_args(%while3A_869 = %while3A_832, %while3A_870 = %while3A_833) -> (vector<16xf32>, vector<16xi32>)  : i32 {
          %convert_element_type3A_871 = arith.sitofp %while3A_868 : i32 to f32
          %mul3A_872 = arith.mulf %convert_element_type3A_871, %scan3A_124 : f32
          %add3A_873 = arith.addf %mul3A_872, %while3A_535 : f32
          %mul3A_874 = arith.mulf %convert_element_type3A_871, %scan3A_124 : f32
          %add3A_875 = arith.addf %mul3A_874, %while3A_536 : f32
          %min3A_876 = arith.minimumf %add3A_875, %reduce_max3A_334 : f32
          %max3A_877 = arith.maximumf %add3A_873, %reduce_max3A_326 : f32
          %sub3A_878 = arith.subf %min3A_876, %max3A_877 : f32
          %max3A_879 = arith.constant 0.000000e+00 : f32
          %max3A_880 = arith.maximumf %sub3A_878, %max3A_879 : f32
          %broadcast_in_dim3A_881 = vector.broadcast %max3A_880 : f32 to vector<16xf32>
          %mul3A_882 = arith.mulf %select_n3A_849, %broadcast_in_dim3A_881 : vector<16xf32>
          %sub3A_883 = arith.subf %add3A_499, %mul3A_882 : vector<16xf32>
          %div3A_884 = arith.divf %mul3A_882, %sub3A_883 : vector<16xf32>
          %mul3A_885 = arith.constant 1080 : i32
          %mul3A_886 = arith.muli %while3A_868, %mul3A_885 : i32
          %broadcast_in_dim3A_887 = vector.broadcast %mul3A_886 : i32 to vector<16xi32>
          %add3A_888 = arith.addi %add3A_855, %broadcast_in_dim3A_887 : vector<16xi32>
          %gt3A = arith.cmpf ogt, %div3A_884, %while3A_869 : vector<16xf32>
          %eq3A_889 = arith.cmpf oeq, %div3A_884, %while3A_869 : vector<16xf32>
          %lt3A_890 = arith.cmpi slt, %add3A_888, %while3A_870 : vector<16xi32>
          %and3A = arith.andi %eq3A_889, %lt3A_890 : vector<16xi1>
          %or3A = arith.ori %gt3A, %and3A : vector<16xi1>
          %select_n3A_891 = arith.select %gt3A, %div3A_884, %while3A_869 : vector<16xi1>, vector<16xf32>
          %select_n3A_892 = arith.select %or3A, %add3A_888, %while3A_870 : vector<16xi1>, vector<16xi32>
          scf.yield %select_n3A_891, %select_n3A_892 : vector<16xf32>, vector<16xi32>
        }
        %while3A_866 = arith.constant 1 : i32
        %while3A_867:2 = scf.for %while3A_868 = %while3A_863 to %while3A_859 step %while3A_866 iter_args(%while3A_869 = %while3A_865#0, %while3A_870 = %while3A_865#1) -> (vector<16xf32>, vector<16xi32>)  : i32 {
          %convert_element_type3A_871 = arith.sitofp %while3A_868 : i32 to f32
          %mul3A_872 = arith.mulf %convert_element_type3A_871, %scan3A_124 : f32
          %add3A_873 = arith.addf %mul3A_872, %while3A_535 : f32
          %mul3A_874 = arith.mulf %convert_element_type3A_871, %scan3A_124 : f32
          %add3A_875 = arith.addf %mul3A_874, %while3A_536 : f32
          %min3A_876 = arith.minimumf %add3A_875, %reduce_max3A_334 : f32
          %max3A_877 = arith.maximumf %add3A_873, %reduce_max3A_326 : f32
          %sub3A_878 = arith.subf %min3A_876, %max3A_877 : f32
          %max3A_879 = arith.constant 0.000000e+00 : f32
          %max3A_880 = arith.maximumf %sub3A_878, %max3A_879 : f32
          %broadcast_in_dim3A_881 = vector.broadcast %max3A_880 : f32 to vector<16xf32>
          %mul3A_882 = arith.mulf %select_n3A_849, %broadcast_in_dim3A_881 : vector<16xf32>
          %sub3A_883 = arith.subf %add3A_499, %mul3A_882 : vector<16xf32>
          %div3A_884 = arith.divf %mul3A_882, %sub3A_883 : vector<16xf32>
          %mul3A_885 = arith.constant 1080 : i32
          %mul3A_886 = arith.muli %while3A_868, %mul3A_885 : i32
          %broadcast_in_dim3A_887 = vector.broadcast %mul3A_886 : i32 to vector<16xi32>
          %add3A_888 = arith.addi %add3A_855, %broadcast_in_dim3A_887 : vector<16xi32>
          %gt3A = arith.cmpf ogt, %div3A_884, %while3A_869 : vector<16xf32>
          %eq3A_889 = arith.cmpf oeq, %div3A_884, %while3A_869 : vector<16xf32>
          %lt3A_890 = arith.cmpi slt, %add3A_888, %while3A_870 : vector<16xi32>
          %and3A = arith.andi %eq3A_889, %lt3A_890 : vector<16xi1>
          %or3A = arith.ori %gt3A, %and3A : vector<16xi1>
          %select_n3A_891 = arith.select %gt3A, %div3A_884, %while3A_869 : vector<16xi1>, vector<16xf32>
          %select_n3A_892 = arith.select %or3A, %add3A_888, %while3A_870 : vector<16xi1>, vector<16xi32>
          scf.yield %select_n3A_891, %select_n3A_892 : vector<16xf32>, vector<16xi32>
        }
        scf.yield %while3A_867#0, %while3A_867#1 : vector<16xf32>, vector<16xi32>
      }
      %while3A_546 = arith.constant 1 : i32
      %while3A_547:2 = scf.for %while3A_831 = %while3A_543 to %while3A_539 step %while3A_546 iter_args(%while3A_832 = %while3A_545#0, %while3A_833 = %while3A_545#1) -> (vector<16xf32>, vector<16xi32>)  : i32 {
        %mul3A_834 = arith.constant 16 : i32
        %mul3A_835 = arith.muli %while3A_831, %mul3A_834 : i32
        %add3A_836 = arith.addi %max3A_505, %mul3A_835 : i32
        %convert_element_type3A_837 = arith.sitofp %add3A_836 : i32 to f32
        %mul3A_838 = arith.mulf %convert_element_type3A_837, %scan3A_124 : f32
        %add3A_839 = arith.addf %mul3A_838, %while3A_534 : f32
        %broadcast_in_dim3A_840 = vector.broadcast %add3A_839 : f32 to vector<16xf32>
        %add3A_841 = arith.addf %broadcast_in_dim3A_840, %mul3A_115 : vector<16xf32>
        %add3A_842 = arith.addf %add3A_841, %broadcast_in_dim3A_496 : vector<16xf32>
        %min3A_843 = arith.minimumf %add3A_842, %get3A_308 : vector<16xf32>
        %max3A_844 = arith.maximumf %add3A_841, %get3A_298 : vector<16xf32>
        %sub3A_845 = arith.subf %min3A_843, %max3A_844 : vector<16xf32>
        %max3A_846 = arith.maximumf %sub3A_845, %broadcast_in_dim3A_119 : vector<16xf32>
        %broadcast_in_dim3A_847 = vector.broadcast %add3A_836 : i32 to vector<16xi32>
        %add3A_848 = arith.addi %broadcast_in_dim3A_847, %iota3A : vector<16xi32>
        %le3A = arith.cmpi sle, %add3A_848, %broadcast_in_dim3A_533 : vector<16xi32>
        %select_n3A_849 = arith.select %le3A, %max3A_846, %broadcast_in_dim3A_119 : vector<16xi1>, vector<16xf32>
        %mul3A_850 = arith.constant 9 : i32
        %mul3A_851 = vector.broadcast %mul3A_850 : i32 to vector<16xi32>
        %mul3A_852 = arith.muli %add3A_848, %mul3A_851 : vector<16xi32>
        %add3A_853 = arith.constant 3 : i32
        %add3A_854 = vector.broadcast %add3A_853 : i32 to vector<16xi32>
        %add3A_855 = arith.addi %mul3A_852, %add3A_854 : vector<16xi32>
        %add3A_856 = arith.constant 1 : i32
        %add3A_857 = arith.addi %min3A_525, %add3A_856 : i32
        %while3A_858 = arith.subi %add3A_857, %max3A_518 : i32
        %while3A_859 = arith.addi %max3A_518, %while3A_858 : i32
        %while3A_860 = arith.constant 1 : i32
        %while3A_861 = arith.divsi %while3A_858, %while3A_860 : i32
        %while3A_862 = arith.muli %while3A_861, %while3A_860 : i32
        %while3A_863 = arith.addi %max3A_518, %while3A_862 : i32
        %while3A_864 = arith.constant 1 : i32
        %while3A_865:2 = scf.for %while3A_868 = %max3A_518 to %while3A_863 step %while3A_864 iter_args(%while3A_869 = %while3A_832, %while3A_870 = %while3A_833) -> (vector<16xf32>, vector<16xi32>)  : i32 {
          %convert_element_type3A_871 = arith.sitofp %while3A_868 : i32 to f32
          %mul3A_872 = arith.mulf %convert_element_type3A_871, %scan3A_124 : f32
          %add3A_873 = arith.addf %mul3A_872, %while3A_535 : f32
          %mul3A_874 = arith.mulf %convert_element_type3A_871, %scan3A_124 : f32
          %add3A_875 = arith.addf %mul3A_874, %while3A_536 : f32
          %min3A_876 = arith.minimumf %add3A_875, %reduce_max3A_334 : f32
          %max3A_877 = arith.maximumf %add3A_873, %reduce_max3A_326 : f32
          %sub3A_878 = arith.subf %min3A_876, %max3A_877 : f32
          %max3A_879 = arith.constant 0.000000e+00 : f32
          %max3A_880 = arith.maximumf %sub3A_878, %max3A_879 : f32
          %broadcast_in_dim3A_881 = vector.broadcast %max3A_880 : f32 to vector<16xf32>
          %mul3A_882 = arith.mulf %select_n3A_849, %broadcast_in_dim3A_881 : vector<16xf32>
          %sub3A_883 = arith.subf %add3A_499, %mul3A_882 : vector<16xf32>
          %div3A_884 = arith.divf %mul3A_882, %sub3A_883 : vector<16xf32>
          %mul3A_885 = arith.constant 1080 : i32
          %mul3A_886 = arith.muli %while3A_868, %mul3A_885 : i32
          %broadcast_in_dim3A_887 = vector.broadcast %mul3A_886 : i32 to vector<16xi32>
          %add3A_888 = arith.addi %add3A_855, %broadcast_in_dim3A_887 : vector<16xi32>
          %gt3A = arith.cmpf ogt, %div3A_884, %while3A_869 : vector<16xf32>
          %eq3A_889 = arith.cmpf oeq, %div3A_884, %while3A_869 : vector<16xf32>
          %lt3A_890 = arith.cmpi slt, %add3A_888, %while3A_870 : vector<16xi32>
          %and3A = arith.andi %eq3A_889, %lt3A_890 : vector<16xi1>
          %or3A = arith.ori %gt3A, %and3A : vector<16xi1>
          %select_n3A_891 = arith.select %gt3A, %div3A_884, %while3A_869 : vector<16xi1>, vector<16xf32>
          %select_n3A_892 = arith.select %or3A, %add3A_888, %while3A_870 : vector<16xi1>, vector<16xi32>
          scf.yield %select_n3A_891, %select_n3A_892 : vector<16xf32>, vector<16xi32>
        }
        %while3A_866 = arith.constant 1 : i32
        %while3A_867:2 = scf.for %while3A_868 = %while3A_863 to %while3A_859 step %while3A_866 iter_args(%while3A_869 = %while3A_865#0, %while3A_870 = %while3A_865#1) -> (vector<16xf32>, vector<16xi32>)  : i32 {
          %convert_element_type3A_871 = arith.sitofp %while3A_868 : i32 to f32
          %mul3A_872 = arith.mulf %convert_element_type3A_871, %scan3A_124 : f32
          %add3A_873 = arith.addf %mul3A_872, %while3A_535 : f32
          %mul3A_874 = arith.mulf %convert_element_type3A_871, %scan3A_124 : f32
          %add3A_875 = arith.addf %mul3A_874, %while3A_536 : f32
          %min3A_876 = arith.minimumf %add3A_875, %reduce_max3A_334 : f32
          %max3A_877 = arith.maximumf %add3A_873, %reduce_max3A_326 : f32
          %sub3A_878 = arith.subf %min3A_876, %max3A_877 : f32
          %max3A_879 = arith.constant 0.000000e+00 : f32
          %max3A_880 = arith.maximumf %sub3A_878, %max3A_879 : f32
          %broadcast_in_dim3A_881 = vector.broadcast %max3A_880 : f32 to vector<16xf32>
          %mul3A_882 = arith.mulf %select_n3A_849, %broadcast_in_dim3A_881 : vector<16xf32>
          %sub3A_883 = arith.subf %add3A_499, %mul3A_882 : vector<16xf32>
          %div3A_884 = arith.divf %mul3A_882, %sub3A_883 : vector<16xf32>
          %mul3A_885 = arith.constant 1080 : i32
          %mul3A_886 = arith.muli %while3A_868, %mul3A_885 : i32
          %broadcast_in_dim3A_887 = vector.broadcast %mul3A_886 : i32 to vector<16xi32>
          %add3A_888 = arith.addi %add3A_855, %broadcast_in_dim3A_887 : vector<16xi32>
          %gt3A = arith.cmpf ogt, %div3A_884, %while3A_869 : vector<16xf32>
          %eq3A_889 = arith.cmpf oeq, %div3A_884, %while3A_869 : vector<16xf32>
          %lt3A_890 = arith.cmpi slt, %add3A_888, %while3A_870 : vector<16xi32>
          %and3A = arith.andi %eq3A_889, %lt3A_890 : vector<16xi1>
          %or3A = arith.ori %gt3A, %and3A : vector<16xi1>
          %select_n3A_891 = arith.select %gt3A, %div3A_884, %while3A_869 : vector<16xi1>, vector<16xf32>
          %select_n3A_892 = arith.select %or3A, %add3A_888, %while3A_870 : vector<16xi1>, vector<16xi32>
          scf.yield %select_n3A_891, %select_n3A_892 : vector<16xf32>, vector<16xi32>
        }
        scf.yield %while3A_867#0, %while3A_867#1 : vector<16xf32>, vector<16xi32>
      }
      %broadcast_in_dim3A_548 = arith.constant 2.560000e+02 : f32
      %broadcast_in_dim3A_549 = vector.broadcast %broadcast_in_dim3A_548 : f32 to vector<16xf32>
      %broadcast_in_dim3A_550 = arith.constant 6.553600e+04 : f32
      %broadcast_in_dim3A_551 = vector.broadcast %broadcast_in_dim3A_550 : f32 to vector<16xf32>
      %add3A_552 = arith.addf %broadcast_in_dim3A_551, %get3A_318 : vector<16xf32>
      %sub3A_553 = arith.constant 1.360000e+02 : f32
      %sub3A_554 = arith.subf %reduce_max3A_322, %sub3A_553 : f32
      %mul3A_555 = arith.mulf %sub3A_554, %scan3A : f32
      %convert_element_type3A_556 = arith.fptosi %mul3A_555 : f32 to i32
      %max3A_557 = arith.constant 8 : i32
      %max3A_558 = arith.maxsi %convert_element_type3A_556, %max3A_557 : i32
      %sub3A_559 = arith.constant -1.200000e+02 : f32
      %sub3A_560 = arith.subf %reduce_max3A_330, %sub3A_559 : f32
      %mul3A_561 = arith.mulf %sub3A_560, %scan3A : f32
      %convert_element_type3A_562 = arith.fptosi %mul3A_561 : f32 to i32
      %add3A_563 = arith.constant 1 : i32
      %add3A_564 = arith.addi %convert_element_type3A_562, %add3A_563 : i32
      %min3A_565 = arith.minsi %add3A_564, %convert_element_type3A_46 : i32
      %sub3A_566 = arith.constant 1.360000e+02 : f32
      %sub3A_567 = arith.subf %reduce_max3A_326, %sub3A_566 : f32
      %mul3A_568 = arith.mulf %sub3A_567, %scan3A : f32
      %convert_element_type3A_569 = arith.fptosi %mul3A_568 : f32 to i32
      %max3A_570 = arith.constant 8 : i32
      %max3A_571 = arith.maxsi %convert_element_type3A_569, %max3A_570 : i32
      %sub3A_572 = arith.constant -1.200000e+02 : f32
      %sub3A_573 = arith.subf %reduce_max3A_334, %sub3A_572 : f32
      %mul3A_574 = arith.mulf %sub3A_573, %scan3A : f32
      %convert_element_type3A_575 = arith.fptosi %mul3A_574 : f32 to i32
      %add3A_576 = arith.constant 1 : i32
      %add3A_577 = arith.addi %convert_element_type3A_575, %add3A_576 : i32
      %min3A_578 = arith.minsi %add3A_577, %convert_element_type3A_91 : i32
      %sub3A_579 = arith.subi %min3A_565, %max3A_558 : i32
      %max3A_580 = arith.constant 0 : i32
      %max3A_581 = arith.maxsi %sub3A_579, %max3A_580 : i32
      %shift_right_logical3A_582 = arith.constant 4 : i32
      %shift_right_logical3A_583 = arith.shrui %max3A_581, %shift_right_logical3A_582 : i32
      %add3A_584 = arith.constant 1 : i32
      %add3A_585 = arith.addi %shift_right_logical3A_583, %add3A_584 : i32
      %broadcast_in_dim3A_586 = vector.broadcast %min3A_565 : i32 to vector<16xi32>
      %while3A_587 = arith.constant -1.200000e+02 : f32
      %while3A_588 = arith.constant -1.200000e+02 : f32
      %while3A_589 = arith.constant 1.360000e+02 : f32
      %while3A_590 = arith.constant 0 : i32
      %while3A_591 = arith.subi %add3A_585, %while3A_590 : i32
      %while3A_592 = arith.addi %while3A_590, %while3A_591 : i32
      %while3A_593 = arith.constant 1 : i32
      %while3A_594 = arith.divsi %while3A_591, %while3A_593 : i32
      %while3A_595 = arith.muli %while3A_594, %while3A_593 : i32
      %while3A_596 = arith.addi %while3A_590, %while3A_595 : i32
      %while3A_597 = arith.constant 1 : i32
      %while3A_598:2 = scf.for %while3A_831 = %while3A_590 to %while3A_596 step %while3A_597 iter_args(%while3A_832 = %while3A_547#0, %while3A_833 = %while3A_547#1) -> (vector<16xf32>, vector<16xi32>)  : i32 {
        %mul3A_834 = arith.constant 16 : i32
        %mul3A_835 = arith.muli %while3A_831, %mul3A_834 : i32
        %add3A_836 = arith.addi %max3A_558, %mul3A_835 : i32
        %convert_element_type3A_837 = arith.sitofp %add3A_836 : i32 to f32
        %mul3A_838 = arith.mulf %convert_element_type3A_837, %scan3A_124 : f32
        %add3A_839 = arith.addf %mul3A_838, %while3A_587 : f32
        %broadcast_in_dim3A_840 = vector.broadcast %add3A_839 : f32 to vector<16xf32>
        %add3A_841 = arith.addf %broadcast_in_dim3A_840, %mul3A_115 : vector<16xf32>
        %add3A_842 = arith.addf %add3A_841, %broadcast_in_dim3A_549 : vector<16xf32>
        %min3A_843 = arith.minimumf %add3A_842, %get3A_308 : vector<16xf32>
        %max3A_844 = arith.maximumf %add3A_841, %get3A_298 : vector<16xf32>
        %sub3A_845 = arith.subf %min3A_843, %max3A_844 : vector<16xf32>
        %max3A_846 = arith.maximumf %sub3A_845, %broadcast_in_dim3A_119 : vector<16xf32>
        %broadcast_in_dim3A_847 = vector.broadcast %add3A_836 : i32 to vector<16xi32>
        %add3A_848 = arith.addi %broadcast_in_dim3A_847, %iota3A : vector<16xi32>
        %le3A = arith.cmpi sle, %add3A_848, %broadcast_in_dim3A_586 : vector<16xi32>
        %select_n3A_849 = arith.select %le3A, %max3A_846, %broadcast_in_dim3A_119 : vector<16xi1>, vector<16xf32>
        %mul3A_850 = arith.constant 9 : i32
        %mul3A_851 = vector.broadcast %mul3A_850 : i32 to vector<16xi32>
        %mul3A_852 = arith.muli %add3A_848, %mul3A_851 : vector<16xi32>
        %add3A_853 = arith.constant 4 : i32
        %add3A_854 = vector.broadcast %add3A_853 : i32 to vector<16xi32>
        %add3A_855 = arith.addi %mul3A_852, %add3A_854 : vector<16xi32>
        %add3A_856 = arith.constant 1 : i32
        %add3A_857 = arith.addi %min3A_578, %add3A_856 : i32
        %while3A_858 = arith.subi %add3A_857, %max3A_571 : i32
        %while3A_859 = arith.addi %max3A_571, %while3A_858 : i32
        %while3A_860 = arith.constant 1 : i32
        %while3A_861 = arith.divsi %while3A_858, %while3A_860 : i32
        %while3A_862 = arith.muli %while3A_861, %while3A_860 : i32
        %while3A_863 = arith.addi %max3A_571, %while3A_862 : i32
        %while3A_864 = arith.constant 1 : i32
        %while3A_865:2 = scf.for %while3A_868 = %max3A_571 to %while3A_863 step %while3A_864 iter_args(%while3A_869 = %while3A_832, %while3A_870 = %while3A_833) -> (vector<16xf32>, vector<16xi32>)  : i32 {
          %convert_element_type3A_871 = arith.sitofp %while3A_868 : i32 to f32
          %mul3A_872 = arith.mulf %convert_element_type3A_871, %scan3A_124 : f32
          %add3A_873 = arith.addf %mul3A_872, %while3A_588 : f32
          %mul3A_874 = arith.mulf %convert_element_type3A_871, %scan3A_124 : f32
          %add3A_875 = arith.addf %mul3A_874, %while3A_589 : f32
          %min3A_876 = arith.minimumf %add3A_875, %reduce_max3A_334 : f32
          %max3A_877 = arith.maximumf %add3A_873, %reduce_max3A_326 : f32
          %sub3A_878 = arith.subf %min3A_876, %max3A_877 : f32
          %max3A_879 = arith.constant 0.000000e+00 : f32
          %max3A_880 = arith.maximumf %sub3A_878, %max3A_879 : f32
          %broadcast_in_dim3A_881 = vector.broadcast %max3A_880 : f32 to vector<16xf32>
          %mul3A_882 = arith.mulf %select_n3A_849, %broadcast_in_dim3A_881 : vector<16xf32>
          %sub3A_883 = arith.subf %add3A_552, %mul3A_882 : vector<16xf32>
          %div3A_884 = arith.divf %mul3A_882, %sub3A_883 : vector<16xf32>
          %mul3A_885 = arith.constant 1080 : i32
          %mul3A_886 = arith.muli %while3A_868, %mul3A_885 : i32
          %broadcast_in_dim3A_887 = vector.broadcast %mul3A_886 : i32 to vector<16xi32>
          %add3A_888 = arith.addi %add3A_855, %broadcast_in_dim3A_887 : vector<16xi32>
          %gt3A = arith.cmpf ogt, %div3A_884, %while3A_869 : vector<16xf32>
          %eq3A_889 = arith.cmpf oeq, %div3A_884, %while3A_869 : vector<16xf32>
          %lt3A_890 = arith.cmpi slt, %add3A_888, %while3A_870 : vector<16xi32>
          %and3A = arith.andi %eq3A_889, %lt3A_890 : vector<16xi1>
          %or3A = arith.ori %gt3A, %and3A : vector<16xi1>
          %select_n3A_891 = arith.select %gt3A, %div3A_884, %while3A_869 : vector<16xi1>, vector<16xf32>
          %select_n3A_892 = arith.select %or3A, %add3A_888, %while3A_870 : vector<16xi1>, vector<16xi32>
          scf.yield %select_n3A_891, %select_n3A_892 : vector<16xf32>, vector<16xi32>
        }
        %while3A_866 = arith.constant 1 : i32
        %while3A_867:2 = scf.for %while3A_868 = %while3A_863 to %while3A_859 step %while3A_866 iter_args(%while3A_869 = %while3A_865#0, %while3A_870 = %while3A_865#1) -> (vector<16xf32>, vector<16xi32>)  : i32 {
          %convert_element_type3A_871 = arith.sitofp %while3A_868 : i32 to f32
          %mul3A_872 = arith.mulf %convert_element_type3A_871, %scan3A_124 : f32
          %add3A_873 = arith.addf %mul3A_872, %while3A_588 : f32
          %mul3A_874 = arith.mulf %convert_element_type3A_871, %scan3A_124 : f32
          %add3A_875 = arith.addf %mul3A_874, %while3A_589 : f32
          %min3A_876 = arith.minimumf %add3A_875, %reduce_max3A_334 : f32
          %max3A_877 = arith.maximumf %add3A_873, %reduce_max3A_326 : f32
          %sub3A_878 = arith.subf %min3A_876, %max3A_877 : f32
          %max3A_879 = arith.constant 0.000000e+00 : f32
          %max3A_880 = arith.maximumf %sub3A_878, %max3A_879 : f32
          %broadcast_in_dim3A_881 = vector.broadcast %max3A_880 : f32 to vector<16xf32>
          %mul3A_882 = arith.mulf %select_n3A_849, %broadcast_in_dim3A_881 : vector<16xf32>
          %sub3A_883 = arith.subf %add3A_552, %mul3A_882 : vector<16xf32>
          %div3A_884 = arith.divf %mul3A_882, %sub3A_883 : vector<16xf32>
          %mul3A_885 = arith.constant 1080 : i32
          %mul3A_886 = arith.muli %while3A_868, %mul3A_885 : i32
          %broadcast_in_dim3A_887 = vector.broadcast %mul3A_886 : i32 to vector<16xi32>
          %add3A_888 = arith.addi %add3A_855, %broadcast_in_dim3A_887 : vector<16xi32>
          %gt3A = arith.cmpf ogt, %div3A_884, %while3A_869 : vector<16xf32>
          %eq3A_889 = arith.cmpf oeq, %div3A_884, %while3A_869 : vector<16xf32>
          %lt3A_890 = arith.cmpi slt, %add3A_888, %while3A_870 : vector<16xi32>
          %and3A = arith.andi %eq3A_889, %lt3A_890 : vector<16xi1>
          %or3A = arith.ori %gt3A, %and3A : vector<16xi1>
          %select_n3A_891 = arith.select %gt3A, %div3A_884, %while3A_869 : vector<16xi1>, vector<16xf32>
          %select_n3A_892 = arith.select %or3A, %add3A_888, %while3A_870 : vector<16xi1>, vector<16xi32>
          scf.yield %select_n3A_891, %select_n3A_892 : vector<16xf32>, vector<16xi32>
        }
        scf.yield %while3A_867#0, %while3A_867#1 : vector<16xf32>, vector<16xi32>
      }
      %while3A_599 = arith.constant 1 : i32
      %while3A_600:2 = scf.for %while3A_831 = %while3A_596 to %while3A_592 step %while3A_599 iter_args(%while3A_832 = %while3A_598#0, %while3A_833 = %while3A_598#1) -> (vector<16xf32>, vector<16xi32>)  : i32 {
        %mul3A_834 = arith.constant 16 : i32
        %mul3A_835 = arith.muli %while3A_831, %mul3A_834 : i32
        %add3A_836 = arith.addi %max3A_558, %mul3A_835 : i32
        %convert_element_type3A_837 = arith.sitofp %add3A_836 : i32 to f32
        %mul3A_838 = arith.mulf %convert_element_type3A_837, %scan3A_124 : f32
        %add3A_839 = arith.addf %mul3A_838, %while3A_587 : f32
        %broadcast_in_dim3A_840 = vector.broadcast %add3A_839 : f32 to vector<16xf32>
        %add3A_841 = arith.addf %broadcast_in_dim3A_840, %mul3A_115 : vector<16xf32>
        %add3A_842 = arith.addf %add3A_841, %broadcast_in_dim3A_549 : vector<16xf32>
        %min3A_843 = arith.minimumf %add3A_842, %get3A_308 : vector<16xf32>
        %max3A_844 = arith.maximumf %add3A_841, %get3A_298 : vector<16xf32>
        %sub3A_845 = arith.subf %min3A_843, %max3A_844 : vector<16xf32>
        %max3A_846 = arith.maximumf %sub3A_845, %broadcast_in_dim3A_119 : vector<16xf32>
        %broadcast_in_dim3A_847 = vector.broadcast %add3A_836 : i32 to vector<16xi32>
        %add3A_848 = arith.addi %broadcast_in_dim3A_847, %iota3A : vector<16xi32>
        %le3A = arith.cmpi sle, %add3A_848, %broadcast_in_dim3A_586 : vector<16xi32>
        %select_n3A_849 = arith.select %le3A, %max3A_846, %broadcast_in_dim3A_119 : vector<16xi1>, vector<16xf32>
        %mul3A_850 = arith.constant 9 : i32
        %mul3A_851 = vector.broadcast %mul3A_850 : i32 to vector<16xi32>
        %mul3A_852 = arith.muli %add3A_848, %mul3A_851 : vector<16xi32>
        %add3A_853 = arith.constant 4 : i32
        %add3A_854 = vector.broadcast %add3A_853 : i32 to vector<16xi32>
        %add3A_855 = arith.addi %mul3A_852, %add3A_854 : vector<16xi32>
        %add3A_856 = arith.constant 1 : i32
        %add3A_857 = arith.addi %min3A_578, %add3A_856 : i32
        %while3A_858 = arith.subi %add3A_857, %max3A_571 : i32
        %while3A_859 = arith.addi %max3A_571, %while3A_858 : i32
        %while3A_860 = arith.constant 1 : i32
        %while3A_861 = arith.divsi %while3A_858, %while3A_860 : i32
        %while3A_862 = arith.muli %while3A_861, %while3A_860 : i32
        %while3A_863 = arith.addi %max3A_571, %while3A_862 : i32
        %while3A_864 = arith.constant 1 : i32
        %while3A_865:2 = scf.for %while3A_868 = %max3A_571 to %while3A_863 step %while3A_864 iter_args(%while3A_869 = %while3A_832, %while3A_870 = %while3A_833) -> (vector<16xf32>, vector<16xi32>)  : i32 {
          %convert_element_type3A_871 = arith.sitofp %while3A_868 : i32 to f32
          %mul3A_872 = arith.mulf %convert_element_type3A_871, %scan3A_124 : f32
          %add3A_873 = arith.addf %mul3A_872, %while3A_588 : f32
          %mul3A_874 = arith.mulf %convert_element_type3A_871, %scan3A_124 : f32
          %add3A_875 = arith.addf %mul3A_874, %while3A_589 : f32
          %min3A_876 = arith.minimumf %add3A_875, %reduce_max3A_334 : f32
          %max3A_877 = arith.maximumf %add3A_873, %reduce_max3A_326 : f32
          %sub3A_878 = arith.subf %min3A_876, %max3A_877 : f32
          %max3A_879 = arith.constant 0.000000e+00 : f32
          %max3A_880 = arith.maximumf %sub3A_878, %max3A_879 : f32
          %broadcast_in_dim3A_881 = vector.broadcast %max3A_880 : f32 to vector<16xf32>
          %mul3A_882 = arith.mulf %select_n3A_849, %broadcast_in_dim3A_881 : vector<16xf32>
          %sub3A_883 = arith.subf %add3A_552, %mul3A_882 : vector<16xf32>
          %div3A_884 = arith.divf %mul3A_882, %sub3A_883 : vector<16xf32>
          %mul3A_885 = arith.constant 1080 : i32
          %mul3A_886 = arith.muli %while3A_868, %mul3A_885 : i32
          %broadcast_in_dim3A_887 = vector.broadcast %mul3A_886 : i32 to vector<16xi32>
          %add3A_888 = arith.addi %add3A_855, %broadcast_in_dim3A_887 : vector<16xi32>
          %gt3A = arith.cmpf ogt, %div3A_884, %while3A_869 : vector<16xf32>
          %eq3A_889 = arith.cmpf oeq, %div3A_884, %while3A_869 : vector<16xf32>
          %lt3A_890 = arith.cmpi slt, %add3A_888, %while3A_870 : vector<16xi32>
          %and3A = arith.andi %eq3A_889, %lt3A_890 : vector<16xi1>
          %or3A = arith.ori %gt3A, %and3A : vector<16xi1>
          %select_n3A_891 = arith.select %gt3A, %div3A_884, %while3A_869 : vector<16xi1>, vector<16xf32>
          %select_n3A_892 = arith.select %or3A, %add3A_888, %while3A_870 : vector<16xi1>, vector<16xi32>
          scf.yield %select_n3A_891, %select_n3A_892 : vector<16xf32>, vector<16xi32>
        }
        %while3A_866 = arith.constant 1 : i32
        %while3A_867:2 = scf.for %while3A_868 = %while3A_863 to %while3A_859 step %while3A_866 iter_args(%while3A_869 = %while3A_865#0, %while3A_870 = %while3A_865#1) -> (vector<16xf32>, vector<16xi32>)  : i32 {
          %convert_element_type3A_871 = arith.sitofp %while3A_868 : i32 to f32
          %mul3A_872 = arith.mulf %convert_element_type3A_871, %scan3A_124 : f32
          %add3A_873 = arith.addf %mul3A_872, %while3A_588 : f32
          %mul3A_874 = arith.mulf %convert_element_type3A_871, %scan3A_124 : f32
          %add3A_875 = arith.addf %mul3A_874, %while3A_589 : f32
          %min3A_876 = arith.minimumf %add3A_875, %reduce_max3A_334 : f32
          %max3A_877 = arith.maximumf %add3A_873, %reduce_max3A_326 : f32
          %sub3A_878 = arith.subf %min3A_876, %max3A_877 : f32
          %max3A_879 = arith.constant 0.000000e+00 : f32
          %max3A_880 = arith.maximumf %sub3A_878, %max3A_879 : f32
          %broadcast_in_dim3A_881 = vector.broadcast %max3A_880 : f32 to vector<16xf32>
          %mul3A_882 = arith.mulf %select_n3A_849, %broadcast_in_dim3A_881 : vector<16xf32>
          %sub3A_883 = arith.subf %add3A_552, %mul3A_882 : vector<16xf32>
          %div3A_884 = arith.divf %mul3A_882, %sub3A_883 : vector<16xf32>
          %mul3A_885 = arith.constant 1080 : i32
          %mul3A_886 = arith.muli %while3A_868, %mul3A_885 : i32
          %broadcast_in_dim3A_887 = vector.broadcast %mul3A_886 : i32 to vector<16xi32>
          %add3A_888 = arith.addi %add3A_855, %broadcast_in_dim3A_887 : vector<16xi32>
          %gt3A = arith.cmpf ogt, %div3A_884, %while3A_869 : vector<16xf32>
          %eq3A_889 = arith.cmpf oeq, %div3A_884, %while3A_869 : vector<16xf32>
          %lt3A_890 = arith.cmpi slt, %add3A_888, %while3A_870 : vector<16xi32>
          %and3A = arith.andi %eq3A_889, %lt3A_890 : vector<16xi1>
          %or3A = arith.ori %gt3A, %and3A : vector<16xi1>
          %select_n3A_891 = arith.select %gt3A, %div3A_884, %while3A_869 : vector<16xi1>, vector<16xf32>
          %select_n3A_892 = arith.select %or3A, %add3A_888, %while3A_870 : vector<16xi1>, vector<16xi32>
          scf.yield %select_n3A_891, %select_n3A_892 : vector<16xf32>, vector<16xi32>
        }
        scf.yield %while3A_867#0, %while3A_867#1 : vector<16xf32>, vector<16xi32>
      }
      %broadcast_in_dim3A_601 = arith.constant 5.120000e+02 : f32
      %broadcast_in_dim3A_602 = vector.broadcast %broadcast_in_dim3A_601 : f32 to vector<16xf32>
      %broadcast_in_dim3A_603 = arith.constant 2.621440e+05 : f32
      %broadcast_in_dim3A_604 = vector.broadcast %broadcast_in_dim3A_603 : f32 to vector<16xf32>
      %add3A_605 = arith.addf %broadcast_in_dim3A_604, %get3A_318 : vector<16xf32>
      %sub3A_606 = arith.constant 2.640000e+02 : f32
      %sub3A_607 = arith.subf %reduce_max3A_322, %sub3A_606 : f32
      %mul3A_608 = arith.mulf %sub3A_607, %scan3A : f32
      %convert_element_type3A_609 = arith.fptosi %mul3A_608 : f32 to i32
      %max3A_610 = arith.constant 16 : i32
      %max3A_611 = arith.maxsi %convert_element_type3A_609, %max3A_610 : i32
      %sub3A_612 = arith.constant -2.480000e+02 : f32
      %sub3A_613 = arith.subf %reduce_max3A_330, %sub3A_612 : f32
      %mul3A_614 = arith.mulf %sub3A_613, %scan3A : f32
      %convert_element_type3A_615 = arith.fptosi %mul3A_614 : f32 to i32
      %add3A_616 = arith.constant 1 : i32
      %add3A_617 = arith.addi %convert_element_type3A_615, %add3A_616 : i32
      %min3A_618 = arith.minsi %add3A_617, %convert_element_type3A_51 : i32
      %sub3A_619 = arith.constant 2.640000e+02 : f32
      %sub3A_620 = arith.subf %reduce_max3A_326, %sub3A_619 : f32
      %mul3A_621 = arith.mulf %sub3A_620, %scan3A : f32
      %convert_element_type3A_622 = arith.fptosi %mul3A_621 : f32 to i32
      %max3A_623 = arith.constant 16 : i32
      %max3A_624 = arith.maxsi %convert_element_type3A_622, %max3A_623 : i32
      %sub3A_625 = arith.constant -2.480000e+02 : f32
      %sub3A_626 = arith.subf %reduce_max3A_334, %sub3A_625 : f32
      %mul3A_627 = arith.mulf %sub3A_626, %scan3A : f32
      %convert_element_type3A_628 = arith.fptosi %mul3A_627 : f32 to i32
      %add3A_629 = arith.constant 1 : i32
      %add3A_630 = arith.addi %convert_element_type3A_628, %add3A_629 : i32
      %min3A_631 = arith.minsi %add3A_630, %convert_element_type3A_96 : i32
      %sub3A_632 = arith.subi %min3A_618, %max3A_611 : i32
      %max3A_633 = arith.constant 0 : i32
      %max3A_634 = arith.maxsi %sub3A_632, %max3A_633 : i32
      %shift_right_logical3A_635 = arith.constant 4 : i32
      %shift_right_logical3A_636 = arith.shrui %max3A_634, %shift_right_logical3A_635 : i32
      %add3A_637 = arith.constant 1 : i32
      %add3A_638 = arith.addi %shift_right_logical3A_636, %add3A_637 : i32
      %broadcast_in_dim3A_639 = vector.broadcast %min3A_618 : i32 to vector<16xi32>
      %while3A_640 = arith.constant -2.480000e+02 : f32
      %while3A_641 = arith.constant -2.480000e+02 : f32
      %while3A_642 = arith.constant 2.640000e+02 : f32
      %while3A_643 = arith.constant 0 : i32
      %while3A_644 = arith.subi %add3A_638, %while3A_643 : i32
      %while3A_645 = arith.addi %while3A_643, %while3A_644 : i32
      %while3A_646 = arith.constant 1 : i32
      %while3A_647 = arith.divsi %while3A_644, %while3A_646 : i32
      %while3A_648 = arith.muli %while3A_647, %while3A_646 : i32
      %while3A_649 = arith.addi %while3A_643, %while3A_648 : i32
      %while3A_650 = arith.constant 1 : i32
      %while3A_651:2 = scf.for %while3A_831 = %while3A_643 to %while3A_649 step %while3A_650 iter_args(%while3A_832 = %while3A_600#0, %while3A_833 = %while3A_600#1) -> (vector<16xf32>, vector<16xi32>)  : i32 {
        %mul3A_834 = arith.constant 16 : i32
        %mul3A_835 = arith.muli %while3A_831, %mul3A_834 : i32
        %add3A_836 = arith.addi %max3A_611, %mul3A_835 : i32
        %convert_element_type3A_837 = arith.sitofp %add3A_836 : i32 to f32
        %mul3A_838 = arith.mulf %convert_element_type3A_837, %scan3A_124 : f32
        %add3A_839 = arith.addf %mul3A_838, %while3A_640 : f32
        %broadcast_in_dim3A_840 = vector.broadcast %add3A_839 : f32 to vector<16xf32>
        %add3A_841 = arith.addf %broadcast_in_dim3A_840, %mul3A_115 : vector<16xf32>
        %add3A_842 = arith.addf %add3A_841, %broadcast_in_dim3A_602 : vector<16xf32>
        %min3A_843 = arith.minimumf %add3A_842, %get3A_308 : vector<16xf32>
        %max3A_844 = arith.maximumf %add3A_841, %get3A_298 : vector<16xf32>
        %sub3A_845 = arith.subf %min3A_843, %max3A_844 : vector<16xf32>
        %max3A_846 = arith.maximumf %sub3A_845, %broadcast_in_dim3A_119 : vector<16xf32>
        %broadcast_in_dim3A_847 = vector.broadcast %add3A_836 : i32 to vector<16xi32>
        %add3A_848 = arith.addi %broadcast_in_dim3A_847, %iota3A : vector<16xi32>
        %le3A = arith.cmpi sle, %add3A_848, %broadcast_in_dim3A_639 : vector<16xi32>
        %select_n3A_849 = arith.select %le3A, %max3A_846, %broadcast_in_dim3A_119 : vector<16xi1>, vector<16xf32>
        %mul3A_850 = arith.constant 9 : i32
        %mul3A_851 = vector.broadcast %mul3A_850 : i32 to vector<16xi32>
        %mul3A_852 = arith.muli %add3A_848, %mul3A_851 : vector<16xi32>
        %add3A_853 = arith.constant 5 : i32
        %add3A_854 = vector.broadcast %add3A_853 : i32 to vector<16xi32>
        %add3A_855 = arith.addi %mul3A_852, %add3A_854 : vector<16xi32>
        %add3A_856 = arith.constant 1 : i32
        %add3A_857 = arith.addi %min3A_631, %add3A_856 : i32
        %while3A_858 = arith.subi %add3A_857, %max3A_624 : i32
        %while3A_859 = arith.addi %max3A_624, %while3A_858 : i32
        %while3A_860 = arith.constant 1 : i32
        %while3A_861 = arith.divsi %while3A_858, %while3A_860 : i32
        %while3A_862 = arith.muli %while3A_861, %while3A_860 : i32
        %while3A_863 = arith.addi %max3A_624, %while3A_862 : i32
        %while3A_864 = arith.constant 1 : i32
        %while3A_865:2 = scf.for %while3A_868 = %max3A_624 to %while3A_863 step %while3A_864 iter_args(%while3A_869 = %while3A_832, %while3A_870 = %while3A_833) -> (vector<16xf32>, vector<16xi32>)  : i32 {
          %convert_element_type3A_871 = arith.sitofp %while3A_868 : i32 to f32
          %mul3A_872 = arith.mulf %convert_element_type3A_871, %scan3A_124 : f32
          %add3A_873 = arith.addf %mul3A_872, %while3A_641 : f32
          %mul3A_874 = arith.mulf %convert_element_type3A_871, %scan3A_124 : f32
          %add3A_875 = arith.addf %mul3A_874, %while3A_642 : f32
          %min3A_876 = arith.minimumf %add3A_875, %reduce_max3A_334 : f32
          %max3A_877 = arith.maximumf %add3A_873, %reduce_max3A_326 : f32
          %sub3A_878 = arith.subf %min3A_876, %max3A_877 : f32
          %max3A_879 = arith.constant 0.000000e+00 : f32
          %max3A_880 = arith.maximumf %sub3A_878, %max3A_879 : f32
          %broadcast_in_dim3A_881 = vector.broadcast %max3A_880 : f32 to vector<16xf32>
          %mul3A_882 = arith.mulf %select_n3A_849, %broadcast_in_dim3A_881 : vector<16xf32>
          %sub3A_883 = arith.subf %add3A_605, %mul3A_882 : vector<16xf32>
          %div3A_884 = arith.divf %mul3A_882, %sub3A_883 : vector<16xf32>
          %mul3A_885 = arith.constant 1080 : i32
          %mul3A_886 = arith.muli %while3A_868, %mul3A_885 : i32
          %broadcast_in_dim3A_887 = vector.broadcast %mul3A_886 : i32 to vector<16xi32>
          %add3A_888 = arith.addi %add3A_855, %broadcast_in_dim3A_887 : vector<16xi32>
          %gt3A = arith.cmpf ogt, %div3A_884, %while3A_869 : vector<16xf32>
          %eq3A_889 = arith.cmpf oeq, %div3A_884, %while3A_869 : vector<16xf32>
          %lt3A_890 = arith.cmpi slt, %add3A_888, %while3A_870 : vector<16xi32>
          %and3A = arith.andi %eq3A_889, %lt3A_890 : vector<16xi1>
          %or3A = arith.ori %gt3A, %and3A : vector<16xi1>
          %select_n3A_891 = arith.select %gt3A, %div3A_884, %while3A_869 : vector<16xi1>, vector<16xf32>
          %select_n3A_892 = arith.select %or3A, %add3A_888, %while3A_870 : vector<16xi1>, vector<16xi32>
          scf.yield %select_n3A_891, %select_n3A_892 : vector<16xf32>, vector<16xi32>
        }
        %while3A_866 = arith.constant 1 : i32
        %while3A_867:2 = scf.for %while3A_868 = %while3A_863 to %while3A_859 step %while3A_866 iter_args(%while3A_869 = %while3A_865#0, %while3A_870 = %while3A_865#1) -> (vector<16xf32>, vector<16xi32>)  : i32 {
          %convert_element_type3A_871 = arith.sitofp %while3A_868 : i32 to f32
          %mul3A_872 = arith.mulf %convert_element_type3A_871, %scan3A_124 : f32
          %add3A_873 = arith.addf %mul3A_872, %while3A_641 : f32
          %mul3A_874 = arith.mulf %convert_element_type3A_871, %scan3A_124 : f32
          %add3A_875 = arith.addf %mul3A_874, %while3A_642 : f32
          %min3A_876 = arith.minimumf %add3A_875, %reduce_max3A_334 : f32
          %max3A_877 = arith.maximumf %add3A_873, %reduce_max3A_326 : f32
          %sub3A_878 = arith.subf %min3A_876, %max3A_877 : f32
          %max3A_879 = arith.constant 0.000000e+00 : f32
          %max3A_880 = arith.maximumf %sub3A_878, %max3A_879 : f32
          %broadcast_in_dim3A_881 = vector.broadcast %max3A_880 : f32 to vector<16xf32>
          %mul3A_882 = arith.mulf %select_n3A_849, %broadcast_in_dim3A_881 : vector<16xf32>
          %sub3A_883 = arith.subf %add3A_605, %mul3A_882 : vector<16xf32>
          %div3A_884 = arith.divf %mul3A_882, %sub3A_883 : vector<16xf32>
          %mul3A_885 = arith.constant 1080 : i32
          %mul3A_886 = arith.muli %while3A_868, %mul3A_885 : i32
          %broadcast_in_dim3A_887 = vector.broadcast %mul3A_886 : i32 to vector<16xi32>
          %add3A_888 = arith.addi %add3A_855, %broadcast_in_dim3A_887 : vector<16xi32>
          %gt3A = arith.cmpf ogt, %div3A_884, %while3A_869 : vector<16xf32>
          %eq3A_889 = arith.cmpf oeq, %div3A_884, %while3A_869 : vector<16xf32>
          %lt3A_890 = arith.cmpi slt, %add3A_888, %while3A_870 : vector<16xi32>
          %and3A = arith.andi %eq3A_889, %lt3A_890 : vector<16xi1>
          %or3A = arith.ori %gt3A, %and3A : vector<16xi1>
          %select_n3A_891 = arith.select %gt3A, %div3A_884, %while3A_869 : vector<16xi1>, vector<16xf32>
          %select_n3A_892 = arith.select %or3A, %add3A_888, %while3A_870 : vector<16xi1>, vector<16xi32>
          scf.yield %select_n3A_891, %select_n3A_892 : vector<16xf32>, vector<16xi32>
        }
        scf.yield %while3A_867#0, %while3A_867#1 : vector<16xf32>, vector<16xi32>
      }
      %while3A_652 = arith.constant 1 : i32
      %while3A_653:2 = scf.for %while3A_831 = %while3A_649 to %while3A_645 step %while3A_652 iter_args(%while3A_832 = %while3A_651#0, %while3A_833 = %while3A_651#1) -> (vector<16xf32>, vector<16xi32>)  : i32 {
        %mul3A_834 = arith.constant 16 : i32
        %mul3A_835 = arith.muli %while3A_831, %mul3A_834 : i32
        %add3A_836 = arith.addi %max3A_611, %mul3A_835 : i32
        %convert_element_type3A_837 = arith.sitofp %add3A_836 : i32 to f32
        %mul3A_838 = arith.mulf %convert_element_type3A_837, %scan3A_124 : f32
        %add3A_839 = arith.addf %mul3A_838, %while3A_640 : f32
        %broadcast_in_dim3A_840 = vector.broadcast %add3A_839 : f32 to vector<16xf32>
        %add3A_841 = arith.addf %broadcast_in_dim3A_840, %mul3A_115 : vector<16xf32>
        %add3A_842 = arith.addf %add3A_841, %broadcast_in_dim3A_602 : vector<16xf32>
        %min3A_843 = arith.minimumf %add3A_842, %get3A_308 : vector<16xf32>
        %max3A_844 = arith.maximumf %add3A_841, %get3A_298 : vector<16xf32>
        %sub3A_845 = arith.subf %min3A_843, %max3A_844 : vector<16xf32>
        %max3A_846 = arith.maximumf %sub3A_845, %broadcast_in_dim3A_119 : vector<16xf32>
        %broadcast_in_dim3A_847 = vector.broadcast %add3A_836 : i32 to vector<16xi32>
        %add3A_848 = arith.addi %broadcast_in_dim3A_847, %iota3A : vector<16xi32>
        %le3A = arith.cmpi sle, %add3A_848, %broadcast_in_dim3A_639 : vector<16xi32>
        %select_n3A_849 = arith.select %le3A, %max3A_846, %broadcast_in_dim3A_119 : vector<16xi1>, vector<16xf32>
        %mul3A_850 = arith.constant 9 : i32
        %mul3A_851 = vector.broadcast %mul3A_850 : i32 to vector<16xi32>
        %mul3A_852 = arith.muli %add3A_848, %mul3A_851 : vector<16xi32>
        %add3A_853 = arith.constant 5 : i32
        %add3A_854 = vector.broadcast %add3A_853 : i32 to vector<16xi32>
        %add3A_855 = arith.addi %mul3A_852, %add3A_854 : vector<16xi32>
        %add3A_856 = arith.constant 1 : i32
        %add3A_857 = arith.addi %min3A_631, %add3A_856 : i32
        %while3A_858 = arith.subi %add3A_857, %max3A_624 : i32
        %while3A_859 = arith.addi %max3A_624, %while3A_858 : i32
        %while3A_860 = arith.constant 1 : i32
        %while3A_861 = arith.divsi %while3A_858, %while3A_860 : i32
        %while3A_862 = arith.muli %while3A_861, %while3A_860 : i32
        %while3A_863 = arith.addi %max3A_624, %while3A_862 : i32
        %while3A_864 = arith.constant 1 : i32
        %while3A_865:2 = scf.for %while3A_868 = %max3A_624 to %while3A_863 step %while3A_864 iter_args(%while3A_869 = %while3A_832, %while3A_870 = %while3A_833) -> (vector<16xf32>, vector<16xi32>)  : i32 {
          %convert_element_type3A_871 = arith.sitofp %while3A_868 : i32 to f32
          %mul3A_872 = arith.mulf %convert_element_type3A_871, %scan3A_124 : f32
          %add3A_873 = arith.addf %mul3A_872, %while3A_641 : f32
          %mul3A_874 = arith.mulf %convert_element_type3A_871, %scan3A_124 : f32
          %add3A_875 = arith.addf %mul3A_874, %while3A_642 : f32
          %min3A_876 = arith.minimumf %add3A_875, %reduce_max3A_334 : f32
          %max3A_877 = arith.maximumf %add3A_873, %reduce_max3A_326 : f32
          %sub3A_878 = arith.subf %min3A_876, %max3A_877 : f32
          %max3A_879 = arith.constant 0.000000e+00 : f32
          %max3A_880 = arith.maximumf %sub3A_878, %max3A_879 : f32
          %broadcast_in_dim3A_881 = vector.broadcast %max3A_880 : f32 to vector<16xf32>
          %mul3A_882 = arith.mulf %select_n3A_849, %broadcast_in_dim3A_881 : vector<16xf32>
          %sub3A_883 = arith.subf %add3A_605, %mul3A_882 : vector<16xf32>
          %div3A_884 = arith.divf %mul3A_882, %sub3A_883 : vector<16xf32>
          %mul3A_885 = arith.constant 1080 : i32
          %mul3A_886 = arith.muli %while3A_868, %mul3A_885 : i32
          %broadcast_in_dim3A_887 = vector.broadcast %mul3A_886 : i32 to vector<16xi32>
          %add3A_888 = arith.addi %add3A_855, %broadcast_in_dim3A_887 : vector<16xi32>
          %gt3A = arith.cmpf ogt, %div3A_884, %while3A_869 : vector<16xf32>
          %eq3A_889 = arith.cmpf oeq, %div3A_884, %while3A_869 : vector<16xf32>
          %lt3A_890 = arith.cmpi slt, %add3A_888, %while3A_870 : vector<16xi32>
          %and3A = arith.andi %eq3A_889, %lt3A_890 : vector<16xi1>
          %or3A = arith.ori %gt3A, %and3A : vector<16xi1>
          %select_n3A_891 = arith.select %gt3A, %div3A_884, %while3A_869 : vector<16xi1>, vector<16xf32>
          %select_n3A_892 = arith.select %or3A, %add3A_888, %while3A_870 : vector<16xi1>, vector<16xi32>
          scf.yield %select_n3A_891, %select_n3A_892 : vector<16xf32>, vector<16xi32>
        }
        %while3A_866 = arith.constant 1 : i32
        %while3A_867:2 = scf.for %while3A_868 = %while3A_863 to %while3A_859 step %while3A_866 iter_args(%while3A_869 = %while3A_865#0, %while3A_870 = %while3A_865#1) -> (vector<16xf32>, vector<16xi32>)  : i32 {
          %convert_element_type3A_871 = arith.sitofp %while3A_868 : i32 to f32
          %mul3A_872 = arith.mulf %convert_element_type3A_871, %scan3A_124 : f32
          %add3A_873 = arith.addf %mul3A_872, %while3A_641 : f32
          %mul3A_874 = arith.mulf %convert_element_type3A_871, %scan3A_124 : f32
          %add3A_875 = arith.addf %mul3A_874, %while3A_642 : f32
          %min3A_876 = arith.minimumf %add3A_875, %reduce_max3A_334 : f32
          %max3A_877 = arith.maximumf %add3A_873, %reduce_max3A_326 : f32
          %sub3A_878 = arith.subf %min3A_876, %max3A_877 : f32
          %max3A_879 = arith.constant 0.000000e+00 : f32
          %max3A_880 = arith.maximumf %sub3A_878, %max3A_879 : f32
          %broadcast_in_dim3A_881 = vector.broadcast %max3A_880 : f32 to vector<16xf32>
          %mul3A_882 = arith.mulf %select_n3A_849, %broadcast_in_dim3A_881 : vector<16xf32>
          %sub3A_883 = arith.subf %add3A_605, %mul3A_882 : vector<16xf32>
          %div3A_884 = arith.divf %mul3A_882, %sub3A_883 : vector<16xf32>
          %mul3A_885 = arith.constant 1080 : i32
          %mul3A_886 = arith.muli %while3A_868, %mul3A_885 : i32
          %broadcast_in_dim3A_887 = vector.broadcast %mul3A_886 : i32 to vector<16xi32>
          %add3A_888 = arith.addi %add3A_855, %broadcast_in_dim3A_887 : vector<16xi32>
          %gt3A = arith.cmpf ogt, %div3A_884, %while3A_869 : vector<16xf32>
          %eq3A_889 = arith.cmpf oeq, %div3A_884, %while3A_869 : vector<16xf32>
          %lt3A_890 = arith.cmpi slt, %add3A_888, %while3A_870 : vector<16xi32>
          %and3A = arith.andi %eq3A_889, %lt3A_890 : vector<16xi1>
          %or3A = arith.ori %gt3A, %and3A : vector<16xi1>
          %select_n3A_891 = arith.select %gt3A, %div3A_884, %while3A_869 : vector<16xi1>, vector<16xf32>
          %select_n3A_892 = arith.select %or3A, %add3A_888, %while3A_870 : vector<16xi1>, vector<16xi32>
          scf.yield %select_n3A_891, %select_n3A_892 : vector<16xf32>, vector<16xi32>
        }
        scf.yield %while3A_867#0, %while3A_867#1 : vector<16xf32>, vector<16xi32>
      }
      %broadcast_in_dim3A_654 = arith.constant 8.800000e+01 : f32
      %broadcast_in_dim3A_655 = vector.broadcast %broadcast_in_dim3A_654 : f32 to vector<16xf32>
      %broadcast_in_dim3A_656 = arith.constant 1.548800e+04 : f32
      %broadcast_in_dim3A_657 = vector.broadcast %broadcast_in_dim3A_656 : f32 to vector<16xf32>
      %add3A_658 = arith.addf %broadcast_in_dim3A_657, %get3A_318 : vector<16xf32>
      %sub3A_659 = arith.constant 5.200000e+01 : f32
      %sub3A_660 = arith.subf %reduce_max3A_322, %sub3A_659 : f32
      %mul3A_661 = arith.mulf %sub3A_660, %scan3A : f32
      %convert_element_type3A_662 = arith.fptosi %mul3A_661 : f32 to i32
      %max3A_663 = arith.constant 3 : i32
      %max3A_664 = arith.maxsi %convert_element_type3A_662, %max3A_663 : i32
      %sub3A_665 = arith.constant -3.600000e+01 : f32
      %sub3A_666 = arith.subf %reduce_max3A_330, %sub3A_665 : f32
      %mul3A_667 = arith.mulf %sub3A_666, %scan3A : f32
      %convert_element_type3A_668 = arith.fptosi %mul3A_667 : f32 to i32
      %add3A_669 = arith.constant 1 : i32
      %add3A_670 = arith.addi %convert_element_type3A_668, %add3A_669 : i32
      %min3A_671 = arith.minsi %add3A_670, %convert_element_type3A_56 : i32
      %sub3A_672 = arith.constant 9.600000e+01 : f32
      %sub3A_673 = arith.subf %reduce_max3A_326, %sub3A_672 : f32
      %mul3A_674 = arith.mulf %sub3A_673, %scan3A : f32
      %convert_element_type3A_675 = arith.fptosi %mul3A_674 : f32 to i32
      %max3A_676 = arith.constant 5 : i32
      %max3A_677 = arith.maxsi %convert_element_type3A_675, %max3A_676 : i32
      %sub3A_678 = arith.constant -8.000000e+01 : f32
      %sub3A_679 = arith.subf %reduce_max3A_334, %sub3A_678 : f32
      %mul3A_680 = arith.mulf %sub3A_679, %scan3A : f32
      %convert_element_type3A_681 = arith.fptosi %mul3A_680 : f32 to i32
      %add3A_682 = arith.constant 1 : i32
      %add3A_683 = arith.addi %convert_element_type3A_681, %add3A_682 : i32
      %min3A_684 = arith.minsi %add3A_683, %convert_element_type3A_101 : i32
      %sub3A_685 = arith.subi %min3A_671, %max3A_664 : i32
      %max3A_686 = arith.constant 0 : i32
      %max3A_687 = arith.maxsi %sub3A_685, %max3A_686 : i32
      %shift_right_logical3A_688 = arith.constant 4 : i32
      %shift_right_logical3A_689 = arith.shrui %max3A_687, %shift_right_logical3A_688 : i32
      %add3A_690 = arith.constant 1 : i32
      %add3A_691 = arith.addi %shift_right_logical3A_689, %add3A_690 : i32
      %broadcast_in_dim3A_692 = vector.broadcast %min3A_671 : i32 to vector<16xi32>
      %while3A_693 = arith.constant -3.600000e+01 : f32
      %while3A_694 = arith.constant -8.000000e+01 : f32
      %while3A_695 = arith.constant 9.600000e+01 : f32
      %while3A_696 = arith.constant 0 : i32
      %while3A_697 = arith.subi %add3A_691, %while3A_696 : i32
      %while3A_698 = arith.addi %while3A_696, %while3A_697 : i32
      %while3A_699 = arith.constant 1 : i32
      %while3A_700 = arith.divsi %while3A_697, %while3A_699 : i32
      %while3A_701 = arith.muli %while3A_700, %while3A_699 : i32
      %while3A_702 = arith.addi %while3A_696, %while3A_701 : i32
      %while3A_703 = arith.constant 1 : i32
      %while3A_704:2 = scf.for %while3A_831 = %while3A_696 to %while3A_702 step %while3A_703 iter_args(%while3A_832 = %while3A_653#0, %while3A_833 = %while3A_653#1) -> (vector<16xf32>, vector<16xi32>)  : i32 {
        %mul3A_834 = arith.constant 16 : i32
        %mul3A_835 = arith.muli %while3A_831, %mul3A_834 : i32
        %add3A_836 = arith.addi %max3A_664, %mul3A_835 : i32
        %convert_element_type3A_837 = arith.sitofp %add3A_836 : i32 to f32
        %mul3A_838 = arith.mulf %convert_element_type3A_837, %scan3A_124 : f32
        %add3A_839 = arith.addf %mul3A_838, %while3A_693 : f32
        %broadcast_in_dim3A_840 = vector.broadcast %add3A_839 : f32 to vector<16xf32>
        %add3A_841 = arith.addf %broadcast_in_dim3A_840, %mul3A_115 : vector<16xf32>
        %add3A_842 = arith.addf %add3A_841, %broadcast_in_dim3A_655 : vector<16xf32>
        %min3A_843 = arith.minimumf %add3A_842, %get3A_308 : vector<16xf32>
        %max3A_844 = arith.maximumf %add3A_841, %get3A_298 : vector<16xf32>
        %sub3A_845 = arith.subf %min3A_843, %max3A_844 : vector<16xf32>
        %max3A_846 = arith.maximumf %sub3A_845, %broadcast_in_dim3A_119 : vector<16xf32>
        %broadcast_in_dim3A_847 = vector.broadcast %add3A_836 : i32 to vector<16xi32>
        %add3A_848 = arith.addi %broadcast_in_dim3A_847, %iota3A : vector<16xi32>
        %le3A = arith.cmpi sle, %add3A_848, %broadcast_in_dim3A_692 : vector<16xi32>
        %select_n3A_849 = arith.select %le3A, %max3A_846, %broadcast_in_dim3A_119 : vector<16xi1>, vector<16xf32>
        %mul3A_850 = arith.constant 9 : i32
        %mul3A_851 = vector.broadcast %mul3A_850 : i32 to vector<16xi32>
        %mul3A_852 = arith.muli %add3A_848, %mul3A_851 : vector<16xi32>
        %add3A_853 = arith.constant 6 : i32
        %add3A_854 = vector.broadcast %add3A_853 : i32 to vector<16xi32>
        %add3A_855 = arith.addi %mul3A_852, %add3A_854 : vector<16xi32>
        %add3A_856 = arith.constant 1 : i32
        %add3A_857 = arith.addi %min3A_684, %add3A_856 : i32
        %while3A_858 = arith.subi %add3A_857, %max3A_677 : i32
        %while3A_859 = arith.addi %max3A_677, %while3A_858 : i32
        %while3A_860 = arith.constant 1 : i32
        %while3A_861 = arith.divsi %while3A_858, %while3A_860 : i32
        %while3A_862 = arith.muli %while3A_861, %while3A_860 : i32
        %while3A_863 = arith.addi %max3A_677, %while3A_862 : i32
        %while3A_864 = arith.constant 1 : i32
        %while3A_865:2 = scf.for %while3A_868 = %max3A_677 to %while3A_863 step %while3A_864 iter_args(%while3A_869 = %while3A_832, %while3A_870 = %while3A_833) -> (vector<16xf32>, vector<16xi32>)  : i32 {
          %convert_element_type3A_871 = arith.sitofp %while3A_868 : i32 to f32
          %mul3A_872 = arith.mulf %convert_element_type3A_871, %scan3A_124 : f32
          %add3A_873 = arith.addf %mul3A_872, %while3A_694 : f32
          %mul3A_874 = arith.mulf %convert_element_type3A_871, %scan3A_124 : f32
          %add3A_875 = arith.addf %mul3A_874, %while3A_695 : f32
          %min3A_876 = arith.minimumf %add3A_875, %reduce_max3A_334 : f32
          %max3A_877 = arith.maximumf %add3A_873, %reduce_max3A_326 : f32
          %sub3A_878 = arith.subf %min3A_876, %max3A_877 : f32
          %max3A_879 = arith.constant 0.000000e+00 : f32
          %max3A_880 = arith.maximumf %sub3A_878, %max3A_879 : f32
          %broadcast_in_dim3A_881 = vector.broadcast %max3A_880 : f32 to vector<16xf32>
          %mul3A_882 = arith.mulf %select_n3A_849, %broadcast_in_dim3A_881 : vector<16xf32>
          %sub3A_883 = arith.subf %add3A_658, %mul3A_882 : vector<16xf32>
          %div3A_884 = arith.divf %mul3A_882, %sub3A_883 : vector<16xf32>
          %mul3A_885 = arith.constant 1080 : i32
          %mul3A_886 = arith.muli %while3A_868, %mul3A_885 : i32
          %broadcast_in_dim3A_887 = vector.broadcast %mul3A_886 : i32 to vector<16xi32>
          %add3A_888 = arith.addi %add3A_855, %broadcast_in_dim3A_887 : vector<16xi32>
          %gt3A = arith.cmpf ogt, %div3A_884, %while3A_869 : vector<16xf32>
          %eq3A_889 = arith.cmpf oeq, %div3A_884, %while3A_869 : vector<16xf32>
          %lt3A_890 = arith.cmpi slt, %add3A_888, %while3A_870 : vector<16xi32>
          %and3A = arith.andi %eq3A_889, %lt3A_890 : vector<16xi1>
          %or3A = arith.ori %gt3A, %and3A : vector<16xi1>
          %select_n3A_891 = arith.select %gt3A, %div3A_884, %while3A_869 : vector<16xi1>, vector<16xf32>
          %select_n3A_892 = arith.select %or3A, %add3A_888, %while3A_870 : vector<16xi1>, vector<16xi32>
          scf.yield %select_n3A_891, %select_n3A_892 : vector<16xf32>, vector<16xi32>
        }
        %while3A_866 = arith.constant 1 : i32
        %while3A_867:2 = scf.for %while3A_868 = %while3A_863 to %while3A_859 step %while3A_866 iter_args(%while3A_869 = %while3A_865#0, %while3A_870 = %while3A_865#1) -> (vector<16xf32>, vector<16xi32>)  : i32 {
          %convert_element_type3A_871 = arith.sitofp %while3A_868 : i32 to f32
          %mul3A_872 = arith.mulf %convert_element_type3A_871, %scan3A_124 : f32
          %add3A_873 = arith.addf %mul3A_872, %while3A_694 : f32
          %mul3A_874 = arith.mulf %convert_element_type3A_871, %scan3A_124 : f32
          %add3A_875 = arith.addf %mul3A_874, %while3A_695 : f32
          %min3A_876 = arith.minimumf %add3A_875, %reduce_max3A_334 : f32
          %max3A_877 = arith.maximumf %add3A_873, %reduce_max3A_326 : f32
          %sub3A_878 = arith.subf %min3A_876, %max3A_877 : f32
          %max3A_879 = arith.constant 0.000000e+00 : f32
          %max3A_880 = arith.maximumf %sub3A_878, %max3A_879 : f32
          %broadcast_in_dim3A_881 = vector.broadcast %max3A_880 : f32 to vector<16xf32>
          %mul3A_882 = arith.mulf %select_n3A_849, %broadcast_in_dim3A_881 : vector<16xf32>
          %sub3A_883 = arith.subf %add3A_658, %mul3A_882 : vector<16xf32>
          %div3A_884 = arith.divf %mul3A_882, %sub3A_883 : vector<16xf32>
          %mul3A_885 = arith.constant 1080 : i32
          %mul3A_886 = arith.muli %while3A_868, %mul3A_885 : i32
          %broadcast_in_dim3A_887 = vector.broadcast %mul3A_886 : i32 to vector<16xi32>
          %add3A_888 = arith.addi %add3A_855, %broadcast_in_dim3A_887 : vector<16xi32>
          %gt3A = arith.cmpf ogt, %div3A_884, %while3A_869 : vector<16xf32>
          %eq3A_889 = arith.cmpf oeq, %div3A_884, %while3A_869 : vector<16xf32>
          %lt3A_890 = arith.cmpi slt, %add3A_888, %while3A_870 : vector<16xi32>
          %and3A = arith.andi %eq3A_889, %lt3A_890 : vector<16xi1>
          %or3A = arith.ori %gt3A, %and3A : vector<16xi1>
          %select_n3A_891 = arith.select %gt3A, %div3A_884, %while3A_869 : vector<16xi1>, vector<16xf32>
          %select_n3A_892 = arith.select %or3A, %add3A_888, %while3A_870 : vector<16xi1>, vector<16xi32>
          scf.yield %select_n3A_891, %select_n3A_892 : vector<16xf32>, vector<16xi32>
        }
        scf.yield %while3A_867#0, %while3A_867#1 : vector<16xf32>, vector<16xi32>
      }
      %while3A_705 = arith.constant 1 : i32
      %while3A_706:2 = scf.for %while3A_831 = %while3A_702 to %while3A_698 step %while3A_705 iter_args(%while3A_832 = %while3A_704#0, %while3A_833 = %while3A_704#1) -> (vector<16xf32>, vector<16xi32>)  : i32 {
        %mul3A_834 = arith.constant 16 : i32
        %mul3A_835 = arith.muli %while3A_831, %mul3A_834 : i32
        %add3A_836 = arith.addi %max3A_664, %mul3A_835 : i32
        %convert_element_type3A_837 = arith.sitofp %add3A_836 : i32 to f32
        %mul3A_838 = arith.mulf %convert_element_type3A_837, %scan3A_124 : f32
        %add3A_839 = arith.addf %mul3A_838, %while3A_693 : f32
        %broadcast_in_dim3A_840 = vector.broadcast %add3A_839 : f32 to vector<16xf32>
        %add3A_841 = arith.addf %broadcast_in_dim3A_840, %mul3A_115 : vector<16xf32>
        %add3A_842 = arith.addf %add3A_841, %broadcast_in_dim3A_655 : vector<16xf32>
        %min3A_843 = arith.minimumf %add3A_842, %get3A_308 : vector<16xf32>
        %max3A_844 = arith.maximumf %add3A_841, %get3A_298 : vector<16xf32>
        %sub3A_845 = arith.subf %min3A_843, %max3A_844 : vector<16xf32>
        %max3A_846 = arith.maximumf %sub3A_845, %broadcast_in_dim3A_119 : vector<16xf32>
        %broadcast_in_dim3A_847 = vector.broadcast %add3A_836 : i32 to vector<16xi32>
        %add3A_848 = arith.addi %broadcast_in_dim3A_847, %iota3A : vector<16xi32>
        %le3A = arith.cmpi sle, %add3A_848, %broadcast_in_dim3A_692 : vector<16xi32>
        %select_n3A_849 = arith.select %le3A, %max3A_846, %broadcast_in_dim3A_119 : vector<16xi1>, vector<16xf32>
        %mul3A_850 = arith.constant 9 : i32
        %mul3A_851 = vector.broadcast %mul3A_850 : i32 to vector<16xi32>
        %mul3A_852 = arith.muli %add3A_848, %mul3A_851 : vector<16xi32>
        %add3A_853 = arith.constant 6 : i32
        %add3A_854 = vector.broadcast %add3A_853 : i32 to vector<16xi32>
        %add3A_855 = arith.addi %mul3A_852, %add3A_854 : vector<16xi32>
        %add3A_856 = arith.constant 1 : i32
        %add3A_857 = arith.addi %min3A_684, %add3A_856 : i32
        %while3A_858 = arith.subi %add3A_857, %max3A_677 : i32
        %while3A_859 = arith.addi %max3A_677, %while3A_858 : i32
        %while3A_860 = arith.constant 1 : i32
        %while3A_861 = arith.divsi %while3A_858, %while3A_860 : i32
        %while3A_862 = arith.muli %while3A_861, %while3A_860 : i32
        %while3A_863 = arith.addi %max3A_677, %while3A_862 : i32
        %while3A_864 = arith.constant 1 : i32
        %while3A_865:2 = scf.for %while3A_868 = %max3A_677 to %while3A_863 step %while3A_864 iter_args(%while3A_869 = %while3A_832, %while3A_870 = %while3A_833) -> (vector<16xf32>, vector<16xi32>)  : i32 {
          %convert_element_type3A_871 = arith.sitofp %while3A_868 : i32 to f32
          %mul3A_872 = arith.mulf %convert_element_type3A_871, %scan3A_124 : f32
          %add3A_873 = arith.addf %mul3A_872, %while3A_694 : f32
          %mul3A_874 = arith.mulf %convert_element_type3A_871, %scan3A_124 : f32
          %add3A_875 = arith.addf %mul3A_874, %while3A_695 : f32
          %min3A_876 = arith.minimumf %add3A_875, %reduce_max3A_334 : f32
          %max3A_877 = arith.maximumf %add3A_873, %reduce_max3A_326 : f32
          %sub3A_878 = arith.subf %min3A_876, %max3A_877 : f32
          %max3A_879 = arith.constant 0.000000e+00 : f32
          %max3A_880 = arith.maximumf %sub3A_878, %max3A_879 : f32
          %broadcast_in_dim3A_881 = vector.broadcast %max3A_880 : f32 to vector<16xf32>
          %mul3A_882 = arith.mulf %select_n3A_849, %broadcast_in_dim3A_881 : vector<16xf32>
          %sub3A_883 = arith.subf %add3A_658, %mul3A_882 : vector<16xf32>
          %div3A_884 = arith.divf %mul3A_882, %sub3A_883 : vector<16xf32>
          %mul3A_885 = arith.constant 1080 : i32
          %mul3A_886 = arith.muli %while3A_868, %mul3A_885 : i32
          %broadcast_in_dim3A_887 = vector.broadcast %mul3A_886 : i32 to vector<16xi32>
          %add3A_888 = arith.addi %add3A_855, %broadcast_in_dim3A_887 : vector<16xi32>
          %gt3A = arith.cmpf ogt, %div3A_884, %while3A_869 : vector<16xf32>
          %eq3A_889 = arith.cmpf oeq, %div3A_884, %while3A_869 : vector<16xf32>
          %lt3A_890 = arith.cmpi slt, %add3A_888, %while3A_870 : vector<16xi32>
          %and3A = arith.andi %eq3A_889, %lt3A_890 : vector<16xi1>
          %or3A = arith.ori %gt3A, %and3A : vector<16xi1>
          %select_n3A_891 = arith.select %gt3A, %div3A_884, %while3A_869 : vector<16xi1>, vector<16xf32>
          %select_n3A_892 = arith.select %or3A, %add3A_888, %while3A_870 : vector<16xi1>, vector<16xi32>
          scf.yield %select_n3A_891, %select_n3A_892 : vector<16xf32>, vector<16xi32>
        }
        %while3A_866 = arith.constant 1 : i32
        %while3A_867:2 = scf.for %while3A_868 = %while3A_863 to %while3A_859 step %while3A_866 iter_args(%while3A_869 = %while3A_865#0, %while3A_870 = %while3A_865#1) -> (vector<16xf32>, vector<16xi32>)  : i32 {
          %convert_element_type3A_871 = arith.sitofp %while3A_868 : i32 to f32
          %mul3A_872 = arith.mulf %convert_element_type3A_871, %scan3A_124 : f32
          %add3A_873 = arith.addf %mul3A_872, %while3A_694 : f32
          %mul3A_874 = arith.mulf %convert_element_type3A_871, %scan3A_124 : f32
          %add3A_875 = arith.addf %mul3A_874, %while3A_695 : f32
          %min3A_876 = arith.minimumf %add3A_875, %reduce_max3A_334 : f32
          %max3A_877 = arith.maximumf %add3A_873, %reduce_max3A_326 : f32
          %sub3A_878 = arith.subf %min3A_876, %max3A_877 : f32
          %max3A_879 = arith.constant 0.000000e+00 : f32
          %max3A_880 = arith.maximumf %sub3A_878, %max3A_879 : f32
          %broadcast_in_dim3A_881 = vector.broadcast %max3A_880 : f32 to vector<16xf32>
          %mul3A_882 = arith.mulf %select_n3A_849, %broadcast_in_dim3A_881 : vector<16xf32>
          %sub3A_883 = arith.subf %add3A_658, %mul3A_882 : vector<16xf32>
          %div3A_884 = arith.divf %mul3A_882, %sub3A_883 : vector<16xf32>
          %mul3A_885 = arith.constant 1080 : i32
          %mul3A_886 = arith.muli %while3A_868, %mul3A_885 : i32
          %broadcast_in_dim3A_887 = vector.broadcast %mul3A_886 : i32 to vector<16xi32>
          %add3A_888 = arith.addi %add3A_855, %broadcast_in_dim3A_887 : vector<16xi32>
          %gt3A = arith.cmpf ogt, %div3A_884, %while3A_869 : vector<16xf32>
          %eq3A_889 = arith.cmpf oeq, %div3A_884, %while3A_869 : vector<16xf32>
          %lt3A_890 = arith.cmpi slt, %add3A_888, %while3A_870 : vector<16xi32>
          %and3A = arith.andi %eq3A_889, %lt3A_890 : vector<16xi1>
          %or3A = arith.ori %gt3A, %and3A : vector<16xi1>
          %select_n3A_891 = arith.select %gt3A, %div3A_884, %while3A_869 : vector<16xi1>, vector<16xf32>
          %select_n3A_892 = arith.select %or3A, %add3A_888, %while3A_870 : vector<16xi1>, vector<16xi32>
          scf.yield %select_n3A_891, %select_n3A_892 : vector<16xf32>, vector<16xi32>
        }
        scf.yield %while3A_867#0, %while3A_867#1 : vector<16xf32>, vector<16xi32>
      }
      %broadcast_in_dim3A_707 = arith.constant 1.760000e+02 : f32
      %broadcast_in_dim3A_708 = vector.broadcast %broadcast_in_dim3A_707 : f32 to vector<16xf32>
      %broadcast_in_dim3A_709 = arith.constant 6.195200e+04 : f32
      %broadcast_in_dim3A_710 = vector.broadcast %broadcast_in_dim3A_709 : f32 to vector<16xf32>
      %add3A_711 = arith.addf %broadcast_in_dim3A_710, %get3A_318 : vector<16xf32>
      %sub3A_712 = arith.constant 9.600000e+01 : f32
      %sub3A_713 = arith.subf %reduce_max3A_322, %sub3A_712 : f32
      %mul3A_714 = arith.mulf %sub3A_713, %scan3A : f32
      %convert_element_type3A_715 = arith.fptosi %mul3A_714 : f32 to i32
      %max3A_716 = arith.constant 5 : i32
      %max3A_717 = arith.maxsi %convert_element_type3A_715, %max3A_716 : i32
      %sub3A_718 = arith.constant -8.000000e+01 : f32
      %sub3A_719 = arith.subf %reduce_max3A_330, %sub3A_718 : f32
      %mul3A_720 = arith.mulf %sub3A_719, %scan3A : f32
      %convert_element_type3A_721 = arith.fptosi %mul3A_720 : f32 to i32
      %add3A_722 = arith.constant 1 : i32
      %add3A_723 = arith.addi %convert_element_type3A_721, %add3A_722 : i32
      %min3A_724 = arith.minsi %add3A_723, %convert_element_type3A_61 : i32
      %sub3A_725 = arith.constant 1.840000e+02 : f32
      %sub3A_726 = arith.subf %reduce_max3A_326, %sub3A_725 : f32
      %mul3A_727 = arith.mulf %sub3A_726, %scan3A : f32
      %convert_element_type3A_728 = arith.fptosi %mul3A_727 : f32 to i32
      %max3A_729 = arith.constant 11 : i32
      %max3A_730 = arith.maxsi %convert_element_type3A_728, %max3A_729 : i32
      %sub3A_731 = arith.constant -1.680000e+02 : f32
      %sub3A_732 = arith.subf %reduce_max3A_334, %sub3A_731 : f32
      %mul3A_733 = arith.mulf %sub3A_732, %scan3A : f32
      %convert_element_type3A_734 = arith.fptosi %mul3A_733 : f32 to i32
      %add3A_735 = arith.constant 1 : i32
      %add3A_736 = arith.addi %convert_element_type3A_734, %add3A_735 : i32
      %min3A_737 = arith.minsi %add3A_736, %convert_element_type3A_106 : i32
      %sub3A_738 = arith.subi %min3A_724, %max3A_717 : i32
      %max3A_739 = arith.constant 0 : i32
      %max3A_740 = arith.maxsi %sub3A_738, %max3A_739 : i32
      %shift_right_logical3A_741 = arith.constant 4 : i32
      %shift_right_logical3A_742 = arith.shrui %max3A_740, %shift_right_logical3A_741 : i32
      %add3A_743 = arith.constant 1 : i32
      %add3A_744 = arith.addi %shift_right_logical3A_742, %add3A_743 : i32
      %broadcast_in_dim3A_745 = vector.broadcast %min3A_724 : i32 to vector<16xi32>
      %while3A_746 = arith.constant -8.000000e+01 : f32
      %while3A_747 = arith.constant -1.680000e+02 : f32
      %while3A_748 = arith.constant 1.840000e+02 : f32
      %while3A_749 = arith.constant 0 : i32
      %while3A_750 = arith.subi %add3A_744, %while3A_749 : i32
      %while3A_751 = arith.addi %while3A_749, %while3A_750 : i32
      %while3A_752 = arith.constant 1 : i32
      %while3A_753 = arith.divsi %while3A_750, %while3A_752 : i32
      %while3A_754 = arith.muli %while3A_753, %while3A_752 : i32
      %while3A_755 = arith.addi %while3A_749, %while3A_754 : i32
      %while3A_756 = arith.constant 1 : i32
      %while3A_757:2 = scf.for %while3A_831 = %while3A_749 to %while3A_755 step %while3A_756 iter_args(%while3A_832 = %while3A_706#0, %while3A_833 = %while3A_706#1) -> (vector<16xf32>, vector<16xi32>)  : i32 {
        %mul3A_834 = arith.constant 16 : i32
        %mul3A_835 = arith.muli %while3A_831, %mul3A_834 : i32
        %add3A_836 = arith.addi %max3A_717, %mul3A_835 : i32
        %convert_element_type3A_837 = arith.sitofp %add3A_836 : i32 to f32
        %mul3A_838 = arith.mulf %convert_element_type3A_837, %scan3A_124 : f32
        %add3A_839 = arith.addf %mul3A_838, %while3A_746 : f32
        %broadcast_in_dim3A_840 = vector.broadcast %add3A_839 : f32 to vector<16xf32>
        %add3A_841 = arith.addf %broadcast_in_dim3A_840, %mul3A_115 : vector<16xf32>
        %add3A_842 = arith.addf %add3A_841, %broadcast_in_dim3A_708 : vector<16xf32>
        %min3A_843 = arith.minimumf %add3A_842, %get3A_308 : vector<16xf32>
        %max3A_844 = arith.maximumf %add3A_841, %get3A_298 : vector<16xf32>
        %sub3A_845 = arith.subf %min3A_843, %max3A_844 : vector<16xf32>
        %max3A_846 = arith.maximumf %sub3A_845, %broadcast_in_dim3A_119 : vector<16xf32>
        %broadcast_in_dim3A_847 = vector.broadcast %add3A_836 : i32 to vector<16xi32>
        %add3A_848 = arith.addi %broadcast_in_dim3A_847, %iota3A : vector<16xi32>
        %le3A = arith.cmpi sle, %add3A_848, %broadcast_in_dim3A_745 : vector<16xi32>
        %select_n3A_849 = arith.select %le3A, %max3A_846, %broadcast_in_dim3A_119 : vector<16xi1>, vector<16xf32>
        %mul3A_850 = arith.constant 9 : i32
        %mul3A_851 = vector.broadcast %mul3A_850 : i32 to vector<16xi32>
        %mul3A_852 = arith.muli %add3A_848, %mul3A_851 : vector<16xi32>
        %add3A_853 = arith.constant 7 : i32
        %add3A_854 = vector.broadcast %add3A_853 : i32 to vector<16xi32>
        %add3A_855 = arith.addi %mul3A_852, %add3A_854 : vector<16xi32>
        %add3A_856 = arith.constant 1 : i32
        %add3A_857 = arith.addi %min3A_737, %add3A_856 : i32
        %while3A_858 = arith.subi %add3A_857, %max3A_730 : i32
        %while3A_859 = arith.addi %max3A_730, %while3A_858 : i32
        %while3A_860 = arith.constant 1 : i32
        %while3A_861 = arith.divsi %while3A_858, %while3A_860 : i32
        %while3A_862 = arith.muli %while3A_861, %while3A_860 : i32
        %while3A_863 = arith.addi %max3A_730, %while3A_862 : i32
        %while3A_864 = arith.constant 1 : i32
        %while3A_865:2 = scf.for %while3A_868 = %max3A_730 to %while3A_863 step %while3A_864 iter_args(%while3A_869 = %while3A_832, %while3A_870 = %while3A_833) -> (vector<16xf32>, vector<16xi32>)  : i32 {
          %convert_element_type3A_871 = arith.sitofp %while3A_868 : i32 to f32
          %mul3A_872 = arith.mulf %convert_element_type3A_871, %scan3A_124 : f32
          %add3A_873 = arith.addf %mul3A_872, %while3A_747 : f32
          %mul3A_874 = arith.mulf %convert_element_type3A_871, %scan3A_124 : f32
          %add3A_875 = arith.addf %mul3A_874, %while3A_748 : f32
          %min3A_876 = arith.minimumf %add3A_875, %reduce_max3A_334 : f32
          %max3A_877 = arith.maximumf %add3A_873, %reduce_max3A_326 : f32
          %sub3A_878 = arith.subf %min3A_876, %max3A_877 : f32
          %max3A_879 = arith.constant 0.000000e+00 : f32
          %max3A_880 = arith.maximumf %sub3A_878, %max3A_879 : f32
          %broadcast_in_dim3A_881 = vector.broadcast %max3A_880 : f32 to vector<16xf32>
          %mul3A_882 = arith.mulf %select_n3A_849, %broadcast_in_dim3A_881 : vector<16xf32>
          %sub3A_883 = arith.subf %add3A_711, %mul3A_882 : vector<16xf32>
          %div3A_884 = arith.divf %mul3A_882, %sub3A_883 : vector<16xf32>
          %mul3A_885 = arith.constant 1080 : i32
          %mul3A_886 = arith.muli %while3A_868, %mul3A_885 : i32
          %broadcast_in_dim3A_887 = vector.broadcast %mul3A_886 : i32 to vector<16xi32>
          %add3A_888 = arith.addi %add3A_855, %broadcast_in_dim3A_887 : vector<16xi32>
          %gt3A = arith.cmpf ogt, %div3A_884, %while3A_869 : vector<16xf32>
          %eq3A_889 = arith.cmpf oeq, %div3A_884, %while3A_869 : vector<16xf32>
          %lt3A_890 = arith.cmpi slt, %add3A_888, %while3A_870 : vector<16xi32>
          %and3A = arith.andi %eq3A_889, %lt3A_890 : vector<16xi1>
          %or3A = arith.ori %gt3A, %and3A : vector<16xi1>
          %select_n3A_891 = arith.select %gt3A, %div3A_884, %while3A_869 : vector<16xi1>, vector<16xf32>
          %select_n3A_892 = arith.select %or3A, %add3A_888, %while3A_870 : vector<16xi1>, vector<16xi32>
          scf.yield %select_n3A_891, %select_n3A_892 : vector<16xf32>, vector<16xi32>
        }
        %while3A_866 = arith.constant 1 : i32
        %while3A_867:2 = scf.for %while3A_868 = %while3A_863 to %while3A_859 step %while3A_866 iter_args(%while3A_869 = %while3A_865#0, %while3A_870 = %while3A_865#1) -> (vector<16xf32>, vector<16xi32>)  : i32 {
          %convert_element_type3A_871 = arith.sitofp %while3A_868 : i32 to f32
          %mul3A_872 = arith.mulf %convert_element_type3A_871, %scan3A_124 : f32
          %add3A_873 = arith.addf %mul3A_872, %while3A_747 : f32
          %mul3A_874 = arith.mulf %convert_element_type3A_871, %scan3A_124 : f32
          %add3A_875 = arith.addf %mul3A_874, %while3A_748 : f32
          %min3A_876 = arith.minimumf %add3A_875, %reduce_max3A_334 : f32
          %max3A_877 = arith.maximumf %add3A_873, %reduce_max3A_326 : f32
          %sub3A_878 = arith.subf %min3A_876, %max3A_877 : f32
          %max3A_879 = arith.constant 0.000000e+00 : f32
          %max3A_880 = arith.maximumf %sub3A_878, %max3A_879 : f32
          %broadcast_in_dim3A_881 = vector.broadcast %max3A_880 : f32 to vector<16xf32>
          %mul3A_882 = arith.mulf %select_n3A_849, %broadcast_in_dim3A_881 : vector<16xf32>
          %sub3A_883 = arith.subf %add3A_711, %mul3A_882 : vector<16xf32>
          %div3A_884 = arith.divf %mul3A_882, %sub3A_883 : vector<16xf32>
          %mul3A_885 = arith.constant 1080 : i32
          %mul3A_886 = arith.muli %while3A_868, %mul3A_885 : i32
          %broadcast_in_dim3A_887 = vector.broadcast %mul3A_886 : i32 to vector<16xi32>
          %add3A_888 = arith.addi %add3A_855, %broadcast_in_dim3A_887 : vector<16xi32>
          %gt3A = arith.cmpf ogt, %div3A_884, %while3A_869 : vector<16xf32>
          %eq3A_889 = arith.cmpf oeq, %div3A_884, %while3A_869 : vector<16xf32>
          %lt3A_890 = arith.cmpi slt, %add3A_888, %while3A_870 : vector<16xi32>
          %and3A = arith.andi %eq3A_889, %lt3A_890 : vector<16xi1>
          %or3A = arith.ori %gt3A, %and3A : vector<16xi1>
          %select_n3A_891 = arith.select %gt3A, %div3A_884, %while3A_869 : vector<16xi1>, vector<16xf32>
          %select_n3A_892 = arith.select %or3A, %add3A_888, %while3A_870 : vector<16xi1>, vector<16xi32>
          scf.yield %select_n3A_891, %select_n3A_892 : vector<16xf32>, vector<16xi32>
        }
        scf.yield %while3A_867#0, %while3A_867#1 : vector<16xf32>, vector<16xi32>
      }
      %while3A_758 = arith.constant 1 : i32
      %while3A_759:2 = scf.for %while3A_831 = %while3A_755 to %while3A_751 step %while3A_758 iter_args(%while3A_832 = %while3A_757#0, %while3A_833 = %while3A_757#1) -> (vector<16xf32>, vector<16xi32>)  : i32 {
        %mul3A_834 = arith.constant 16 : i32
        %mul3A_835 = arith.muli %while3A_831, %mul3A_834 : i32
        %add3A_836 = arith.addi %max3A_717, %mul3A_835 : i32
        %convert_element_type3A_837 = arith.sitofp %add3A_836 : i32 to f32
        %mul3A_838 = arith.mulf %convert_element_type3A_837, %scan3A_124 : f32
        %add3A_839 = arith.addf %mul3A_838, %while3A_746 : f32
        %broadcast_in_dim3A_840 = vector.broadcast %add3A_839 : f32 to vector<16xf32>
        %add3A_841 = arith.addf %broadcast_in_dim3A_840, %mul3A_115 : vector<16xf32>
        %add3A_842 = arith.addf %add3A_841, %broadcast_in_dim3A_708 : vector<16xf32>
        %min3A_843 = arith.minimumf %add3A_842, %get3A_308 : vector<16xf32>
        %max3A_844 = arith.maximumf %add3A_841, %get3A_298 : vector<16xf32>
        %sub3A_845 = arith.subf %min3A_843, %max3A_844 : vector<16xf32>
        %max3A_846 = arith.maximumf %sub3A_845, %broadcast_in_dim3A_119 : vector<16xf32>
        %broadcast_in_dim3A_847 = vector.broadcast %add3A_836 : i32 to vector<16xi32>
        %add3A_848 = arith.addi %broadcast_in_dim3A_847, %iota3A : vector<16xi32>
        %le3A = arith.cmpi sle, %add3A_848, %broadcast_in_dim3A_745 : vector<16xi32>
        %select_n3A_849 = arith.select %le3A, %max3A_846, %broadcast_in_dim3A_119 : vector<16xi1>, vector<16xf32>
        %mul3A_850 = arith.constant 9 : i32
        %mul3A_851 = vector.broadcast %mul3A_850 : i32 to vector<16xi32>
        %mul3A_852 = arith.muli %add3A_848, %mul3A_851 : vector<16xi32>
        %add3A_853 = arith.constant 7 : i32
        %add3A_854 = vector.broadcast %add3A_853 : i32 to vector<16xi32>
        %add3A_855 = arith.addi %mul3A_852, %add3A_854 : vector<16xi32>
        %add3A_856 = arith.constant 1 : i32
        %add3A_857 = arith.addi %min3A_737, %add3A_856 : i32
        %while3A_858 = arith.subi %add3A_857, %max3A_730 : i32
        %while3A_859 = arith.addi %max3A_730, %while3A_858 : i32
        %while3A_860 = arith.constant 1 : i32
        %while3A_861 = arith.divsi %while3A_858, %while3A_860 : i32
        %while3A_862 = arith.muli %while3A_861, %while3A_860 : i32
        %while3A_863 = arith.addi %max3A_730, %while3A_862 : i32
        %while3A_864 = arith.constant 1 : i32
        %while3A_865:2 = scf.for %while3A_868 = %max3A_730 to %while3A_863 step %while3A_864 iter_args(%while3A_869 = %while3A_832, %while3A_870 = %while3A_833) -> (vector<16xf32>, vector<16xi32>)  : i32 {
          %convert_element_type3A_871 = arith.sitofp %while3A_868 : i32 to f32
          %mul3A_872 = arith.mulf %convert_element_type3A_871, %scan3A_124 : f32
          %add3A_873 = arith.addf %mul3A_872, %while3A_747 : f32
          %mul3A_874 = arith.mulf %convert_element_type3A_871, %scan3A_124 : f32
          %add3A_875 = arith.addf %mul3A_874, %while3A_748 : f32
          %min3A_876 = arith.minimumf %add3A_875, %reduce_max3A_334 : f32
          %max3A_877 = arith.maximumf %add3A_873, %reduce_max3A_326 : f32
          %sub3A_878 = arith.subf %min3A_876, %max3A_877 : f32
          %max3A_879 = arith.constant 0.000000e+00 : f32
          %max3A_880 = arith.maximumf %sub3A_878, %max3A_879 : f32
          %broadcast_in_dim3A_881 = vector.broadcast %max3A_880 : f32 to vector<16xf32>
          %mul3A_882 = arith.mulf %select_n3A_849, %broadcast_in_dim3A_881 : vector<16xf32>
          %sub3A_883 = arith.subf %add3A_711, %mul3A_882 : vector<16xf32>
          %div3A_884 = arith.divf %mul3A_882, %sub3A_883 : vector<16xf32>
          %mul3A_885 = arith.constant 1080 : i32
          %mul3A_886 = arith.muli %while3A_868, %mul3A_885 : i32
          %broadcast_in_dim3A_887 = vector.broadcast %mul3A_886 : i32 to vector<16xi32>
          %add3A_888 = arith.addi %add3A_855, %broadcast_in_dim3A_887 : vector<16xi32>
          %gt3A = arith.cmpf ogt, %div3A_884, %while3A_869 : vector<16xf32>
          %eq3A_889 = arith.cmpf oeq, %div3A_884, %while3A_869 : vector<16xf32>
          %lt3A_890 = arith.cmpi slt, %add3A_888, %while3A_870 : vector<16xi32>
          %and3A = arith.andi %eq3A_889, %lt3A_890 : vector<16xi1>
          %or3A = arith.ori %gt3A, %and3A : vector<16xi1>
          %select_n3A_891 = arith.select %gt3A, %div3A_884, %while3A_869 : vector<16xi1>, vector<16xf32>
          %select_n3A_892 = arith.select %or3A, %add3A_888, %while3A_870 : vector<16xi1>, vector<16xi32>
          scf.yield %select_n3A_891, %select_n3A_892 : vector<16xf32>, vector<16xi32>
        }
        %while3A_866 = arith.constant 1 : i32
        %while3A_867:2 = scf.for %while3A_868 = %while3A_863 to %while3A_859 step %while3A_866 iter_args(%while3A_869 = %while3A_865#0, %while3A_870 = %while3A_865#1) -> (vector<16xf32>, vector<16xi32>)  : i32 {
          %convert_element_type3A_871 = arith.sitofp %while3A_868 : i32 to f32
          %mul3A_872 = arith.mulf %convert_element_type3A_871, %scan3A_124 : f32
          %add3A_873 = arith.addf %mul3A_872, %while3A_747 : f32
          %mul3A_874 = arith.mulf %convert_element_type3A_871, %scan3A_124 : f32
          %add3A_875 = arith.addf %mul3A_874, %while3A_748 : f32
          %min3A_876 = arith.minimumf %add3A_875, %reduce_max3A_334 : f32
          %max3A_877 = arith.maximumf %add3A_873, %reduce_max3A_326 : f32
          %sub3A_878 = arith.subf %min3A_876, %max3A_877 : f32
          %max3A_879 = arith.constant 0.000000e+00 : f32
          %max3A_880 = arith.maximumf %sub3A_878, %max3A_879 : f32
          %broadcast_in_dim3A_881 = vector.broadcast %max3A_880 : f32 to vector<16xf32>
          %mul3A_882 = arith.mulf %select_n3A_849, %broadcast_in_dim3A_881 : vector<16xf32>
          %sub3A_883 = arith.subf %add3A_711, %mul3A_882 : vector<16xf32>
          %div3A_884 = arith.divf %mul3A_882, %sub3A_883 : vector<16xf32>
          %mul3A_885 = arith.constant 1080 : i32
          %mul3A_886 = arith.muli %while3A_868, %mul3A_885 : i32
          %broadcast_in_dim3A_887 = vector.broadcast %mul3A_886 : i32 to vector<16xi32>
          %add3A_888 = arith.addi %add3A_855, %broadcast_in_dim3A_887 : vector<16xi32>
          %gt3A = arith.cmpf ogt, %div3A_884, %while3A_869 : vector<16xf32>
          %eq3A_889 = arith.cmpf oeq, %div3A_884, %while3A_869 : vector<16xf32>
          %lt3A_890 = arith.cmpi slt, %add3A_888, %while3A_870 : vector<16xi32>
          %and3A = arith.andi %eq3A_889, %lt3A_890 : vector<16xi1>
          %or3A = arith.ori %gt3A, %and3A : vector<16xi1>
          %select_n3A_891 = arith.select %gt3A, %div3A_884, %while3A_869 : vector<16xi1>, vector<16xf32>
          %select_n3A_892 = arith.select %or3A, %add3A_888, %while3A_870 : vector<16xi1>, vector<16xi32>
          scf.yield %select_n3A_891, %select_n3A_892 : vector<16xf32>, vector<16xi32>
        }
        scf.yield %while3A_867#0, %while3A_867#1 : vector<16xf32>, vector<16xi32>
      }
      %broadcast_in_dim3A_760 = arith.constant 3.520000e+02 : f32
      %broadcast_in_dim3A_761 = vector.broadcast %broadcast_in_dim3A_760 : f32 to vector<16xf32>
      %broadcast_in_dim3A_762 = arith.constant 2.478080e+05 : f32
      %broadcast_in_dim3A_763 = vector.broadcast %broadcast_in_dim3A_762 : f32 to vector<16xf32>
      %add3A_764 = arith.addf %broadcast_in_dim3A_763, %get3A_318 : vector<16xf32>
      %sub3A_765 = arith.constant 1.840000e+02 : f32
      %sub3A_766 = arith.subf %reduce_max3A_322, %sub3A_765 : f32
      %mul3A_767 = arith.mulf %sub3A_766, %scan3A : f32
      %convert_element_type3A_768 = arith.fptosi %mul3A_767 : f32 to i32
      %max3A_769 = arith.constant 11 : i32
      %max3A_770 = arith.maxsi %convert_element_type3A_768, %max3A_769 : i32
      %sub3A_771 = arith.constant -1.680000e+02 : f32
      %sub3A_772 = arith.subf %reduce_max3A_330, %sub3A_771 : f32
      %mul3A_773 = arith.mulf %sub3A_772, %scan3A : f32
      %convert_element_type3A_774 = arith.fptosi %mul3A_773 : f32 to i32
      %add3A_775 = arith.constant 1 : i32
      %add3A_776 = arith.addi %convert_element_type3A_774, %add3A_775 : i32
      %min3A_777 = arith.minsi %add3A_776, %convert_element_type3A_66 : i32
      %sub3A_778 = arith.constant 3.600000e+02 : f32
      %sub3A_779 = arith.subf %reduce_max3A_326, %sub3A_778 : f32
      %mul3A_780 = arith.mulf %sub3A_779, %scan3A : f32
      %convert_element_type3A_781 = arith.fptosi %mul3A_780 : f32 to i32
      %max3A_782 = arith.constant 22 : i32
      %max3A_783 = arith.maxsi %convert_element_type3A_781, %max3A_782 : i32
      %sub3A_784 = arith.constant -3.440000e+02 : f32
      %sub3A_785 = arith.subf %reduce_max3A_334, %sub3A_784 : f32
      %mul3A_786 = arith.mulf %sub3A_785, %scan3A : f32
      %convert_element_type3A_787 = arith.fptosi %mul3A_786 : f32 to i32
      %add3A_788 = arith.constant 1 : i32
      %add3A_789 = arith.addi %convert_element_type3A_787, %add3A_788 : i32
      %min3A_790 = arith.minsi %add3A_789, %convert_element_type3A_111 : i32
      %sub3A_791 = arith.subi %min3A_777, %max3A_770 : i32
      %max3A_792 = arith.constant 0 : i32
      %max3A_793 = arith.maxsi %sub3A_791, %max3A_792 : i32
      %shift_right_logical3A_794 = arith.constant 4 : i32
      %shift_right_logical3A_795 = arith.shrui %max3A_793, %shift_right_logical3A_794 : i32
      %add3A_796 = arith.constant 1 : i32
      %add3A_797 = arith.addi %shift_right_logical3A_795, %add3A_796 : i32
      %broadcast_in_dim3A_798 = vector.broadcast %min3A_777 : i32 to vector<16xi32>
      %while3A_799 = arith.constant -1.680000e+02 : f32
      %while3A_800 = arith.constant -3.440000e+02 : f32
      %while3A_801 = arith.constant 3.600000e+02 : f32
      %while3A_802 = arith.constant 0 : i32
      %while3A_803 = arith.subi %add3A_797, %while3A_802 : i32
      %while3A_804 = arith.addi %while3A_802, %while3A_803 : i32
      %while3A_805 = arith.constant 1 : i32
      %while3A_806 = arith.divsi %while3A_803, %while3A_805 : i32
      %while3A_807 = arith.muli %while3A_806, %while3A_805 : i32
      %while3A_808 = arith.addi %while3A_802, %while3A_807 : i32
      %while3A_809 = arith.constant 1 : i32
      %while3A_810:2 = scf.for %while3A_831 = %while3A_802 to %while3A_808 step %while3A_809 iter_args(%while3A_832 = %while3A_759#0, %while3A_833 = %while3A_759#1) -> (vector<16xf32>, vector<16xi32>)  : i32 {
        %mul3A_834 = arith.constant 16 : i32
        %mul3A_835 = arith.muli %while3A_831, %mul3A_834 : i32
        %add3A_836 = arith.addi %max3A_770, %mul3A_835 : i32
        %convert_element_type3A_837 = arith.sitofp %add3A_836 : i32 to f32
        %mul3A_838 = arith.mulf %convert_element_type3A_837, %scan3A_124 : f32
        %add3A_839 = arith.addf %mul3A_838, %while3A_799 : f32
        %broadcast_in_dim3A_840 = vector.broadcast %add3A_839 : f32 to vector<16xf32>
        %add3A_841 = arith.addf %broadcast_in_dim3A_840, %mul3A_115 : vector<16xf32>
        %add3A_842 = arith.addf %add3A_841, %broadcast_in_dim3A_761 : vector<16xf32>
        %min3A_843 = arith.minimumf %add3A_842, %get3A_308 : vector<16xf32>
        %max3A_844 = arith.maximumf %add3A_841, %get3A_298 : vector<16xf32>
        %sub3A_845 = arith.subf %min3A_843, %max3A_844 : vector<16xf32>
        %max3A_846 = arith.maximumf %sub3A_845, %broadcast_in_dim3A_119 : vector<16xf32>
        %broadcast_in_dim3A_847 = vector.broadcast %add3A_836 : i32 to vector<16xi32>
        %add3A_848 = arith.addi %broadcast_in_dim3A_847, %iota3A : vector<16xi32>
        %le3A = arith.cmpi sle, %add3A_848, %broadcast_in_dim3A_798 : vector<16xi32>
        %select_n3A_849 = arith.select %le3A, %max3A_846, %broadcast_in_dim3A_119 : vector<16xi1>, vector<16xf32>
        %mul3A_850 = arith.constant 9 : i32
        %mul3A_851 = vector.broadcast %mul3A_850 : i32 to vector<16xi32>
        %mul3A_852 = arith.muli %add3A_848, %mul3A_851 : vector<16xi32>
        %add3A_853 = arith.constant 8 : i32
        %add3A_854 = vector.broadcast %add3A_853 : i32 to vector<16xi32>
        %add3A_855 = arith.addi %mul3A_852, %add3A_854 : vector<16xi32>
        %add3A_856 = arith.constant 1 : i32
        %add3A_857 = arith.addi %min3A_790, %add3A_856 : i32
        %while3A_858 = arith.subi %add3A_857, %max3A_783 : i32
        %while3A_859 = arith.addi %max3A_783, %while3A_858 : i32
        %while3A_860 = arith.constant 1 : i32
        %while3A_861 = arith.divsi %while3A_858, %while3A_860 : i32
        %while3A_862 = arith.muli %while3A_861, %while3A_860 : i32
        %while3A_863 = arith.addi %max3A_783, %while3A_862 : i32
        %while3A_864 = arith.constant 1 : i32
        %while3A_865:2 = scf.for %while3A_868 = %max3A_783 to %while3A_863 step %while3A_864 iter_args(%while3A_869 = %while3A_832, %while3A_870 = %while3A_833) -> (vector<16xf32>, vector<16xi32>)  : i32 {
          %convert_element_type3A_871 = arith.sitofp %while3A_868 : i32 to f32
          %mul3A_872 = arith.mulf %convert_element_type3A_871, %scan3A_124 : f32
          %add3A_873 = arith.addf %mul3A_872, %while3A_800 : f32
          %mul3A_874 = arith.mulf %convert_element_type3A_871, %scan3A_124 : f32
          %add3A_875 = arith.addf %mul3A_874, %while3A_801 : f32
          %min3A_876 = arith.minimumf %add3A_875, %reduce_max3A_334 : f32
          %max3A_877 = arith.maximumf %add3A_873, %reduce_max3A_326 : f32
          %sub3A_878 = arith.subf %min3A_876, %max3A_877 : f32
          %max3A_879 = arith.constant 0.000000e+00 : f32
          %max3A_880 = arith.maximumf %sub3A_878, %max3A_879 : f32
          %broadcast_in_dim3A_881 = vector.broadcast %max3A_880 : f32 to vector<16xf32>
          %mul3A_882 = arith.mulf %select_n3A_849, %broadcast_in_dim3A_881 : vector<16xf32>
          %sub3A_883 = arith.subf %add3A_764, %mul3A_882 : vector<16xf32>
          %div3A_884 = arith.divf %mul3A_882, %sub3A_883 : vector<16xf32>
          %mul3A_885 = arith.constant 1080 : i32
          %mul3A_886 = arith.muli %while3A_868, %mul3A_885 : i32
          %broadcast_in_dim3A_887 = vector.broadcast %mul3A_886 : i32 to vector<16xi32>
          %add3A_888 = arith.addi %add3A_855, %broadcast_in_dim3A_887 : vector<16xi32>
          %gt3A = arith.cmpf ogt, %div3A_884, %while3A_869 : vector<16xf32>
          %eq3A_889 = arith.cmpf oeq, %div3A_884, %while3A_869 : vector<16xf32>
          %lt3A_890 = arith.cmpi slt, %add3A_888, %while3A_870 : vector<16xi32>
          %and3A = arith.andi %eq3A_889, %lt3A_890 : vector<16xi1>
          %or3A = arith.ori %gt3A, %and3A : vector<16xi1>
          %select_n3A_891 = arith.select %gt3A, %div3A_884, %while3A_869 : vector<16xi1>, vector<16xf32>
          %select_n3A_892 = arith.select %or3A, %add3A_888, %while3A_870 : vector<16xi1>, vector<16xi32>
          scf.yield %select_n3A_891, %select_n3A_892 : vector<16xf32>, vector<16xi32>
        }
        %while3A_866 = arith.constant 1 : i32
        %while3A_867:2 = scf.for %while3A_868 = %while3A_863 to %while3A_859 step %while3A_866 iter_args(%while3A_869 = %while3A_865#0, %while3A_870 = %while3A_865#1) -> (vector<16xf32>, vector<16xi32>)  : i32 {
          %convert_element_type3A_871 = arith.sitofp %while3A_868 : i32 to f32
          %mul3A_872 = arith.mulf %convert_element_type3A_871, %scan3A_124 : f32
          %add3A_873 = arith.addf %mul3A_872, %while3A_800 : f32
          %mul3A_874 = arith.mulf %convert_element_type3A_871, %scan3A_124 : f32
          %add3A_875 = arith.addf %mul3A_874, %while3A_801 : f32
          %min3A_876 = arith.minimumf %add3A_875, %reduce_max3A_334 : f32
          %max3A_877 = arith.maximumf %add3A_873, %reduce_max3A_326 : f32
          %sub3A_878 = arith.subf %min3A_876, %max3A_877 : f32
          %max3A_879 = arith.constant 0.000000e+00 : f32
          %max3A_880 = arith.maximumf %sub3A_878, %max3A_879 : f32
          %broadcast_in_dim3A_881 = vector.broadcast %max3A_880 : f32 to vector<16xf32>
          %mul3A_882 = arith.mulf %select_n3A_849, %broadcast_in_dim3A_881 : vector<16xf32>
          %sub3A_883 = arith.subf %add3A_764, %mul3A_882 : vector<16xf32>
          %div3A_884 = arith.divf %mul3A_882, %sub3A_883 : vector<16xf32>
          %mul3A_885 = arith.constant 1080 : i32
          %mul3A_886 = arith.muli %while3A_868, %mul3A_885 : i32
          %broadcast_in_dim3A_887 = vector.broadcast %mul3A_886 : i32 to vector<16xi32>
          %add3A_888 = arith.addi %add3A_855, %broadcast_in_dim3A_887 : vector<16xi32>
          %gt3A = arith.cmpf ogt, %div3A_884, %while3A_869 : vector<16xf32>
          %eq3A_889 = arith.cmpf oeq, %div3A_884, %while3A_869 : vector<16xf32>
          %lt3A_890 = arith.cmpi slt, %add3A_888, %while3A_870 : vector<16xi32>
          %and3A = arith.andi %eq3A_889, %lt3A_890 : vector<16xi1>
          %or3A = arith.ori %gt3A, %and3A : vector<16xi1>
          %select_n3A_891 = arith.select %gt3A, %div3A_884, %while3A_869 : vector<16xi1>, vector<16xf32>
          %select_n3A_892 = arith.select %or3A, %add3A_888, %while3A_870 : vector<16xi1>, vector<16xi32>
          scf.yield %select_n3A_891, %select_n3A_892 : vector<16xf32>, vector<16xi32>
        }
        scf.yield %while3A_867#0, %while3A_867#1 : vector<16xf32>, vector<16xi32>
      }
      %while3A_811 = arith.constant 1 : i32
      %while3A_812:2 = scf.for %while3A_831 = %while3A_808 to %while3A_804 step %while3A_811 iter_args(%while3A_832 = %while3A_810#0, %while3A_833 = %while3A_810#1) -> (vector<16xf32>, vector<16xi32>)  : i32 {
        %mul3A_834 = arith.constant 16 : i32
        %mul3A_835 = arith.muli %while3A_831, %mul3A_834 : i32
        %add3A_836 = arith.addi %max3A_770, %mul3A_835 : i32
        %convert_element_type3A_837 = arith.sitofp %add3A_836 : i32 to f32
        %mul3A_838 = arith.mulf %convert_element_type3A_837, %scan3A_124 : f32
        %add3A_839 = arith.addf %mul3A_838, %while3A_799 : f32
        %broadcast_in_dim3A_840 = vector.broadcast %add3A_839 : f32 to vector<16xf32>
        %add3A_841 = arith.addf %broadcast_in_dim3A_840, %mul3A_115 : vector<16xf32>
        %add3A_842 = arith.addf %add3A_841, %broadcast_in_dim3A_761 : vector<16xf32>
        %min3A_843 = arith.minimumf %add3A_842, %get3A_308 : vector<16xf32>
        %max3A_844 = arith.maximumf %add3A_841, %get3A_298 : vector<16xf32>
        %sub3A_845 = arith.subf %min3A_843, %max3A_844 : vector<16xf32>
        %max3A_846 = arith.maximumf %sub3A_845, %broadcast_in_dim3A_119 : vector<16xf32>
        %broadcast_in_dim3A_847 = vector.broadcast %add3A_836 : i32 to vector<16xi32>
        %add3A_848 = arith.addi %broadcast_in_dim3A_847, %iota3A : vector<16xi32>
        %le3A = arith.cmpi sle, %add3A_848, %broadcast_in_dim3A_798 : vector<16xi32>
        %select_n3A_849 = arith.select %le3A, %max3A_846, %broadcast_in_dim3A_119 : vector<16xi1>, vector<16xf32>
        %mul3A_850 = arith.constant 9 : i32
        %mul3A_851 = vector.broadcast %mul3A_850 : i32 to vector<16xi32>
        %mul3A_852 = arith.muli %add3A_848, %mul3A_851 : vector<16xi32>
        %add3A_853 = arith.constant 8 : i32
        %add3A_854 = vector.broadcast %add3A_853 : i32 to vector<16xi32>
        %add3A_855 = arith.addi %mul3A_852, %add3A_854 : vector<16xi32>
        %add3A_856 = arith.constant 1 : i32
        %add3A_857 = arith.addi %min3A_790, %add3A_856 : i32
        %while3A_858 = arith.subi %add3A_857, %max3A_783 : i32
        %while3A_859 = arith.addi %max3A_783, %while3A_858 : i32
        %while3A_860 = arith.constant 1 : i32
        %while3A_861 = arith.divsi %while3A_858, %while3A_860 : i32
        %while3A_862 = arith.muli %while3A_861, %while3A_860 : i32
        %while3A_863 = arith.addi %max3A_783, %while3A_862 : i32
        %while3A_864 = arith.constant 1 : i32
        %while3A_865:2 = scf.for %while3A_868 = %max3A_783 to %while3A_863 step %while3A_864 iter_args(%while3A_869 = %while3A_832, %while3A_870 = %while3A_833) -> (vector<16xf32>, vector<16xi32>)  : i32 {
          %convert_element_type3A_871 = arith.sitofp %while3A_868 : i32 to f32
          %mul3A_872 = arith.mulf %convert_element_type3A_871, %scan3A_124 : f32
          %add3A_873 = arith.addf %mul3A_872, %while3A_800 : f32
          %mul3A_874 = arith.mulf %convert_element_type3A_871, %scan3A_124 : f32
          %add3A_875 = arith.addf %mul3A_874, %while3A_801 : f32
          %min3A_876 = arith.minimumf %add3A_875, %reduce_max3A_334 : f32
          %max3A_877 = arith.maximumf %add3A_873, %reduce_max3A_326 : f32
          %sub3A_878 = arith.subf %min3A_876, %max3A_877 : f32
          %max3A_879 = arith.constant 0.000000e+00 : f32
          %max3A_880 = arith.maximumf %sub3A_878, %max3A_879 : f32
          %broadcast_in_dim3A_881 = vector.broadcast %max3A_880 : f32 to vector<16xf32>
          %mul3A_882 = arith.mulf %select_n3A_849, %broadcast_in_dim3A_881 : vector<16xf32>
          %sub3A_883 = arith.subf %add3A_764, %mul3A_882 : vector<16xf32>
          %div3A_884 = arith.divf %mul3A_882, %sub3A_883 : vector<16xf32>
          %mul3A_885 = arith.constant 1080 : i32
          %mul3A_886 = arith.muli %while3A_868, %mul3A_885 : i32
          %broadcast_in_dim3A_887 = vector.broadcast %mul3A_886 : i32 to vector<16xi32>
          %add3A_888 = arith.addi %add3A_855, %broadcast_in_dim3A_887 : vector<16xi32>
          %gt3A = arith.cmpf ogt, %div3A_884, %while3A_869 : vector<16xf32>
          %eq3A_889 = arith.cmpf oeq, %div3A_884, %while3A_869 : vector<16xf32>
          %lt3A_890 = arith.cmpi slt, %add3A_888, %while3A_870 : vector<16xi32>
          %and3A = arith.andi %eq3A_889, %lt3A_890 : vector<16xi1>
          %or3A = arith.ori %gt3A, %and3A : vector<16xi1>
          %select_n3A_891 = arith.select %gt3A, %div3A_884, %while3A_869 : vector<16xi1>, vector<16xf32>
          %select_n3A_892 = arith.select %or3A, %add3A_888, %while3A_870 : vector<16xi1>, vector<16xi32>
          scf.yield %select_n3A_891, %select_n3A_892 : vector<16xf32>, vector<16xi32>
        }
        %while3A_866 = arith.constant 1 : i32
        %while3A_867:2 = scf.for %while3A_868 = %while3A_863 to %while3A_859 step %while3A_866 iter_args(%while3A_869 = %while3A_865#0, %while3A_870 = %while3A_865#1) -> (vector<16xf32>, vector<16xi32>)  : i32 {
          %convert_element_type3A_871 = arith.sitofp %while3A_868 : i32 to f32
          %mul3A_872 = arith.mulf %convert_element_type3A_871, %scan3A_124 : f32
          %add3A_873 = arith.addf %mul3A_872, %while3A_800 : f32
          %mul3A_874 = arith.mulf %convert_element_type3A_871, %scan3A_124 : f32
          %add3A_875 = arith.addf %mul3A_874, %while3A_801 : f32
          %min3A_876 = arith.minimumf %add3A_875, %reduce_max3A_334 : f32
          %max3A_877 = arith.maximumf %add3A_873, %reduce_max3A_326 : f32
          %sub3A_878 = arith.subf %min3A_876, %max3A_877 : f32
          %max3A_879 = arith.constant 0.000000e+00 : f32
          %max3A_880 = arith.maximumf %sub3A_878, %max3A_879 : f32
          %broadcast_in_dim3A_881 = vector.broadcast %max3A_880 : f32 to vector<16xf32>
          %mul3A_882 = arith.mulf %select_n3A_849, %broadcast_in_dim3A_881 : vector<16xf32>
          %sub3A_883 = arith.subf %add3A_764, %mul3A_882 : vector<16xf32>
          %div3A_884 = arith.divf %mul3A_882, %sub3A_883 : vector<16xf32>
          %mul3A_885 = arith.constant 1080 : i32
          %mul3A_886 = arith.muli %while3A_868, %mul3A_885 : i32
          %broadcast_in_dim3A_887 = vector.broadcast %mul3A_886 : i32 to vector<16xi32>
          %add3A_888 = arith.addi %add3A_855, %broadcast_in_dim3A_887 : vector<16xi32>
          %gt3A = arith.cmpf ogt, %div3A_884, %while3A_869 : vector<16xf32>
          %eq3A_889 = arith.cmpf oeq, %div3A_884, %while3A_869 : vector<16xf32>
          %lt3A_890 = arith.cmpi slt, %add3A_888, %while3A_870 : vector<16xi32>
          %and3A = arith.andi %eq3A_889, %lt3A_890 : vector<16xi1>
          %or3A = arith.ori %gt3A, %and3A : vector<16xi1>
          %select_n3A_891 = arith.select %gt3A, %div3A_884, %while3A_869 : vector<16xi1>, vector<16xf32>
          %select_n3A_892 = arith.select %or3A, %add3A_888, %while3A_870 : vector<16xi1>, vector<16xi32>
          scf.yield %select_n3A_891, %select_n3A_892 : vector<16xf32>, vector<16xi32>
        }
        scf.yield %while3A_867#0, %while3A_867#1 : vector<16xf32>, vector<16xi32>
      }
      %reduce_max3A_813 = arith.constant true
      %reduce_max3A_814 = vector.broadcast %reduce_max3A_813 : i1 to vector<16xi1>
      %reduce_max3A_815 = tpu.scan <max>, %while3A_812#0 masked %reduce_max3A_814 : vector<16xf32>, vector<16xi1> -> vector<16xf32>
      %reduce_max3A_816 = vector.extract %reduce_max3A_815[15] : f32 from vector<16xf32>
      %broadcast_in_dim3A_817 = vector.broadcast %reduce_max3A_816 : f32 to vector<16xf32>
      %eq3A_818 = arith.cmpf oeq, %while3A_812#0, %broadcast_in_dim3A_817 : vector<16xf32>
      %select_n3A_819 = arith.select %eq3A_818, %while3A_812#1, %broadcast_in_dim3A_121 : vector<16xi1>, vector<16xi32>
      %reduce_min3A = arith.constant true
      %reduce_min3A_820 = vector.broadcast %reduce_min3A : i1 to vector<16xi1>
      %reduce_min3A_821 = arith.constant -2147483648 : i32
      %reduce_min3A_822 = vector.broadcast %reduce_min3A_821 : i32 to vector<16xi32>
      %reduce_min3A_823 = arith.xori %select_n3A_819, %reduce_min3A_822 : vector<16xi32>
      %reduce_min3A_824 = tpu.scan <min>, %reduce_min3A_823 masked %reduce_min3A_820 : vector<16xi32>, vector<16xi1> -> vector<16xi32>
      %reduce_min3A_825 = arith.xori %reduce_min3A_824, %reduce_min3A_822 : vector<16xi32>
      %reduce_min3A_826 = vector.extract %reduce_min3A_825[15] : i32 from vector<16xi32>
      %broadcast_in_dim3A_827 = vector.broadcast %scan3A_292 : i32 to vector<16xi32>
      %eq3A_828 = arith.cmpi eq, %iota3A, %broadcast_in_dim3A_827 : vector<16xi32>
      %broadcast_in_dim3A_829 = vector.broadcast %reduce_min3A_826 : i32 to vector<16xi32>
      %select_n3A_830 = arith.select %eq3A_828, %broadcast_in_dim3A_829, %scan3A_293 : vector<16xi1>, vector<16xi32>
      scf.yield %select_n3A_830 : vector<16xi32>
    }
    %scan3A_130 = arith.constant 8 : i32
    %get3A_131 = arith.constant 0 : index
    %get3A_132 = tpu.vector_load %arg16[%get3A_131] {strides = array<i32>} : memref<16xi32, #tpu.memory_space<vmem>>, vector<16xi32>,
    %add3A_133 = arith.addi %scan3A_129, %get3A_132 : vector<16xi32>
    %min3A = arith.constant 647999 : i32
    %min3A_134 = vector.broadcast %min3A : i32 to vector<16xi32>
    %min3A_135 = arith.minsi %add3A_133, %min3A_134 : vector<16xi32>
    %dma_start3A = arith.constant 0 : i32
    %dma_start3A_136 = tpu.memref_slice %arg4[%dma_start3A] : memref<648000xf32, #tpu.memory_space<hbm>> -> memref<648000xf32, #tpu.memory_space<hbm>>
    tpu.enqueue_indirect_dma source(%dma_start3A_136 : memref<648000xf32, #tpu.memory_space<hbm>>) target(%arg18 : memref<16xf32, #tpu.memory_space<vmem>>) offsets(%min3A_135 : vector<16xi32>) semaphore(%arg20 : memref<!tpu.dma_semaphore, #tpu.memory_space<semaphore_mem>>)
    %dma_wait3A = arith.constant 0 : i32
    %dma_wait3A_137 = tpu.memref_slice %arg4[%dma_wait3A] : memref<648000xf32, #tpu.memory_space<hbm>> -> memref<648000xf32, #tpu.memory_space<hbm>>
    tpu.wait_indirect_dma semaphore(%arg20 : memref<!tpu.dma_semaphore, #tpu.memory_space<semaphore_mem>>) src(%dma_wait3A_137 : memref<648000xf32, #tpu.memory_space<hbm>>) dst(%arg18 : memref<16xf32, #tpu.memory_space<vmem>>)
    %get3A_138 = arith.constant 0 : index
    %get3A_139 = tpu.vector_load %arg18[%get3A_138] {strides = array<i32>} : memref<16xf32, #tpu.memory_space<vmem>>, vector<16xf32>,
    %broadcast_in_dim3A_140 = arith.constant 1.000000e+00 : f32
    %broadcast_in_dim3A_141 = vector.broadcast %broadcast_in_dim3A_140 : f32 to vector<16xf32>
    %broadcast_in_dim3A_142 = arith.constant 1.000000e+00 : f32
    %broadcast_in_dim3A_143 = vector.broadcast %broadcast_in_dim3A_142 : f32 to vector<16xf32>
    %broadcast_in_dim3A_144 = arith.constant 1.000000e+00 : f32
    %broadcast_in_dim3A_145 = vector.broadcast %broadcast_in_dim3A_144 : f32 to vector<16xf32>
    %get3A_146 = arith.constant 0 : i32
    %get3A_147 = arith.index_cast %get3A_146 : i32 to index
    %get3A_148 = arith.constant 0 : index
    %get3A_149 = tpu.vector_load %arg13[%get3A_147, %get3A_148] {strides = array<i32>} : memref<5x16xf32, #tpu.memory_space<vmem>>, vector<16xf32>,
    %get3A_150 = arith.constant 0 : i32
    %get3A_151 = arith.index_cast %get3A_150 : i32 to index
    %get3A_152 = arith.constant 0 : index
    %get3A_153 = tpu.vector_load %arg14[%get3A_151, %get3A_152] {strides = array<i32>} : memref<5x16xf32, #tpu.memory_space<vmem>>, vector<16xf32>,
    %get3A_154 = arith.constant 0 : i32
    %get3A_155 = arith.index_cast %get3A_154 : i32 to index
    %get3A_156 = arith.constant 0 : index
    %get3A_157 = tpu.vector_load %arg15[%get3A_155, %get3A_156] {strides = array<i32>} : memref<5x16xf32, #tpu.memory_space<vmem>>, vector<16xf32>,
    %eq3A = arith.cmpf oeq, %get3A_149, %broadcast_in_dim3A_141 : vector<16xf32>
    %sub3A_158 = arith.subf %broadcast_in_dim3A_141, %get3A_153 : vector<16xf32>
    %select_n3A = arith.select %eq3A, %get3A_153, %sub3A_158 : vector<16xi1>, vector<16xf32>
    %mul3A_159 = arith.mulf %broadcast_in_dim3A_143, %select_n3A : vector<16xf32>
    %sub3A_160 = arith.subf %broadcast_in_dim3A_141, %get3A_157 : vector<16xf32>
    %select_n3A_161 = arith.select %eq3A, %sub3A_160, %get3A_157 : vector<16xi1>, vector<16xf32>
    %mul3A_162 = arith.mulf %broadcast_in_dim3A_145, %select_n3A_161 : vector<16xf32>
    %get3A_163 = arith.constant 1 : i32
    %get3A_164 = arith.index_cast %get3A_163 : i32 to index
    %get3A_165 = arith.constant 0 : index
    %get3A_166 = tpu.vector_load %arg13[%get3A_164, %get3A_165] {strides = array<i32>} : memref<5x16xf32, #tpu.memory_space<vmem>>, vector<16xf32>,
    %get3A_167 = arith.constant 1 : i32
    %get3A_168 = arith.index_cast %get3A_167 : i32 to index
    %get3A_169 = arith.constant 0 : index
    %get3A_170 = tpu.vector_load %arg14[%get3A_168, %get3A_169] {strides = array<i32>} : memref<5x16xf32, #tpu.memory_space<vmem>>, vector<16xf32>,
    %get3A_171 = arith.constant 1 : i32
    %get3A_172 = arith.index_cast %get3A_171 : i32 to index
    %get3A_173 = arith.constant 0 : index
    %get3A_174 = tpu.vector_load %arg15[%get3A_172, %get3A_173] {strides = array<i32>} : memref<5x16xf32, #tpu.memory_space<vmem>>, vector<16xf32>,
    %eq3A_175 = arith.cmpf oeq, %get3A_166, %broadcast_in_dim3A_141 : vector<16xf32>
    %sub3A_176 = arith.subf %broadcast_in_dim3A_141, %get3A_170 : vector<16xf32>
    %select_n3A_177 = arith.select %eq3A_175, %get3A_170, %sub3A_176 : vector<16xi1>, vector<16xf32>
    %mul3A_178 = arith.mulf %mul3A_159, %select_n3A_177 : vector<16xf32>
    %sub3A_179 = arith.subf %broadcast_in_dim3A_141, %get3A_174 : vector<16xf32>
    %select_n3A_180 = arith.select %eq3A_175, %sub3A_179, %get3A_174 : vector<16xi1>, vector<16xf32>
    %mul3A_181 = arith.mulf %mul3A_162, %select_n3A_180 : vector<16xf32>
    %get3A_182 = arith.constant 2 : i32
    %get3A_183 = arith.index_cast %get3A_182 : i32 to index
    %get3A_184 = arith.constant 0 : index
    %get3A_185 = tpu.vector_load %arg13[%get3A_183, %get3A_184] {strides = array<i32>} : memref<5x16xf32, #tpu.memory_space<vmem>>, vector<16xf32>,
    %get3A_186 = arith.constant 2 : i32
    %get3A_187 = arith.index_cast %get3A_186 : i32 to index
    %get3A_188 = arith.constant 0 : index
    %get3A_189 = tpu.vector_load %arg14[%get3A_187, %get3A_188] {strides = array<i32>} : memref<5x16xf32, #tpu.memory_space<vmem>>, vector<16xf32>,
    %get3A_190 = arith.constant 2 : i32
    %get3A_191 = arith.index_cast %get3A_190 : i32 to index
    %get3A_192 = arith.constant 0 : index
    %get3A_193 = tpu.vector_load %arg15[%get3A_191, %get3A_192] {strides = array<i32>} : memref<5x16xf32, #tpu.memory_space<vmem>>, vector<16xf32>,
    %eq3A_194 = arith.cmpf oeq, %get3A_185, %broadcast_in_dim3A_141 : vector<16xf32>
    %sub3A_195 = arith.subf %broadcast_in_dim3A_141, %get3A_189 : vector<16xf32>
    %select_n3A_196 = arith.select %eq3A_194, %get3A_189, %sub3A_195 : vector<16xi1>, vector<16xf32>
    %mul3A_197 = arith.mulf %mul3A_178, %select_n3A_196 : vector<16xf32>
    %sub3A_198 = arith.subf %broadcast_in_dim3A_141, %get3A_193 : vector<16xf32>
    %select_n3A_199 = arith.select %eq3A_194, %sub3A_198, %get3A_193 : vector<16xi1>, vector<16xf32>
    %mul3A_200 = arith.mulf %mul3A_181, %select_n3A_199 : vector<16xf32>
    %get3A_201 = arith.constant 3 : i32
    %get3A_202 = arith.index_cast %get3A_201 : i32 to index
    %get3A_203 = arith.constant 0 : index
    %get3A_204 = tpu.vector_load %arg13[%get3A_202, %get3A_203] {strides = array<i32>} : memref<5x16xf32, #tpu.memory_space<vmem>>, vector<16xf32>,
    %get3A_205 = arith.constant 3 : i32
    %get3A_206 = arith.index_cast %get3A_205 : i32 to index
    %get3A_207 = arith.constant 0 : index
    %get3A_208 = tpu.vector_load %arg14[%get3A_206, %get3A_207] {strides = array<i32>} : memref<5x16xf32, #tpu.memory_space<vmem>>, vector<16xf32>,
    %get3A_209 = arith.constant 3 : i32
    %get3A_210 = arith.index_cast %get3A_209 : i32 to index
    %get3A_211 = arith.constant 0 : index
    %get3A_212 = tpu.vector_load %arg15[%get3A_210, %get3A_211] {strides = array<i32>} : memref<5x16xf32, #tpu.memory_space<vmem>>, vector<16xf32>,
    %eq3A_213 = arith.cmpf oeq, %get3A_204, %broadcast_in_dim3A_141 : vector<16xf32>
    %sub3A_214 = arith.subf %broadcast_in_dim3A_141, %get3A_208 : vector<16xf32>
    %select_n3A_215 = arith.select %eq3A_213, %get3A_208, %sub3A_214 : vector<16xi1>, vector<16xf32>
    %mul3A_216 = arith.mulf %mul3A_197, %select_n3A_215 : vector<16xf32>
    %sub3A_217 = arith.subf %broadcast_in_dim3A_141, %get3A_212 : vector<16xf32>
    %select_n3A_218 = arith.select %eq3A_213, %sub3A_217, %get3A_212 : vector<16xi1>, vector<16xf32>
    %mul3A_219 = arith.mulf %mul3A_200, %select_n3A_218 : vector<16xf32>
    %get3A_220 = arith.constant 4 : i32
    %get3A_221 = arith.index_cast %get3A_220 : i32 to index
    %get3A_222 = arith.constant 0 : index
    %get3A_223 = tpu.vector_load %arg13[%get3A_221, %get3A_222] {strides = array<i32>} : memref<5x16xf32, #tpu.memory_space<vmem>>, vector<16xf32>,
    %get3A_224 = arith.constant 4 : i32
    %get3A_225 = arith.index_cast %get3A_224 : i32 to index
    %get3A_226 = arith.constant 0 : index
    %get3A_227 = tpu.vector_load %arg14[%get3A_225, %get3A_226] {strides = array<i32>} : memref<5x16xf32, #tpu.memory_space<vmem>>, vector<16xf32>,
    %get3A_228 = arith.constant 4 : i32
    %get3A_229 = arith.index_cast %get3A_228 : i32 to index
    %get3A_230 = arith.constant 0 : index
    %get3A_231 = tpu.vector_load %arg15[%get3A_229, %get3A_230] {strides = array<i32>} : memref<5x16xf32, #tpu.memory_space<vmem>>, vector<16xf32>,
    %eq3A_232 = arith.cmpf oeq, %get3A_223, %broadcast_in_dim3A_141 : vector<16xf32>
    %sub3A_233 = arith.subf %broadcast_in_dim3A_141, %get3A_227 : vector<16xf32>
    %select_n3A_234 = arith.select %eq3A_232, %get3A_227, %sub3A_233 : vector<16xi1>, vector<16xf32>
    %mul3A_235 = arith.mulf %mul3A_216, %select_n3A_234 : vector<16xf32>
    %sub3A_236 = arith.subf %broadcast_in_dim3A_141, %get3A_231 : vector<16xf32>
    %select_n3A_237 = arith.select %eq3A_232, %sub3A_236, %get3A_231 : vector<16xi1>, vector<16xf32>
    %mul3A_238 = arith.mulf %mul3A_219, %select_n3A_237 : vector<16xf32>
    %mul3A_239 = arith.mulf %mul3A_235, %get3A_139 : vector<16xf32>
    %sub3A_240 = arith.subf %broadcast_in_dim3A_141, %get3A_139 : vector<16xf32>
    %mul3A_241 = arith.mulf %mul3A_238, %sub3A_240 : vector<16xf32>
    %add3A_242 = arith.addf %mul3A_239, %mul3A_241 : vector<16xf32>
    %add3A_243 = arith.constant 9.99999996E-13 : f32
    %add3A_244 = vector.broadcast %add3A_243 : f32 to vector<16xf32>
    %add3A_245 = arith.addf %add3A_242, %add3A_244 : vector<16xf32>
    %div3A = arith.divf %mul3A_239, %add3A_245 : vector<16xf32>
    %lt3A = arith.constant 5.000000e-01 : f32
    %lt3A_246 = vector.broadcast %lt3A : f32 to vector<16xf32>
    %lt3A_247 = arith.cmpf olt, %div3A, %lt3A_246 : vector<16xf32>
    %lt3A_248 = arith.constant 8 : i32
    %lt3A_249 = vector.broadcast %lt3A_248 : i32 to vector<16xi32>
    %lt3A_250 = arith.cmpi slt, %iota3A, %lt3A_249 : vector<16xi32>
    %mul3A_251 = arith.constant 5 : i32
    %mul3A_252 = vector.broadcast %mul3A_251 : i32 to vector<16xi32>
    %mul3A_253 = arith.muli %iota3A, %mul3A_252 : vector<16xi32>
    %add3A_254 = arith.constant 0 : i32
    %add3A_255 = vector.broadcast %add3A_254 : i32 to vector<16xi32>
    %add3A_256 = arith.addi %mul3A_253, %add3A_255 : vector<16xi32>
    %gather3A = tpu.vector_load_idx %arg17[%add3A_256] masked %lt3A_250 : memref<80xf32, #tpu.memory_space<vmem>>[vector<16xi32>], vector<16xf32>, vector<16xi1>
    %select_n3A_257 = arith.select %lt3A_247, %broadcast_in_dim3A_119, %gather3A : vector<16xi1>, vector<16xf32>
    tpu.vector_store_idx %arg19[%add3A_256], %select_n3A_257 masked %lt3A_250 : memref<40xf32, #tpu.memory_space<vmem>>[vector<16xi32>], vector<16xf32>, vector<16xi1>
    %mul3A_258 = arith.constant 5 : i32
    %mul3A_259 = vector.broadcast %mul3A_258 : i32 to vector<16xi32>
    %mul3A_260 = arith.muli %iota3A, %mul3A_259 : vector<16xi32>
    %add3A_261 = arith.constant 1 : i32
    %add3A_262 = vector.broadcast %add3A_261 : i32 to vector<16xi32>
    %add3A_263 = arith.addi %mul3A_260, %add3A_262 : vector<16xi32>
    %gather3A_264 = tpu.vector_load_idx %arg17[%add3A_263] masked %lt3A_250 : memref<80xf32, #tpu.memory_space<vmem>>[vector<16xi32>], vector<16xf32>, vector<16xi1>
    %select_n3A_265 = arith.select %lt3A_247, %broadcast_in_dim3A_119, %gather3A_264 : vector<16xi1>, vector<16xf32>
    tpu.vector_store_idx %arg19[%add3A_263], %select_n3A_265 masked %lt3A_250 : memref<40xf32, #tpu.memory_space<vmem>>[vector<16xi32>], vector<16xf32>, vector<16xi1>
    %mul3A_266 = arith.constant 5 : i32
    %mul3A_267 = vector.broadcast %mul3A_266 : i32 to vector<16xi32>
    %mul3A_268 = arith.muli %iota3A, %mul3A_267 : vector<16xi32>
    %add3A_269 = arith.constant 2 : i32
    %add3A_270 = vector.broadcast %add3A_269 : i32 to vector<16xi32>
    %add3A_271 = arith.addi %mul3A_268, %add3A_270 : vector<16xi32>
    %gather3A_272 = tpu.vector_load_idx %arg17[%add3A_271] masked %lt3A_250 : memref<80xf32, #tpu.memory_space<vmem>>[vector<16xi32>], vector<16xf32>, vector<16xi1>
    %select_n3A_273 = arith.select %lt3A_247, %broadcast_in_dim3A_119, %gather3A_272 : vector<16xi1>, vector<16xf32>
    tpu.vector_store_idx %arg19[%add3A_271], %select_n3A_273 masked %lt3A_250 : memref<40xf32, #tpu.memory_space<vmem>>[vector<16xi32>], vector<16xf32>, vector<16xi1>
    %mul3A_274 = arith.constant 5 : i32
    %mul3A_275 = vector.broadcast %mul3A_274 : i32 to vector<16xi32>
    %mul3A_276 = arith.muli %iota3A, %mul3A_275 : vector<16xi32>
    %add3A_277 = arith.constant 3 : i32
    %add3A_278 = vector.broadcast %add3A_277 : i32 to vector<16xi32>
    %add3A_279 = arith.addi %mul3A_276, %add3A_278 : vector<16xi32>
    %gather3A_280 = tpu.vector_load_idx %arg17[%add3A_279] masked %lt3A_250 : memref<80xf32, #tpu.memory_space<vmem>>[vector<16xi32>], vector<16xf32>, vector<16xi1>
    %select_n3A_281 = arith.select %lt3A_247, %broadcast_in_dim3A_119, %gather3A_280 : vector<16xi1>, vector<16xf32>
    tpu.vector_store_idx %arg19[%add3A_279], %select_n3A_281 masked %lt3A_250 : memref<40xf32, #tpu.memory_space<vmem>>[vector<16xi32>], vector<16xf32>, vector<16xi1>
    %mul3A_282 = arith.constant 5 : i32
    %mul3A_283 = vector.broadcast %mul3A_282 : i32 to vector<16xi32>
    %mul3A_284 = arith.muli %iota3A, %mul3A_283 : vector<16xi32>
    %add3A_285 = arith.constant 4 : i32
    %add3A_286 = vector.broadcast %add3A_285 : i32 to vector<16xi32>
    %add3A_287 = arith.addi %mul3A_284, %add3A_286 : vector<16xi32>
    %gather3A_288 = tpu.vector_load_idx %arg17[%add3A_287] masked %lt3A_250 : memref<80xf32, #tpu.memory_space<vmem>>[vector<16xi32>], vector<16xf32>, vector<16xi1>
    %select_n3A_289 = arith.select %lt3A_247, %broadcast_in_dim3A_119, %gather3A_288 : vector<16xi1>, vector<16xf32>
    tpu.vector_store_idx %arg19[%add3A_287], %select_n3A_289 masked %lt3A_250 : memref<40xf32, #tpu.memory_space<vmem>>[vector<16xi32>], vector<16xf32>, vector<16xi1>
    %mul3A_290 = arith.constant 5 : i32
    %mul3A_291 = arith.muli %mul3A_2, %mul3A_290 : i32
    "tpu.region"() ({
      %run_scoped3A_292 = tpu.sem_alloc : memref<!tpu.dma_semaphore, #tpu.memory_space<semaphore_mem>>
      %dma_start3A_293 = tpu.memref_slice %arg10[%mul3A_291] : memref<1280xf32, #tpu.memory_space<hbm>> -> memref<40xf32, #tpu.memory_space<hbm>>
      %dma_start3A_294 = tpu.memref_slice %arg10[%mul3A_291] : memref<1280xf32, #tpu.memory_space<hbm>> -> memref<40xf32, #tpu.memory_space<hbm>>
      tpu.enqueue_dma source(%arg19 : memref<40xf32, #tpu.memory_space<vmem>>) target(%dma_start3A_294 : memref<40xf32, #tpu.memory_space<hbm>>) target_semaphore(%run_scoped3A_292 : memref<!tpu.dma_semaphore, #tpu.memory_space<semaphore_mem>>)
      %dma_wait3A_295 = tpu.memref_slice %arg10[%mul3A_291] : memref<1280xf32, #tpu.memory_space<hbm>> -> memref<40xf32, #tpu.memory_space<hbm>>
      %dma_wait3A_296 = tpu.memref_slice %arg10[%mul3A_291] : memref<1280xf32, #tpu.memory_space<hbm>> -> memref<40xf32, #tpu.memory_space<hbm>>
      tpu.wait_dma2 semaphore(%run_scoped3A_292 : memref<!tpu.dma_semaphore, #tpu.memory_space<semaphore_mem>>) src(%arg19 : memref<40xf32, #tpu.memory_space<vmem>>) dst(%dma_wait3A_296 : memref<40xf32, #tpu.memory_space<hbm>>)
      tpu.yield
    }) : () -> ()
    return
  }
}

</mosaic_0001>

<sc_bundles>
// kernel: kernel.3.cloned.1.call-start
scs
__scs_entry_jumppad:
0x0: {  	(pc) =	sbr.rel $0x88, $3  }
0x1: {  	(tag) =	ssettag $0x0;
	lr =	simm.s32 $0x1  }
0x2: {  	[smem:$0x3F9C] =	sst lr;
	_ =	strace $0xD0000000  }
0x3: {  	_ = 	snop  }
0x4: {  	_ = 	snop  }
0x5: {  	_ = 	snop  }
0x6: {  	_ = 	snop  }
0x7: {  	_ = 	snop  }
__scs_overlays_trampoline_lowered:
0x8: {  	[smem:$0x3FAB] =	sst s0  }
0x9: {  	[smem:$0x3FAC] =	sst s1  }
0xa: {  	[smem:$0x3FAD] =	sst s2  }
0xb: {  	[smem:$0x3FAE] =	sst s3  }
0xc: {  	[smem:$0x3FAF] =	sst s4  }
0xd: {  	[smem:$0x3FB0] =	sst s5  }
0xe: {  	[smem:$0x3FB1] =	sst s6  }
0xf: {  	[smem:$0x3FB2] =	sst s7  }
0x10: {  	[smem:$0x3FB3] =	sst s8  }
0x11: {  	[smem:$0x3FB4] =	sst s9;
	s0 =	simm.s32 @!p0 $0x0  }
0x12: {  	s1 =	sld [smem:$0x3F9A];
	s0 =	simm.s32 @p0 $0x1  }
0x13: {  	[smem:$0x3FB5] =	sst s0;
	s0 =	simm.s32 @!p1 $0x0  }
0x14: {  	s2 =	sld [smem:$0x3F99];
	s0 =	simm.s32 @p1 $0x1  }
0x15: {  	[smem:$0x3FB6] =	sst s0;
	s0 =	simm.s32 @!p2 $0x0  }
0x16: {  	s3 =	sld [smem:$0x3FDB];
	s0 =	simm.s32 @p2 $0x1  }
0x17: {  	s4 =	simm.s32 $0x1BF5;
	[smem:$0x3FB8] =	sst s0  }
0x18: {  	s0 =	sld [smem:$0x3F9B];
	_ =	swait.ge [sflag:s4], $0x0  }
0x19: {  	s7 =	sld [smem:$0x3F9C]  }
0x1a: {  	s8 =	sadd.s32 $0xFFFFE003, lr  }
0x1b: {  	s9 =	sadd.s32 $0xFFFFFEF7, lr;
	s5 =	simm.s32 $0xFFFFFFFF;
	p2 =	slt.u32 s8, $0xFFFFF086  }
0x1c: {  	p1 =	slt.u32 s9, $0xF7A;
	s5 =	simm.s32 @!p2 $0x0  }
0x1d: {  	s5 =	simm.s32 @p1 $0x1;
	p0 =	seq.s32 s7, s2  }
0x1e: {  	s7 =	smul.u32 @!p0 $0xF7A, s2;
	p2 =	seq.s32 @!p0 s5, $0x0  }
0x1f: {  	s9 =	smul.u32 $0xF7A, s1;
	s8 =	simm.s32 @!p0 $0x1BF5;
	p2 =	por !p2, p0  }
0x20: {  	[sflag:s8] =	ssyncset.s32 @!p0 $0xFFFFF086;
	s6 =	sadd.s32 @!p0 s3, s7;
	s7 =	simm.s32 @!p0 $0x108  }
0x21: {  	s3 =	sadd.s32 s3, s9;
	s6 =	sadd.s32 @!p0 $0x88, s6;
	s7 =	simm.s32 @p2 $0x1082  }
0x22: {  	[simem:s7], [sflag:s8] =	dma.local @!p0 [hbm:s6], $0xF7A  }
0x23: {  	s9 =	sor.u32 $0xD0000000, s2;
	s6 =	simm.s32 $0x108;
	_ =	swait.ge @!p0 [sflag:s8], $0x0  }
0x24: {  	s3 =	sadd.s32 $0x88, s3;
	s6 =	simm.s32 @!p1 $0x1082;
	[sflag:s4] =	ssyncset.s32 $0xFFFFF086  }
0x25: {  	[simem:s6], [sflag:s4] =	dma.local [hbm:s3], $0xF7A  }
0x26: {  	[smem:$0x3F9C] =	sst s1;
	(tag) =	ssettag s2;
	_ =	strace s9  }
0x27: {  	s1 =	sld [smem:$0x3FAC]  }
0x28: {  	s2 =	sld [smem:$0x3FAD]  }
0x29: {  	s4 =	sld [smem:$0x3FAF]  }
0x2a: {  	p0 =	seq.s32 s5, $0x0;
	s5 =	sld [smem:$0x3FB0]  }
0x2b: {  	s6 =	sld [smem:$0x3FB1]  }
0x2c: {  	s7 =	sld [smem:$0x3FB2]  }
0x2d: {  	s3 =	simm.s32 $0x108;
	s8 =	sld [smem:$0x3FB3]  }
0x2e: {  	s3 =	simm.s32 @!p0 $0x1082;
	s9 =	sld [smem:$0x3FB4]  }
0x2f: {  	lr =	sadd.s32 s0, s3;
	s0 =	sld [smem:$0x3FAB]  }
0x30: {  	s3 =	sld [smem:$0x3FAE]  }
0x31: {  	[smem:$0x3FB7] =	sst s10  }
0x32: {  	s10 =	sld [smem:$0x3FB5];
	_ =	sdelay $0x3  }
0x33: {  	p0 =	seq.s32 s10, $0x1;
	s10 =	sld [smem:$0x3FB7];
	_ =	sdelay $0x3  }
0x34: {  	[smem:$0x3FB7] =	sst s10  }
0x35: {  	s10 =	sld [smem:$0x3FB6];
	_ =	sdelay $0x3  }
0x36: {  	p1 =	seq.s32 s10, $0x1;
	s10 =	sld [smem:$0x3FB7];
	_ =	sdelay $0x3  }
0x37: {  	[smem:$0x3FB7] =	sst s10  }
0x38: {  	s10 =	sld [smem:$0x3FB8]  }
0x39: {  	_ = 	snop;
	(pc) =	sbr.ind lr, $3  }
0x3a: {  	_ = 	snop  }
0x3b: {  	_ = 	snop  }
0x3c: {  	p2 =	seq.s32 s10, $0x1;
	s10 =	sld [smem:$0x3FB7]  }
0x3d: {  	_ =	shalt  }
0x3e: {  	_ =	shalt  }
0x3f: {  	_ =	shalt  }
0x40: {  	_ =	shalt  }
0x41: {  	_ =	shalt  }
0x42: {  	_ =	shalt  }
0x43: {  	_ =	shalt  }
0x44: {  	_ =	shalt  }
0x45: {  	_ =	shalt  }
0x46: {  	_ =	shalt  }
0x47: {  	_ =	shalt  }
0x48: {  	_ =	shalt  }
0x49: {  	_ =	shalt  }
0x4a: {  	_ =	shalt  }
0x4b: {  	_ =	shalt  }
0x4c: {  	_ =	shalt  }
0x4d: {  	_ =	shalt  }
0x4e: {  	_ =	shalt  }
0x4f: {  	_ =	shalt  }
0x50: {  	_ =	shalt  }
0x51: {  	_ =	shalt  }
0x52: {  	_ =	shalt  }
0x53: {  	_ =	shalt  }
0x54: {  	_ =	shalt  }
0x55: {  	_ =	shalt  }
0x56: {  	_ =	shalt  }
0x57: {  	_ =	shalt  }
0x58: {  	_ =	shalt  }
0x59: {  	_ =	shalt  }
0x5a: {  	_ =	shalt  }
0x5b: {  	_ =	shalt  }
0x5c: {  	_ =	shalt  }
0x5d: {  	_ =	shalt  }
0x5e: {  	_ =	shalt  }
0x5f: {  	_ =	shalt  }
0x60: {  	_ =	shalt  }
0x61: {  	_ =	shalt  }
0x62: {  	_ =	shalt  }
0x63: {  	_ =	shalt  }
0x64: {  	_ =	shalt  }
0x65: {  	_ =	shalt  }
0x66: {  	_ =	shalt  }
0x67: {  	_ =	shalt  }
0x68: {  	_ =	shalt  }
0x69: {  	_ =	shalt  }
0x6a: {  	_ =	shalt  }
0x6b: {  	_ =	shalt  }
0x6c: {  	_ =	shalt  }
0x6d: {  	_ =	shalt  }
0x6e: {  	_ =	shalt  }
0x6f: {  	_ =	shalt  }
0x70: {  	_ =	shalt  }
0x71: {  	_ =	shalt  }
0x72: {  	_ =	shalt  }
0x73: {  	_ =	shalt  }
0x74: {  	_ =	shalt  }
0x75: {  	_ =	shalt  }
0x76: {  	_ =	shalt  }
0x77: {  	_ =	shalt  }
0x78: {  	_ =	shalt  }
0x79: {  	_ =	shalt  }
0x7a: {  	_ =	shalt  }
0x7b: {  	_ =	shalt  }
0x7c: {  	_ =	shalt  }
0x7d: {  	_ =	shalt  }
0x7e: {  	_ =	shalt  }
0x7f: {  	_ =	shalt  }
0x80: {  	_ =	shalt  }
0x81: {  	_ =	shalt  }
0x82: {  	_ =	shalt  }
0x83: {  	_ =	shalt  }
0x84: {  	_ =	shalt  }
0x85: {  	_ =	shalt  }
0x86: {  	_ =	shalt  }
0x87: {  	_ =	shalt  }
.Lfunc_end0:
.L_simem_size_0:
called_computation_lowered:
.L_overlay_start_0:
0x88: {  	s2 =	sld [smem:$0x3FD9]  }
0x89: {  	s3 =	sld [smem:$0x3FFE];
	_ =	sdelay $0x1  }
0x8a: {  	s1 =	srdreg.scid  }
0x8b: {  	s0 =	sand.u32 $0x1, s1  }
0x8c: {  	s17 =	sshll.u32 s0, $0xA;
	s2 =	sadd.s32 s3, s2  }
0x8d: {  	s2 =	sadd.s32 s2, s17  }
0x8e: {  	[smem:$0x3FC3] =	sst s2  }
0x8f: {  	_ = 	snop  }
0x90: {  	s2 =	sld [smem:$0x3FD0];
	(tm) =	ssettm $0x1  }
0x91: {  	s18 =	sld [smem:$0x3FFB];
	_ =	sdelay $0x3  }
0x92: {  	_ =	strace s18  }
0x93: {  	s3 =	sld [smem:$0x3FFC];
	_ =	sdelay $0x3  }
0x94: {  	_ =	strace s3  }
0x95: {  	s3 =	sld [smem:$0x3FFD];
	_ =	sdelay $0x3  }
0x96: {  	_ =	strace s3  }
0x97: {  	_ =	strace $0x8FFFFFFF  }
0x98: {  	s19 =	sld [smem:$0x3FDB];
	_ =	sdelay $0x1  }
0x99: {  	s4 =	simm.s32 $_scs_section_size  }
0x9a: {  	s5 =	simm.s32 $_size__tile_overlayer_lowered;
	s6 =	simm.s32 $_tile_overlayer_lowered  }
0x9b: {  	s22 =	simm.s32 $0x1BFF;
	s21 =	sshll.u32 s6, $0x1;
	s3 =	sadd.s32 s4, s19  }
0x9c: {  	s7 =	simm.s32 $0x0;
	s20 =	sshll.u32 s5, $0x1;
	s5 =	sadd.s32 s21, s3  }
0x9d: {  	[timem:s7], [sflag:s22] =	dma.local [hbm:s5], s20  }
0x9e: {  	_ =	swait.ge [sflag:s22], s20  }
0x9f: {  	s4 =	ssub.s32 $0x0, s20;
	[sflag:s22] =	ssyncset.done $0x0  }
0xa0: {  	[sflag:s22] =	ssyncadd.s32 s4;
	_ =	sdelay $0x1  }
0xa1: {  	s23 =	simm.s32 $0x1B8B  }
0xa2: {  	_ =	swait.ge [sflag:s23], $0x1  }
0xa3: {  	[sflag:s23] =	ssyncset.done $0x0  }
0xa4: {  	s25 =	simm.s32 $0x1B8E;
	s24 =	sld [smem:$0x3FFE];
	[sflag:s23] =	ssyncadd.s32 $0xFFFFFFFF  }
0xa5: {  	s26 =	simm.s32 $execute0_lowered;
	[smem:$0x3FD2] =	sst s25  }
0xa6: {  	s5 =	sshll.u32 s26, $0x1;
	_ =	strace $0x80000046;
	[dreg:$0x1] =	wrdreg $0xFFFFFFFF  }
0xa7: {  	s28 =	simm.s32 $_size_execute0_lowered;
	s3 =	sadd.s32 s3, s5;
	[dreg:$0x0] =	wrdreg $0x0  }
0xa8: {  	s5 =	sshll.u32 s28, $0x1;
	[dreg:$0x2] =	wrdreg s3  }
0xa9: {  	[dreg:$0x3] =	wrdreg s5  }
0xaa: {  	[dreg:$0x4] =	wrdreg $0xC0  }
0xab: {  	_ =	task [dreg:s7], $0x5FFFF  }
0xac: {  	[dreg:$0x1] =	wrdreg $0xFFFFFFFF  }
0xad: {  	[dreg:$0x0] =	wrdreg $0x60  }
0xae: {  	[dreg:$0x2] =	wrdreg s24  }
0xaf: {  	[dreg:$0x3] =	wrdreg s2  }
0xb0: {  	[dreg:$0x4] =	wrdreg $0x9  }
0xb1: {  	_ =	task.clear_ibuf [dreg:s7], $0x5FFFF;
	_ =	strace $0x90000046  }
0xb2: {  	s29 =	simm.s32 $0x9;
	_ =	strace $0x80000048  }
0xb3: {  	_ =	swait.ge [sflag:s29], $0x1  }
0xb4: {  	[sflag:s29] =	ssyncadd.s32 $0xFFFFFFFF  }
0xb5: {  	_ =	strace $0x90000048  }
0xb6: {  	_ =	sfence  }
0xb7: {  	s30 =	sld [smem:$0x0];
	_ =	sdelay $0x2  }
0xb8: {  	s31 =	sshll.u32 s1, $0xD;
	s1 =	sshrl.u32 s1, $0x2  }
0xb9: {  	s3 =	sand.u32 $0x4000, s31;
	s1 =	sadd.s32 s1, s30  }
0xba: {  	s0 =	sor.u32 s3, s0;
	s1 =	sshll.u32 s1, $0x11  }
0xbb: {  	s0 =	sor.u32 s1, s0  }
0xbc: {  	s0 =	sadd.s32 $0x8F2B, s0  }
0xbd: {  	[sflag:s0] =	ssyncadd.remote.s32 $0x1  }
0xbe: {  	_ =	sfence.sel $0xFFFF  }
0xbf: {  	[dreg:$0x0] =	wrdreg $0xFFFFFFFF;
	(pc) =	sbr.abs _section_cstart, $3  }
0xc0: {  	[dreg:$0x1] =	wrdreg $0xFFFFFFFF  }
0xc1: {  	_ =	task.clear_ibuf [dreg:s7], $0x2FFFF;
	_ =	strace $0x9FFFFFFF  }
0xc2: {  	(tm) =	ssettm $0x7FFFFFFF  }
0xc3: {  	_ =	shalt  }
tec
execute0_lowered:
.L_overlay_start_1:
0x0: {  	(tag) =	ssettag $0x1  }
0x1: {  	s0 =	rddreg [dreg:$0x0];
	s1 =	srdreg.scid  }
0x2: {  	s3 =	stileid.u32;
	s2 =	rddreg [dreg:$0x1];
	v0 =	vimm.f32 $2.400000000e+02;
	vm0 =	vcmask $0x300;
	s7 =	simm.s32 $0x0  }
0x3: {  	vm14 =	vcmask $0x704;
	s1 =	sand.u32 $0x1, s1;
	v0 =	vsel vm0, $0x0, v0;
	[smem:$0x7FF] =	sst s7;
	s5 =	sadd.s32 $0x1200, s0  }
0x4: {  	vm15 =	vcmask $0xB08;
	s19 =	sadd.s32 $0x1600, s0;
	v0 =	vsel vm14, $0x41800000, v0;
	_ =	strace $0x80000047;
	[dreg:$0x3] =	wrdreg s5  }
0x5: {  	vm4 =	vcmask $0xF0C;
	s3 =	sshll.u32 s3, $0x1;
	s20 =	sadd.s32 $0x1400, s0;
	[dreg:$0x4] =	wrdreg s19;
	v0 =	vsel vm15, $0x42000000, v0  }
0x6: {  	vm5 =	vcmask $0x1310;
	s21 =	sadd.s32 $0x1000, s0;
	s3 =	sor.u32 s1, s3;
	[dreg:$0x5] =	wrdreg s20;
	v0 =	vsel vm4, $0x42400000, v0  }
0x7: {  	vm6 =	vcmask $0x1714;
	[dreg:$0x6] =	wrdreg s21;
	s1 =	ssub.s32 $0x2, s1;
	s8 =	sadd.s32 s2, s3;
	v0 =	vsel vm5, $0x42800000, v0  }
0x8: {  	vm7 =	vcmask $0x1B18;
	s4 =	sshll.u32 s3, $0x4;
	s25 =	sadd.s32 $0x22, s8;
	[dreg:$0x7] =	wrdreg s8;
	v0 =	vsel vm6, $0x42A00000, v0  }
0x9: {  	vm8 =	vcmask $0x1F1C;
	s22 =	sadd.s32 s3, s0;
	s26 =	sadd.s32 $0x44, s8;
	[dreg:$0x9] =	wrdreg s25;
	v0 =	vsel vm7, $0x42C00000, v0  }
0xa: {  	vm9 =	vcmask $0x2320;
	s6 =	sshrl.u32 s1, $0x1;
	s28 =	sadd.s32 $0x66, s8;
	[dreg:$0xa] =	wrdreg s26;
	v0 =	vsel vm8, $0x42E00000, v0  }
0xb: {  	vm10 =	vcmask $0x2724;
	s23 =	smul.u32 $0x5, s3;
	s29 =	sadd.s32 $0x88, s8;
	[dreg:$0xb] =	wrdreg s28;
	v0 =	vsel vm9, $0x43000000, v0  }
0xc: {  	vm11 =	vcmask $0x2B28;
	s4 =	sadd.s32 s4, s0;
	s30 =	sadd.s32 $0xC00, s22;
	[dreg:$0xd] =	wrdreg s29;
	v0 =	vsel vm10, $0x43100000, v0  }
.Ltmp0:
0xd: {  	vm12 =	vcmask $0x2F2C;
	s24 =	sadd.s32 $0x200, s4;
	[dreg:$0xe] =	wrdreg s30;
	v0 =	vsel vm11, $0x43200000, v0;
	(pc) =	sbr.rel .LBB2_1-.Ltmp0, $4  }
0xe: {  	vm13 =	vcmask $0x3330;
	s1 =	ssub.s32 s1, s6;
	s0 =	sadd.s32 s0, s23;
	[dreg:$0x8] =	wrdreg s24;
	v0 =	vsel vm12, $0x43300000, v0  }
0xf: {  	vm14 =	vcmask $0x3734;
	s31 =	smax.u32 s1, $0x1;
	[dreg:$0xc] =	wrdreg s0;
	v0 =	vsel vm13, $0x43400000, v0  }
0x10: {  	s3 =	simm.s32 $0x2;
	vm15 =	vcmask $0x3B38;
	s0 =	sadd.s32 $0x15400, s0;
	[dreg:$0x10] =	wrdreg s31;
	v0 =	vsel vm14, $0x43500000, v0  }
0x11: {  	v1 =	vlaneseq.u32;
	s4 =	simm.s32 $0x3A0;
	s1 =	simm.s32 $0x0;
	[dreg:$0xf] =	wrdreg s0;
	v0 =	vsel vm15, $0x43600000, v0  }
.LBB2_129:
0x12: {  	v3 =	vld [tilespmem:$0x390];
	_ =	sdelay $0x4  }
0x13: {  	v2 =	vadd.s32 v2, v3  }
0x14: {  	vm0 =	vlt.s32 v2, $0x9E33F  }
0x15: {  	v2 =	vnsel vm0, $0x9E33F, v2;
	_ =	sdelay $0x2  }
0x16: {  	s7 =	simm.s32 $0x0  }
0x17: {  	vm10 =	vmmov $0xffff;
	s0 =	rddreg [dreg:$0x4];
	s1 =	simm.s32 $0x3F0;
	s26 =	simm.s32 $0x1  }
0x18: {  	[tilespmem:s1], [sflag:$0x1] =	stream.indirect_vreg.gather [hbm4b:s0+s7], $0x1, v2, vm10, $0xb8;
	[tilespmem:$0x428] =	vst v63  }
0x19: {  	_ =	swait.ge [sflag:s26], $0x10  }
0x1a: {  	[sflag:s26] =	ssyncset.done $0x0  }
0x1b: {  	[sflag:s26] =	ssyncadd.s32 $0xFFFFFFF0  }
0x1c: {  	v2 =	vld [tilespmem:$0x2A0]  }
0x1d: {  	v3 =	vld [tilespmem:$0x2F0]  }
0x1e: {  	v4 =	vld [tilespmem:$0x340]  }
0x1f: {  	v5 =	vld [tilespmem:$0x2B0]  }
0x20: {  	v6 =	vld [tilespmem:$0x300]  }
0x21: {  	v7 =	vld [tilespmem:$0x350]  }
0x22: {  	v8 =	vld [tilespmem:$0x2C0]  }
0x23: {  	v9 =	vld [tilespmem:$0x310]  }
0x24: {  	v10 =	vld [tilespmem:$0x360]  }
0x25: {  	v14 =	vld [tilespmem:$0x320];
	_ =	sdelay $0x1  }
0x26: {  	v11 =	vld [tilespmem:$0x2D0];
	v12 =	vsub.f32 $1.000000000e+00, v3;
	v13 =	vsub.f32 $1.000000000e+00, v6  }
0x27: {  	v43 =	vld [tilespmem:$0x370];
	vm11 =	veq.f32 v2, $1.000000000e+00;
	v2 =	vsub.f32 $1.000000000e+00, v4;
	vm1 =	veq.f32 v5, $1.000000000e+00  }
0x28: {  	v45 =	vld [tilespmem:$0x330];
	v44 =	vsub.f32 $1.000000000e+00, v7;
	v46 =	vsub.f32 $1.000000000e+00, v9;
	vm12 =	veq.f32 v8, $1.000000000e+00  }
0x29: {  	v47 =	vld [tilespmem:$0x380];
	v48 =	vsub.f32 $1.000000000e+00, v10;
	v50 =	vsub.f32 $1.000000000e+00, v14;
	v3 =	vsel vm11, v3, v12  }
0x2a: {  	v49 =	vld [tilespmem:$0x2E0];
	v6 =	vsel vm1, v6, v13;
	v2 =	vsel vm11, v2, v4;
	v7 =	vsel vm1, v44, v7  }
0x2b: {  	vm13 =	veq.f32 v11, $1.000000000e+00;
	v3 =	vmul.f32 v6, v3;
	v2 =	vmul.f32 v7, v2  }
0x2c: {  	v51 =	vld [tilespmem:$0x3F0];
	v52 =	vsub.f32 $1.000000000e+00, v43;
	v4 =	vsel vm12, v9, v46;
	v8 =	vsel vm12, v48, v10  }
0x2d: {  	v54 =	vsub.f32 $1.000000000e+00, v45;
	v3 =	vmul.f32 v4, v3;
	v2 =	vmul.f32 v8, v2  }
0x2e: {  	v55 =	vsub.f32 $1.000000000e+00, v47;
	v53 =	vsel vm13, v14, v50;
	v5 =	vsel vm13, v52, v43  }
0x2f: {  	vm14 =	veq.f32 v49, $1.000000000e+00;
	v3 =	vmul.f32 v53, v3;
	v2 =	vmul.f32 v5, v2  }
0x30: {  	v56 =	vsel vm14, v45, v54;
	v57 =	vsel vm14, v55, v47  }
0x31: {  	v58 =	vsub.f32 $1.000000000e+00, v51;
	v3 =	vmul.f32 v56, v3;
	v2 =	vmul.f32 v57, v2;
	_ =	sdelay $0x1  }
0x32: {  	v3 =	vmul.f32 v3, v51;
	v2 =	vmul.f32 v2, v58;
	_ =	sdelay $0x1  }
0x33: {  	v2 =	vadd.f32 v2, v3;
	_ =	sdelay $0x1  }
0x34: {  	v2 =	vadd.f32 $9.999999960e-13, v2;
	_ =	sdelay $0x1  }
0x35: {  	(erf) = vrcp.f32 v2;
	_ =	sdelay $0x1  }
0x36: {  	v2 =	vmul.u32 $0x5, v1;
	_ =	sdelay $0x4  }
0x37: {  	s4 =	simm.s32 $0x3A0  }
0x38: {  	v59 =	vld.idx.msk [tilespmem:v2+s4+$0x0], $0xff  }
0x39: {  	v60 =	vpop (erf)  }
0x3a: {  	v61 =	vadd.s32 $0x1, v2;
	v3 =	vmul.f32 v60, v3;
	_ =	sdelay $0x1  }
0x3b: {  	vm15 =	vlt.f32 v3, $5.000000000e-01  }
0x3c: {  	s28 =	simm.s32 $0x400;
	v3 =	vsel vm15, $0x0, v59  }
0x3d: {  	[tilespmem:v2+s28+$0x0] =	vst.idx.msk $0xff, v3  }
0x3e: {  	v3 =	vld.idx.msk [tilespmem:v61+s4+$0x0], $0xff;
	_ =	sdelay $0x1  }
0x3f: {  	v62 =	vadd.s32 $0x2, v2;
	_ =	sdelay $0x2  }
0x40: {  	v3 =	vsel vm15, $0x0, v3  }
0x41: {  	[tilespmem:v61+s28+$0x0] =	vst.idx.msk $0xff, v3  }
0x42: {  	v3 =	vld.idx.msk [tilespmem:v62+s4+$0x0], $0xff;
	_ =	sdelay $0x1  }
0x43: {  	v63 =	vadd.s32 $0x3, v2;
	_ =	sdelay $0x2  }
0x44: {  	v3 =	vsel vm15, $0x0, v3  }
0x45: {  	[tilespmem:v62+s28+$0x0] =	vst.idx.msk $0xff, v3  }
0x46: {  	v3 =	vld.idx.msk [tilespmem:v63+s4+$0x0], $0xff;
	_ =	sdelay $0x1  }
0x47: {  	v2 =	vadd.s32 $0x4, v2;
	_ =	sdelay $0x2  }
0x48: {  	v3 =	vsel vm15, $0x0, v3  }
0x49: {  	[tilespmem:v63+s28+$0x0] =	vst.idx.msk $0xff, v3  }
0x4a: {  	v3 =	vld.idx.msk [tilespmem:v2+s4+$0x0], $0xff;
	_ =	sdelay $0x4  }
0x4b: {  	v3 =	vsel vm15, $0x0, v3  }
0x4c: {  	s3 =	simm.s32 $0x2;
	s29 =	rddreg [dreg:$0xf];
	[tilespmem:v2+s28+$0x0] =	vst.idx.msk $0xff, v3  }
0x4d: {  	[hbm4b:s29+s7] =	stream.linear.scatter [tilespmem:s28], [sflag:$0x2], $0x28, $0x38;
	[tilespmem:$0x428] =	vst v63  }
0x4e: {  	_ =	swait.ge [sflag:s3], $0x28  }
0x4f: {  	s30 =	rddreg [dreg:$0x11]  }
0x50: {  	s31 =	rddreg [dreg:$0x10];
	s1 =	sadd.s32 $0x1, s30  }
0x51: {  	p0 =	sne.s32 s1, s31  }
.Ltmp1:
0x52: {  	_ = 	snop;
	(pc) =	sbr.rel @!p0 .LBB2_130-.Ltmp1, $3  }
0x53: {  	_ =	sdelay $0x1  }
0x54: {  	[sflag:s3] =	ssyncset.done $0x0  }
0x55: {  	[sflag:s3] =	ssyncadd.s32 $0xFFFFFFD8  }
.LBB2_1:
0x56: {  	[dreg:$0x11] =	wrdreg s1  }
0x57: {  	s0 =	rddreg [dreg:$0x8];
	s23 =	simm.s32 $0x80;
	s2 =	simm.s32 $0x1000  }
0x58: {  	[tilespmem:s7], [sflag:$0x2] =	stream.strided.gather [hbm4b:s0+s23], $0x280, s2, s23, $0x38;
	[tilespmem:$0x428] =	vst v63  }
0x59: {  	_ =	swait.ge [sflag:s3], $0x280  }
0x5a: {  	[sflag:s3] =	ssyncset.done $0x0  }
0x5b: {  	s25 =	simm.s32 $0x280;
	s24 =	rddreg [dreg:$0x3];
	[sflag:s3] =	ssyncadd.s32 $0xFFFFFD80  }
0x5c: {  	[tilespmem:s25], [sflag:$0x2] =	stream.linear.gather [hbm4b:s24+s7], $0x20, $0x38;
	[tilespmem:$0x428] =	vst v63  }
0x5d: {  	_ =	swait.ge [sflag:s3], $0x20  }
0x5e: {  	[sflag:s3] =	ssyncset.done $0x0  }
0x5f: {  	s30 =	simm.s32 $0x2A0;
	s26 =	rddreg [dreg:$0x7];
	[sflag:s3] =	ssyncadd.s32 $0xFFFFFFE0  }
0x60: {  	[tilespmem:s30], [sflag:$0x2] =	stream.linear.gather [hbm4b:s26+s7], $0x10, $0x38;
	[tilespmem:$0x428] =	vst v63  }
0x61: {  	_ =	swait.ge [sflag:s3], $0x10  }
0x62: {  	[sflag:s3] =	ssyncset.done $0x0  }
0x63: {  	s2 =	simm.s32 $0x2B0;
	s1 =	rddreg [dreg:$0x9];
	[sflag:s3] =	ssyncadd.s32 $0xFFFFFFF0  }
0x64: {  	[tilespmem:s2], [sflag:$0x2] =	stream.linear.gather [hbm4b:s1+s7], $0x10, $0x38;
	[tilespmem:$0x428] =	vst v63  }
0x65: {  	_ =	swait.ge [sflag:s3], $0x10  }
0x66: {  	[sflag:s3] =	ssyncset.done $0x0  }
0x67: {  	s6 =	simm.s32 $0x2C0;
	s5 =	rddreg [dreg:$0xa];
	[sflag:s3] =	ssyncadd.s32 $0xFFFFFFF0  }
0x68: {  	[tilespmem:s6], [sflag:$0x2] =	stream.linear.gather [hbm4b:s5+s7], $0x10, $0x38;
	[tilespmem:$0x428] =	vst v63  }
0x69: {  	_ =	swait.ge [sflag:s3], $0x10  }
0x6a: {  	[sflag:s3] =	ssyncset.done $0x0  }
0x6b: {  	s9 =	simm.s32 $0x2D0;
	s8 =	rddreg [dreg:$0xb];
	[sflag:s3] =	ssyncadd.s32 $0xFFFFFFF0  }
0x6c: {  	[tilespmem:s9], [sflag:$0x2] =	stream.linear.gather [hbm4b:s8+s7], $0x10, $0x38;
	[tilespmem:$0x428] =	vst v63  }
0x6d: {  	_ =	swait.ge [sflag:s3], $0x10  }
0x6e: {  	[sflag:s3] =	ssyncset.done $0x0  }
0x6f: {  	s11 =	simm.s32 $0x2E0;
	s10 =	rddreg [dreg:$0xd];
	[sflag:s3] =	ssyncadd.s32 $0xFFFFFFF0  }
0x70: {  	[tilespmem:s11], [sflag:$0x2] =	stream.linear.gather [hbm4b:s10+s7], $0x10, $0x38;
	[tilespmem:$0x428] =	vst v63  }
0x71: {  	_ =	swait.ge [sflag:s3], $0x10  }
0x72: {  	[sflag:s3] =	ssyncset.done $0x0  }
0x73: {  	s13 =	simm.s32 $0x2F0;
	s12 =	rddreg [dreg:$0x5];
	[sflag:s3] =	ssyncadd.s32 $0xFFFFFFF0  }
0x74: {  	[tilespmem:s13], [sflag:$0x2] =	stream.linear.gather [hbm4b:s12+s7], $0x50, $0x38;
	[tilespmem:$0x428] =	vst v63  }
0x75: {  	_ =	swait.ge [sflag:s3], $0x50  }
0x76: {  	[sflag:s3] =	ssyncset.done $0x0  }
0x77: {  	s15 =	simm.s32 $0x340;
	s14 =	rddreg [dreg:$0x6];
	[sflag:s3] =	ssyncadd.s32 $0xFFFFFFB0  }
0x78: {  	[tilespmem:s15], [sflag:$0x2] =	stream.linear.gather [hbm4b:s14+s7], $0x50, $0x38;
	[tilespmem:$0x428] =	vst v63  }
0x79: {  	_ =	swait.ge [sflag:s3], $0x50  }
0x7a: {  	[sflag:s3] =	ssyncset.done $0x0  }
0x7b: {  	s17 =	simm.s32 $0x390;
	s16 =	rddreg [dreg:$0xe];
	[sflag:s3] =	ssyncadd.s32 $0xFFFFFFB0  }
0x7c: {  	[tilespmem:s17], [sflag:$0x2] =	stream.linear.gather [hbm4b:s16+s7], $0x10, $0x38;
	[tilespmem:$0x428] =	vst v63  }
0x7d: {  	_ =	swait.ge [sflag:s3], $0x10  }
0x7e: {  	[sflag:s3] =	ssyncset.done $0x0  }
0x7f: {  	s18 =	rddreg [dreg:$0xc];
	[sflag:s3] =	ssyncadd.s32 $0xFFFFFFF0  }
0x80: {  	[tilespmem:s4], [sflag:$0x2] =	stream.linear.gather [hbm4b:s18+s7], $0x28, $0x38;
	[tilespmem:$0x428] =	vst v63  }
0x81: {  	_ =	swait.ge [sflag:s3], $0x28  }
0x82: {  	[sflag:s3] =	ssyncset.done $0x0  }
0x83: {  	[sflag:s3] =	ssyncadd.s32 $0xFFFFFFD8  }
0x84: {  	v2 =	vld [tilespmem:$0x280];
	_ =	sdelay $0x4  }
0x85: {  	(xrf0) =	vmax.scan.msk.f32 $0xffff, v2;
	_ =	sdelay $0x2  }
0x86: {  	v3 =	vld [tilespmem:$0x290];
	_ =	sdelay $0x2  }
0x87: {  	v2, _, _ =	vpop (xrf0)  }
0x88: {  	(v2sf) =	vpush v2, $0xF  }
0x89: {  	(xrf0) =	vmax.scan.msk.f32 $0xffff, v3;
	_ =	sdelay $0x5  }
0x8a: {  	v2, _, _ =	vpop (xrf0)  }
0x8b: {  	(v2sf) =	vpush v2, $0xF;
	_ =	sdelay $0x6  }
0x8c: {  	s19 =	spop (v2sf)  }
0x8d: {  	s20 =	sadd.f32 $-1.010000000e+02, s19  }
0x8e: {  	s25 =	sadd.f32 $-1.930000000e+02, s19  }
0x8f: {  	s26 =	sadd.f32 $-3.770000000e+02, s19  }
0x90: {  	s5 =	sadd.f32 $-7.300000000e+01, s19  }
0x91: {  	s6 =	sadd.f32 $-2.650000000e+02, s19  }
0x92: {  	s7 =	sadd.f32 $-5.300000000e+01, s19  }
0x93: {  	s8 =	sadd.f32 $-9.700000000e+01, s19  }
0x94: {  	s21 =	spop (v2sf);
	s0 =	sadd.f32 $-1.850000000e+02, s19  }
0x95: {  	s11 =	sadd.f32 $-5.700000000e+01, s21  }
0x96: {  	s12 =	sadd.f32 $-1.050000000e+02, s21  }
0x97: {  	s13 =	sadd.f32 $-2.010000000e+02, s21;
	s1 =	smul.f32 $6.250000000e-02, s20  }
0x98: {  	s16 =	sadd.f32 $-7.300000000e+01, s21;
	s3 =	smul.f32 $6.250000000e-02, s25  }
0x99: {  	s17 =	sadd.f32 $-1.370000000e+02, s21;
	s30 =	smul.f32 $6.250000000e-02, s26  }
0x9a: {  	s18 =	sadd.f32 $-2.650000000e+02, s21;
	s4 =	smul.f32 $6.250000000e-02, s5  }
0x9b: {  	s2 =	sadd.f32 $-3.610000000e+02, s21;
	s9 =	smul.f32 $6.250000000e-02, s7  }
0x9c: {  	s5 =	sadd.f32 $-1.370000000e+02, s19;
	s10 =	smul.f32 $6.250000000e-02, s8  }
0x9d: {  	s0 =	smul.f32 $6.250000000e-02, s0;
	s19 =	sadd.f32 $-9.700000000e+01, s21  }
0x9e: {  	s20 =	sadd.f32 $-1.850000000e+02, s21;
	s14 =	smul.f32 $6.250000000e-02, s12  }
0x9f: {  	s15 =	smul.f32 $6.250000000e-02, s13;
	s1 =	scvt.f32.s32 s1  }
0xa0: {  	s3 =	scvt.f32.s32 s3;
	s22 =	scvt.f32.s32 s4  }
0xa1: {  	s25 =	scvt.f32.s32 s9;
	s26 =	scvt.f32.s32 s10  }
0xa2: {  	s28 =	scvt.f32.s32 s0;
	s0 =	smul.f32 $6.250000000e-02, s16  }
0xa3: {  	s8 =	smul.f32 $6.250000000e-02, s19;
	[dreg:$0x12] =	wrdreg s1  }
0xa4: {  	s21 =	smul.f32 $6.250000000e-02, s20;
	[dreg:$0x13] =	wrdreg s3  }
0xa5: {  	s1 =	scvt.f32.s32 s30;
	s3 =	smul.f32 $6.250000000e-02, s6  }
0xa6: {  	s31 =	scvt.f32.s32 s14;
	s6 =	smul.f32 $6.250000000e-02, s18  }
0xa7: {  	[dreg:$0x14] =	wrdreg s1;
	s1 =	smul.f32 $6.250000000e-02, s5  }
0xa8: {  	s4 =	scvt.f32.s32 s0;
	s30 =	smul.f32 $6.250000000e-02, s2  }
0xa9: {  	s23 =	scvt.f32.s32 s1;
	s1 =	smul.f32 $6.250000000e-02, s11  }
.Ltmp2:
0xaa: {  	s8 =	scvt.f32.s32 s8;
	(pc) =	sbr.rel .LBB2_2-.Ltmp2, $4  }
0xab: {  	s9 =	scvt.f32.s32 s21;
	s24 =	scvt.f32.s32 s3  }
0xac: {  	s29 =	scvt.f32.s32 s1;
	s1 =	smul.f32 $6.250000000e-02, s17  }
0xad: {  	s3 =	scvt.f32.s32 s15;
	s6 =	scvt.f32.s32 s6  }
0xae: {  	v2 =	vimm.s32 $0x0;
	s10 =	scvt.f32.s32 s30;
	s11 =	simm.s32 $0x0;
	s5 =	scvt.f32.s32 s1  }
.LBB2_128:
0xaf: {  	(xrf0) =	vmax.scan.msk.f32 $0xffff, v5;
	_ =	sdelay $0x5  }
0xb0: {  	v3, _, _ =	vpop (xrf0)  }
0xb1: {  	v3 =	vbroadcast v3, $0xF;
	_ =	sdelay $0x1  }
0xb2: {  	vm0 =	veq.f32 v5, v3;
	v3 =	vxor.u32 $0x80000000, v6  }
0xb3: {  	v3 =	vnsel vm0, $0xFFFFFFFF, v3  }
0xb4: {  	(xrf0) =	vmin.scan.msk.u32 $0xffff, v3;
	_ =	sdelay $0x5  }
0xb5: {  	v3, _, _ =	vpop (xrf0)  }
0xb6: {  	(v2sf) =	vpush v3, $0xF;
	_ =	sdelay $0xa  }
0xb7: {  	v3 =	vmov s11;
	s11 =	sadd.s32 $0x1, s11  }
0xb8: {  	p0 =	sne.s32 s11, $0x8  }
.Ltmp3:
0xb9: {  	_ = 	snop;
	(pc) =	sbr.rel @!p0 .LBB2_129-.Ltmp3, $4  }
0xba: {  	_ = 	snop  }
0xbb: {  	s0 =	spop (v2sf)  }
0xbc: {  	vm15 =	veq.s32 v3, v1;
	s0 =	sxor.u32 $0x80000000, s0  }
0xbd: {  	v2 =	vsel vm15, s0, v2  }
.LBB2_2:
0xbe: {  	s0 =	sshll.u32 s11, $0x4  }
0xbf: {  	s0 =	sand.u32 $0x3FFFFFF0, s0  }
0xc0: {  	v3 =	vld [tilespmem:s0+$0x0]  }
0xc1: {  	v5 =	vld [tilespmem:s0+$0x80]  }
0xc2: {  	v4 =	vld [tilespmem:s0+$0x100];
	_ =	sdelay $0x1  }
0xc3: {  	v6 =	vld [tilespmem:s0+$0x180]  }
0xc4: {  	(xrf0) =	vmax.scan.msk.f32 $0xffff, v3  }
0xc5: {  	(xrf0) =	vmax.scan.msk.f32 $0xffff, v5  }
0xc6: {  	(xrf0) =	vmax.scan.msk.f32 $0xffff, v4;
	_ =	sdelay $0x1  }
0xc7: {  	(xrf0) =	vmax.scan.msk.f32 $0xffff, v6;
	_ =	sdelay $0x1  }
0xc8: {  	v5, _, _ =	vpop (xrf0)  }
0xc9: {  	v6, _, _ =	vpop (xrf0);
	(v2sf) =	vpush v5, $0xF  }
0xca: {  	v5, _, _ =	vpop (xrf0);
	(v2sf) =	vpush v6, $0xF  }
0xcb: {  	(v2sf) =	vpush v5, $0xF  }
0xcc: {  	v5, _, _ =	vpop (xrf0)  }
0xcd: {  	(v2sf) =	vpush v5, $0xF;
	_ =	sdelay $0xa  }
0xce: {  	s15 =	spop (v2sf)  }
0xcf: {  	s13 =	spop (v2sf)  }
0xd0: {  	s16 =	spop (v2sf)  }
0xd1: {  	s2 =	sadd.f32 $8.400000000e+01, s16  }
0xd2: {  	s1 =	sadd.f32 $-1.000000000e+02, s15;
	s14 =	spop (v2sf)  }
0xd3: {  	s7 =	sadd.f32 $4.000000000e+01, s14;
	s2 =	smul.f32 $6.250000000e-02, s2  }
0xd4: {  	s1 =	smul.f32 $6.250000000e-02, s1  }
0xd5: {  	s7 =	smul.f32 $6.250000000e-02, s7;
	s18 =	scvt.f32.s32 s2  }
0xd6: {  	s19 =	sadd.f32 $-5.600000000e+01, s13;
	s12 =	scvt.f32.s32 s1  }
0xd7: {  	s17 =	rddreg [dreg:$0x12];
	s21 =	scvt.f32.s32 s7;
	s1 =	sadd.s32 $0x1, s18  }
0xd8: {  	v7 =	vld [tilespmem:s0+$0x200];
	s20 =	smul.f32 $6.250000000e-02, s19;
	p0 =	sgt.s32 s12, $0x6;
	p1 =	slt.s32 s1, s17  }
0xd9: {  	s12 =	simm.s32 @!p0 $0x6;
	s0 =	sadd.s32 $0x1, s21;
	s17 =	smov.u32 @p1 s1  }
.Ltmp4:
0xda: {  	s1 =	scvt.f32.s32 s20;
	s2 =	ssub.s32 s17, s12;
	(pc) =	sbr.rel .LBB2_3-.Ltmp4, $4  }
0xdb: {  	s7 =	smov.u32 s29;
	p0 =	slt.s32 s0, s29;
	p1 =	sgt.s32 s2, $0x0  }
0xdc: {  	s7 =	smov.u32 @p0 s0;
	p0 =	sgt.s32 s1, $0x3;
	s2 =	simm.s32 @!p1 $0x0  }
0xdd: {  	v8 =	vadd.f32 $1.766400000e+04, v7;
	s1 =	simm.s32 @!p0 $0x3;
	s0 =	sshrl.u32 s2, $0x4;
	s2 =	sadd.s32 $0x1, s7  }
0xde: {  	s30 =	simm.s32 $0x0;
	v6 =	vimm.s32 $0x0;
	v5 =	vimm.f32 $-1.000000000e+00;
	v9 =	vmov s17;
	s18 =	smul.u32 $0x438, s1;
	p0 =	sge.s32 s1, s2  }
.LBB2_5:
0xdf: {  	_ = 	snop  }
0xe0: {  	v15 =	vmov v5;
	v17 =	vmov v6;
	s7 =	smov.u32 s18  }
.LBB2_14:
0xe1: {  	v19 =	vsub.f32 @p1 v8, v13;
	s19 =	smin.f32 s19, s14;
	s17 =	smax.f32 s17, s13  }
0xe2: {  	s17 =	ssub.f32 s19, s17  }
0xe3: {  	(erf) = vrcp.f32 @p1 v19  }
0xe4: {  	s17 =	smax.f32 s17, $0.0e+00  }
0xe5: {  	v11 =	vmul.f32 s17, v11  }
0xe6: {  	vm0 =	veq.f32 @p3 v16, v15;
	vm1 =	vlt.s32 @p3 v18, v17;
	vm2 =	vgt.f32 @p3 v16, v15  }
0xe7: {  	s7 =	sadd.s32 @p3 $0x438, s7;
	vm0 =	vmand @p3 vm1, vm0;
	v15 =	vsel @p3 vm2, v16, v15;
	v19 =	vpop @p2 (erf);
	s17 =	smov.u32 s18;
	v62 =	vsub.f32 v8, v11  }
0xe8: {  	vm0 =	vmor @p3 vm2, vm0;
	v15 =	vpsel p3, v15, v5;
	v14 =	vmul.f32 @p2 v19, v14;
	s17 =	smov.u32 @p3 s7  }
0xe9: {  	v16 =	vsel @p3 vm0, v18, v17;
	v17 =	vadd.s32 @p2 s17, v10;
	(erf) = vrcp.f32 v62  }
0xea: {  	v16 =	vpsel p3, v16, v6;
	v14 =	vpsel p2, v14, v0;
	v17 =	vpsel p2, v17, v0  }
0xeb: {  	vm0 =	veq.f32 @p2 v14, v15;
	vm1 =	vlt.s32 @p2 v17, v16  }
0xec: {  	v12 =	vpsel p1, v13, v12;
	s7 =	sadd.s32 @p2 $0x438, s17;
	s17 =	smov.u32 s18;
	vm2 =	vgt.f32 @p2 v14, v15;
	vm0 =	vmand @p2 vm1, vm0;
	v13 =	vpop @p1 (erf)  }
0xed: {  	s17 =	smov.u32 @p2 s7;
	vm0 =	vmor @p2 vm2, vm0;
	v12 =	vmul.f32 @p1 v13, v12;
	v13 =	vsel @p2 vm2, v14, v15  }
0xee: {  	v14 =	vsel @p2 vm0, v17, v16;
	v15 =	vadd.s32 @p1 s17, v10;
	v13 =	vpsel p2, v13, v5  }
0xef: {  	v15 =	vpsel p1, v15, v0;
	v14 =	vpsel p2, v14, v6;
	v12 =	vpsel p1, v12, v0  }
0xf0: {  	vm1 =	vlt.s32 @p1 v15, v14;
	vm0 =	veq.f32 @p1 v12, v13  }
0xf1: {  	vm2 =	vgt.f32 @p1 v12, v13;
	vm0 =	vmand @p1 vm1, vm0  }
0xf2: {  	s7 =	sadd.s32 @p1 $0x438, s17;
	s17 =	smov.u32 s18;
	vm0 =	vmor @p1 vm2, vm0;
	v63 =	vpop (erf)  }
0xf3: {  	s17 =	smov.u32 @p1 s7;
	v12 =	vsel @p1 vm2, v12, v13;
	v13 =	vsel @p1 vm0, v15, v14;
	v11 =	vmul.f32 v63, v11  }
0xf4: {  	v10 =	vadd.s32 s17, v10;
	v5 =	vpsel p1, v12, v5;
	v6 =	vpsel p1, v13, v6  }
0xf5: {  	vm13 =	veq.f32 v11, v5;
	vm14 =	vlt.s32 v10, v6  }
0xf6: {  	vm15 =	vgt.f32 v11, v5;
	vm0 =	vmand vm14, vm13  }
0xf7: {  	vm0 =	vmor vm15, vm0  }
0xf8: {  	v5 =	vsel vm15, v11, v5;
	v6 =	vsel vm0, v10, v6  }
.LBB2_15:
0xf9: {  	p1 =	sne.s32 s30, s0  }
.Ltmp5:
0xfa: {  	_ = 	snop;
	(pc) =	sbr.rel @!p1 .LBB2_16-.Ltmp5, $3  }
0xfb: {  	_ =	sdelay $0x1  }
0xfc: {  	s7 =	sadd.s32 $0x1, s30  }
0xfd: {  	s30 =	smov.u32 s7  }
.LBB2_3:
.Ltmp6:
0xfe: {  	(pc) =	sbr.rel @p0 .LBB2_15-.Ltmp6, $1  }
0xff: {  	_ =	sdelay $0x3  }
0x100: {  	s7 =	sshll.u32 s30, $0x4  }
0x101: {  	s7 =	sadd.s32 s12, s7  }
0x102: {  	s17 =	scvt.s32.f32 s7;
	_ =	sdelay $0x1  }
0x103: {  	s17 =	smul.f32 $1.600000000e+01, s17;
	_ =	sdelay $0x1  }
0x104: {  	s17 =	sadd.f32 $-8.400000000e+01, s17;
	_ =	sdelay $0x1  }
0x105: {  	v10 =	vadd.f32 s17, v0  }
0x106: {  	s21 =	scvt.s32.f32 s1  }
0x107: {  	v12 =	vadd.s32 s7, v1;
	s7 =	sadd.s32 $0x1, s1;
	v11 =	vadd.f32 $1.840000000e+02, v10  }
0x108: {  	s19 =	smul.f32 $1.600000000e+01, s21;
	p4 =	sne.s32 s2, s7  }
.Ltmp7:
0x109: {  	v10 =	vmax.f32 v10, v3;
	v11 =	vmin.f32 v11, v4;
	(pc) =	sbr.rel @!p4 .LBB2_5-.Ltmp7, $4  }
0x10a: {  	v10 =	vsub.f32 v11, v10  }
0x10b: {  	s17 =	sadd.f32 $-4.000000000e+01, s19  }
0x10c: {  	vm0 =	vgt.s32 v12, v9;
	s19 =	sadd.f32 $5.600000000e+01, s19;
	v10 =	vmax.f32 v10, $0.0e+00  }
0x10d: {  	p1 =	por $0x0, $0x0;
	p2 =	por $0x0, $0x0;
	p3 =	por $0x0, $0x0;
	v11 =	vsel vm0, $0x0, v10;
	v10 =	vmul.u32 $0x9, v12  }
0x10e: {  	s20 =	scvt.s32.f32 s7  }
0x10f: {  	s19 =	smin.f32 s19, s14;
	s17 =	smax.f32 s17, s13;
	s7 =	sadd.s32 $0x1, s7  }
0x110: {  	s17 =	ssub.f32 s19, s17;
	p4 =	sne.s32 s2, s7;
	s19 =	smul.f32 $1.600000000e+01, s20  }
.Ltmp8:
0x111: {  	_ = 	snop;
	(pc) =	sbr.rel @!p4 .LBB2_7-.Ltmp8, $4  }
0x112: {  	_ = 	snop  }
0x113: {  	s21 =	smax.f32 s17, $0.0e+00;
	s17 =	sadd.f32 $-4.000000000e+01, s19  }
0x114: {  	s19 =	sadd.f32 $5.600000000e+01, s19  }
0x115: {  	p1 =	por $0x1, $0x1;
	v12 =	vmul.f32 s21, v11  }
0x116: {  	s20 =	scvt.s32.f32 s7  }
0x117: {  	s19 =	smin.f32 s19, s14;
	s17 =	smax.f32 s17, s13;
	s7 =	sadd.s32 $0x1, s7  }
0x118: {  	s17 =	ssub.f32 s19, s17;
	p4 =	sne.s32 s2, s7;
	s19 =	smul.f32 $1.600000000e+01, s20  }
.Ltmp9:
0x119: {  	v13 =	vsub.f32 v8, v12;
	(pc) =	sbr.rel @!p4 .LBB2_9-.Ltmp9, $4  }
0x11a: {  	_ = 	snop  }
0x11b: {  	s21 =	smax.f32 s17, $0.0e+00;
	(erf) = vrcp.f32 v13;
	s17 =	sadd.f32 $-4.000000000e+01, s19  }
0x11c: {  	s19 =	sadd.f32 $5.600000000e+01, s19  }
0x11d: {  	p2 =	por $0x1, $0x1;
	v14 =	vmul.f32 s21, v11  }
0x11e: {  	s20 =	scvt.s32.f32 s7  }
0x11f: {  	s19 =	smin.f32 s19, s14;
	s17 =	smax.f32 s17, s13  }
0x120: {  	v13 =	vsub.f32 v8, v14;
	s17 =	ssub.f32 s19, s17;
	s19 =	smul.f32 $1.600000000e+01, s20;
	s20 =	sadd.s32 $0x1, s7  }
0x121: {  	p4 =	sne.s32 s2, s20  }
.Ltmp10:
0x122: {  	(erf) = vrcp.f32 v13;
	(pc) =	sbr.rel @!p4 .LBB2_11-.Ltmp10, $4  }
0x123: {  	_ = 	snop  }
0x124: {  	s21 =	smax.f32 s17, $0.0e+00;
	s17 =	sadd.f32 $-4.000000000e+01, s19;
	v15 =	vpop (erf)  }
0x125: {  	v13 =	vmul.f32 s21, v11;
	s19 =	sadd.f32 $5.600000000e+01, s19;
	v16 =	vmul.f32 v15, v12  }
0x126: {  	v18 =	vadd.s32 s18, v10;
	p3 =	por $0x1, $0x1;
	v17 =	vmov v6;
	s7 =	smov.u32 s18;
	v15 =	vmov v5  }
.LBB2_12:
0x127: {  	s21 =	scvt.s32.f32 s20;
	v19 =	vsub.f32 v8, v13;
	vm0 =	veq.f32 v16, v15;
	vm1 =	vlt.s32 v18, v17;
	s20 =	sadd.s32 $0x1, s20  }
0x128: {  	s17 =	smax.f32 s17, s13;
	vm2 =	vgt.f32 v16, v15;
	s19 =	smin.f32 s19, s14;
	vm0 =	vmand vm1, vm0;
	p4 =	sne.s32 s2, s20  }
.Ltmp11:
0x129: {  	v15 =	vsel vm2, v16, v15;
	s17 =	ssub.f32 s19, s17;
	(erf) = vrcp.f32 v19;
	vm0 =	vmor vm2, vm0;
	(pc) =	sbr.rel @p4 .LBB2_12-.Ltmp11, $4  }
0x12a: {  	s19 =	smul.f32 $1.600000000e+01, s21;
	v17 =	vsel vm0, v18, v17  }
0x12b: {  	s21 =	smax.f32 s17, $0.0e+00;
	v16 =	vpop (erf)  }
0x12c: {  	s7 =	sadd.s32 $0x438, s7;
	s17 =	sadd.f32 $-4.000000000e+01, s19;
	v16 =	vmul.f32 v16, v14;
	v14 =	vmov v13;
	v13 =	vmul.f32 s21, v11  }
0x12d: {  	v18 =	vadd.s32 s7, v10;
	s19 =	sadd.f32 $5.600000000e+01, s19  }
.Ltmp12:
0x12e: {  	(pc) =	sbr.rel .LBB2_14-.Ltmp12, $1  }
0x12f: {  	_ =	sdelay $0x3  }
.LBB2_7:
.Ltmp13:
0x130: {  	(pc) =	sbr.rel .LBB2_14-.Ltmp13, $2  }
0x131: {  	_ =	sdelay $0x2  }
0x132: {  	v15 =	vmov v5;
	v17 =	vmov v6;
	s7 =	smov.u32 s18;
	v13 =	vmov v12  }
.LBB2_9:
.Ltmp14:
0x133: {  	(pc) =	sbr.rel .LBB2_14-.Ltmp14, $2  }
0x134: {  	_ =	sdelay $0x2  }
0x135: {  	v15 =	vmovc v5;
	v17 =	vmov v6;
	s7 =	smov.u32 s18;
	v13 =	vmov v14;
	v14 =	vmov v12  }
.LBB2_11:
.Ltmp15:
0x136: {  	(pc) =	sbr.rel .LBB2_14-.Ltmp15, $2  }
0x137: {  	_ =	sdelay $0x2  }
0x138: {  	v15 =	vmov v5;
	v17 =	vmov v6;
	s7 =	smov.u32 s18  }
.LBB2_16:
0x139: {  	s1 =	sadd.f32 $1.760000000e+02, s16  }
0x13a: {  	s0 =	sadd.f32 $-1.920000000e+02, s15  }
0x13b: {  	s1 =	smul.f32 $6.250000000e-02, s1  }
0x13c: {  	s2 =	sadd.f32 $8.800000000e+01, s14;
	s0 =	smul.f32 $6.250000000e-02, s0  }
0x13d: {  	s21 =	sadd.f32 $-1.040000000e+02, s13;
	s20 =	scvt.f32.s32 s1  }
0x13e: {  	s2 =	smul.f32 $6.250000000e-02, s2;
	s12 =	scvt.f32.s32 s0  }
0x13f: {  	s17 =	rddreg [dreg:$0x13];
	s1 =	smul.f32 $6.250000000e-02, s21;
	s0 =	sadd.s32 $0x1, s20  }
0x140: {  	s2 =	scvt.f32.s32 s2;
	p0 =	sgt.s32 s12, $0xB;
	p1 =	slt.s32 s0, s17  }
0x141: {  	s7 =	scvt.f32.s32 s1;
	s12 =	simm.s32 @!p0 $0xB;
	s17 =	smov.u32 @p1 s0  }
.Ltmp16:
0x142: {  	s0 =	sadd.s32 $0x1, s2;
	s1 =	ssub.s32 s17, s12;
	(pc) =	sbr.rel .LBB2_17-.Ltmp16, $4  }
0x143: {  	s2 =	smov.u32 s31;
	p0 =	slt.s32 s0, s31;
	p1 =	sgt.s32 s1, $0x0  }
0x144: {  	s2 =	smov.u32 @p0 s0;
	p0 =	sgt.s32 s7, $0x6;
	s1 =	simm.s32 @!p1 $0x0  }
0x145: {  	v8 =	vadd.f32 $7.065600000e+04, v7;
	s7 =	simm.s32 @!p0 $0x6;
	s30 =	sadd.s32 $0x1, s2;
	s2 =	simm.s32 $0x0  }
0x146: {  	v9 =	vmov s17;
	s1 =	sshrl.u32 s1, $0x4;
	s0 =	smul.u32 $0x438, s7;
	p0 =	sge.s32 s7, s30  }
.LBB2_19:
0x147: {  	_ = 	snop  }
0x148: {  	v15 =	vmov v5;
	v17 =	vmov v6;
	s18 =	smov.u32 s0  }
.LBB2_28:
0x149: {  	v19 =	vsub.f32 @p1 v8, v13;
	s19 =	smin.f32 s19, s14;
	s17 =	smax.f32 s17, s13  }
0x14a: {  	s17 =	ssub.f32 s19, s17  }
0x14b: {  	s18 =	sadd.s32 @p3 $0x438, s18;
	s20 =	smov.u32 s0;
	(erf) = vrcp.f32 @p1 v19  }
0x14c: {  	vm0 =	veq.f32 @p3 v16, v15;
	vm1 =	vlt.s32 @p3 v18, v17;
	vm2 =	vgt.f32 @p3 v16, v15;
	s20 =	smov.u32 @p3 s18;
	s17 =	smax.f32 s17, $0.0e+00  }
0x14d: {  	v20 =	vpop @p2 (erf);
	vm0 =	vmand @p3 vm1, vm0;
	v19 =	vmov @p2 s20;
	v11 =	vmul.f32 s17, v11  }
0x14e: {  	v14 =	vmul.f32 @p2 v20, v14;
	v15 =	vsel @p3 vm2, v16, v15;
	v19 =	vadd.s32 @p2 $0x1, v19  }
0x14f: {  	vm0 =	vmor @p3 vm2, vm0;
	v19 =	vbroadcast @p2 v19, $0x0;
	v61 =	vsub.f32 v8, v11  }
0x150: {  	v12 =	vpsel p1, v13, v12;
	s18 =	smov.u32 s0;
	v15 =	vpsel p3, v15, v5;
	v16 =	vsel @p3 vm0, v18, v17;
	s17 =	sadd.s32 @p2 $0x438, s20  }
0x151: {  	v14 =	vpsel p2, v14, v0;
	s18 =	smov.u32 @p2 s17;
	v18 =	vadd.s32 @p2 v10, v19;
	(erf) = vrcp.f32 v61  }
0x152: {  	v16 =	vpsel p3, v16, v6;
	v13 =	vmov @p1 s18;
	v18 =	vpsel p2, v18, v0  }
0x153: {  	vm0 =	veq.f32 @p2 v14, v15;
	v13 =	vadd.s32 @p1 $0x1, v13;
	vm1 =	vlt.s32 @p2 v18, v16  }
0x154: {  	vm2 =	vgt.f32 @p2 v14, v15;
	v13 =	vbroadcast @p1 v13, $0x0;
	vm0 =	vmand @p2 vm1, vm0;
	v17 =	vpop @p1 (erf)  }
0x155: {  	v14 =	vsel @p2 vm2, v14, v15;
	vm0 =	vmor @p2 vm2, vm0;
	v12 =	vmul.f32 @p1 v17, v12  }
0x156: {  	s17 =	sadd.s32 @p1 $0x438, s18;
	s18 =	smov.u32 s0;
	v14 =	vpsel p2, v14, v5;
	v13 =	vadd.s32 @p1 v10, v13;
	v15 =	vsel @p2 vm0, v18, v16  }
0x157: {  	s18 =	smov.u32 @p1 s17;
	v13 =	vpsel p1, v13, v0;
	v15 =	vpsel p2, v15, v6;
	v12 =	vpsel p1, v12, v0  }
0x158: {  	v62 =	vmov s18;
	vm1 =	vlt.s32 @p1 v13, v15;
	vm0 =	veq.f32 @p1 v12, v14  }
0x159: {  	v16 =	vadd.s32 $0x1, v62;
	vm2 =	vgt.f32 @p1 v12, v14;
	vm0 =	vmand @p1 vm1, vm0  }
0x15a: {  	v16 =	vbroadcast v16, $0x0;
	vm0 =	vmor @p1 vm2, vm0;
	v63 =	vpop (erf)  }
0x15b: {  	v12 =	vsel @p1 vm2, v12, v14;
	v13 =	vsel @p1 vm0, v13, v15;
	v11 =	vmul.f32 v63, v11  }
0x15c: {  	v10 =	vadd.s32 v10, v16;
	v5 =	vpsel p1, v12, v5;
	v6 =	vpsel p1, v13, v6  }
0x15d: {  	vm13 =	veq.f32 v11, v5;
	vm14 =	vlt.s32 v10, v6  }
0x15e: {  	vm15 =	vgt.f32 v11, v5;
	vm0 =	vmand vm14, vm13  }
0x15f: {  	vm0 =	vmor vm15, vm0  }
0x160: {  	v5 =	vsel vm15, v11, v5;
	v6 =	vsel vm0, v10, v6  }
.LBB2_29:
0x161: {  	p1 =	sne.s32 s2, s1  }
.Ltmp17:
0x162: {  	_ = 	snop;
	(pc) =	sbr.rel @!p1 .LBB2_30-.Ltmp17, $3  }
0x163: {  	_ =	sdelay $0x1  }
0x164: {  	s17 =	sadd.s32 $0x1, s2  }
0x165: {  	s2 =	smov.u32 s17  }
.LBB2_17:
.Ltmp18:
0x166: {  	(pc) =	sbr.rel @p0 .LBB2_29-.Ltmp18, $1  }
0x167: {  	_ =	sdelay $0x3  }
0x168: {  	s17 =	sshll.u32 s2, $0x4  }
0x169: {  	s17 =	sadd.s32 s12, s17  }
0x16a: {  	s18 =	scvt.s32.f32 s17;
	_ =	sdelay $0x1  }
0x16b: {  	s18 =	smul.f32 $1.600000000e+01, s18;
	_ =	sdelay $0x1  }
0x16c: {  	s18 =	sadd.f32 $-1.760000000e+02, s18;
	_ =	sdelay $0x1  }
0x16d: {  	v10 =	vadd.f32 s18, v0  }
0x16e: {  	s21 =	scvt.s32.f32 s7  }
0x16f: {  	s18 =	sadd.s32 $0x1, s7;
	v11 =	vadd.f32 $3.680000000e+02, v10  }
0x170: {  	s19 =	smul.f32 $1.600000000e+01, s21;
	p4 =	sne.s32 s30, s18  }
.Ltmp19:
0x171: {  	v10 =	vmax.f32 v10, v3;
	v11 =	vmin.f32 v11, v4;
	(pc) =	sbr.rel @!p4 .LBB2_19-.Ltmp19, $4  }
0x172: {  	v10 =	vsub.f32 v11, v10  }
0x173: {  	v12 =	vadd.s32 s17, v1;
	s17 =	sadd.f32 $-8.800000000e+01, s19  }
0x174: {  	vm0 =	vgt.s32 v12, v9;
	s19 =	sadd.f32 $1.040000000e+02, s19;
	v10 =	vmax.f32 v10, $0.0e+00  }
0x175: {  	p1 =	por $0x0, $0x0;
	p2 =	por $0x0, $0x0;
	p3 =	por $0x0, $0x0;
	v11 =	vsel vm0, $0x0, v10;
	v10 =	vmul.u32 $0x9, v12  }
0x176: {  	s20 =	scvt.s32.f32 s18  }
0x177: {  	s19 =	smin.f32 s19, s14;
	s17 =	smax.f32 s17, s13;
	s18 =	sadd.s32 $0x1, s18  }
0x178: {  	s17 =	ssub.f32 s19, s17;
	p4 =	sne.s32 s30, s18;
	s19 =	smul.f32 $1.600000000e+01, s20  }
.Ltmp20:
0x179: {  	_ = 	snop;
	(pc) =	sbr.rel @!p4 .LBB2_21-.Ltmp20, $4  }
0x17a: {  	_ = 	snop  }
0x17b: {  	s21 =	smax.f32 s17, $0.0e+00;
	s17 =	sadd.f32 $-8.800000000e+01, s19  }
0x17c: {  	s19 =	sadd.f32 $1.040000000e+02, s19  }
0x17d: {  	p1 =	por $0x1, $0x1;
	v12 =	vmul.f32 s21, v11  }
0x17e: {  	s20 =	scvt.s32.f32 s18  }
0x17f: {  	s19 =	smin.f32 s19, s14;
	s17 =	smax.f32 s17, s13;
	s18 =	sadd.s32 $0x1, s18;
	v13 =	vsub.f32 v8, v12  }
0x180: {  	s17 =	ssub.f32 s19, s17;
	p4 =	sne.s32 s30, s18;
	s19 =	smul.f32 $1.600000000e+01, s20  }
.Ltmp21:
0x181: {  	(erf) = vrcp.f32 v13;
	(pc) =	sbr.rel @!p4 .LBB2_23-.Ltmp21, $4  }
0x182: {  	_ = 	snop  }
0x183: {  	s21 =	smax.f32 s17, $0.0e+00;
	s17 =	sadd.f32 $-8.800000000e+01, s19  }
0x184: {  	s19 =	sadd.f32 $1.040000000e+02, s19  }
0x185: {  	p2 =	por $0x1, $0x1;
	v14 =	vmul.f32 s21, v11  }
0x186: {  	s20 =	scvt.s32.f32 s18  }
0x187: {  	s19 =	smin.f32 s19, s14;
	s17 =	smax.f32 s17, s13  }
0x188: {  	v13 =	vmov s0;
	v15 =	vsub.f32 v8, v14;
	s17 =	ssub.f32 s19, s17;
	s19 =	smul.f32 $1.600000000e+01, s20;
	s20 =	sadd.s32 $0x1, s18  }
0x189: {  	v13 =	vadd.s32 $0x1, v13;
	p4 =	sne.s32 s30, s20  }
.Ltmp22:
0x18a: {  	v17 =	vbroadcast v13, $0x0;
	(erf) = vrcp.f32 v15;
	(pc) =	sbr.rel @!p4 .LBB2_25-.Ltmp22, $4  }
0x18b: {  	_ = 	snop  }
0x18c: {  	s21 =	smax.f32 s17, $0.0e+00;
	s17 =	sadd.f32 $-8.800000000e+01, s19;
	v15 =	vpop (erf)  }
0x18d: {  	v13 =	vmul.f32 s21, v11;
	s19 =	sadd.f32 $1.040000000e+02, s19;
	v16 =	vmul.f32 v15, v12  }
0x18e: {  	p3 =	por $0x1, $0x1;
	s18 =	smov.u32 s0;
	v18 =	vadd.s32 v10, v17;
	v15 =	vmov v5;
	v17 =	vmov v6  }
.LBB2_26:
0x18f: {  	s21 =	scvt.s32.f32 s20;
	v19 =	vsub.f32 v8, v13;
	vm0 =	veq.f32 v16, v15;
	vm1 =	vlt.s32 v18, v17;
	s18 =	sadd.s32 $0x438, s18;
	s20 =	sadd.s32 $0x1, s20  }
0x190: {  	s17 =	smax.f32 s17, s13;
	vm2 =	vgt.f32 v16, v15;
	s19 =	smin.f32 s19, s14;
	v20 =	vmov s18;
	vm0 =	vmand vm1, vm0;
	p4 =	sne.s32 s30, s20  }
.Ltmp23:
0x191: {  	v15 =	vsel vm2, v16, v15;
	s17 =	ssub.f32 s19, s17;
	(erf) = vrcp.f32 v19;
	vm0 =	vmor vm2, vm0;
	(pc) =	sbr.rel @p4 .LBB2_26-.Ltmp23, $4  }
0x192: {  	s19 =	smul.f32 $1.600000000e+01, s21;
	v19 =	vadd.s32 $0x1, v20;
	v17 =	vsel vm0, v18, v17  }
0x193: {  	v18 =	vbroadcast v19, $0x0;
	s21 =	smax.f32 s17, $0.0e+00;
	v16 =	vpop (erf)  }
0x194: {  	s17 =	sadd.f32 $-8.800000000e+01, s19;
	v16 =	vmul.f32 v16, v14;
	v14 =	vmov v13;
	v13 =	vmul.f32 s21, v11  }
0x195: {  	s19 =	sadd.f32 $1.040000000e+02, s19;
	v18 =	vadd.s32 v10, v18  }
.Ltmp24:
0x196: {  	(pc) =	sbr.rel .LBB2_28-.Ltmp24, $1  }
0x197: {  	_ =	sdelay $0x3  }
.LBB2_21:
.Ltmp25:
0x198: {  	(pc) =	sbr.rel .LBB2_28-.Ltmp25, $2  }
0x199: {  	_ =	sdelay $0x2  }
0x19a: {  	v15 =	vmov v5;
	v17 =	vmov v6;
	s18 =	smov.u32 s0;
	v13 =	vmov v12  }
.LBB2_23:
.Ltmp26:
0x19b: {  	(pc) =	sbr.rel .LBB2_28-.Ltmp26, $2  }
0x19c: {  	_ =	sdelay $0x2  }
0x19d: {  	v15 =	vmovc v5;
	v17 =	vmov v6;
	s18 =	smov.u32 s0;
	v13 =	vmov v14;
	v14 =	vmov v12  }
.LBB2_25:
.Ltmp27:
0x19e: {  	(pc) =	sbr.rel .LBB2_28-.Ltmp27, $2  }
0x19f: {  	_ =	sdelay $0x2  }
0x1a0: {  	v15 =	vmov v5;
	v17 =	vmov v6;
	s18 =	smov.u32 s0  }
.LBB2_30:
0x1a1: {  	s1 =	sadd.f32 $3.600000000e+02, s16  }
0x1a2: {  	s0 =	sadd.f32 $-3.760000000e+02, s15  }
0x1a3: {  	s1 =	smul.f32 $6.250000000e-02, s1  }
0x1a4: {  	s2 =	sadd.f32 $1.840000000e+02, s14;
	s0 =	smul.f32 $6.250000000e-02, s0  }
0x1a5: {  	s21 =	sadd.f32 $-2.000000000e+02, s13;
	s20 =	scvt.f32.s32 s1  }
0x1a6: {  	s2 =	smul.f32 $6.250000000e-02, s2;
	s12 =	scvt.f32.s32 s0  }
0x1a7: {  	s17 =	rddreg [dreg:$0x14];
	s1 =	smul.f32 $6.250000000e-02, s21;
	s0 =	sadd.s32 $0x1, s20  }
0x1a8: {  	s2 =	scvt.f32.s32 s2;
	p0 =	sgt.s32 s12, $0x17;
	p1 =	slt.s32 s0, s17  }
0x1a9: {  	s7 =	scvt.f32.s32 s1;
	s12 =	simm.s32 @!p0 $0x17;
	s17 =	smov.u32 @p1 s0  }
.Ltmp28:
0x1aa: {  	s0 =	sadd.s32 $0x1, s2;
	s1 =	ssub.s32 s17, s12;
	(pc) =	sbr.rel .LBB2_31-.Ltmp28, $4  }
0x1ab: {  	s2 =	smov.u32 s3;
	p0 =	slt.s32 s0, s3;
	p1 =	sgt.s32 s1, $0x0  }
0x1ac: {  	s2 =	smov.u32 @p0 s0;
	p0 =	sgt.s32 s7, $0xC;
	s1 =	simm.s32 @!p1 $0x0  }
0x1ad: {  	v8 =	vadd.f32 $2.826240000e+05, v7;
	s7 =	simm.s32 @!p0 $0xC;
	s30 =	sadd.s32 $0x1, s2;
	s2 =	simm.s32 $0x0  }
0x1ae: {  	v9 =	vmov s17;
	s1 =	sshrl.u32 s1, $0x4;
	s0 =	smul.u32 $0x438, s7;
	p0 =	sge.s32 s7, s30  }
.LBB2_33:
0x1af: {  	_ = 	snop  }
0x1b0: {  	v15 =	vmov v5;
	v17 =	vmov v6;
	s18 =	smov.u32 s0  }
.LBB2_42:
0x1b1: {  	v19 =	vsub.f32 @p1 v8, v13;
	s19 =	smin.f32 s19, s14;
	s17 =	smax.f32 s17, s13  }
0x1b2: {  	s17 =	ssub.f32 s19, s17  }
0x1b3: {  	s18 =	sadd.s32 @p3 $0x438, s18;
	s20 =	smov.u32 s0;
	(erf) = vrcp.f32 @p1 v19  }
0x1b4: {  	vm0 =	veq.f32 @p3 v16, v15;
	vm1 =	vlt.s32 @p3 v18, v17;
	vm2 =	vgt.f32 @p3 v16, v15;
	s20 =	smov.u32 @p3 s18;
	s17 =	smax.f32 s17, $0.0e+00  }
0x1b5: {  	v20 =	vpop @p2 (erf);
	vm0 =	vmand @p3 vm1, vm0;
	v19 =	vmov @p2 s20;
	v11 =	vmul.f32 s17, v11  }
0x1b6: {  	v14 =	vmul.f32 @p2 v20, v14;
	v15 =	vsel @p3 vm2, v16, v15;
	v19 =	vadd.s32 @p2 $0x2, v19  }
0x1b7: {  	vm0 =	vmor @p3 vm2, vm0;
	v19 =	vbroadcast @p2 v19, $0x0;
	v61 =	vsub.f32 v8, v11  }
0x1b8: {  	v12 =	vpsel p1, v13, v12;
	s18 =	smov.u32 s0;
	v15 =	vpsel p3, v15, v5;
	v16 =	vsel @p3 vm0, v18, v17;
	s17 =	sadd.s32 @p2 $0x438, s20  }
0x1b9: {  	v14 =	vpsel p2, v14, v0;
	s18 =	smov.u32 @p2 s17;
	v18 =	vadd.s32 @p2 v10, v19;
	(erf) = vrcp.f32 v61  }
0x1ba: {  	v16 =	vpsel p3, v16, v6;
	v13 =	vmov @p1 s18;
	v18 =	vpsel p2, v18, v0  }
0x1bb: {  	vm0 =	veq.f32 @p2 v14, v15;
	v13 =	vadd.s32 @p1 $0x2, v13;
	vm1 =	vlt.s32 @p2 v18, v16  }
0x1bc: {  	vm2 =	vgt.f32 @p2 v14, v15;
	v13 =	vbroadcast @p1 v13, $0x0;
	vm0 =	vmand @p2 vm1, vm0;
	v17 =	vpop @p1 (erf)  }
0x1bd: {  	v14 =	vsel @p2 vm2, v14, v15;
	vm0 =	vmor @p2 vm2, vm0;
	v12 =	vmul.f32 @p1 v17, v12  }
0x1be: {  	s17 =	sadd.s32 @p1 $0x438, s18;
	s18 =	smov.u32 s0;
	v14 =	vpsel p2, v14, v5;
	v13 =	vadd.s32 @p1 v10, v13;
	v15 =	vsel @p2 vm0, v18, v16  }
0x1bf: {  	s18 =	smov.u32 @p1 s17;
	v13 =	vpsel p1, v13, v0;
	v15 =	vpsel p2, v15, v6;
	v12 =	vpsel p1, v12, v0  }
0x1c0: {  	v62 =	vmov s18;
	vm1 =	vlt.s32 @p1 v13, v15;
	vm0 =	veq.f32 @p1 v12, v14  }
0x1c1: {  	v16 =	vadd.s32 $0x2, v62;
	vm2 =	vgt.f32 @p1 v12, v14;
	vm0 =	vmand @p1 vm1, vm0  }
0x1c2: {  	v16 =	vbroadcast v16, $0x0;
	vm0 =	vmor @p1 vm2, vm0;
	v63 =	vpop (erf)  }
0x1c3: {  	v12 =	vsel @p1 vm2, v12, v14;
	v13 =	vsel @p1 vm0, v13, v15;
	v11 =	vmul.f32 v63, v11  }
0x1c4: {  	v10 =	vadd.s32 v10, v16;
	v5 =	vpsel p1, v12, v5;
	v6 =	vpsel p1, v13, v6  }
0x1c5: {  	vm13 =	veq.f32 v11, v5;
	vm14 =	vlt.s32 v10, v6  }
0x1c6: {  	vm15 =	vgt.f32 v11, v5;
	vm0 =	vmand vm14, vm13  }
0x1c7: {  	vm0 =	vmor vm15, vm0  }
0x1c8: {  	v5 =	vsel vm15, v11, v5;
	v6 =	vsel vm0, v10, v6  }
.LBB2_43:
0x1c9: {  	p1 =	sne.s32 s2, s1  }
.Ltmp29:
0x1ca: {  	_ = 	snop;
	(pc) =	sbr.rel @!p1 .LBB2_44-.Ltmp29, $3  }
0x1cb: {  	_ =	sdelay $0x1  }
0x1cc: {  	s17 =	sadd.s32 $0x1, s2  }
0x1cd: {  	s2 =	smov.u32 s17  }
.LBB2_31:
.Ltmp30:
0x1ce: {  	(pc) =	sbr.rel @p0 .LBB2_43-.Ltmp30, $1  }
0x1cf: {  	_ =	sdelay $0x3  }
0x1d0: {  	s17 =	sshll.u32 s2, $0x4  }
0x1d1: {  	s17 =	sadd.s32 s12, s17  }
0x1d2: {  	s18 =	scvt.s32.f32 s17;
	_ =	sdelay $0x1  }
0x1d3: {  	s18 =	smul.f32 $1.600000000e+01, s18;
	_ =	sdelay $0x1  }
0x1d4: {  	s18 =	sadd.f32 $-3.600000000e+02, s18;
	_ =	sdelay $0x1  }
0x1d5: {  	v10 =	vadd.f32 s18, v0  }
0x1d6: {  	s21 =	scvt.s32.f32 s7  }
0x1d7: {  	s18 =	sadd.s32 $0x1, s7;
	v11 =	vadd.f32 $7.360000000e+02, v10  }
0x1d8: {  	s19 =	smul.f32 $1.600000000e+01, s21;
	p4 =	sne.s32 s30, s18  }
.Ltmp31:
0x1d9: {  	v10 =	vmax.f32 v10, v3;
	v11 =	vmin.f32 v11, v4;
	(pc) =	sbr.rel @!p4 .LBB2_33-.Ltmp31, $4  }
0x1da: {  	v10 =	vsub.f32 v11, v10  }
0x1db: {  	v12 =	vadd.s32 s17, v1;
	s17 =	sadd.f32 $-1.840000000e+02, s19  }
0x1dc: {  	vm0 =	vgt.s32 v12, v9;
	s19 =	sadd.f32 $2.000000000e+02, s19;
	v10 =	vmax.f32 v10, $0.0e+00  }
0x1dd: {  	p1 =	por $0x0, $0x0;
	p2 =	por $0x0, $0x0;
	p3 =	por $0x0, $0x0;
	v11 =	vsel vm0, $0x0, v10;
	v10 =	vmul.u32 $0x9, v12  }
0x1de: {  	s20 =	scvt.s32.f32 s18  }
0x1df: {  	s19 =	smin.f32 s19, s14;
	s17 =	smax.f32 s17, s13;
	s18 =	sadd.s32 $0x1, s18  }
0x1e0: {  	s17 =	ssub.f32 s19, s17;
	p4 =	sne.s32 s30, s18;
	s19 =	smul.f32 $1.600000000e+01, s20  }
.Ltmp32:
0x1e1: {  	_ = 	snop;
	(pc) =	sbr.rel @!p4 .LBB2_35-.Ltmp32, $4  }
0x1e2: {  	_ = 	snop  }
0x1e3: {  	s21 =	smax.f32 s17, $0.0e+00;
	s17 =	sadd.f32 $-1.840000000e+02, s19  }
0x1e4: {  	s19 =	sadd.f32 $2.000000000e+02, s19  }
0x1e5: {  	p1 =	por $0x1, $0x1;
	v12 =	vmul.f32 s21, v11  }
0x1e6: {  	s20 =	scvt.s32.f32 s18  }
0x1e7: {  	s19 =	smin.f32 s19, s14;
	s17 =	smax.f32 s17, s13;
	s18 =	sadd.s32 $0x1, s18;
	v13 =	vsub.f32 v8, v12  }
0x1e8: {  	s17 =	ssub.f32 s19, s17;
	p4 =	sne.s32 s30, s18;
	s19 =	smul.f32 $1.600000000e+01, s20  }
.Ltmp33:
0x1e9: {  	(erf) = vrcp.f32 v13;
	(pc) =	sbr.rel @!p4 .LBB2_37-.Ltmp33, $4  }
0x1ea: {  	_ = 	snop  }
0x1eb: {  	s21 =	smax.f32 s17, $0.0e+00;
	s17 =	sadd.f32 $-1.840000000e+02, s19  }
0x1ec: {  	s19 =	sadd.f32 $2.000000000e+02, s19  }
0x1ed: {  	p2 =	por $0x1, $0x1;
	v14 =	vmul.f32 s21, v11  }
0x1ee: {  	s20 =	scvt.s32.f32 s18  }
0x1ef: {  	s19 =	smin.f32 s19, s14;
	s17 =	smax.f32 s17, s13  }
0x1f0: {  	v13 =	vmov s0;
	v15 =	vsub.f32 v8, v14;
	s17 =	ssub.f32 s19, s17;
	s19 =	smul.f32 $1.600000000e+01, s20;
	s20 =	sadd.s32 $0x1, s18  }
0x1f1: {  	v13 =	vadd.s32 $0x2, v13;
	p4 =	sne.s32 s30, s20  }
.Ltmp34:
0x1f2: {  	v17 =	vbroadcast v13, $0x0;
	(erf) = vrcp.f32 v15;
	(pc) =	sbr.rel @!p4 .LBB2_39-.Ltmp34, $4  }
0x1f3: {  	_ = 	snop  }
0x1f4: {  	s21 =	smax.f32 s17, $0.0e+00;
	s17 =	sadd.f32 $-1.840000000e+02, s19;
	v15 =	vpop (erf)  }
0x1f5: {  	v13 =	vmul.f32 s21, v11;
	s19 =	sadd.f32 $2.000000000e+02, s19;
	v16 =	vmul.f32 v15, v12  }
0x1f6: {  	p3 =	por $0x1, $0x1;
	s18 =	smov.u32 s0;
	v18 =	vadd.s32 v10, v17;
	v15 =	vmov v5;
	v17 =	vmov v6  }
.LBB2_40:
0x1f7: {  	s21 =	scvt.s32.f32 s20;
	v19 =	vsub.f32 v8, v13;
	vm0 =	veq.f32 v16, v15;
	vm1 =	vlt.s32 v18, v17;
	s18 =	sadd.s32 $0x438, s18;
	s20 =	sadd.s32 $0x1, s20  }
0x1f8: {  	s17 =	smax.f32 s17, s13;
	vm2 =	vgt.f32 v16, v15;
	s19 =	smin.f32 s19, s14;
	v20 =	vmov s18;
	vm0 =	vmand vm1, vm0;
	p4 =	sne.s32 s30, s20  }
.Ltmp35:
0x1f9: {  	v15 =	vsel vm2, v16, v15;
	s17 =	ssub.f32 s19, s17;
	(erf) = vrcp.f32 v19;
	vm0 =	vmor vm2, vm0;
	(pc) =	sbr.rel @p4 .LBB2_40-.Ltmp35, $4  }
0x1fa: {  	s19 =	smul.f32 $1.600000000e+01, s21;
	v19 =	vadd.s32 $0x2, v20;
	v17 =	vsel vm0, v18, v17  }
0x1fb: {  	v18 =	vbroadcast v19, $0x0;
	s21 =	smax.f32 s17, $0.0e+00;
	v16 =	vpop (erf)  }
0x1fc: {  	s17 =	sadd.f32 $-1.840000000e+02, s19;
	v16 =	vmul.f32 v16, v14;
	v14 =	vmov v13;
	v13 =	vmul.f32 s21, v11  }
0x1fd: {  	s19 =	sadd.f32 $2.000000000e+02, s19;
	v18 =	vadd.s32 v10, v18  }
.Ltmp36:
0x1fe: {  	(pc) =	sbr.rel .LBB2_42-.Ltmp36, $1  }
0x1ff: {  	_ =	sdelay $0x3  }
.LBB2_35:
.Ltmp37:
0x200: {  	(pc) =	sbr.rel .LBB2_42-.Ltmp37, $2  }
0x201: {  	_ =	sdelay $0x2  }
0x202: {  	v15 =	vmov v5;
	v17 =	vmov v6;
	s18 =	smov.u32 s0;
	v13 =	vmov v12  }
.LBB2_37:
.Ltmp38:
0x203: {  	(pc) =	sbr.rel .LBB2_42-.Ltmp38, $2  }
0x204: {  	_ =	sdelay $0x2  }
0x205: {  	v15 =	vmovc v5;
	v17 =	vmov v6;
	s18 =	smov.u32 s0;
	v13 =	vmov v14;
	v14 =	vmov v12  }
.LBB2_39:
.Ltmp39:
0x206: {  	(pc) =	sbr.rel .LBB2_42-.Ltmp39, $2  }
0x207: {  	_ =	sdelay $0x2  }
0x208: {  	v15 =	vmov v5;
	v17 =	vmov v6;
	s18 =	smov.u32 s0  }
.LBB2_44:
0x209: {  	s1 =	sadd.f32 $5.600000000e+01, s16  }
0x20a: {  	s0 =	sadd.f32 $-7.200000000e+01, s15  }
0x20b: {  	s1 =	smul.f32 $6.250000000e-02, s1  }
0x20c: {  	s2 =	sadd.f32 $5.600000000e+01, s14;
	s0 =	smul.f32 $6.250000000e-02, s0  }
0x20d: {  	s21 =	sadd.f32 $-7.200000000e+01, s13;
	s20 =	scvt.f32.s32 s1  }
0x20e: {  	s2 =	smul.f32 $6.250000000e-02, s2;
	s12 =	scvt.f32.s32 s0  }
0x20f: {  	s17 =	smov.u32 s22;
	s1 =	smul.f32 $6.250000000e-02, s21;
	s0 =	sadd.s32 $0x1, s20  }
0x210: {  	s2 =	scvt.f32.s32 s2;
	p0 =	sgt.s32 s12, $0x4;
	p1 =	slt.s32 s0, s22  }
0x211: {  	s7 =	scvt.f32.s32 s1;
	s12 =	simm.s32 @!p0 $0x4;
	s17 =	smov.u32 @p1 s0  }
.Ltmp40:
0x212: {  	s0 =	sadd.s32 $0x1, s2;
	s1 =	ssub.s32 s17, s12;
	(pc) =	sbr.rel .LBB2_45-.Ltmp40, $4  }
0x213: {  	s2 =	smov.u32 s4;
	p0 =	slt.s32 s0, s4;
	p1 =	sgt.s32 s1, $0x0  }
0x214: {  	s2 =	smov.u32 @p0 s0;
	p0 =	sgt.s32 s7, $0x4;
	s1 =	simm.s32 @!p1 $0x0  }
0x215: {  	v8 =	vadd.f32 $1.638400000e+04, v7;
	s7 =	simm.s32 @!p0 $0x4;
	s30 =	sadd.s32 $0x1, s2;
	s2 =	simm.s32 $0x0  }
0x216: {  	v9 =	vmov s17;
	s1 =	sshrl.u32 s1, $0x4;
	s0 =	smul.u32 $0x438, s7;
	p0 =	sge.s32 s7, s30  }
.LBB2_47:
0x217: {  	_ = 	snop  }
0x218: {  	v15 =	vmov v5;
	v17 =	vmov v6;
	s18 =	smov.u32 s0  }
.LBB2_56:
0x219: {  	v19 =	vsub.f32 @p1 v8, v13;
	s19 =	smin.f32 s19, s14;
	s17 =	smax.f32 s17, s13  }
0x21a: {  	s17 =	ssub.f32 s19, s17  }
0x21b: {  	s18 =	sadd.s32 @p3 $0x438, s18;
	s20 =	smov.u32 s0;
	(erf) = vrcp.f32 @p1 v19  }
0x21c: {  	vm0 =	veq.f32 @p3 v16, v15;
	vm1 =	vlt.s32 @p3 v18, v17;
	vm2 =	vgt.f32 @p3 v16, v15;
	s20 =	smov.u32 @p3 s18;
	s17 =	smax.f32 s17, $0.0e+00  }
0x21d: {  	v20 =	vpop @p2 (erf);
	vm0 =	vmand @p3 vm1, vm0;
	v19 =	vmov @p2 s20;
	v11 =	vmul.f32 s17, v11  }
0x21e: {  	v14 =	vmul.f32 @p2 v20, v14;
	v15 =	vsel @p3 vm2, v16, v15;
	v19 =	vadd.s32 @p2 $0x3, v19  }
0x21f: {  	vm0 =	vmor @p3 vm2, vm0;
	v19 =	vbroadcast @p2 v19, $0x0;
	v61 =	vsub.f32 v8, v11  }
0x220: {  	v12 =	vpsel p1, v13, v12;
	s18 =	smov.u32 s0;
	v15 =	vpsel p3, v15, v5;
	v16 =	vsel @p3 vm0, v18, v17;
	s17 =	sadd.s32 @p2 $0x438, s20  }
0x221: {  	v14 =	vpsel p2, v14, v0;
	s18 =	smov.u32 @p2 s17;
	v18 =	vadd.s32 @p2 v10, v19;
	(erf) = vrcp.f32 v61  }
0x222: {  	v16 =	vpsel p3, v16, v6;
	v13 =	vmov @p1 s18;
	v18 =	vpsel p2, v18, v0  }
0x223: {  	vm0 =	veq.f32 @p2 v14, v15;
	v13 =	vadd.s32 @p1 $0x3, v13;
	vm1 =	vlt.s32 @p2 v18, v16  }
0x224: {  	vm2 =	vgt.f32 @p2 v14, v15;
	v13 =	vbroadcast @p1 v13, $0x0;
	vm0 =	vmand @p2 vm1, vm0;
	v17 =	vpop @p1 (erf)  }
0x225: {  	v14 =	vsel @p2 vm2, v14, v15;
	vm0 =	vmor @p2 vm2, vm0;
	v12 =	vmul.f32 @p1 v17, v12  }
0x226: {  	s17 =	sadd.s32 @p1 $0x438, s18;
	s18 =	smov.u32 s0;
	v14 =	vpsel p2, v14, v5;
	v13 =	vadd.s32 @p1 v10, v13;
	v15 =	vsel @p2 vm0, v18, v16  }
0x227: {  	s18 =	smov.u32 @p1 s17;
	v13 =	vpsel p1, v13, v0;
	v15 =	vpsel p2, v15, v6;
	v12 =	vpsel p1, v12, v0  }
0x228: {  	v62 =	vmov s18;
	vm1 =	vlt.s32 @p1 v13, v15;
	vm0 =	veq.f32 @p1 v12, v14  }
0x229: {  	v16 =	vadd.s32 $0x3, v62;
	vm2 =	vgt.f32 @p1 v12, v14;
	vm0 =	vmand @p1 vm1, vm0  }
0x22a: {  	v16 =	vbroadcast v16, $0x0;
	vm0 =	vmor @p1 vm2, vm0;
	v63 =	vpop (erf)  }
0x22b: {  	v12 =	vsel @p1 vm2, v12, v14;
	v13 =	vsel @p1 vm0, v13, v15;
	v11 =	vmul.f32 v63, v11  }
0x22c: {  	v10 =	vadd.s32 v10, v16;
	v5 =	vpsel p1, v12, v5;
	v6 =	vpsel p1, v13, v6  }
0x22d: {  	vm13 =	veq.f32 v11, v5;
	vm14 =	vlt.s32 v10, v6  }
0x22e: {  	vm15 =	vgt.f32 v11, v5;
	vm0 =	vmand vm14, vm13  }
0x22f: {  	vm0 =	vmor vm15, vm0  }
0x230: {  	v5 =	vsel vm15, v11, v5;
	v6 =	vsel vm0, v10, v6  }
.LBB2_57:
0x231: {  	p1 =	sne.s32 s2, s1  }
.Ltmp41:
0x232: {  	_ = 	snop;
	(pc) =	sbr.rel @!p1 .LBB2_58-.Ltmp41, $3  }
0x233: {  	_ =	sdelay $0x1  }
0x234: {  	s17 =	sadd.s32 $0x1, s2  }
0x235: {  	s2 =	smov.u32 s17  }
.LBB2_45:
.Ltmp42:
0x236: {  	(pc) =	sbr.rel @p0 .LBB2_57-.Ltmp42, $1  }
0x237: {  	_ =	sdelay $0x3  }
0x238: {  	s17 =	sshll.u32 s2, $0x4  }
0x239: {  	s17 =	sadd.s32 s12, s17  }
0x23a: {  	s18 =	scvt.s32.f32 s17;
	_ =	sdelay $0x1  }
0x23b: {  	s18 =	smul.f32 $1.600000000e+01, s18;
	_ =	sdelay $0x1  }
0x23c: {  	s18 =	sadd.f32 $-5.600000000e+01, s18;
	_ =	sdelay $0x1  }
0x23d: {  	v10 =	vadd.f32 s18, v0  }
0x23e: {  	s21 =	scvt.s32.f32 s7  }
0x23f: {  	s18 =	sadd.s32 $0x1, s7;
	v11 =	vadd.f32 $1.280000000e+02, v10  }
0x240: {  	s19 =	smul.f32 $1.600000000e+01, s21;
	p4 =	sne.s32 s30, s18  }
.Ltmp43:
0x241: {  	v10 =	vmax.f32 v10, v3;
	v11 =	vmin.f32 v11, v4;
	(pc) =	sbr.rel @!p4 .LBB2_47-.Ltmp43, $4  }
0x242: {  	v10 =	vsub.f32 v11, v10  }
0x243: {  	v12 =	vadd.s32 s17, v1;
	s17 =	sadd.f32 $-5.600000000e+01, s19  }
0x244: {  	vm0 =	vgt.s32 v12, v9;
	s19 =	sadd.f32 $7.200000000e+01, s19;
	v10 =	vmax.f32 v10, $0.0e+00  }
0x245: {  	p1 =	por $0x0, $0x0;
	p2 =	por $0x0, $0x0;
	p3 =	por $0x0, $0x0;
	v11 =	vsel vm0, $0x0, v10;
	v10 =	vmul.u32 $0x9, v12  }
0x246: {  	s20 =	scvt.s32.f32 s18  }
0x247: {  	s19 =	smin.f32 s19, s14;
	s17 =	smax.f32 s17, s13;
	s18 =	sadd.s32 $0x1, s18  }
0x248: {  	s17 =	ssub.f32 s19, s17;
	p4 =	sne.s32 s30, s18;
	s19 =	smul.f32 $1.600000000e+01, s20  }
.Ltmp44:
0x249: {  	_ = 	snop;
	(pc) =	sbr.rel @!p4 .LBB2_49-.Ltmp44, $4  }
0x24a: {  	_ = 	snop  }
0x24b: {  	s21 =	smax.f32 s17, $0.0e+00;
	s17 =	sadd.f32 $-5.600000000e+01, s19  }
0x24c: {  	s19 =	sadd.f32 $7.200000000e+01, s19  }
0x24d: {  	p1 =	por $0x1, $0x1;
	v12 =	vmul.f32 s21, v11  }
0x24e: {  	s20 =	scvt.s32.f32 s18  }
0x24f: {  	s19 =	smin.f32 s19, s14;
	s17 =	smax.f32 s17, s13;
	s18 =	sadd.s32 $0x1, s18;
	v13 =	vsub.f32 v8, v12  }
0x250: {  	s17 =	ssub.f32 s19, s17;
	p4 =	sne.s32 s30, s18;
	s19 =	smul.f32 $1.600000000e+01, s20  }
.Ltmp45:
0x251: {  	(erf) = vrcp.f32 v13;
	(pc) =	sbr.rel @!p4 .LBB2_51-.Ltmp45, $4  }
0x252: {  	_ = 	snop  }
0x253: {  	s21 =	smax.f32 s17, $0.0e+00;
	s17 =	sadd.f32 $-5.600000000e+01, s19  }
0x254: {  	s19 =	sadd.f32 $7.200000000e+01, s19  }
0x255: {  	p2 =	por $0x1, $0x1;
	v14 =	vmul.f32 s21, v11  }
0x256: {  	s20 =	scvt.s32.f32 s18  }
0x257: {  	s19 =	smin.f32 s19, s14;
	s17 =	smax.f32 s17, s13  }
0x258: {  	v13 =	vmov s0;
	v15 =	vsub.f32 v8, v14;
	s17 =	ssub.f32 s19, s17;
	s19 =	smul.f32 $1.600000000e+01, s20;
	s20 =	sadd.s32 $0x1, s18  }
0x259: {  	v13 =	vadd.s32 $0x3, v13;
	p4 =	sne.s32 s30, s20  }
.Ltmp46:
0x25a: {  	v17 =	vbroadcast v13, $0x0;
	(erf) = vrcp.f32 v15;
	(pc) =	sbr.rel @!p4 .LBB2_53-.Ltmp46, $4  }
0x25b: {  	_ = 	snop  }
0x25c: {  	s21 =	smax.f32 s17, $0.0e+00;
	s17 =	sadd.f32 $-5.600000000e+01, s19;
	v15 =	vpop (erf)  }
0x25d: {  	v13 =	vmul.f32 s21, v11;
	s19 =	sadd.f32 $7.200000000e+01, s19;
	v16 =	vmul.f32 v15, v12  }
0x25e: {  	p3 =	por $0x1, $0x1;
	s18 =	smov.u32 s0;
	v18 =	vadd.s32 v10, v17;
	v15 =	vmov v5;
	v17 =	vmov v6  }
.LBB2_54:
0x25f: {  	s21 =	scvt.s32.f32 s20;
	v19 =	vsub.f32 v8, v13;
	vm0 =	veq.f32 v16, v15;
	vm1 =	vlt.s32 v18, v17;
	s18 =	sadd.s32 $0x438, s18;
	s20 =	sadd.s32 $0x1, s20  }
0x260: {  	s17 =	smax.f32 s17, s13;
	vm2 =	vgt.f32 v16, v15;
	s19 =	smin.f32 s19, s14;
	v20 =	vmov s18;
	vm0 =	vmand vm1, vm0;
	p4 =	sne.s32 s30, s20  }
.Ltmp47:
0x261: {  	v15 =	vsel vm2, v16, v15;
	s17 =	ssub.f32 s19, s17;
	(erf) = vrcp.f32 v19;
	vm0 =	vmor vm2, vm0;
	(pc) =	sbr.rel @p4 .LBB2_54-.Ltmp47, $4  }
0x262: {  	s19 =	smul.f32 $1.600000000e+01, s21;
	v19 =	vadd.s32 $0x3, v20;
	v17 =	vsel vm0, v18, v17  }
0x263: {  	v18 =	vbroadcast v19, $0x0;
	s21 =	smax.f32 s17, $0.0e+00;
	v16 =	vpop (erf)  }
0x264: {  	s17 =	sadd.f32 $-5.600000000e+01, s19;
	v16 =	vmul.f32 v16, v14;
	v14 =	vmov v13;
	v13 =	vmul.f32 s21, v11  }
0x265: {  	s19 =	sadd.f32 $7.200000000e+01, s19;
	v18 =	vadd.s32 v10, v18  }
.Ltmp48:
0x266: {  	(pc) =	sbr.rel .LBB2_56-.Ltmp48, $1  }
0x267: {  	_ =	sdelay $0x3  }
.LBB2_49:
.Ltmp49:
0x268: {  	(pc) =	sbr.rel .LBB2_56-.Ltmp49, $2  }
0x269: {  	_ =	sdelay $0x2  }
0x26a: {  	v15 =	vmov v5;
	v17 =	vmov v6;
	s18 =	smov.u32 s0;
	v13 =	vmov v12  }
.LBB2_51:
.Ltmp50:
0x26b: {  	(pc) =	sbr.rel .LBB2_56-.Ltmp50, $2  }
0x26c: {  	_ =	sdelay $0x2  }
0x26d: {  	v15 =	vmovc v5;
	v17 =	vmov v6;
	s18 =	smov.u32 s0;
	v13 =	vmov v14;
	v14 =	vmov v12  }
.LBB2_53:
.Ltmp51:
0x26e: {  	(pc) =	sbr.rel .LBB2_56-.Ltmp51, $2  }
0x26f: {  	_ =	sdelay $0x2  }
0x270: {  	v15 =	vmov v5;
	v17 =	vmov v6;
	s18 =	smov.u32 s0  }
.LBB2_58:
0x271: {  	s1 =	sadd.f32 $1.200000000e+02, s16  }
0x272: {  	s0 =	sadd.f32 $-1.360000000e+02, s15  }
0x273: {  	s1 =	smul.f32 $6.250000000e-02, s1  }
0x274: {  	s2 =	sadd.f32 $1.200000000e+02, s14;
	s0 =	smul.f32 $6.250000000e-02, s0  }
0x275: {  	s21 =	sadd.f32 $-1.360000000e+02, s13;
	s20 =	scvt.f32.s32 s1  }
0x276: {  	s2 =	smul.f32 $6.250000000e-02, s2;
	s12 =	scvt.f32.s32 s0  }
0x277: {  	s17 =	smov.u32 s23;
	s1 =	smul.f32 $6.250000000e-02, s21;
	s0 =	sadd.s32 $0x1, s20  }
0x278: {  	s2 =	scvt.f32.s32 s2;
	p0 =	sgt.s32 s12, $0x8;
	p1 =	slt.s32 s0, s23  }
0x279: {  	s7 =	scvt.f32.s32 s1;
	s12 =	simm.s32 @!p0 $0x8;
	s17 =	smov.u32 @p1 s0  }
.Ltmp52:
0x27a: {  	s0 =	sadd.s32 $0x1, s2;
	s1 =	ssub.s32 s17, s12;
	(pc) =	sbr.rel .LBB2_59-.Ltmp52, $4  }
0x27b: {  	s2 =	smov.u32 s5;
	p0 =	slt.s32 s0, s5;
	p1 =	sgt.s32 s1, $0x0  }
0x27c: {  	s2 =	smov.u32 @p0 s0;
	p0 =	sgt.s32 s7, $0x8;
	s1 =	simm.s32 @!p1 $0x0  }
0x27d: {  	v8 =	vadd.f32 $6.553600000e+04, v7;
	s7 =	simm.s32 @!p0 $0x8;
	s30 =	sadd.s32 $0x1, s2;
	s2 =	simm.s32 $0x0  }
0x27e: {  	v9 =	vmov s17;
	s1 =	sshrl.u32 s1, $0x4;
	s0 =	smul.u32 $0x438, s7;
	p0 =	sge.s32 s7, s30  }
.LBB2_61:
0x27f: {  	_ = 	snop  }
0x280: {  	v15 =	vmov v5;
	v17 =	vmov v6;
	s18 =	smov.u32 s0  }
.LBB2_70:
0x281: {  	v19 =	vsub.f32 @p1 v8, v13;
	s19 =	smin.f32 s19, s14;
	s17 =	smax.f32 s17, s13  }
0x282: {  	s17 =	ssub.f32 s19, s17  }
0x283: {  	s18 =	sadd.s32 @p3 $0x438, s18;
	s20 =	smov.u32 s0;
	(erf) = vrcp.f32 @p1 v19  }
0x284: {  	vm0 =	veq.f32 @p3 v16, v15;
	vm1 =	vlt.s32 @p3 v18, v17;
	vm2 =	vgt.f32 @p3 v16, v15;
	s20 =	smov.u32 @p3 s18;
	s17 =	smax.f32 s17, $0.0e+00  }
0x285: {  	v20 =	vpop @p2 (erf);
	vm0 =	vmand @p3 vm1, vm0;
	v19 =	vmov @p2 s20;
	v11 =	vmul.f32 s17, v11  }
0x286: {  	v14 =	vmul.f32 @p2 v20, v14;
	v15 =	vsel @p3 vm2, v16, v15;
	v19 =	vadd.s32 @p2 $0x4, v19  }
0x287: {  	vm0 =	vmor @p3 vm2, vm0;
	v19 =	vbroadcast @p2 v19, $0x0;
	v61 =	vsub.f32 v8, v11  }
0x288: {  	v12 =	vpsel p1, v13, v12;
	s18 =	smov.u32 s0;
	v15 =	vpsel p3, v15, v5;
	v16 =	vsel @p3 vm0, v18, v17;
	s17 =	sadd.s32 @p2 $0x438, s20  }
0x289: {  	v14 =	vpsel p2, v14, v0;
	s18 =	smov.u32 @p2 s17;
	v18 =	vadd.s32 @p2 v10, v19;
	(erf) = vrcp.f32 v61  }
0x28a: {  	v16 =	vpsel p3, v16, v6;
	v13 =	vmov @p1 s18;
	v18 =	vpsel p2, v18, v0  }
0x28b: {  	vm0 =	veq.f32 @p2 v14, v15;
	v13 =	vadd.s32 @p1 $0x4, v13;
	vm1 =	vlt.s32 @p2 v18, v16  }
0x28c: {  	vm2 =	vgt.f32 @p2 v14, v15;
	v13 =	vbroadcast @p1 v13, $0x0;
	vm0 =	vmand @p2 vm1, vm0;
	v17 =	vpop @p1 (erf)  }
0x28d: {  	v14 =	vsel @p2 vm2, v14, v15;
	vm0 =	vmor @p2 vm2, vm0;
	v12 =	vmul.f32 @p1 v17, v12  }
0x28e: {  	s17 =	sadd.s32 @p1 $0x438, s18;
	s18 =	smov.u32 s0;
	v14 =	vpsel p2, v14, v5;
	v13 =	vadd.s32 @p1 v10, v13;
	v15 =	vsel @p2 vm0, v18, v16  }
0x28f: {  	s18 =	smov.u32 @p1 s17;
	v13 =	vpsel p1, v13, v0;
	v15 =	vpsel p2, v15, v6;
	v12 =	vpsel p1, v12, v0  }
0x290: {  	v62 =	vmov s18;
	vm1 =	vlt.s32 @p1 v13, v15;
	vm0 =	veq.f32 @p1 v12, v14  }
0x291: {  	v16 =	vadd.s32 $0x4, v62;
	vm2 =	vgt.f32 @p1 v12, v14;
	vm0 =	vmand @p1 vm1, vm0  }
0x292: {  	v16 =	vbroadcast v16, $0x0;
	vm0 =	vmor @p1 vm2, vm0;
	v63 =	vpop (erf)  }
0x293: {  	v12 =	vsel @p1 vm2, v12, v14;
	v13 =	vsel @p1 vm0, v13, v15;
	v11 =	vmul.f32 v63, v11  }
0x294: {  	v10 =	vadd.s32 v10, v16;
	v5 =	vpsel p1, v12, v5;
	v6 =	vpsel p1, v13, v6  }
0x295: {  	vm13 =	veq.f32 v11, v5;
	vm14 =	vlt.s32 v10, v6  }
0x296: {  	vm15 =	vgt.f32 v11, v5;
	vm0 =	vmand vm14, vm13  }
0x297: {  	vm0 =	vmor vm15, vm0  }
0x298: {  	v5 =	vsel vm15, v11, v5;
	v6 =	vsel vm0, v10, v6  }
.LBB2_71:
0x299: {  	p1 =	sne.s32 s2, s1  }
.Ltmp53:
0x29a: {  	_ = 	snop;
	(pc) =	sbr.rel @!p1 .LBB2_72-.Ltmp53, $3  }
0x29b: {  	_ =	sdelay $0x1  }
0x29c: {  	s17 =	sadd.s32 $0x1, s2  }
0x29d: {  	s2 =	smov.u32 s17  }
.LBB2_59:
.Ltmp54:
0x29e: {  	(pc) =	sbr.rel @p0 .LBB2_71-.Ltmp54, $1  }
0x29f: {  	_ =	sdelay $0x3  }
0x2a0: {  	s17 =	sshll.u32 s2, $0x4  }
0x2a1: {  	s17 =	sadd.s32 s12, s17  }
0x2a2: {  	s18 =	scvt.s32.f32 s17;
	_ =	sdelay $0x1  }
0x2a3: {  	s18 =	smul.f32 $1.600000000e+01, s18;
	_ =	sdelay $0x1  }
0x2a4: {  	s18 =	sadd.f32 $-1.200000000e+02, s18;
	_ =	sdelay $0x1  }
0x2a5: {  	v10 =	vadd.f32 s18, v0  }
0x2a6: {  	s21 =	scvt.s32.f32 s7  }
0x2a7: {  	s18 =	sadd.s32 $0x1, s7;
	v11 =	vadd.f32 $2.560000000e+02, v10  }
0x2a8: {  	s19 =	smul.f32 $1.600000000e+01, s21;
	p4 =	sne.s32 s30, s18  }
.Ltmp55:
0x2a9: {  	v10 =	vmax.f32 v10, v3;
	v11 =	vmin.f32 v11, v4;
	(pc) =	sbr.rel @!p4 .LBB2_61-.Ltmp55, $4  }
0x2aa: {  	v10 =	vsub.f32 v11, v10  }
0x2ab: {  	v12 =	vadd.s32 s17, v1;
	s17 =	sadd.f32 $-1.200000000e+02, s19  }
0x2ac: {  	vm0 =	vgt.s32 v12, v9;
	s19 =	sadd.f32 $1.360000000e+02, s19;
	v10 =	vmax.f32 v10, $0.0e+00  }
0x2ad: {  	p1 =	por $0x0, $0x0;
	p2 =	por $0x0, $0x0;
	p3 =	por $0x0, $0x0;
	v11 =	vsel vm0, $0x0, v10;
	v10 =	vmul.u32 $0x9, v12  }
0x2ae: {  	s20 =	scvt.s32.f32 s18  }
0x2af: {  	s19 =	smin.f32 s19, s14;
	s17 =	smax.f32 s17, s13;
	s18 =	sadd.s32 $0x1, s18  }
0x2b0: {  	s17 =	ssub.f32 s19, s17;
	p4 =	sne.s32 s30, s18;
	s19 =	smul.f32 $1.600000000e+01, s20  }
.Ltmp56:
0x2b1: {  	_ = 	snop;
	(pc) =	sbr.rel @!p4 .LBB2_63-.Ltmp56, $4  }
0x2b2: {  	_ = 	snop  }
0x2b3: {  	s21 =	smax.f32 s17, $0.0e+00;
	s17 =	sadd.f32 $-1.200000000e+02, s19  }
0x2b4: {  	s19 =	sadd.f32 $1.360000000e+02, s19  }
0x2b5: {  	p1 =	por $0x1, $0x1;
	v12 =	vmul.f32 s21, v11  }
0x2b6: {  	s20 =	scvt.s32.f32 s18  }
0x2b7: {  	s19 =	smin.f32 s19, s14;
	s17 =	smax.f32 s17, s13;
	s18 =	sadd.s32 $0x1, s18;
	v13 =	vsub.f32 v8, v12  }
0x2b8: {  	s17 =	ssub.f32 s19, s17;
	p4 =	sne.s32 s30, s18;
	s19 =	smul.f32 $1.600000000e+01, s20  }
.Ltmp57:
0x2b9: {  	(erf) = vrcp.f32 v13;
	(pc) =	sbr.rel @!p4 .LBB2_65-.Ltmp57, $4  }
0x2ba: {  	_ = 	snop  }
0x2bb: {  	s21 =	smax.f32 s17, $0.0e+00;
	s17 =	sadd.f32 $-1.200000000e+02, s19  }
0x2bc: {  	s19 =	sadd.f32 $1.360000000e+02, s19  }
0x2bd: {  	p2 =	por $0x1, $0x1;
	v14 =	vmul.f32 s21, v11  }
0x2be: {  	s20 =	scvt.s32.f32 s18  }
0x2bf: {  	s19 =	smin.f32 s19, s14;
	s17 =	smax.f32 s17, s13  }
0x2c0: {  	v13 =	vmov s0;
	v15 =	vsub.f32 v8, v14;
	s17 =	ssub.f32 s19, s17;
	s19 =	smul.f32 $1.600000000e+01, s20;
	s20 =	sadd.s32 $0x1, s18  }
0x2c1: {  	v13 =	vadd.s32 $0x4, v13;
	p4 =	sne.s32 s30, s20  }
.Ltmp58:
0x2c2: {  	v17 =	vbroadcast v13, $0x0;
	(erf) = vrcp.f32 v15;
	(pc) =	sbr.rel @!p4 .LBB2_67-.Ltmp58, $4  }
0x2c3: {  	_ = 	snop  }
0x2c4: {  	s21 =	smax.f32 s17, $0.0e+00;
	s17 =	sadd.f32 $-1.200000000e+02, s19;
	v15 =	vpop (erf)  }
0x2c5: {  	v13 =	vmul.f32 s21, v11;
	s19 =	sadd.f32 $1.360000000e+02, s19;
	v16 =	vmul.f32 v15, v12  }
0x2c6: {  	p3 =	por $0x1, $0x1;
	s18 =	smov.u32 s0;
	v18 =	vadd.s32 v10, v17;
	v15 =	vmov v5;
	v17 =	vmov v6  }
.LBB2_68:
0x2c7: {  	s21 =	scvt.s32.f32 s20;
	v19 =	vsub.f32 v8, v13;
	vm0 =	veq.f32 v16, v15;
	vm1 =	vlt.s32 v18, v17;
	s18 =	sadd.s32 $0x438, s18;
	s20 =	sadd.s32 $0x1, s20  }
0x2c8: {  	s17 =	smax.f32 s17, s13;
	vm2 =	vgt.f32 v16, v15;
	s19 =	smin.f32 s19, s14;
	v20 =	vmov s18;
	vm0 =	vmand vm1, vm0;
	p4 =	sne.s32 s30, s20  }
.Ltmp59:
0x2c9: {  	v15 =	vsel vm2, v16, v15;
	s17 =	ssub.f32 s19, s17;
	(erf) = vrcp.f32 v19;
	vm0 =	vmor vm2, vm0;
	(pc) =	sbr.rel @p4 .LBB2_68-.Ltmp59, $4  }
0x2ca: {  	s19 =	smul.f32 $1.600000000e+01, s21;
	v19 =	vadd.s32 $0x4, v20;
	v17 =	vsel vm0, v18, v17  }
0x2cb: {  	v18 =	vbroadcast v19, $0x0;
	s21 =	smax.f32 s17, $0.0e+00;
	v16 =	vpop (erf)  }
0x2cc: {  	s17 =	sadd.f32 $-1.200000000e+02, s19;
	v16 =	vmul.f32 v16, v14;
	v14 =	vmov v13;
	v13 =	vmul.f32 s21, v11  }
0x2cd: {  	s19 =	sadd.f32 $1.360000000e+02, s19;
	v18 =	vadd.s32 v10, v18  }
.Ltmp60:
0x2ce: {  	(pc) =	sbr.rel .LBB2_70-.Ltmp60, $1  }
0x2cf: {  	_ =	sdelay $0x3  }
.LBB2_63:
.Ltmp61:
0x2d0: {  	(pc) =	sbr.rel .LBB2_70-.Ltmp61, $2  }
0x2d1: {  	_ =	sdelay $0x2  }
0x2d2: {  	v15 =	vmov v5;
	v17 =	vmov v6;
	s18 =	smov.u32 s0;
	v13 =	vmov v12  }
.LBB2_65:
.Ltmp62:
0x2d3: {  	(pc) =	sbr.rel .LBB2_70-.Ltmp62, $2  }
0x2d4: {  	_ =	sdelay $0x2  }
0x2d5: {  	v15 =	vmovc v5;
	v17 =	vmov v6;
	s18 =	smov.u32 s0;
	v13 =	vmov v14;
	v14 =	vmov v12  }
.LBB2_67:
.Ltmp63:
0x2d6: {  	(pc) =	sbr.rel .LBB2_70-.Ltmp63, $2  }
0x2d7: {  	_ =	sdelay $0x2  }
0x2d8: {  	v15 =	vmov v5;
	v17 =	vmov v6;
	s18 =	smov.u32 s0  }
.LBB2_72:
0x2d9: {  	s1 =	sadd.f32 $2.480000000e+02, s16  }
0x2da: {  	s0 =	sadd.f32 $-2.640000000e+02, s15  }
0x2db: {  	s1 =	smul.f32 $6.250000000e-02, s1  }
0x2dc: {  	s2 =	sadd.f32 $2.480000000e+02, s14;
	s0 =	smul.f32 $6.250000000e-02, s0  }
0x2dd: {  	s21 =	sadd.f32 $-2.640000000e+02, s13;
	s20 =	scvt.f32.s32 s1  }
0x2de: {  	s2 =	smul.f32 $6.250000000e-02, s2;
	s12 =	scvt.f32.s32 s0  }
0x2df: {  	s17 =	smov.u32 s24;
	s1 =	smul.f32 $6.250000000e-02, s21;
	s0 =	sadd.s32 $0x1, s20  }
0x2e0: {  	s2 =	scvt.f32.s32 s2;
	p0 =	sgt.s32 s12, $0x10;
	p1 =	slt.s32 s0, s24  }
0x2e1: {  	s7 =	scvt.f32.s32 s1;
	s12 =	simm.s32 @!p0 $0x10;
	s17 =	smov.u32 @p1 s0  }
.Ltmp64:
0x2e2: {  	s0 =	sadd.s32 $0x1, s2;
	s1 =	ssub.s32 s17, s12;
	(pc) =	sbr.rel .LBB2_73-.Ltmp64, $4  }
0x2e3: {  	s2 =	smov.u32 s6;
	p0 =	slt.s32 s0, s6;
	p1 =	sgt.s32 s1, $0x0  }
0x2e4: {  	s2 =	smov.u32 @p0 s0;
	p0 =	sgt.s32 s7, $0x10;
	s1 =	simm.s32 @!p1 $0x0  }
0x2e5: {  	v8 =	vadd.f32 $2.621440000e+05, v7;
	s7 =	simm.s32 @!p0 $0x10;
	s30 =	sadd.s32 $0x1, s2;
	s2 =	simm.s32 $0x0  }
0x2e6: {  	v9 =	vmov s17;
	s1 =	sshrl.u32 s1, $0x4;
	s0 =	smul.u32 $0x438, s7;
	p0 =	sge.s32 s7, s30  }
.LBB2_75:
0x2e7: {  	_ = 	snop  }
0x2e8: {  	v15 =	vmov v5;
	v17 =	vmov v6;
	s18 =	smov.u32 s0  }
.LBB2_84:
0x2e9: {  	v19 =	vsub.f32 @p1 v8, v13;
	s19 =	smin.f32 s19, s14;
	s17 =	smax.f32 s17, s13  }
0x2ea: {  	s17 =	ssub.f32 s19, s17  }
0x2eb: {  	s18 =	sadd.s32 @p3 $0x438, s18;
	s20 =	smov.u32 s0;
	(erf) = vrcp.f32 @p1 v19  }
0x2ec: {  	vm0 =	veq.f32 @p3 v16, v15;
	vm1 =	vlt.s32 @p3 v18, v17;
	vm2 =	vgt.f32 @p3 v16, v15;
	s20 =	smov.u32 @p3 s18;
	s17 =	smax.f32 s17, $0.0e+00  }
0x2ed: {  	v20 =	vpop @p2 (erf);
	vm0 =	vmand @p3 vm1, vm0;
	v19 =	vmov @p2 s20;
	v11 =	vmul.f32 s17, v11  }
0x2ee: {  	v14 =	vmul.f32 @p2 v20, v14;
	v15 =	vsel @p3 vm2, v16, v15;
	v19 =	vadd.s32 @p2 $0x5, v19  }
0x2ef: {  	vm0 =	vmor @p3 vm2, vm0;
	v19 =	vbroadcast @p2 v19, $0x0;
	v61 =	vsub.f32 v8, v11  }
0x2f0: {  	v12 =	vpsel p1, v13, v12;
	s18 =	smov.u32 s0;
	v15 =	vpsel p3, v15, v5;
	v16 =	vsel @p3 vm0, v18, v17;
	s17 =	sadd.s32 @p2 $0x438, s20  }
0x2f1: {  	v14 =	vpsel p2, v14, v0;
	s18 =	smov.u32 @p2 s17;
	v18 =	vadd.s32 @p2 v10, v19;
	(erf) = vrcp.f32 v61  }
0x2f2: {  	v16 =	vpsel p3, v16, v6;
	v13 =	vmov @p1 s18;
	v18 =	vpsel p2, v18, v0  }
0x2f3: {  	vm0 =	veq.f32 @p2 v14, v15;
	v13 =	vadd.s32 @p1 $0x5, v13;
	vm1 =	vlt.s32 @p2 v18, v16  }
0x2f4: {  	vm2 =	vgt.f32 @p2 v14, v15;
	v13 =	vbroadcast @p1 v13, $0x0;
	vm0 =	vmand @p2 vm1, vm0;
	v17 =	vpop @p1 (erf)  }
0x2f5: {  	v14 =	vsel @p2 vm2, v14, v15;
	vm0 =	vmor @p2 vm2, vm0;
	v12 =	vmul.f32 @p1 v17, v12  }
0x2f6: {  	s17 =	sadd.s32 @p1 $0x438, s18;
	s18 =	smov.u32 s0;
	v14 =	vpsel p2, v14, v5;
	v13 =	vadd.s32 @p1 v10, v13;
	v15 =	vsel @p2 vm0, v18, v16  }
0x2f7: {  	s18 =	smov.u32 @p1 s17;
	v13 =	vpsel p1, v13, v0;
	v15 =	vpsel p2, v15, v6;
	v12 =	vpsel p1, v12, v0  }
0x2f8: {  	v62 =	vmov s18;
	vm1 =	vlt.s32 @p1 v13, v15;
	vm0 =	veq.f32 @p1 v12, v14  }
0x2f9: {  	v16 =	vadd.s32 $0x5, v62;
	vm2 =	vgt.f32 @p1 v12, v14;
	vm0 =	vmand @p1 vm1, vm0  }
0x2fa: {  	v16 =	vbroadcast v16, $0x0;
	vm0 =	vmor @p1 vm2, vm0;
	v63 =	vpop (erf)  }
0x2fb: {  	v12 =	vsel @p1 vm2, v12, v14;
	v13 =	vsel @p1 vm0, v13, v15;
	v11 =	vmul.f32 v63, v11  }
0x2fc: {  	v10 =	vadd.s32 v10, v16;
	v5 =	vpsel p1, v12, v5;
	v6 =	vpsel p1, v13, v6  }
0x2fd: {  	vm13 =	veq.f32 v11, v5;
	vm14 =	vlt.s32 v10, v6  }
0x2fe: {  	vm15 =	vgt.f32 v11, v5;
	vm0 =	vmand vm14, vm13  }
0x2ff: {  	vm0 =	vmor vm15, vm0  }
0x300: {  	v5 =	vsel vm15, v11, v5;
	v6 =	vsel vm0, v10, v6  }
.LBB2_85:
0x301: {  	p1 =	sne.s32 s2, s1  }
.Ltmp65:
0x302: {  	_ = 	snop;
	(pc) =	sbr.rel @!p1 .LBB2_86-.Ltmp65, $3  }
0x303: {  	_ =	sdelay $0x1  }
0x304: {  	s17 =	sadd.s32 $0x1, s2  }
0x305: {  	s2 =	smov.u32 s17  }
.LBB2_73:
.Ltmp66:
0x306: {  	(pc) =	sbr.rel @p0 .LBB2_85-.Ltmp66, $1  }
0x307: {  	_ =	sdelay $0x3  }
0x308: {  	s17 =	sshll.u32 s2, $0x4  }
0x309: {  	s17 =	sadd.s32 s12, s17  }
0x30a: {  	s18 =	scvt.s32.f32 s17;
	_ =	sdelay $0x1  }
0x30b: {  	s18 =	smul.f32 $1.600000000e+01, s18;
	_ =	sdelay $0x1  }
0x30c: {  	s18 =	sadd.f32 $-2.480000000e+02, s18;
	_ =	sdelay $0x1  }
0x30d: {  	v10 =	vadd.f32 s18, v0  }
0x30e: {  	s21 =	scvt.s32.f32 s7  }
0x30f: {  	s18 =	sadd.s32 $0x1, s7;
	v11 =	vadd.f32 $5.120000000e+02, v10  }
0x310: {  	s19 =	smul.f32 $1.600000000e+01, s21;
	p4 =	sne.s32 s30, s18  }
.Ltmp67:
0x311: {  	v10 =	vmax.f32 v10, v3;
	v11 =	vmin.f32 v11, v4;
	(pc) =	sbr.rel @!p4 .LBB2_75-.Ltmp67, $4  }
0x312: {  	v10 =	vsub.f32 v11, v10  }
0x313: {  	v12 =	vadd.s32 s17, v1;
	s17 =	sadd.f32 $-2.480000000e+02, s19  }
0x314: {  	vm0 =	vgt.s32 v12, v9;
	s19 =	sadd.f32 $2.640000000e+02, s19;
	v10 =	vmax.f32 v10, $0.0e+00  }
0x315: {  	p1 =	por $0x0, $0x0;
	p2 =	por $0x0, $0x0;
	p3 =	por $0x0, $0x0;
	v11 =	vsel vm0, $0x0, v10;
	v10 =	vmul.u32 $0x9, v12  }
0x316: {  	s20 =	scvt.s32.f32 s18  }
0x317: {  	s19 =	smin.f32 s19, s14;
	s17 =	smax.f32 s17, s13;
	s18 =	sadd.s32 $0x1, s18  }
0x318: {  	s17 =	ssub.f32 s19, s17;
	p4 =	sne.s32 s30, s18;
	s19 =	smul.f32 $1.600000000e+01, s20  }
.Ltmp68:
0x319: {  	_ = 	snop;
	(pc) =	sbr.rel @!p4 .LBB2_77-.Ltmp68, $4  }
0x31a: {  	_ = 	snop  }
0x31b: {  	s21 =	smax.f32 s17, $0.0e+00;
	s17 =	sadd.f32 $-2.480000000e+02, s19  }
0x31c: {  	s19 =	sadd.f32 $2.640000000e+02, s19  }
0x31d: {  	p1 =	por $0x1, $0x1;
	v12 =	vmul.f32 s21, v11  }
0x31e: {  	s20 =	scvt.s32.f32 s18  }
0x31f: {  	s19 =	smin.f32 s19, s14;
	s17 =	smax.f32 s17, s13;
	s18 =	sadd.s32 $0x1, s18;
	v13 =	vsub.f32 v8, v12  }
0x320: {  	s17 =	ssub.f32 s19, s17;
	p4 =	sne.s32 s30, s18;
	s19 =	smul.f32 $1.600000000e+01, s20  }
.Ltmp69:
0x321: {  	(erf) = vrcp.f32 v13;
	(pc) =	sbr.rel @!p4 .LBB2_79-.Ltmp69, $4  }
0x322: {  	_ = 	snop  }
0x323: {  	s21 =	smax.f32 s17, $0.0e+00;
	s17 =	sadd.f32 $-2.480000000e+02, s19  }
0x324: {  	s19 =	sadd.f32 $2.640000000e+02, s19  }
0x325: {  	p2 =	por $0x1, $0x1;
	v14 =	vmul.f32 s21, v11  }
0x326: {  	s20 =	scvt.s32.f32 s18  }
0x327: {  	s19 =	smin.f32 s19, s14;
	s17 =	smax.f32 s17, s13  }
0x328: {  	v13 =	vmov s0;
	v15 =	vsub.f32 v8, v14;
	s17 =	ssub.f32 s19, s17;
	s19 =	smul.f32 $1.600000000e+01, s20;
	s20 =	sadd.s32 $0x1, s18  }
0x329: {  	v13 =	vadd.s32 $0x5, v13;
	p4 =	sne.s32 s30, s20  }
.Ltmp70:
0x32a: {  	v17 =	vbroadcast v13, $0x0;
	(erf) = vrcp.f32 v15;
	(pc) =	sbr.rel @!p4 .LBB2_81-.Ltmp70, $4  }
0x32b: {  	_ = 	snop  }
0x32c: {  	s21 =	smax.f32 s17, $0.0e+00;
	s17 =	sadd.f32 $-2.480000000e+02, s19;
	v15 =	vpop (erf)  }
0x32d: {  	v13 =	vmul.f32 s21, v11;
	s19 =	sadd.f32 $2.640000000e+02, s19;
	v16 =	vmul.f32 v15, v12  }
0x32e: {  	p3 =	por $0x1, $0x1;
	s18 =	smov.u32 s0;
	v18 =	vadd.s32 v10, v17;
	v15 =	vmov v5;
	v17 =	vmov v6  }
.LBB2_82:
0x32f: {  	s21 =	scvt.s32.f32 s20;
	v19 =	vsub.f32 v8, v13;
	vm0 =	veq.f32 v16, v15;
	vm1 =	vlt.s32 v18, v17;
	s18 =	sadd.s32 $0x438, s18;
	s20 =	sadd.s32 $0x1, s20  }
0x330: {  	s17 =	smax.f32 s17, s13;
	vm2 =	vgt.f32 v16, v15;
	s19 =	smin.f32 s19, s14;
	v20 =	vmov s18;
	vm0 =	vmand vm1, vm0;
	p4 =	sne.s32 s30, s20  }
.Ltmp71:
0x331: {  	v15 =	vsel vm2, v16, v15;
	s17 =	ssub.f32 s19, s17;
	(erf) = vrcp.f32 v19;
	vm0 =	vmor vm2, vm0;
	(pc) =	sbr.rel @p4 .LBB2_82-.Ltmp71, $4  }
0x332: {  	s19 =	smul.f32 $1.600000000e+01, s21;
	v19 =	vadd.s32 $0x5, v20;
	v17 =	vsel vm0, v18, v17  }
0x333: {  	v18 =	vbroadcast v19, $0x0;
	s21 =	smax.f32 s17, $0.0e+00;
	v16 =	vpop (erf)  }
0x334: {  	s17 =	sadd.f32 $-2.480000000e+02, s19;
	v16 =	vmul.f32 v16, v14;
	v14 =	vmov v13;
	v13 =	vmul.f32 s21, v11  }
0x335: {  	s19 =	sadd.f32 $2.640000000e+02, s19;
	v18 =	vadd.s32 v10, v18  }
.Ltmp72:
0x336: {  	(pc) =	sbr.rel .LBB2_84-.Ltmp72, $1  }
0x337: {  	_ =	sdelay $0x3  }
.LBB2_77:
.Ltmp73:
0x338: {  	(pc) =	sbr.rel .LBB2_84-.Ltmp73, $2  }
0x339: {  	_ =	sdelay $0x2  }
0x33a: {  	v15 =	vmov v5;
	v17 =	vmov v6;
	s18 =	smov.u32 s0;
	v13 =	vmov v12  }
.LBB2_79:
.Ltmp74:
0x33b: {  	(pc) =	sbr.rel .LBB2_84-.Ltmp74, $2  }
0x33c: {  	_ =	sdelay $0x2  }
0x33d: {  	v15 =	vmovc v5;
	v17 =	vmov v6;
	s18 =	smov.u32 s0;
	v13 =	vmov v14;
	v14 =	vmov v12  }
.LBB2_81:
.Ltmp75:
0x33e: {  	(pc) =	sbr.rel .LBB2_84-.Ltmp75, $2  }
0x33f: {  	_ =	sdelay $0x2  }
0x340: {  	v15 =	vmov v5;
	v17 =	vmov v6;
	s18 =	smov.u32 s0  }
.LBB2_86:
0x341: {  	s1 =	sadd.f32 $3.600000000e+01, s16  }
0x342: {  	s0 =	sadd.f32 $-5.200000000e+01, s15  }
0x343: {  	s1 =	smul.f32 $6.250000000e-02, s1  }
0x344: {  	s2 =	sadd.f32 $8.000000000e+01, s14;
	s0 =	smul.f32 $6.250000000e-02, s0  }
0x345: {  	s21 =	sadd.f32 $-9.600000000e+01, s13;
	s20 =	scvt.f32.s32 s1  }
0x346: {  	s2 =	smul.f32 $6.250000000e-02, s2;
	s12 =	scvt.f32.s32 s0  }
0x347: {  	s17 =	smov.u32 s25;
	s1 =	smul.f32 $6.250000000e-02, s21;
	s0 =	sadd.s32 $0x1, s20  }
0x348: {  	s2 =	scvt.f32.s32 s2;
	p0 =	sgt.s32 s12, $0x3;
	p1 =	slt.s32 s0, s25  }
0x349: {  	s7 =	scvt.f32.s32 s1;
	s12 =	simm.s32 @!p0 $0x3;
	s17 =	smov.u32 @p1 s0  }
.Ltmp76:
0x34a: {  	s0 =	sadd.s32 $0x1, s2;
	s1 =	ssub.s32 s17, s12;
	(pc) =	sbr.rel .LBB2_87-.Ltmp76, $4  }
0x34b: {  	s2 =	smov.u32 s8;
	p0 =	slt.s32 s0, s8;
	p1 =	sgt.s32 s1, $0x0  }
0x34c: {  	s2 =	smov.u32 @p0 s0;
	p0 =	sgt.s32 s7, $0x5;
	s1 =	simm.s32 @!p1 $0x0  }
0x34d: {  	v8 =	vadd.f32 $1.548800000e+04, v7;
	s7 =	simm.s32 @!p0 $0x5;
	s30 =	sadd.s32 $0x1, s2;
	s2 =	simm.s32 $0x0  }
0x34e: {  	v9 =	vmov s17;
	s1 =	sshrl.u32 s1, $0x4;
	s0 =	smul.u32 $0x438, s7;
	p0 =	sge.s32 s7, s30  }
.LBB2_89:
0x34f: {  	_ = 	snop  }
0x350: {  	v15 =	vmov v5;
	v17 =	vmov v6;
	s18 =	smov.u32 s0  }
.LBB2_98:
0x351: {  	v19 =	vsub.f32 @p1 v8, v13;
	s19 =	smin.f32 s19, s14;
	s17 =	smax.f32 s17, s13  }
0x352: {  	s17 =	ssub.f32 s19, s17  }
0x353: {  	s18 =	sadd.s32 @p3 $0x438, s18;
	s20 =	smov.u32 s0;
	(erf) = vrcp.f32 @p1 v19  }
0x354: {  	vm0 =	veq.f32 @p3 v16, v15;
	vm1 =	vlt.s32 @p3 v18, v17;
	vm2 =	vgt.f32 @p3 v16, v15;
	s20 =	smov.u32 @p3 s18;
	s17 =	smax.f32 s17, $0.0e+00  }
0x355: {  	v20 =	vpop @p2 (erf);
	vm0 =	vmand @p3 vm1, vm0;
	v19 =	vmov @p2 s20;
	v11 =	vmul.f32 s17, v11  }
0x356: {  	v14 =	vmul.f32 @p2 v20, v14;
	v15 =	vsel @p3 vm2, v16, v15;
	v19 =	vadd.s32 @p2 $0x6, v19  }
0x357: {  	vm0 =	vmor @p3 vm2, vm0;
	v19 =	vbroadcast @p2 v19, $0x0;
	v61 =	vsub.f32 v8, v11  }
0x358: {  	v12 =	vpsel p1, v13, v12;
	s18 =	smov.u32 s0;
	v15 =	vpsel p3, v15, v5;
	v16 =	vsel @p3 vm0, v18, v17;
	s17 =	sadd.s32 @p2 $0x438, s20  }
0x359: {  	v14 =	vpsel p2, v14, v0;
	s18 =	smov.u32 @p2 s17;
	v18 =	vadd.s32 @p2 v10, v19;
	(erf) = vrcp.f32 v61  }
0x35a: {  	v16 =	vpsel p3, v16, v6;
	v13 =	vmov @p1 s18;
	v18 =	vpsel p2, v18, v0  }
0x35b: {  	vm0 =	veq.f32 @p2 v14, v15;
	v13 =	vadd.s32 @p1 $0x6, v13;
	vm1 =	vlt.s32 @p2 v18, v16  }
0x35c: {  	vm2 =	vgt.f32 @p2 v14, v15;
	v13 =	vbroadcast @p1 v13, $0x0;
	vm0 =	vmand @p2 vm1, vm0;
	v17 =	vpop @p1 (erf)  }
0x35d: {  	v14 =	vsel @p2 vm2, v14, v15;
	vm0 =	vmor @p2 vm2, vm0;
	v12 =	vmul.f32 @p1 v17, v12  }
0x35e: {  	s17 =	sadd.s32 @p1 $0x438, s18;
	s18 =	smov.u32 s0;
	v14 =	vpsel p2, v14, v5;
	v13 =	vadd.s32 @p1 v10, v13;
	v15 =	vsel @p2 vm0, v18, v16  }
0x35f: {  	s18 =	smov.u32 @p1 s17;
	v13 =	vpsel p1, v13, v0;
	v15 =	vpsel p2, v15, v6;
	v12 =	vpsel p1, v12, v0  }
0x360: {  	v62 =	vmov s18;
	vm1 =	vlt.s32 @p1 v13, v15;
	vm0 =	veq.f32 @p1 v12, v14  }
0x361: {  	v16 =	vadd.s32 $0x6, v62;
	vm2 =	vgt.f32 @p1 v12, v14;
	vm0 =	vmand @p1 vm1, vm0  }
0x362: {  	v16 =	vbroadcast v16, $0x0;
	vm0 =	vmor @p1 vm2, vm0;
	v63 =	vpop (erf)  }
0x363: {  	v12 =	vsel @p1 vm2, v12, v14;
	v13 =	vsel @p1 vm0, v13, v15;
	v11 =	vmul.f32 v63, v11  }
0x364: {  	v10 =	vadd.s32 v10, v16;
	v5 =	vpsel p1, v12, v5;
	v6 =	vpsel p1, v13, v6  }
0x365: {  	vm13 =	veq.f32 v11, v5;
	vm14 =	vlt.s32 v10, v6  }
0x366: {  	vm15 =	vgt.f32 v11, v5;
	vm0 =	vmand vm14, vm13  }
0x367: {  	vm0 =	vmor vm15, vm0  }
0x368: {  	v5 =	vsel vm15, v11, v5;
	v6 =	vsel vm0, v10, v6  }
.LBB2_99:
0x369: {  	p1 =	sne.s32 s2, s1  }
.Ltmp77:
0x36a: {  	_ = 	snop;
	(pc) =	sbr.rel @!p1 .LBB2_100-.Ltmp77, $3  }
0x36b: {  	_ =	sdelay $0x1  }
0x36c: {  	s17 =	sadd.s32 $0x1, s2  }
0x36d: {  	s2 =	smov.u32 s17  }
.LBB2_87:
.Ltmp78:
0x36e: {  	(pc) =	sbr.rel @p0 .LBB2_99-.Ltmp78, $1  }
0x36f: {  	_ =	sdelay $0x3  }
0x370: {  	s17 =	sshll.u32 s2, $0x4  }
0x371: {  	s17 =	sadd.s32 s12, s17  }
0x372: {  	s18 =	scvt.s32.f32 s17;
	_ =	sdelay $0x1  }
0x373: {  	s18 =	smul.f32 $1.600000000e+01, s18;
	_ =	sdelay $0x1  }
0x374: {  	s18 =	sadd.f32 $-3.600000000e+01, s18;
	_ =	sdelay $0x1  }
0x375: {  	v10 =	vadd.f32 s18, v0  }
0x376: {  	s21 =	scvt.s32.f32 s7  }
0x377: {  	s18 =	sadd.s32 $0x1, s7;
	v11 =	vadd.f32 $8.800000000e+01, v10  }
0x378: {  	s19 =	smul.f32 $1.600000000e+01, s21;
	p4 =	sne.s32 s30, s18  }
.Ltmp79:
0x379: {  	v10 =	vmax.f32 v10, v3;
	v11 =	vmin.f32 v11, v4;
	(pc) =	sbr.rel @!p4 .LBB2_89-.Ltmp79, $4  }
0x37a: {  	v10 =	vsub.f32 v11, v10  }
0x37b: {  	v12 =	vadd.s32 s17, v1;
	s17 =	sadd.f32 $-8.000000000e+01, s19  }
0x37c: {  	vm0 =	vgt.s32 v12, v9;
	s19 =	sadd.f32 $9.600000000e+01, s19;
	v10 =	vmax.f32 v10, $0.0e+00  }
0x37d: {  	p1 =	por $0x0, $0x0;
	p2 =	por $0x0, $0x0;
	p3 =	por $0x0, $0x0;
	v11 =	vsel vm0, $0x0, v10;
	v10 =	vmul.u32 $0x9, v12  }
0x37e: {  	s20 =	scvt.s32.f32 s18  }
0x37f: {  	s19 =	smin.f32 s19, s14;
	s17 =	smax.f32 s17, s13;
	s18 =	sadd.s32 $0x1, s18  }
0x380: {  	s17 =	ssub.f32 s19, s17;
	p4 =	sne.s32 s30, s18;
	s19 =	smul.f32 $1.600000000e+01, s20  }
.Ltmp80:
0x381: {  	_ = 	snop;
	(pc) =	sbr.rel @!p4 .LBB2_91-.Ltmp80, $4  }
0x382: {  	_ = 	snop  }
0x383: {  	s21 =	smax.f32 s17, $0.0e+00;
	s17 =	sadd.f32 $-8.000000000e+01, s19  }
0x384: {  	s19 =	sadd.f32 $9.600000000e+01, s19  }
0x385: {  	p1 =	por $0x1, $0x1;
	v12 =	vmul.f32 s21, v11  }
0x386: {  	s20 =	scvt.s32.f32 s18  }
0x387: {  	s19 =	smin.f32 s19, s14;
	s17 =	smax.f32 s17, s13;
	s18 =	sadd.s32 $0x1, s18;
	v13 =	vsub.f32 v8, v12  }
0x388: {  	s17 =	ssub.f32 s19, s17;
	p4 =	sne.s32 s30, s18;
	s19 =	smul.f32 $1.600000000e+01, s20  }
.Ltmp81:
0x389: {  	(erf) = vrcp.f32 v13;
	(pc) =	sbr.rel @!p4 .LBB2_93-.Ltmp81, $4  }
0x38a: {  	_ = 	snop  }
0x38b: {  	s21 =	smax.f32 s17, $0.0e+00;
	s17 =	sadd.f32 $-8.000000000e+01, s19  }
0x38c: {  	s19 =	sadd.f32 $9.600000000e+01, s19  }
0x38d: {  	p2 =	por $0x1, $0x1;
	v14 =	vmul.f32 s21, v11  }
0x38e: {  	s20 =	scvt.s32.f32 s18  }
0x38f: {  	s19 =	smin.f32 s19, s14;
	s17 =	smax.f32 s17, s13  }
0x390: {  	v13 =	vmov s0;
	v15 =	vsub.f32 v8, v14;
	s17 =	ssub.f32 s19, s17;
	s19 =	smul.f32 $1.600000000e+01, s20;
	s20 =	sadd.s32 $0x1, s18  }
0x391: {  	v13 =	vadd.s32 $0x6, v13;
	p4 =	sne.s32 s30, s20  }
.Ltmp82:
0x392: {  	v17 =	vbroadcast v13, $0x0;
	(erf) = vrcp.f32 v15;
	(pc) =	sbr.rel @!p4 .LBB2_95-.Ltmp82, $4  }
0x393: {  	_ = 	snop  }
0x394: {  	s21 =	smax.f32 s17, $0.0e+00;
	s17 =	sadd.f32 $-8.000000000e+01, s19;
	v15 =	vpop (erf)  }
0x395: {  	v13 =	vmul.f32 s21, v11;
	s19 =	sadd.f32 $9.600000000e+01, s19;
	v16 =	vmul.f32 v15, v12  }
0x396: {  	p3 =	por $0x1, $0x1;
	s18 =	smov.u32 s0;
	v18 =	vadd.s32 v10, v17;
	v15 =	vmov v5;
	v17 =	vmov v6  }
.LBB2_96:
0x397: {  	s21 =	scvt.s32.f32 s20;
	v19 =	vsub.f32 v8, v13;
	vm0 =	veq.f32 v16, v15;
	vm1 =	vlt.s32 v18, v17;
	s18 =	sadd.s32 $0x438, s18;
	s20 =	sadd.s32 $0x1, s20  }
0x398: {  	s17 =	smax.f32 s17, s13;
	vm2 =	vgt.f32 v16, v15;
	s19 =	smin.f32 s19, s14;
	v20 =	vmov s18;
	vm0 =	vmand vm1, vm0;
	p4 =	sne.s32 s30, s20  }
.Ltmp83:
0x399: {  	v15 =	vsel vm2, v16, v15;
	s17 =	ssub.f32 s19, s17;
	(erf) = vrcp.f32 v19;
	vm0 =	vmor vm2, vm0;
	(pc) =	sbr.rel @p4 .LBB2_96-.Ltmp83, $4  }
0x39a: {  	s19 =	smul.f32 $1.600000000e+01, s21;
	v19 =	vadd.s32 $0x6, v20;
	v17 =	vsel vm0, v18, v17  }
0x39b: {  	v18 =	vbroadcast v19, $0x0;
	s21 =	smax.f32 s17, $0.0e+00;
	v16 =	vpop (erf)  }
0x39c: {  	s17 =	sadd.f32 $-8.000000000e+01, s19;
	v16 =	vmul.f32 v16, v14;
	v14 =	vmov v13;
	v13 =	vmul.f32 s21, v11  }
0x39d: {  	s19 =	sadd.f32 $9.600000000e+01, s19;
	v18 =	vadd.s32 v10, v18  }
.Ltmp84:
0x39e: {  	(pc) =	sbr.rel .LBB2_98-.Ltmp84, $1  }
0x39f: {  	_ =	sdelay $0x3  }
.LBB2_91:
.Ltmp85:
0x3a0: {  	(pc) =	sbr.rel .LBB2_98-.Ltmp85, $2  }
0x3a1: {  	_ =	sdelay $0x2  }
0x3a2: {  	v15 =	vmov v5;
	v17 =	vmov v6;
	s18 =	smov.u32 s0;
	v13 =	vmov v12  }
.LBB2_93:
.Ltmp86:
0x3a3: {  	(pc) =	sbr.rel .LBB2_98-.Ltmp86, $2  }
0x3a4: {  	_ =	sdelay $0x2  }
0x3a5: {  	v15 =	vmovc v5;
	v17 =	vmov v6;
	s18 =	smov.u32 s0;
	v13 =	vmov v14;
	v14 =	vmov v12  }
.LBB2_95:
.Ltmp87:
0x3a6: {  	(pc) =	sbr.rel .LBB2_98-.Ltmp87, $2  }
0x3a7: {  	_ =	sdelay $0x2  }
0x3a8: {  	v15 =	vmov v5;
	v17 =	vmov v6;
	s18 =	smov.u32 s0  }
.LBB2_100:
0x3a9: {  	s1 =	sadd.f32 $8.000000000e+01, s16  }
0x3aa: {  	s0 =	sadd.f32 $-9.600000000e+01, s15  }
0x3ab: {  	s1 =	smul.f32 $6.250000000e-02, s1  }
0x3ac: {  	s2 =	sadd.f32 $1.680000000e+02, s14;
	s0 =	smul.f32 $6.250000000e-02, s0  }
0x3ad: {  	s21 =	sadd.f32 $-1.840000000e+02, s13;
	s20 =	scvt.f32.s32 s1  }
0x3ae: {  	s2 =	smul.f32 $6.250000000e-02, s2;
	s12 =	scvt.f32.s32 s0  }
0x3af: {  	s17 =	smov.u32 s26;
	s1 =	smul.f32 $6.250000000e-02, s21;
	s0 =	sadd.s32 $0x1, s20  }
0x3b0: {  	s2 =	scvt.f32.s32 s2;
	p0 =	sgt.s32 s12, $0x5;
	p1 =	slt.s32 s0, s26  }
0x3b1: {  	s7 =	scvt.f32.s32 s1;
	s12 =	simm.s32 @!p0 $0x5;
	s17 =	smov.u32 @p1 s0  }
.Ltmp88:
0x3b2: {  	s0 =	sadd.s32 $0x1, s2;
	s1 =	ssub.s32 s17, s12;
	(pc) =	sbr.rel .LBB2_101-.Ltmp88, $4  }
0x3b3: {  	s2 =	smov.u32 s9;
	p0 =	slt.s32 s0, s9;
	p1 =	sgt.s32 s1, $0x0  }
0x3b4: {  	s2 =	smov.u32 @p0 s0;
	p0 =	sgt.s32 s7, $0xB;
	s1 =	simm.s32 @!p1 $0x0  }
0x3b5: {  	v8 =	vadd.f32 $6.195200000e+04, v7;
	s7 =	simm.s32 @!p0 $0xB;
	s30 =	sadd.s32 $0x1, s2;
	s2 =	simm.s32 $0x0  }
0x3b6: {  	v9 =	vmov s17;
	s1 =	sshrl.u32 s1, $0x4;
	s0 =	smul.u32 $0x438, s7;
	p0 =	sge.s32 s7, s30  }
.LBB2_103:
0x3b7: {  	_ = 	snop  }
0x3b8: {  	v15 =	vmov v5;
	v17 =	vmov v6;
	s18 =	smov.u32 s0  }
.LBB2_112:
0x3b9: {  	v19 =	vsub.f32 @p1 v8, v13;
	s19 =	smin.f32 s19, s14;
	s17 =	smax.f32 s17, s13  }
0x3ba: {  	s17 =	ssub.f32 s19, s17  }
0x3bb: {  	s18 =	sadd.s32 @p3 $0x438, s18;
	s20 =	smov.u32 s0;
	(erf) = vrcp.f32 @p1 v19  }
0x3bc: {  	vm0 =	veq.f32 @p3 v16, v15;
	vm1 =	vlt.s32 @p3 v18, v17;
	vm2 =	vgt.f32 @p3 v16, v15;
	s20 =	smov.u32 @p3 s18;
	s17 =	smax.f32 s17, $0.0e+00  }
0x3bd: {  	v20 =	vpop @p2 (erf);
	vm0 =	vmand @p3 vm1, vm0;
	v19 =	vmov @p2 s20;
	v11 =	vmul.f32 s17, v11  }
0x3be: {  	v14 =	vmul.f32 @p2 v20, v14;
	v15 =	vsel @p3 vm2, v16, v15;
	v19 =	vadd.s32 @p2 $0x7, v19  }
0x3bf: {  	vm0 =	vmor @p3 vm2, vm0;
	v19 =	vbroadcast @p2 v19, $0x0;
	v61 =	vsub.f32 v8, v11  }
0x3c0: {  	v12 =	vpsel p1, v13, v12;
	s18 =	smov.u32 s0;
	v15 =	vpsel p3, v15, v5;
	v16 =	vsel @p3 vm0, v18, v17;
	s17 =	sadd.s32 @p2 $0x438, s20  }
0x3c1: {  	v14 =	vpsel p2, v14, v0;
	s18 =	smov.u32 @p2 s17;
	v18 =	vadd.s32 @p2 v10, v19;
	(erf) = vrcp.f32 v61  }
0x3c2: {  	v16 =	vpsel p3, v16, v6;
	v13 =	vmov @p1 s18;
	v18 =	vpsel p2, v18, v0  }
0x3c3: {  	vm0 =	veq.f32 @p2 v14, v15;
	v13 =	vadd.s32 @p1 $0x7, v13;
	vm1 =	vlt.s32 @p2 v18, v16  }
0x3c4: {  	vm2 =	vgt.f32 @p2 v14, v15;
	v13 =	vbroadcast @p1 v13, $0x0;
	vm0 =	vmand @p2 vm1, vm0;
	v17 =	vpop @p1 (erf)  }
0x3c5: {  	v14 =	vsel @p2 vm2, v14, v15;
	vm0 =	vmor @p2 vm2, vm0;
	v12 =	vmul.f32 @p1 v17, v12  }
0x3c6: {  	s17 =	sadd.s32 @p1 $0x438, s18;
	s18 =	smov.u32 s0;
	v14 =	vpsel p2, v14, v5;
	v13 =	vadd.s32 @p1 v10, v13;
	v15 =	vsel @p2 vm0, v18, v16  }
0x3c7: {  	s18 =	smov.u32 @p1 s17;
	v13 =	vpsel p1, v13, v0;
	v15 =	vpsel p2, v15, v6;
	v12 =	vpsel p1, v12, v0  }
0x3c8: {  	v62 =	vmov s18;
	vm1 =	vlt.s32 @p1 v13, v15;
	vm0 =	veq.f32 @p1 v12, v14  }
0x3c9: {  	v16 =	vadd.s32 $0x7, v62;
	vm2 =	vgt.f32 @p1 v12, v14;
	vm0 =	vmand @p1 vm1, vm0  }
0x3ca: {  	v16 =	vbroadcast v16, $0x0;
	vm0 =	vmor @p1 vm2, vm0;
	v63 =	vpop (erf)  }
0x3cb: {  	v12 =	vsel @p1 vm2, v12, v14;
	v13 =	vsel @p1 vm0, v13, v15;
	v11 =	vmul.f32 v63, v11  }
0x3cc: {  	v10 =	vadd.s32 v10, v16;
	v5 =	vpsel p1, v12, v5;
	v6 =	vpsel p1, v13, v6  }
0x3cd: {  	vm13 =	veq.f32 v11, v5;
	vm14 =	vlt.s32 v10, v6  }
0x3ce: {  	vm15 =	vgt.f32 v11, v5;
	vm0 =	vmand vm14, vm13  }
0x3cf: {  	vm0 =	vmor vm15, vm0  }
0x3d0: {  	v5 =	vsel vm15, v11, v5;
	v6 =	vsel vm0, v10, v6  }
.LBB2_113:
0x3d1: {  	p1 =	sne.s32 s2, s1  }
.Ltmp89:
0x3d2: {  	_ = 	snop;
	(pc) =	sbr.rel @!p1 .LBB2_114-.Ltmp89, $3  }
0x3d3: {  	_ =	sdelay $0x1  }
0x3d4: {  	s17 =	sadd.s32 $0x1, s2  }
0x3d5: {  	s2 =	smov.u32 s17  }
.LBB2_101:
.Ltmp90:
0x3d6: {  	(pc) =	sbr.rel @p0 .LBB2_113-.Ltmp90, $1  }
0x3d7: {  	_ =	sdelay $0x3  }
0x3d8: {  	s17 =	sshll.u32 s2, $0x4  }
0x3d9: {  	s17 =	sadd.s32 s12, s17  }
0x3da: {  	s18 =	scvt.s32.f32 s17;
	_ =	sdelay $0x1  }
0x3db: {  	s18 =	smul.f32 $1.600000000e+01, s18;
	_ =	sdelay $0x1  }
0x3dc: {  	s18 =	sadd.f32 $-8.000000000e+01, s18;
	_ =	sdelay $0x1  }
0x3dd: {  	v10 =	vadd.f32 s18, v0  }
0x3de: {  	s21 =	scvt.s32.f32 s7  }
0x3df: {  	s18 =	sadd.s32 $0x1, s7;
	v11 =	vadd.f32 $1.760000000e+02, v10  }
0x3e0: {  	s19 =	smul.f32 $1.600000000e+01, s21;
	p4 =	sne.s32 s30, s18  }
.Ltmp91:
0x3e1: {  	v10 =	vmax.f32 v10, v3;
	v11 =	vmin.f32 v11, v4;
	(pc) =	sbr.rel @!p4 .LBB2_103-.Ltmp91, $4  }
0x3e2: {  	v10 =	vsub.f32 v11, v10  }
0x3e3: {  	v12 =	vadd.s32 s17, v1;
	s17 =	sadd.f32 $-1.680000000e+02, s19  }
0x3e4: {  	vm0 =	vgt.s32 v12, v9;
	s19 =	sadd.f32 $1.840000000e+02, s19;
	v10 =	vmax.f32 v10, $0.0e+00  }
0x3e5: {  	p1 =	por $0x0, $0x0;
	p2 =	por $0x0, $0x0;
	p3 =	por $0x0, $0x0;
	v11 =	vsel vm0, $0x0, v10;
	v10 =	vmul.u32 $0x9, v12  }
0x3e6: {  	s20 =	scvt.s32.f32 s18  }
0x3e7: {  	s19 =	smin.f32 s19, s14;
	s17 =	smax.f32 s17, s13;
	s18 =	sadd.s32 $0x1, s18  }
0x3e8: {  	s17 =	ssub.f32 s19, s17;
	p4 =	sne.s32 s30, s18;
	s19 =	smul.f32 $1.600000000e+01, s20  }
.Ltmp92:
0x3e9: {  	_ = 	snop;
	(pc) =	sbr.rel @!p4 .LBB2_105-.Ltmp92, $4  }
0x3ea: {  	_ = 	snop  }
0x3eb: {  	s21 =	smax.f32 s17, $0.0e+00;
	s17 =	sadd.f32 $-1.680000000e+02, s19  }
0x3ec: {  	s19 =	sadd.f32 $1.840000000e+02, s19  }
0x3ed: {  	p1 =	por $0x1, $0x1;
	v12 =	vmul.f32 s21, v11  }
0x3ee: {  	s20 =	scvt.s32.f32 s18  }
0x3ef: {  	s19 =	smin.f32 s19, s14;
	s17 =	smax.f32 s17, s13;
	s18 =	sadd.s32 $0x1, s18;
	v13 =	vsub.f32 v8, v12  }
0x3f0: {  	s17 =	ssub.f32 s19, s17;
	p4 =	sne.s32 s30, s18;
	s19 =	smul.f32 $1.600000000e+01, s20  }
.Ltmp93:
0x3f1: {  	(erf) = vrcp.f32 v13;
	(pc) =	sbr.rel @!p4 .LBB2_107-.Ltmp93, $4  }
0x3f2: {  	_ = 	snop  }
0x3f3: {  	s21 =	smax.f32 s17, $0.0e+00;
	s17 =	sadd.f32 $-1.680000000e+02, s19  }
0x3f4: {  	s19 =	sadd.f32 $1.840000000e+02, s19  }
0x3f5: {  	p2 =	por $0x1, $0x1;
	v14 =	vmul.f32 s21, v11  }
0x3f6: {  	s20 =	scvt.s32.f32 s18  }
0x3f7: {  	s19 =	smin.f32 s19, s14;
	s17 =	smax.f32 s17, s13  }
0x3f8: {  	v13 =	vmov s0;
	v15 =	vsub.f32 v8, v14;
	s17 =	ssub.f32 s19, s17;
	s19 =	smul.f32 $1.600000000e+01, s20;
	s20 =	sadd.s32 $0x1, s18  }
0x3f9: {  	v13 =	vadd.s32 $0x7, v13;
	p4 =	sne.s32 s30, s20  }
.Ltmp94:
0x3fa: {  	v17 =	vbroadcast v13, $0x0;
	(erf) = vrcp.f32 v15;
	(pc) =	sbr.rel @!p4 .LBB2_109-.Ltmp94, $4  }
0x3fb: {  	_ = 	snop  }
0x3fc: {  	s21 =	smax.f32 s17, $0.0e+00;
	s17 =	sadd.f32 $-1.680000000e+02, s19;
	v15 =	vpop (erf)  }
0x3fd: {  	v13 =	vmul.f32 s21, v11;
	s19 =	sadd.f32 $1.840000000e+02, s19;
	v16 =	vmul.f32 v15, v12  }
0x3fe: {  	p3 =	por $0x1, $0x1;
	s18 =	smov.u32 s0;
	v18 =	vadd.s32 v10, v17;
	v15 =	vmov v5;
	v17 =	vmov v6  }
.LBB2_110:
0x3ff: {  	s21 =	scvt.s32.f32 s20;
	v19 =	vsub.f32 v8, v13;
	vm0 =	veq.f32 v16, v15;
	vm1 =	vlt.s32 v18, v17;
	s18 =	sadd.s32 $0x438, s18;
	s20 =	sadd.s32 $0x1, s20  }
0x400: {  	s17 =	smax.f32 s17, s13;
	vm2 =	vgt.f32 v16, v15;
	s19 =	smin.f32 s19, s14;
	v20 =	vmov s18;
	vm0 =	vmand vm1, vm0;
	p4 =	sne.s32 s30, s20  }
.Ltmp95:
0x401: {  	v15 =	vsel vm2, v16, v15;
	s17 =	ssub.f32 s19, s17;
	(erf) = vrcp.f32 v19;
	vm0 =	vmor vm2, vm0;
	(pc) =	sbr.rel @p4 .LBB2_110-.Ltmp95, $4  }
0x402: {  	s19 =	smul.f32 $1.600000000e+01, s21;
	v19 =	vadd.s32 $0x7, v20;
	v17 =	vsel vm0, v18, v17  }
0x403: {  	v18 =	vbroadcast v19, $0x0;
	s21 =	smax.f32 s17, $0.0e+00;
	v16 =	vpop (erf)  }
0x404: {  	s17 =	sadd.f32 $-1.680000000e+02, s19;
	v16 =	vmul.f32 v16, v14;
	v14 =	vmov v13;
	v13 =	vmul.f32 s21, v11  }
0x405: {  	s19 =	sadd.f32 $1.840000000e+02, s19;
	v18 =	vadd.s32 v10, v18  }
.Ltmp96:
0x406: {  	(pc) =	sbr.rel .LBB2_112-.Ltmp96, $1  }
0x407: {  	_ =	sdelay $0x3  }
.LBB2_105:
.Ltmp97:
0x408: {  	(pc) =	sbr.rel .LBB2_112-.Ltmp97, $2  }
0x409: {  	_ =	sdelay $0x2  }
0x40a: {  	v15 =	vmov v5;
	v17 =	vmov v6;
	s18 =	smov.u32 s0;
	v13 =	vmov v12  }
.LBB2_107:
.Ltmp98:
0x40b: {  	(pc) =	sbr.rel .LBB2_112-.Ltmp98, $2  }
0x40c: {  	_ =	sdelay $0x2  }
0x40d: {  	v15 =	vmovc v5;
	v17 =	vmov v6;
	s18 =	smov.u32 s0;
	v13 =	vmov v14;
	v14 =	vmov v12  }
.LBB2_109:
.Ltmp99:
0x40e: {  	(pc) =	sbr.rel .LBB2_112-.Ltmp99, $2  }
0x40f: {  	_ =	sdelay $0x2  }
0x410: {  	v15 =	vmov v5;
	v17 =	vmov v6;
	s18 =	smov.u32 s0  }
.LBB2_114:
0x411: {  	s1 =	sadd.f32 $1.680000000e+02, s16  }
0x412: {  	s0 =	sadd.f32 $-1.840000000e+02, s15  }
0x413: {  	s1 =	smul.f32 $6.250000000e-02, s1  }
0x414: {  	s2 =	sadd.f32 $3.440000000e+02, s14;
	s0 =	smul.f32 $6.250000000e-02, s0  }
0x415: {  	s30 =	sadd.f32 $-3.600000000e+02, s13;
	s21 =	scvt.f32.s32 s1  }
0x416: {  	s2 =	smul.f32 $6.250000000e-02, s2;
	s12 =	scvt.f32.s32 s0  }
0x417: {  	s16 =	smov.u32 s28;
	s1 =	smul.f32 $6.250000000e-02, s30;
	s0 =	sadd.s32 $0x1, s21  }
0x418: {  	s2 =	scvt.f32.s32 s2;
	p0 =	sgt.s32 s12, $0xB;
	p1 =	slt.s32 s0, s28  }
0x419: {  	s7 =	scvt.f32.s32 s1;
	s12 =	simm.s32 @!p0 $0xB;
	s16 =	smov.u32 @p1 s0  }
.Ltmp100:
0x41a: {  	s0 =	sadd.s32 $0x1, s2;
	s1 =	ssub.s32 s16, s12;
	(pc) =	sbr.rel .LBB2_115-.Ltmp100, $4  }
0x41b: {  	s2 =	smov.u32 s10;
	p0 =	slt.s32 s0, s10;
	p1 =	sgt.s32 s1, $0x0  }
0x41c: {  	s2 =	smov.u32 @p0 s0;
	p0 =	sgt.s32 s7, $0x16;
	s1 =	simm.s32 @!p1 $0x0  }
0x41d: {  	v7 =	vadd.f32 $2.478080000e+05, v7;
	s7 =	simm.s32 @!p0 $0x16;
	s15 =	sadd.s32 $0x1, s2;
	s2 =	simm.s32 $0x0  }
0x41e: {  	v8 =	vmov s16;
	s1 =	sshrl.u32 s1, $0x4;
	s0 =	smul.u32 $0x438, s7;
	p0 =	sge.s32 s7, s15  }
.LBB2_117:
0x41f: {  	_ = 	snop  }
0x420: {  	v14 =	vmov v5;
	v16 =	vmov v6;
	s18 =	smov.u32 s0  }
.LBB2_126:
0x421: {  	v18 =	vsub.f32 @p1 v7, v12;
	s17 =	smin.f32 s17, s14;
	s16 =	smax.f32 s16, s13  }
0x422: {  	s16 =	ssub.f32 s17, s16  }
0x423: {  	s18 =	sadd.s32 @p3 $0x438, s18;
	s19 =	smov.u32 s0;
	(erf) = vrcp.f32 @p1 v18  }
0x424: {  	vm0 =	veq.f32 @p3 v15, v14;
	vm1 =	vlt.s32 @p3 v17, v16;
	vm2 =	vgt.f32 @p3 v15, v14;
	s19 =	smov.u32 @p3 s18;
	s16 =	smax.f32 s16, $0.0e+00  }
0x425: {  	v19 =	vpop @p2 (erf);
	vm0 =	vmand @p3 vm1, vm0;
	v18 =	vmov @p2 s19;
	v10 =	vmul.f32 s16, v10  }
0x426: {  	v13 =	vmul.f32 @p2 v19, v13;
	v14 =	vsel @p3 vm2, v15, v14;
	v18 =	vadd.s32 @p2 $0x8, v18  }
0x427: {  	vm0 =	vmor @p3 vm2, vm0;
	v18 =	vbroadcast @p2 v18, $0x0;
	v61 =	vsub.f32 v7, v10  }
0x428: {  	v11 =	vpsel p1, v12, v11;
	s17 =	smov.u32 s0;
	v14 =	vpsel p3, v14, v5;
	v15 =	vsel @p3 vm0, v17, v16;
	s16 =	sadd.s32 @p2 $0x438, s19  }
0x429: {  	v13 =	vpsel p2, v13, v0;
	s17 =	smov.u32 @p2 s16;
	v17 =	vadd.s32 @p2 v9, v18;
	(erf) = vrcp.f32 v61  }
0x42a: {  	v15 =	vpsel p3, v15, v6;
	v12 =	vmov @p1 s17;
	v17 =	vpsel p2, v17, v0  }
0x42b: {  	vm0 =	veq.f32 @p2 v13, v14;
	v12 =	vadd.s32 @p1 $0x8, v12;
	vm1 =	vlt.s32 @p2 v17, v15  }
0x42c: {  	vm2 =	vgt.f32 @p2 v13, v14;
	v12 =	vbroadcast @p1 v12, $0x0;
	vm0 =	vmand @p2 vm1, vm0;
	v16 =	vpop @p1 (erf)  }
0x42d: {  	v13 =	vsel @p2 vm2, v13, v14;
	vm0 =	vmor @p2 vm2, vm0;
	v11 =	vmul.f32 @p1 v16, v11  }
0x42e: {  	s16 =	sadd.s32 @p1 $0x438, s17;
	s17 =	smov.u32 s0;
	v13 =	vpsel p2, v13, v5;
	v12 =	vadd.s32 @p1 v9, v12;
	v14 =	vsel @p2 vm0, v17, v15  }
0x42f: {  	s17 =	smov.u32 @p1 s16;
	v12 =	vpsel p1, v12, v0;
	v14 =	vpsel p2, v14, v6;
	v11 =	vpsel p1, v11, v0  }
0x430: {  	v62 =	vmov s17;
	vm1 =	vlt.s32 @p1 v12, v14;
	vm0 =	veq.f32 @p1 v11, v13  }
0x431: {  	v15 =	vadd.s32 $0x8, v62;
	vm2 =	vgt.f32 @p1 v11, v13;
	vm0 =	vmand @p1 vm1, vm0  }
0x432: {  	v15 =	vbroadcast v15, $0x0;
	vm0 =	vmor @p1 vm2, vm0;
	v63 =	vpop (erf)  }
0x433: {  	v11 =	vsel @p1 vm2, v11, v13;
	v12 =	vsel @p1 vm0, v12, v14;
	v10 =	vmul.f32 v63, v10  }
0x434: {  	v9 =	vadd.s32 v9, v15;
	v5 =	vpsel p1, v11, v5;
	v6 =	vpsel p1, v12, v6  }
0x435: {  	vm13 =	veq.f32 v10, v5;
	vm14 =	vlt.s32 v9, v6  }
0x436: {  	vm15 =	vgt.f32 v10, v5;
	vm0 =	vmand vm14, vm13  }
0x437: {  	vm0 =	vmor vm15, vm0  }
0x438: {  	v5 =	vsel vm15, v10, v5;
	v6 =	vsel vm0, v9, v6  }
.LBB2_127:
0x439: {  	p1 =	sne.s32 s2, s1  }
.Ltmp101:
0x43a: {  	_ = 	snop;
	(pc) =	sbr.rel @!p1 .LBB2_128-.Ltmp101, $3  }
0x43b: {  	_ =	sdelay $0x1  }
0x43c: {  	s16 =	sadd.s32 $0x1, s2  }
0x43d: {  	s2 =	smov.u32 s16  }
.LBB2_115:
.Ltmp102:
0x43e: {  	(pc) =	sbr.rel @p0 .LBB2_127-.Ltmp102, $1  }
0x43f: {  	_ =	sdelay $0x3  }
0x440: {  	s16 =	sshll.u32 s2, $0x4  }
0x441: {  	s16 =	sadd.s32 s12, s16  }
0x442: {  	s17 =	scvt.s32.f32 s16;
	_ =	sdelay $0x1  }
0x443: {  	s17 =	smul.f32 $1.600000000e+01, s17;
	_ =	sdelay $0x1  }
0x444: {  	s17 =	sadd.f32 $-1.680000000e+02, s17;
	_ =	sdelay $0x1  }
0x445: {  	v9 =	vadd.f32 s17, v0  }
0x446: {  	s30 =	scvt.s32.f32 s7  }
0x447: {  	s18 =	sadd.s32 $0x1, s7;
	v10 =	vadd.f32 $3.520000000e+02, v9  }
0x448: {  	p4 =	sne.s32 s15, s18;
	s17 =	smul.f32 $1.600000000e+01, s30  }
.Ltmp103:
0x449: {  	v9 =	vmax.f32 v9, v3;
	v10 =	vmin.f32 v10, v4;
	(pc) =	sbr.rel @!p4 .LBB2_117-.Ltmp103, $4  }
0x44a: {  	v9 =	vsub.f32 v10, v9  }
0x44b: {  	v11 =	vadd.s32 s16, v1;
	s16 =	sadd.f32 $-3.440000000e+02, s17  }
0x44c: {  	vm0 =	vgt.s32 v11, v8;
	s17 =	sadd.f32 $3.600000000e+02, s17;
	v9 =	vmax.f32 v9, $0.0e+00  }
0x44d: {  	p1 =	por $0x0, $0x0;
	p2 =	por $0x0, $0x0;
	p3 =	por $0x0, $0x0;
	v10 =	vsel vm0, $0x0, v9;
	v9 =	vmul.u32 $0x9, v11  }
0x44e: {  	s19 =	scvt.s32.f32 s18  }
0x44f: {  	s17 =	smin.f32 s17, s14;
	s18 =	sadd.s32 $0x1, s18  }
0x450: {  	s16 =	smax.f32 s16, s13;
	p4 =	sne.s32 s15, s18;
	s21 =	smul.f32 $1.600000000e+01, s19  }
.Ltmp104:
0x451: {  	s16 =	ssub.f32 s17, s16;
	(pc) =	sbr.rel @!p4 .LBB2_119-.Ltmp104, $4  }
0x452: {  	_ = 	snop  }
0x453: {  	s30 =	smax.f32 s16, $0.0e+00;
	s16 =	sadd.f32 $-3.440000000e+02, s21  }
0x454: {  	s17 =	sadd.f32 $3.600000000e+02, s21  }
0x455: {  	p1 =	por $0x1, $0x1;
	v11 =	vmul.f32 s30, v10  }
0x456: {  	s19 =	scvt.s32.f32 s18  }
0x457: {  	s17 =	smin.f32 s17, s14;
	s18 =	sadd.s32 $0x1, s18;
	v12 =	vsub.f32 v7, v11  }
0x458: {  	s16 =	smax.f32 s16, s13;
	p4 =	sne.s32 s15, s18;
	s21 =	smul.f32 $1.600000000e+01, s19  }
.Ltmp105:
0x459: {  	s16 =	ssub.f32 s17, s16;
	(erf) = vrcp.f32 v12;
	(pc) =	sbr.rel @!p4 .LBB2_121-.Ltmp105, $4  }
0x45a: {  	_ = 	snop  }
0x45b: {  	s30 =	smax.f32 s16, $0.0e+00;
	s16 =	sadd.f32 $-3.440000000e+02, s21  }
0x45c: {  	s17 =	sadd.f32 $3.600000000e+02, s21  }
0x45d: {  	p2 =	por $0x1, $0x1;
	v13 =	vmul.f32 s30, v10  }
0x45e: {  	s19 =	scvt.s32.f32 s18;
	_ =	sdelay $0x1  }
0x45f: {  	v12 =	vmov s0;
	v14 =	vsub.f32 v7, v13;
	s21 =	smul.f32 $1.600000000e+01, s19;
	s19 =	sadd.s32 $0x1, s18  }
0x460: {  	s17 =	smin.f32 s17, s14;
	s16 =	smax.f32 s16, s13;
	v12 =	vadd.s32 $0x8, v12;
	p4 =	sne.s32 s15, s19  }
.Ltmp106:
0x461: {  	s16 =	ssub.f32 s17, s16;
	v16 =	vbroadcast v12, $0x0;
	(erf) = vrcp.f32 v14;
	(pc) =	sbr.rel @!p4 .LBB2_123-.Ltmp106, $4  }
0x462: {  	_ = 	snop  }
0x463: {  	s30 =	smax.f32 s16, $0.0e+00;
	s16 =	sadd.f32 $-3.440000000e+02, s21;
	v14 =	vpop (erf)  }
0x464: {  	v12 =	vmul.f32 s30, v10;
	s17 =	sadd.f32 $3.600000000e+02, s21;
	v15 =	vmul.f32 v14, v11  }
0x465: {  	p3 =	por $0x1, $0x1;
	s18 =	smov.u32 s0;
	v17 =	vadd.s32 v9, v16;
	v14 =	vmov v5;
	v16 =	vmov v6  }
.LBB2_124:
0x466: {  	s20 =	scvt.s32.f32 s19;
	v18 =	vsub.f32 v7, v12;
	vm0 =	veq.f32 v15, v14;
	vm1 =	vlt.s32 v17, v16;
	s18 =	sadd.s32 $0x438, s18;
	s19 =	sadd.s32 $0x1, s19  }
0x467: {  	s16 =	smax.f32 s16, s13;
	vm2 =	vgt.f32 v15, v14;
	s17 =	smin.f32 s17, s14;
	v19 =	vmov s18;
	vm0 =	vmand vm1, vm0;
	p4 =	sne.s32 s15, s19  }
.Ltmp107:
0x468: {  	v14 =	vsel vm2, v15, v14;
	s16 =	ssub.f32 s17, s16;
	(erf) = vrcp.f32 v18;
	vm0 =	vmor vm2, vm0;
	(pc) =	sbr.rel @p4 .LBB2_124-.Ltmp107, $4  }
0x469: {  	s17 =	smul.f32 $1.600000000e+01, s20;
	v18 =	vadd.s32 $0x8, v19;
	v16 =	vsel vm0, v17, v16  }
0x46a: {  	v17 =	vbroadcast v18, $0x0;
	s20 =	smax.f32 s16, $0.0e+00;
	v15 =	vpop (erf)  }
0x46b: {  	s16 =	sadd.f32 $-3.440000000e+02, s17;
	v15 =	vmul.f32 v15, v13;
	v13 =	vmov v12;
	v12 =	vmul.f32 s20, v10  }
0x46c: {  	s17 =	sadd.f32 $3.600000000e+02, s17;
	v17 =	vadd.s32 v9, v17  }
.Ltmp108:
0x46d: {  	(pc) =	sbr.rel .LBB2_126-.Ltmp108, $1  }
0x46e: {  	_ =	sdelay $0x3  }
.LBB2_119:
.Ltmp109:
0x46f: {  	(pc) =	sbr.rel .LBB2_126-.Ltmp109, $2  }
0x470: {  	_ =	sdelay $0x2  }
0x471: {  	v14 =	vmov v5;
	v16 =	vmov v6;
	s18 =	smov.u32 s0;
	v12 =	vmov v11  }
.LBB2_121:
.Ltmp110:
0x472: {  	(pc) =	sbr.rel .LBB2_126-.Ltmp110, $2  }
0x473: {  	_ =	sdelay $0x2  }
0x474: {  	v14 =	vmovc v5;
	v16 =	vmov v6;
	s18 =	smov.u32 s0;
	v12 =	vmov v13;
	v13 =	vmov v11  }
.LBB2_123:
.Ltmp111:
0x475: {  	(pc) =	sbr.rel .LBB2_126-.Ltmp111, $2  }
0x476: {  	_ =	sdelay $0x2  }
0x477: {  	v14 =	vmov v5;
	v16 =	vmov v6;
	s18 =	smov.u32 s0  }
.LBB2_130:
0x478: {  	_ =	sfence.sel $0x180000  }
0x479: {  	[bflag:$0x0] =	sbarrier.arrive $0xFFFF  }
0x47a: {  	_ =	strace $0x90000047  }
0x47b: {  	s0 =	stileid.u32;
	[bflag:$0x2] =	sbarrier.arrive $0xFFFF  }
0x47c: {  	p0 =	sne.s32 s0, $0x0;
	s0 =	rddreg [dreg:$0x2]  }
0x47d: {  	s0 =	sadd.s32 @!p0 $0x100000, s0  }
0x47e: {  	[sflag:s0] =	ssyncadd.tile.s32 @!p0 $0x1;
	_ =	shalt  }
.Lfunc_end2:
_tile_overlayer_lowered:
.L_overlay_start_2:
0x47f: {  	(tag) =	ssettag $0x2  }
0x480: {  	s0 =	rddreg [dreg:$0x0];
	s2 =	stileid.u32  }
0x481: {  	s1 =	rddreg [dreg:$0x1];
	p0 =	sne.s32 s2, $0x0  }
0x482: {  	s3 =	rddreg [dreg:$0x2];
	[bflag:$0x3] =	sbarrier.arrive $0xFFFF;
	s2 =	simm.s32 @!p0 $0x1C02  }
0x483: {  	[timem:s3], [sflag:s2] =	dma.local @!p0 [hbm:s0], s1  }
0x484: {  	s0 =	simm.s32 @!p0 $0x2  }
0x485: {  	_ =	swait.ge @!p0 [sflag:s0], s1  }
0x486: {  	s1 =	ssub.s32 @!p0 $0x0, s1;
	[sflag:s0] =	ssyncset.done @!p0 $0x0  }
0x487: {  	[sflag:s0] =	ssyncadd.s32 @!p0 s1  }
0x488: {  	[bflag:$0x3] =	sbarrier.arrive $0xFFFF  }
0x489: {  	_ =	shalt  }

</sc_bundles>
